<compile_context>
chip_gen: v7x
topology: tpu7x:2x2x1
jax: 0.10.2.dev20260603
libtpu: 0.0.44.dev20260713+nightly
codegen_flags: <defaults>
</compile_context>

<pallas_src>
import functools

import jax
import jax.numpy as jnp
from jax import lax
from jax.experimental import pallas as pl
from jax.experimental.pallas import tpu as pltpu
from jax.experimental.pallas import tpu_sc as plsc

N = 10000
E = 320000
EL = 20000
D_IN = 128
D_H = 128
D_OUT = 64

NC, NS, L = 2, 16, 16
NW = NC * NS
NP = 10240
RPT = NP // NS
C = 128
CS = 10
SUP = 8
EP = NW * SUP * CS * C
ELP = 20480
DKC = 5

_mesh = plsc.VectorSubcoreMesh(core_axis_name="c", subcore_axis_name="s")


def _wid():
    return lax.axis_index("s") * NC + lax.axis_index("c")


@functools.partial(
    pl.kernel,
    out_type=jax.ShapeDtypeStruct((NC, NP), jnp.float32),
    mesh=_mesh,
    scratch_types=[
        pltpu.VMEM((CS, C), jnp.int32),
        pltpu.VMEM((C,), jnp.float32),
        pltpu.VMEM((RPT,), jnp.float32),
        pltpu.VMEM_SHARED((NP,), jnp.float32),
    ],
)
def _sc_degree(dst_hbm, deg_out, dst_v, ones_v, zb_v, acc_sh):
    c = lax.axis_index("c")
    s = lax.axis_index("s")
    w = _wid()

    def fill(i, _):
        ones_v[pl.ds(i * L, L)] = jnp.ones((L,), jnp.float32)
        return 0

    lax.fori_loop(0, C // L, fill, 0)

    def zfill(i, _):
        zb_v[pl.ds(i * L, L)] = jnp.zeros((L,), jnp.float32)
        return 0

    lax.fori_loop(0, RPT // L, zfill, 0)
    pltpu.sync_copy(zb_v, acc_sh.at[pl.ds(s * RPT, RPT)])
    plsc.subcore_barrier()

    def sup(g, _):
        pltpu.sync_copy(dst_hbm.at[w, g], dst_v)
        for j in range(CS):
            pltpu.sync_copy(ones_v, acc_sh.at[dst_v.at[j]], add=True)
        return 0

    lax.fori_loop(0, SUP, sup, 0)
    plsc.subcore_barrier()
    pltpu.sync_copy(acc_sh.at[pl.ds(s * RPT, RPT)],
                    deg_out.at[c, pl.ds(s * RPT, RPT)])


def _make_sc_agg(D):
    @functools.partial(
        pl.kernel,
        out_type=jax.ShapeDtypeStruct((NC, NP, D), jnp.float32),
        mesh=_mesh,
        scratch_types=[
            pltpu.VMEM((CS, C), jnp.int32),
            pltpu.VMEM((CS, C), jnp.int32),
            pltpu.VMEM((C, D), jnp.float32),
            pltpu.VMEM((C, D), jnp.float32),
            pltpu.VMEM_SHARED((NP, D), jnp.float32),
            pltpu.SemaphoreType.DMA,
            pltpu.SemaphoreType.DMA,
            pltpu.SemaphoreType.DMA,
            pltpu.SemaphoreType.DMA,
        ],
    )
    def agg(hp_hbm, src_hbm, dst_hbm, out_hbm,
            src_v, dst_v, rows0_v, rows1_v, acc_sh,
            semg0, semg1, sems0, sems1):
        c = lax.axis_index("c")
        s = lax.axis_index("s")
        w = _wid()

        zv = jnp.zeros((L,), jnp.float32)

        def zfill(i, _):
            rows0_v[i // (D // L), pl.ds((i % (D // L)) * L, L)] = zv
            return 0

        lax.fori_loop(0, C * (D // L), zfill, 0)
        for j in range(RPT // C):
            pltpu.sync_copy(rows0_v, acc_sh.at[pl.ds(s * RPT + j * C, C), :])
        plsc.subcore_barrier()

        bufs = (rows0_v, rows1_v)
        gsems = (semg0, semg1)
        ssems = (sems0, sems1)

        def sup(g, _):
            pltpu.sync_copy(src_hbm.at[w, g], src_v)
            pltpu.sync_copy(dst_hbm.at[w, g], dst_v)
            gd = [None] * CS
            sd = [None] * CS
            gd[0] = pltpu.async_copy(hp_hbm.at[src_v.at[0]], bufs[0], gsems[0])
            for j in range(CS):
                p = j % 2
                q = 1 - p
                gd[j].wait()
                if j >= 1:
                    sd[j - 1].wait()
                if j < CS - 1:
                    gd[j + 1] = pltpu.async_copy(
                        hp_hbm.at[src_v.at[j + 1]], bufs[q], gsems[q])
                sd[j] = pltpu.async_copy(
                    bufs[p], acc_sh.at[dst_v.at[j]], ssems[p], add=True)
            sd[CS - 1].wait()
            return 0

        lax.fori_loop(0, SUP, sup, 0)
        plsc.subcore_barrier()
        pltpu.sync_copy(acc_sh.at[pl.ds(s * RPT, RPT), :],
                        out_hbm.at[c, pl.ds(s * RPT, RPT), :])

    return agg


_sc_agg_128 = _make_sc_agg(D_H)


def _make_sc_agg_untiled(D):
    @functools.partial(
        pl.kernel,
        out_type=jax.ShapeDtypeStruct((NC, NP, D), jnp.float32),
        mesh=_mesh,
        compiler_params=pltpu.CompilerParams(use_tc_tiling_on_sc=False),
        scratch_types=[
            pltpu.VMEM((CS, C), jnp.int32),
            pltpu.VMEM((CS, C), jnp.int32),
            pltpu.VMEM((C, D), jnp.float32),
            pltpu.VMEM((C, D), jnp.float32),
            pltpu.VMEM_SHARED((NP, D), jnp.float32),
            pltpu.SemaphoreType.DMA,
            pltpu.SemaphoreType.DMA,
            pltpu.SemaphoreType.DMA,
            pltpu.SemaphoreType.DMA,
        ],
    )
    def agg(hp_hbm, src_hbm, dst_hbm, out_hbm,
            src_v, dst_v, rows0_v, rows1_v, acc_sh,
            semg0, semg1, sems0, sems1):
        c = lax.axis_index("c")
        s = lax.axis_index("s")
        w = _wid()

        zv = jnp.zeros((L,), jnp.float32)

        def zfill(i, _):
            rows0_v[i // (D // L), pl.ds((i % (D // L)) * L, L)] = zv
            return 0

        lax.fori_loop(0, C * (D // L), zfill, 0)
        for j in range(RPT // C):
            pltpu.sync_copy(rows0_v, acc_sh.at[pl.ds(s * RPT + j * C, C), :])
        plsc.subcore_barrier()

        bufs = (rows0_v, rows1_v)
        gsems = (semg0, semg1)
        ssems = (sems0, sems1)

        def sup(g, _):
            pltpu.sync_copy(src_hbm.at[w, g], src_v)
            pltpu.sync_copy(dst_hbm.at[w, g], dst_v)
            gd = [None] * CS
            sd = [None] * CS
            gd[0] = pltpu.async_copy(hp_hbm.at[src_v.at[0]], bufs[0], gsems[0])
            for j in range(CS):
                p = j % 2
                q = 1 - p
                gd[j].wait()
                if j >= 1:
                    sd[j - 1].wait()
                if j < CS - 1:
                    gd[j + 1] = pltpu.async_copy(
                        hp_hbm.at[src_v.at[j + 1]], bufs[q], gsems[q])
                sd[j] = pltpu.async_copy(
                    bufs[p], acc_sh.at[dst_v.at[j]], ssems[p], add=True)
            sd[CS - 1].wait()
            return 0

        lax.fori_loop(0, SUP, sup, 0)
        plsc.subcore_barrier()
        pltpu.sync_copy(acc_sh.at[pl.ds(s * RPT, RPT), :],
                        out_hbm.at[c, pl.ds(s * RPT, RPT), :])

    return agg


_sc_agg_64u = _make_sc_agg_untiled(D_OUT)


@functools.partial(
    pl.kernel,
    out_type=(jax.ShapeDtypeStruct((ELP, D_OUT), jnp.float32),
              jax.ShapeDtypeStruct((ELP, D_OUT), jnp.float32)),
    mesh=_mesh,
    compiler_params=pltpu.CompilerParams(use_tc_tiling_on_sc=False),
    scratch_types=[
        pltpu.VMEM((DKC, C), jnp.int32),
        pltpu.VMEM((DKC, C), jnp.int32),
        [pltpu.VMEM((C, D_OUT), jnp.float32)] * 4,
        [pltpu.SemaphoreType.DMA] * 4,
        [pltpu.SemaphoreType.DMA] * 4,
    ],
)
def _sc_decode(z_hbm, sidx_hbm, didx_hbm, zs_out, zd_out,
               sidx_v, didx_v, bufs, gsems, csems):
    w = _wid()
    pltpu.sync_copy(sidx_hbm.at[w], sidx_v)
    pltpu.sync_copy(didx_hbm.at[w], didx_v)

    gd = [None] * (DKC + 1)
    cd = [None] * DKC

    def gather(j, p):
        return (pltpu.async_copy(z_hbm.at[sidx_v.at[j]], bufs[2 * p], gsems[2 * p]),
                pltpu.async_copy(z_hbm.at[didx_v.at[j]], bufs[2 * p + 1], gsems[2 * p + 1]))

    gd[0] = gather(0, 0)
    for j in range(DKC):
        p = j % 2
        q = 1 - p
        if j >= 1:
            cd[j - 1][0].wait()
            cd[j - 1][1].wait()
        if j + 1 < DKC:
            gd[j + 1] = gather(j + 1, q)
        base = w * (DKC * C) + j * C
        gd[j][0].wait()
        gd[j][1].wait()
        cd[j] = (pltpu.async_copy(bufs[2 * p], zs_out.at[pl.ds(base, C), :], csems[2 * p]),
                 pltpu.async_copy(bufs[2 * p + 1], zd_out.at[pl.ds(base, C), :], csems[2 * p + 1]))
    cd[DKC - 1][0].wait()
    cd[DKC - 1][1].wait()


_BR = 1024


def _dinv_block(d0_blk, d1_blk):
    d = d0_blk + d1_blk + 1.0
    return jax.lax.rsqrt(d)[:, :1]


def _tc1_body(x_ref, w_ref, d0_ref, d1_ref, hp_ref):
    h = jnp.dot(x_ref[...], w_ref[...], preferred_element_type=jnp.float32)
    hp_ref[...] = h * _dinv_block(d0_ref[...], d1_ref[...])


def _tc2_body(a0_ref, a1_ref, hp_ref, d0_ref, d1_ref, b_ref, w_ref, hp2_ref):
    dinv = _dinv_block(d0_ref[...], d1_ref[...])
    z1 = jnp.maximum(
        dinv * (a0_ref[...] + a1_ref[...] + hp_ref[...]) + b_ref[...], 0.0)
    h2 = jnp.dot(z1, w_ref[...], preferred_element_type=jnp.float32)
    hp2_ref[...] = h2 * dinv


def _tc3_body(a0_ref, a1_ref, hp2_ref, d0_ref, d1_ref, b_ref, z_ref):
    dinv = _dinv_block(d0_ref[...], d1_ref[...])
    z_ref[...] = dinv * (a0_ref[...] + a1_ref[...] + hp2_ref[...]) + b_ref[...]


def _tc4_body(zs_ref, zd_ref, o_ref):
    p = (zs_ref[...] * zd_ref[...]).reshape(_BR // 128, 128, D_OUT)
    o_ref[...] = jnp.sum(p, axis=-1)


def _row_spec(d):
    return pl.BlockSpec((_BR, d), lambda i: (i, 0))


_deg_spec = pl.BlockSpec((_BR, 8), lambda i: (i, 0))


def _full(shape):
    return pl.BlockSpec(shape, lambda i: (0,) * len(shape))


_GRID = NP // _BR


def _tc1(x_p, W1, d0, d1):
    return pl.pallas_call(
        _tc1_body,
        grid=(_GRID,),
        in_specs=[_row_spec(D_IN), _full((D_IN, D_H)), _deg_spec, _deg_spec],
        out_specs=_row_spec(D_H),
        out_shape=jax.ShapeDtypeStruct((NP, D_H), jnp.float32),
    )(x_p, W1, d0, d1)


def _tc2(a0, a1, hp, d0, d1, b1, W2):
    return pl.pallas_call(
        _tc2_body,
        grid=(_GRID,),
        in_specs=[_row_spec(D_H), _row_spec(D_H), _row_spec(D_H), _deg_spec,
                  _deg_spec, _full((1, D_H)), _full((D_H, D_OUT))],
        out_specs=_row_spec(D_OUT),
        out_shape=jax.ShapeDtypeStruct((NP, D_OUT), jnp.float32),
    )(a0, a1, hp, d0, d1, b1, W2)


def _tc3(a0, a1, hp2, d0, d1, b2):
    return pl.pallas_call(
        _tc3_body,
        grid=(_GRID,),
        in_specs=[_row_spec(D_OUT), _row_spec(D_OUT), _row_spec(D_OUT),
                  _deg_spec, _deg_spec, _full((1, D_OUT))],
        out_specs=_row_spec(D_OUT),
        out_shape=jax.ShapeDtypeStruct((NP, D_OUT), jnp.float32),
    )(a0, a1, hp2, d0, d1, b2)


def _tc4(zs, zd):
    return pl.pallas_call(
        _tc4_body,
        grid=(ELP // _BR,),
        in_specs=[_row_spec(D_OUT), _row_spec(D_OUT)],
        out_specs=pl.BlockSpec((_BR // 128, 128), lambda i: (i, 0)),
        out_shape=jax.ShapeDtypeStruct((ELP // 128, 128), jnp.float32),
    )(zs, zd)


def kernel(x, edge_index, edge_label_index, W1, b1, W2, b2):
    x_p = jnp.pad(x, ((0, NP - N), (0, 0)))
    src = jnp.concatenate(
        [edge_index[0], jnp.zeros((EP - E,), jnp.int32)]).reshape(NW, SUP, CS, C)
    dst = jnp.concatenate(
        [edge_index[1], jnp.full((EP - E,), N, jnp.int32)]).reshape(NW, SUP, CS, C)
    pad = jnp.zeros((ELP - EL,), jnp.int32)
    sidx = jnp.concatenate([edge_label_index[0], pad]).reshape(NW, DKC, C)
    didx = jnp.concatenate([edge_label_index[1], pad]).reshape(NW, DKC, C)

    deg2 = _sc_degree(dst)
    d0 = jnp.broadcast_to(deg2[0][:, None], (NP, 8))
    d1 = jnp.broadcast_to(deg2[1][:, None], (NP, 8))

    hp = _tc1(x_p, W1, d0, d1)
    acc1 = _sc_agg_128(hp, src, dst)
    hp2 = _tc2(acc1[0], acc1[1], hp, d0, d1, b1.reshape(1, D_H), W2)
    acc2 = _sc_agg_64u(hp2, src, dst)
    z = _tc3(acc2[0], acc2[1], hp2, d0, d1, b2.reshape(1, D_OUT))

    zs, zd = _sc_decode(z, sidx, didx)
    dots = _tc4(zs, zd)
    return dots.reshape(ELP)[:EL]

# --- scband reference (transcript-rebuilt; emitter-appended) ---
"""Pipeline reference for scband-net-21234318311808 (READ-ONLY COPY).

The authoritative reference and input builder live on the scoring server;
editing this copy changes nothing except your own understanding.
"""

import jax, jax.numpy as jnp
import numpy as np

N = 10000
E = 320000
EL = 20000
D_IN = 128
D_H = 128
D_OUT = 64


def setup_inputs(seed: int = 0) -> dict:
    key = jax.random.key(seed)
    ks = jax.random.split(key, 8)
    x = jax.random.normal(ks[0], (N, D_IN), dtype=jnp.float32)
    edge_index = jax.random.randint(ks[1], (2, E), 0, N, dtype=jnp.int32)
    edge_label_index = jax.random.randint(ks[2], (2, EL), 0, N, dtype=jnp.int32)
    W1 = jax.random.normal(ks[3], (D_IN, D_H), dtype=jnp.float32) * 0.05
    b1 = jnp.zeros((D_H,), dtype=jnp.float32)
    W2 = jax.random.normal(ks[4], (D_H, D_OUT), dtype=jnp.float32) * 0.05
    b2 = jnp.zeros((D_OUT,), dtype=jnp.float32)
    return {"x": x, "edge_index": edge_index, "edge_label_index": edge_label_index,
            "W1": W1, "b1": b1, "W2": W2, "b2": b2}


def _gcn_layer(x, edge_index, W, b):
    # GCNConv: add self-loops, symmetric normalization D^-1/2 (A+I) D^-1/2 X W + b
    src = edge_index[0]
    dst = edge_index[1]
    loop = jnp.arange(N, dtype=edge_index.dtype)
    src = jnp.concatenate([src, loop])
    dst = jnp.concatenate([dst, loop])
    deg = jnp.zeros((N,), dtype=jnp.float32).at[dst].add(1.0)
    dinv = jnp.where(deg > 0, deg ** -0.5, 0.0)
    norm = dinv[src] * dinv[dst]
    h = x @ W
    msg = h[src] * norm[:, None]
    out = jnp.zeros((N, W.shape[1]), dtype=jnp.float32).at[dst].add(msg)
    return out + b


def reference(x, edge_index, edge_label_index, W1, b1, W2, b2):
    z = jax.nn.relu(_gcn_layer(x, edge_index, W1, b1))
    z = _gcn_layer(z, edge_index, W2, b2)
    s = edge_label_index[0]
    d = edge_label_index[1]
    return jnp.sum(z[s] * z[d], axis=-1).reshape(-1)

if __name__ == "__main__":
    import jax
    _d = setup_inputs()
    print(jax.jit(kernel)(*tuple(_d.values())))

</pallas_src>

<mosaic_0001>
#map = affine_map<(d0, d1) -> (0, 0)>
#map1 = affine_map<(d0, d1) -> (0, 0, 0, 0)>
#map2 = affine_map<(d0, d1) -> (0, 0, 0)>
module attributes {stable_mosaic.version = 14 : i64} {
  func.func @agg(%arg0: i32, %arg1: i32, %arg2: memref<10240x64xf32, #tpu.memory_space<hbm>>, %arg3: memref<32x8x10x128xi32, #tpu.memory_space<hbm>>, %arg4: memref<32x8x10x128xi32, #tpu.memory_space<hbm>>, %arg5: memref<2x10240x64xf32, #tpu.memory_space<hbm>>, %arg6: memref<10x128xi32, #tpu.memory_space<vmem>>, %arg7: memref<10x128xi32, #tpu.memory_space<vmem>>, %arg8: memref<128x64xf32, #tpu.memory_space<vmem>>, %arg9: memref<128x64xf32, #tpu.memory_space<vmem>>, %arg10: memref<10240x64xf32, #tpu.memory_space<vmem_shared>>, %arg11: memref<!tpu.dma_semaphore, #tpu.memory_space<semaphore_mem>>, %arg12: memref<!tpu.dma_semaphore, #tpu.memory_space<semaphore_mem>>, %arg13: memref<!tpu.dma_semaphore, #tpu.memory_space<semaphore_mem>>, %arg14: memref<!tpu.dma_semaphore, #tpu.memory_space<semaphore_mem>>) attributes {dimension_semantics = [#tpu.dimension_semantics<core_parallel>, #tpu.dimension_semantics<subcore_parallel>], iteration_bounds = array<i64: 2, 16>, scalar_prefetch = 0 : i64, scratch_operands = 9 : i64, tpu.core_type = #tpu.core_type<sc_vector_subcore>, window_params = [{transform_indices = #map}, {transform_indices = #map1}, {transform_indices = #map1}, {transform_indices = #map2}]} {
    %mul3A = arith.constant 2 : i32
    %mul3A_0 = arith.muli %arg1, %mul3A : i32
    %add3A = arith.addi %mul3A_0, %arg0 : i32
    %broadcast_in_dim3A = arith.constant 0.000000e+00 : f32
    %broadcast_in_dim3A_1 = vector.broadcast %broadcast_in_dim3A : f32 to vector<16xf32>
    %scan3A = arith.constant 0 : i32
    %scan3A_2 = arith.constant 0 : i32
    %scan3A_3 = arith.constant 512 : i32
    %scan3A_4 = arith.addi %scan3A_2, %scan3A_3 : i32
    %scan3A_5 = arith.constant 1 : i32
    %scan3A_6 = scf.for %scan3A_40 = %scan3A_2 to %scan3A_4 step %scan3A_5 iter_args(%scan3A_41 = %scan3A) -> (i32)  : i32 {
      %jit3A = arith.constant 4 : i32
      %div3A = arith.divsi %scan3A_40, %jit3A : i32
      %sign3A = arith.constant 0 : i32
      %sign3A_42 = arith.cmpi sgt, %scan3A_40, %sign3A : i32
      %sign3A_43 = arith.extui %sign3A_42 : i1 to i32
      %sign3A_44 = arith.constant 0 : i32
      %sign3A_45 = arith.cmpi slt, %scan3A_40, %sign3A_44 : i32
      %sign3A_46 = arith.extui %sign3A_45 : i1 to i32
      %sign3A_47 = arith.subi %sign3A_43, %sign3A_46 : i32
      %sign3A_48 = arith.constant 0 : i32
      %sign3A_49 = arith.cmpi sgt, %jit3A, %sign3A_48 : i32
      %sign3A_50 = arith.extui %sign3A_49 : i1 to i32
      %sign3A_51 = arith.constant 0 : i32
      %sign3A_52 = arith.cmpi slt, %jit3A, %sign3A_51 : i32
      %sign3A_53 = arith.extui %sign3A_52 : i1 to i32
      %sign3A_54 = arith.subi %sign3A_50, %sign3A_53 : i32
      %ne3A = arith.cmpi ne, %sign3A_47, %sign3A_54 : i32
      %rem3A = arith.remsi %scan3A_40, %jit3A : i32
      %ne3A_55 = arith.constant 0 : i32
      %ne3A_56 = arith.cmpi ne, %rem3A, %ne3A_55 : i32
      %and3A = arith.andi %ne3A, %ne3A_56 : i1
      %sub3A = arith.constant 1 : i32
      %sub3A_57 = arith.subi %div3A, %sub3A : i32
      %select_n3A = arith.select %and3A, %sub3A_57, %div3A : i32
      %jit3A_58 = arith.constant 4 : i32
      %eq3A = arith.constant 0 : i32
      %eq3A_59 = arith.cmpi eq, %jit3A_58, %eq3A : i32
      %jit3A_60 = arith.constant 1 : i32
      %select_n3A_61 = arith.select %eq3A_59, %jit3A_60, %jit3A_58 : i32
      %rem3A_62 = arith.remsi %scan3A_40, %select_n3A_61 : i32
      %ne3A_63 = arith.constant 0 : i32
      %ne3A_64 = arith.cmpi ne, %rem3A_62, %ne3A_63 : i32
      %lt3A = arith.constant 0 : i32
      %lt3A_65 = arith.cmpi slt, %rem3A_62, %lt3A : i32
      %lt3A_66 = arith.constant 0 : i32
      %lt3A_67 = arith.cmpi slt, %select_n3A_61, %lt3A_66 : i32
      %ne3A_68 = arith.xori %lt3A_65, %lt3A_67 : i1
      %and3A_69 = arith.andi %ne3A_68, %ne3A_64 : i1
      %add3A_70 = arith.addi %rem3A_62, %select_n3A_61 : i32
      %select_n3A_71 = arith.select %and3A_69, %add3A_70, %rem3A_62 : i32
      %mul3A_72 = arith.constant 16 : i32
      %mul3A_73 = arith.muli %select_n3A_71, %mul3A_72 : i32
      %swap3A = arith.index_cast %select_n3A : i32 to index
      %swap3A_74 = arith.index_cast %mul3A_73 : i32 to index
      %swap3A_75 = tpu.vector_load %arg8[%swap3A, %swap3A_74] {strides = array<i32>} : memref<128x64xf32, #tpu.memory_space<vmem>>, vector<1x16xf32>,
      %swap3A_76 = vector.shape_cast %swap3A_75 : vector<1x16xf32> to vector<16xf32>
      %swap3A_77 = vector.shape_cast %broadcast_in_dim3A_1 : vector<16xf32> to vector<1x16xf32>
      tpu.vector_store %arg8[%swap3A, %swap3A_74], %swap3A_77 {strides = array<i32>} : memref<128x64xf32, #tpu.memory_space<vmem>>, vector<1x16xf32>,
      %scan3A_78 = arith.constant 0 : i32
      scf.yield %scan3A_78 : i32
    }
    %scan3A_7 = arith.constant 512 : i32
    %mul3A_8 = arith.constant 640 : i32
    %mul3A_9 = arith.muli %arg1, %mul3A_8 : i32
    %add3A_10 = arith.constant 0 : i32
    %add3A_11 = arith.addi %mul3A_9, %add3A_10 : i32
    "tpu.region"() ({
      %run_scoped3A = tpu.sem_alloc : memref<!tpu.dma_semaphore, #tpu.memory_space<semaphore_mem>>
      %dma_start3A = arith.constant 0 : i32
      %dma_start3A_40 = tpu.memref_slice %arg10[%add3A_11, %dma_start3A] : memref<10240x64xf32, #tpu.memory_space<vmem_shared>> -> memref<128x64xf32, #tpu.memory_space<vmem_shared>>
      %dma_start3A_41 = arith.constant 0 : i32
      %dma_start3A_42 = tpu.memref_slice %arg10[%add3A_11, %dma_start3A_41] : memref<10240x64xf32, #tpu.memory_space<vmem_shared>> -> memref<128x64xf32, #tpu.memory_space<vmem_shared>>
      tpu.enqueue_dma source(%arg8 : memref<128x64xf32, #tpu.memory_space<vmem>>) target(%dma_start3A_42 : memref<128x64xf32, #tpu.memory_space<vmem_shared>>) target_semaphore(%run_scoped3A : memref<!tpu.dma_semaphore, #tpu.memory_space<semaphore_mem>>)
      %dma_wait3A = arith.constant 0 : i32
      %dma_wait3A_43 = tpu.memref_slice %arg10[%add3A_11, %dma_wait3A] : memref<10240x64xf32, #tpu.memory_space<vmem_shared>> -> memref<128x64xf32, #tpu.memory_space<vmem_shared>>
      %dma_wait3A_44 = arith.constant 0 : i32
      %dma_wait3A_45 = tpu.memref_slice %arg10[%add3A_11, %dma_wait3A_44] : memref<10240x64xf32, #tpu.memory_space<vmem_shared>> -> memref<128x64xf32, #tpu.memory_space<vmem_shared>>
      tpu.wait_dma2 semaphore(%run_scoped3A : memref<!tpu.dma_semaphore, #tpu.memory_space<semaphore_mem>>) src(%arg8 : memref<128x64xf32, #tpu.memory_space<vmem>>) dst(%dma_wait3A_45 : memref<128x64xf32, #tpu.memory_space<vmem_shared>>)
      tpu.yield
    }) : () -> ()
    %mul3A_12 = arith.constant 640 : i32
    %mul3A_13 = arith.muli %arg1, %mul3A_12 : i32
    %add3A_14 = arith.constant 128 : i32
    %add3A_15 = arith.addi %mul3A_13, %add3A_14 : i32
    "tpu.region"() ({
      %run_scoped3A = tpu.sem_alloc : memref<!tpu.dma_semaphore, #tpu.memory_space<semaphore_mem>>
      %dma_start3A = arith.constant 0 : i32
      %dma_start3A_40 = tpu.memref_slice %arg10[%add3A_15, %dma_start3A] : memref<10240x64xf32, #tpu.memory_space<vmem_shared>> -> memref<128x64xf32, #tpu.memory_space<vmem_shared>>
      %dma_start3A_41 = arith.constant 0 : i32
      %dma_start3A_42 = tpu.memref_slice %arg10[%add3A_15, %dma_start3A_41] : memref<10240x64xf32, #tpu.memory_space<vmem_shared>> -> memref<128x64xf32, #tpu.memory_space<vmem_shared>>
      tpu.enqueue_dma source(%arg8 : memref<128x64xf32, #tpu.memory_space<vmem>>) target(%dma_start3A_42 : memref<128x64xf32, #tpu.memory_space<vmem_shared>>) target_semaphore(%run_scoped3A : memref<!tpu.dma_semaphore, #tpu.memory_space<semaphore_mem>>)
      %dma_wait3A = arith.constant 0 : i32
      %dma_wait3A_43 = tpu.memref_slice %arg10[%add3A_15, %dma_wait3A] : memref<10240x64xf32, #tpu.memory_space<vmem_shared>> -> memref<128x64xf32, #tpu.memory_space<vmem_shared>>
      %dma_wait3A_44 = arith.constant 0 : i32
      %dma_wait3A_45 = tpu.memref_slice %arg10[%add3A_15, %dma_wait3A_44] : memref<10240x64xf32, #tpu.memory_space<vmem_shared>> -> memref<128x64xf32, #tpu.memory_space<vmem_shared>>
      tpu.wait_dma2 semaphore(%run_scoped3A : memref<!tpu.dma_semaphore, #tpu.memory_space<semaphore_mem>>) src(%arg8 : memref<128x64xf32, #tpu.memory_space<vmem>>) dst(%dma_wait3A_45 : memref<128x64xf32, #tpu.memory_space<vmem_shared>>)
      tpu.yield
    }) : () -> ()
    %mul3A_16 = arith.constant 640 : i32
    %mul3A_17 = arith.muli %arg1, %mul3A_16 : i32
    %add3A_18 = arith.constant 256 : i32
    %add3A_19 = arith.addi %mul3A_17, %add3A_18 : i32
    "tpu.region"() ({
      %run_scoped3A = tpu.sem_alloc : memref<!tpu.dma_semaphore, #tpu.memory_space<semaphore_mem>>
      %dma_start3A = arith.constant 0 : i32
      %dma_start3A_40 = tpu.memref_slice %arg10[%add3A_19, %dma_start3A] : memref<10240x64xf32, #tpu.memory_space<vmem_shared>> -> memref<128x64xf32, #tpu.memory_space<vmem_shared>>
      %dma_start3A_41 = arith.constant 0 : i32
      %dma_start3A_42 = tpu.memref_slice %arg10[%add3A_19, %dma_start3A_41] : memref<10240x64xf32, #tpu.memory_space<vmem_shared>> -> memref<128x64xf32, #tpu.memory_space<vmem_shared>>
      tpu.enqueue_dma source(%arg8 : memref<128x64xf32, #tpu.memory_space<vmem>>) target(%dma_start3A_42 : memref<128x64xf32, #tpu.memory_space<vmem_shared>>) target_semaphore(%run_scoped3A : memref<!tpu.dma_semaphore, #tpu.memory_space<semaphore_mem>>)
      %dma_wait3A = arith.constant 0 : i32
      %dma_wait3A_43 = tpu.memref_slice %arg10[%add3A_19, %dma_wait3A] : memref<10240x64xf32, #tpu.memory_space<vmem_shared>> -> memref<128x64xf32, #tpu.memory_space<vmem_shared>>
      %dma_wait3A_44 = arith.constant 0 : i32
      %dma_wait3A_45 = tpu.memref_slice %arg10[%add3A_19, %dma_wait3A_44] : memref<10240x64xf32, #tpu.memory_space<vmem_shared>> -> memref<128x64xf32, #tpu.memory_space<vmem_shared>>
      tpu.wait_dma2 semaphore(%run_scoped3A : memref<!tpu.dma_semaphore, #tpu.memory_space<semaphore_mem>>) src(%arg8 : memref<128x64xf32, #tpu.memory_space<vmem>>) dst(%dma_wait3A_45 : memref<128x64xf32, #tpu.memory_space<vmem_shared>>)
      tpu.yield
    }) : () -> ()
    %mul3A_20 = arith.constant 640 : i32
    %mul3A_21 = arith.muli %arg1, %mul3A_20 : i32
    %add3A_22 = arith.constant 384 : i32
    %add3A_23 = arith.addi %mul3A_21, %add3A_22 : i32
    "tpu.region"() ({
      %run_scoped3A = tpu.sem_alloc : memref<!tpu.dma_semaphore, #tpu.memory_space<semaphore_mem>>
      %dma_start3A = arith.constant 0 : i32
      %dma_start3A_40 = tpu.memref_slice %arg10[%add3A_23, %dma_start3A] : memref<10240x64xf32, #tpu.memory_space<vmem_shared>> -> memref<128x64xf32, #tpu.memory_space<vmem_shared>>
      %dma_start3A_41 = arith.constant 0 : i32
      %dma_start3A_42 = tpu.memref_slice %arg10[%add3A_23, %dma_start3A_41] : memref<10240x64xf32, #tpu.memory_space<vmem_shared>> -> memref<128x64xf32, #tpu.memory_space<vmem_shared>>
      tpu.enqueue_dma source(%arg8 : memref<128x64xf32, #tpu.memory_space<vmem>>) target(%dma_start3A_42 : memref<128x64xf32, #tpu.memory_space<vmem_shared>>) target_semaphore(%run_scoped3A : memref<!tpu.dma_semaphore, #tpu.memory_space<semaphore_mem>>)
      %dma_wait3A = arith.constant 0 : i32
      %dma_wait3A_43 = tpu.memref_slice %arg10[%add3A_23, %dma_wait3A] : memref<10240x64xf32, #tpu.memory_space<vmem_shared>> -> memref<128x64xf32, #tpu.memory_space<vmem_shared>>
      %dma_wait3A_44 = arith.constant 0 : i32
      %dma_wait3A_45 = tpu.memref_slice %arg10[%add3A_23, %dma_wait3A_44] : memref<10240x64xf32, #tpu.memory_space<vmem_shared>> -> memref<128x64xf32, #tpu.memory_space<vmem_shared>>
      tpu.wait_dma2 semaphore(%run_scoped3A : memref<!tpu.dma_semaphore, #tpu.memory_space<semaphore_mem>>) src(%arg8 : memref<128x64xf32, #tpu.memory_space<vmem>>) dst(%dma_wait3A_45 : memref<128x64xf32, #tpu.memory_space<vmem_shared>>)
      tpu.yield
    }) : () -> ()
    %mul3A_24 = arith.constant 640 : i32
    %mul3A_25 = arith.muli %arg1, %mul3A_24 : i32
    %add3A_26 = arith.constant 512 : i32
    %add3A_27 = arith.addi %mul3A_25, %add3A_26 : i32
    "tpu.region"() ({
      %run_scoped3A = tpu.sem_alloc : memref<!tpu.dma_semaphore, #tpu.memory_space<semaphore_mem>>
      %dma_start3A = arith.constant 0 : i32
      %dma_start3A_40 = tpu.memref_slice %arg10[%add3A_27, %dma_start3A] : memref<10240x64xf32, #tpu.memory_space<vmem_shared>> -> memref<128x64xf32, #tpu.memory_space<vmem_shared>>
      %dma_start3A_41 = arith.constant 0 : i32
      %dma_start3A_42 = tpu.memref_slice %arg10[%add3A_27, %dma_start3A_41] : memref<10240x64xf32, #tpu.memory_space<vmem_shared>> -> memref<128x64xf32, #tpu.memory_space<vmem_shared>>
      tpu.enqueue_dma source(%arg8 : memref<128x64xf32, #tpu.memory_space<vmem>>) target(%dma_start3A_42 : memref<128x64xf32, #tpu.memory_space<vmem_shared>>) target_semaphore(%run_scoped3A : memref<!tpu.dma_semaphore, #tpu.memory_space<semaphore_mem>>)
      %dma_wait3A = arith.constant 0 : i32
      %dma_wait3A_43 = tpu.memref_slice %arg10[%add3A_27, %dma_wait3A] : memref<10240x64xf32, #tpu.memory_space<vmem_shared>> -> memref<128x64xf32, #tpu.memory_space<vmem_shared>>
      %dma_wait3A_44 = arith.constant 0 : i32
      %dma_wait3A_45 = tpu.memref_slice %arg10[%add3A_27, %dma_wait3A_44] : memref<10240x64xf32, #tpu.memory_space<vmem_shared>> -> memref<128x64xf32, #tpu.memory_space<vmem_shared>>
      tpu.wait_dma2 semaphore(%run_scoped3A : memref<!tpu.dma_semaphore, #tpu.memory_space<semaphore_mem>>) src(%arg8 : memref<128x64xf32, #tpu.memory_space<vmem>>) dst(%dma_wait3A_45 : memref<128x64xf32, #tpu.memory_space<vmem_shared>>)
      tpu.yield
    }) : () -> ()
    %barrier3A = arith.constant 0 : index
    tpu.barrier barrier_id(%barrier3A)
    %scan3A_28 = arith.constant 0 : i32
    %scan3A_29 = arith.constant 0 : i32
    %scan3A_30 = arith.constant 8 : i32
    %scan3A_31 = arith.addi %scan3A_29, %scan3A_30 : i32
    %scan3A_32 = arith.constant 1 : i32
    %scan3A_33 = scf.for %scan3A_40 = %scan3A_29 to %scan3A_31 step %scan3A_32 iter_args(%scan3A_41 = %scan3A_28) -> (i32)  : i32 {
      "tpu.region"() ({
        %run_scoped3A = tpu.sem_alloc : memref<!tpu.dma_semaphore, #tpu.memory_space<semaphore_mem>>
        %dma_start3A_321 = arith.constant 0 : i32
        %dma_start3A_322 = arith.constant 0 : i32
        %dma_start3A_323 = tpu.memref_slice %arg3[%add3A, %scan3A_40, %dma_start3A_321, %dma_start3A_322] : memref<32x8x10x128xi32, #tpu.memory_space<hbm>> -> memref<1x1x10x128xi32, #tpu.memory_space<hbm>>
        %dma_start3A_324 = tpu.memref_squeeze %dma_start3A_323 : memref<1x1x10x128xi32, #tpu.memory_space<hbm>> -> memref<10x128xi32, #tpu.memory_space<hbm>>
        %dma_start3A_325 = arith.constant 0 : i32
        %dma_start3A_326 = arith.constant 0 : i32
        %dma_start3A_327 = tpu.memref_slice %arg3[%add3A, %scan3A_40, %dma_start3A_325, %dma_start3A_326] : memref<32x8x10x128xi32, #tpu.memory_space<hbm>> -> memref<1x1x10x128xi32, #tpu.memory_space<hbm>>
        %dma_start3A_328 = tpu.memref_squeeze %dma_start3A_327 : memref<1x1x10x128xi32, #tpu.memory_space<hbm>> -> memref<10x128xi32, #tpu.memory_space<hbm>>
        tpu.enqueue_dma source(%dma_start3A_328 : memref<10x128xi32, #tpu.memory_space<hbm>>) target(%arg6 : memref<10x128xi32, #tpu.memory_space<vmem>>) target_semaphore(%run_scoped3A : memref<!tpu.dma_semaphore, #tpu.memory_space<semaphore_mem>>)
        %dma_wait3A_329 = arith.constant 0 : i32
        %dma_wait3A_330 = arith.constant 0 : i32
        %dma_wait3A_331 = tpu.memref_slice %arg3[%add3A, %scan3A_40, %dma_wait3A_329, %dma_wait3A_330] : memref<32x8x10x128xi32, #tpu.memory_space<hbm>> -> memref<1x1x10x128xi32, #tpu.memory_space<hbm>>
        %dma_wait3A_332 = tpu.memref_squeeze %dma_wait3A_331 : memref<1x1x10x128xi32, #tpu.memory_space<hbm>> -> memref<10x128xi32, #tpu.memory_space<hbm>>
        %dma_wait3A_333 = arith.constant 0 : i32
        %dma_wait3A_334 = arith.constant 0 : i32
        %dma_wait3A_335 = tpu.memref_slice %arg3[%add3A, %scan3A_40, %dma_wait3A_333, %dma_wait3A_334] : memref<32x8x10x128xi32, #tpu.memory_space<hbm>> -> memref<1x1x10x128xi32, #tpu.memory_space<hbm>>
        %dma_wait3A_336 = tpu.memref_squeeze %dma_wait3A_335 : memref<1x1x10x128xi32, #tpu.memory_space<hbm>> -> memref<10x128xi32, #tpu.memory_space<hbm>>
        tpu.wait_dma2 semaphore(%run_scoped3A : memref<!tpu.dma_semaphore, #tpu.memory_space<semaphore_mem>>) src(%dma_wait3A_336 : memref<10x128xi32, #tpu.memory_space<hbm>>) dst(%arg6 : memref<10x128xi32, #tpu.memory_space<vmem>>)
        tpu.yield
      }) : () -> ()
      "tpu.region"() ({
        %run_scoped3A = tpu.sem_alloc : memref<!tpu.dma_semaphore, #tpu.memory_space<semaphore_mem>>
        %dma_start3A_321 = arith.constant 0 : i32
        %dma_start3A_322 = arith.constant 0 : i32
        %dma_start3A_323 = tpu.memref_slice %arg4[%add3A, %scan3A_40, %dma_start3A_321, %dma_start3A_322] : memref<32x8x10x128xi32, #tpu.memory_space<hbm>> -> memref<1x1x10x128xi32, #tpu.memory_space<hbm>>
        %dma_start3A_324 = tpu.memref_squeeze %dma_start3A_323 : memref<1x1x10x128xi32, #tpu.memory_space<hbm>> -> memref<10x128xi32, #tpu.memory_space<hbm>>
        %dma_start3A_325 = arith.constant 0 : i32
        %dma_start3A_326 = arith.constant 0 : i32
        %dma_start3A_327 = tpu.memref_slice %arg4[%add3A, %scan3A_40, %dma_start3A_325, %dma_start3A_326] : memref<32x8x10x128xi32, #tpu.memory_space<hbm>> -> memref<1x1x10x128xi32, #tpu.memory_space<hbm>>
        %dma_start3A_328 = tpu.memref_squeeze %dma_start3A_327 : memref<1x1x10x128xi32, #tpu.memory_space<hbm>> -> memref<10x128xi32, #tpu.memory_space<hbm>>
        tpu.enqueue_dma source(%dma_start3A_328 : memref<10x128xi32, #tpu.memory_space<hbm>>) target(%arg7 : memref<10x128xi32, #tpu.memory_space<vmem>>) target_semaphore(%run_scoped3A : memref<!tpu.dma_semaphore, #tpu.memory_space<semaphore_mem>>)
        %dma_wait3A_329 = arith.constant 0 : i32
        %dma_wait3A_330 = arith.constant 0 : i32
        %dma_wait3A_331 = tpu.memref_slice %arg4[%add3A, %scan3A_40, %dma_wait3A_329, %dma_wait3A_330] : memref<32x8x10x128xi32, #tpu.memory_space<hbm>> -> memref<1x1x10x128xi32, #tpu.memory_space<hbm>>
        %dma_wait3A_332 = tpu.memref_squeeze %dma_wait3A_331 : memref<1x1x10x128xi32, #tpu.memory_space<hbm>> -> memref<10x128xi32, #tpu.memory_space<hbm>>
        %dma_wait3A_333 = arith.constant 0 : i32
        %dma_wait3A_334 = arith.constant 0 : i32
        %dma_wait3A_335 = tpu.memref_slice %arg4[%add3A, %scan3A_40, %dma_wait3A_333, %dma_wait3A_334] : memref<32x8x10x128xi32, #tpu.memory_space<hbm>> -> memref<1x1x10x128xi32, #tpu.memory_space<hbm>>
        %dma_wait3A_336 = tpu.memref_squeeze %dma_wait3A_335 : memref<1x1x10x128xi32, #tpu.memory_space<hbm>> -> memref<10x128xi32, #tpu.memory_space<hbm>>
        tpu.wait_dma2 semaphore(%run_scoped3A : memref<!tpu.dma_semaphore, #tpu.memory_space<semaphore_mem>>) src(%dma_wait3A_336 : memref<10x128xi32, #tpu.memory_space<hbm>>) dst(%arg7 : memref<10x128xi32, #tpu.memory_space<vmem>>)
        tpu.yield
      }) : () -> ()
      %dma_start3A = arith.constant 0 : i32
      %dma_start3A_42 = arith.constant 0 : i32
      %dma_start3A_43 = tpu.memref_slice %arg6[%dma_start3A, %dma_start3A_42] : memref<10x128xi32, #tpu.memory_space<vmem>> -> memref<1x128xi32, #tpu.memory_space<vmem>>
      %dma_start3A_44 = tpu.memref_squeeze %dma_start3A_43 : memref<1x128xi32, #tpu.memory_space<vmem>> -> memref<128xi32, #tpu.memory_space<vmem>>
      %dma_start3A_45 = arith.constant 0 : i32
      %dma_start3A_46 = arith.constant 0 : i32
      %dma_start3A_47 = tpu.memref_slice %arg2[%dma_start3A_45, %dma_start3A_46] : memref<10240x64xf32, #tpu.memory_space<hbm>> -> memref<10240x64xf32, #tpu.memory_space<hbm>>
      tpu.enqueue_indirect_dma source(%dma_start3A_47 : memref<10240x64xf32, #tpu.memory_space<hbm>>) target(%arg8 : memref<128x64xf32, #tpu.memory_space<vmem>>) offsets(%dma_start3A_44 : memref<128xi32, #tpu.memory_space<vmem>>) semaphore(%arg11 : memref<!tpu.dma_semaphore, #tpu.memory_space<semaphore_mem>>)
      %dma_wait3A = arith.constant 0 : i32
      %dma_wait3A_48 = arith.constant 0 : i32
      %dma_wait3A_49 = tpu.memref_slice %arg6[%dma_wait3A, %dma_wait3A_48] : memref<10x128xi32, #tpu.memory_space<vmem>> -> memref<1x128xi32, #tpu.memory_space<vmem>>
      %dma_wait3A_50 = tpu.memref_squeeze %dma_wait3A_49 : memref<1x128xi32, #tpu.memory_space<vmem>> -> memref<128xi32, #tpu.memory_space<vmem>>
      %dma_wait3A_51 = arith.constant 0 : i32
      %dma_wait3A_52 = arith.constant 0 : i32
      %dma_wait3A_53 = tpu.memref_slice %arg2[%dma_wait3A_51, %dma_wait3A_52] : memref<10240x64xf32, #tpu.memory_space<hbm>> -> memref<10240x64xf32, #tpu.memory_space<hbm>>
      tpu.wait_indirect_dma semaphore(%arg11 : memref<!tpu.dma_semaphore, #tpu.memory_space<semaphore_mem>>) src(%dma_wait3A_53 : memref<10240x64xf32, #tpu.memory_space<hbm>>) dst(%arg8 : memref<128x64xf32, #tpu.memory_space<vmem>>)
      %dma_start3A_54 = arith.constant 1 : i32
      %dma_start3A_55 = arith.constant 0 : i32
      %dma_start3A_56 = tpu.memref_slice %arg6[%dma_start3A_54, %dma_start3A_55] : memref<10x128xi32, #tpu.memory_space<vmem>> -> memref<1x128xi32, #tpu.memory_space<vmem>>
      %dma_start3A_57 = tpu.memref_squeeze %dma_start3A_56 : memref<1x128xi32, #tpu.memory_space<vmem>> -> memref<128xi32, #tpu.memory_space<vmem>>
      %dma_start3A_58 = arith.constant 0 : i32
      %dma_start3A_59 = arith.constant 0 : i32
      %dma_start3A_60 = tpu.memref_slice %arg2[%dma_start3A_58, %dma_start3A_59] : memref<10240x64xf32, #tpu.memory_space<hbm>> -> memref<10240x64xf32, #tpu.memory_space<hbm>>
      tpu.enqueue_indirect_dma source(%dma_start3A_60 : memref<10240x64xf32, #tpu.memory_space<hbm>>) target(%arg9 : memref<128x64xf32, #tpu.memory_space<vmem>>) offsets(%dma_start3A_57 : memref<128xi32, #tpu.memory_space<vmem>>) semaphore(%arg12 : memref<!tpu.dma_semaphore, #tpu.memory_space<semaphore_mem>>)
      %dma_start3A_61 = arith.constant 0 : i32
      %dma_start3A_62 = arith.constant 0 : i32
      %dma_start3A_63 = tpu.memref_slice %arg7[%dma_start3A_61, %dma_start3A_62] : memref<10x128xi32, #tpu.memory_space<vmem>> -> memref<1x128xi32, #tpu.memory_space<vmem>>
      %dma_start3A_64 = tpu.memref_squeeze %dma_start3A_63 : memref<1x128xi32, #tpu.memory_space<vmem>> -> memref<128xi32, #tpu.memory_space<vmem>>
      %dma_start3A_65 = arith.constant 0 : i32
      %dma_start3A_66 = arith.constant 0 : i32
      %dma_start3A_67 = tpu.memref_slice %arg10[%dma_start3A_65, %dma_start3A_66] : memref<10240x64xf32, #tpu.memory_space<vmem_shared>> -> memref<10240x64xf32, #tpu.memory_space<vmem_shared>>
      tpu.enqueue_indirect_dma source(%arg8 : memref<128x64xf32, #tpu.memory_space<vmem>>) target(%dma_start3A_67 : memref<10240x64xf32, #tpu.memory_space<vmem_shared>>) offsets(%dma_start3A_64 : memref<128xi32, #tpu.memory_space<vmem>>) semaphore(%arg13 : memref<!tpu.dma_semaphore, #tpu.memory_space<semaphore_mem>>) {add = true}
      %dma_wait3A_68 = arith.constant 1 : i32
      %dma_wait3A_69 = arith.constant 0 : i32
      %dma_wait3A_70 = tpu.memref_slice %arg6[%dma_wait3A_68, %dma_wait3A_69] : memref<10x128xi32, #tpu.memory_space<vmem>> -> memref<1x128xi32, #tpu.memory_space<vmem>>
      %dma_wait3A_71 = tpu.memref_squeeze %dma_wait3A_70 : memref<1x128xi32, #tpu.memory_space<vmem>> -> memref<128xi32, #tpu.memory_space<vmem>>
      %dma_wait3A_72 = arith.constant 0 : i32
      %dma_wait3A_73 = arith.constant 0 : i32
      %dma_wait3A_74 = tpu.memref_slice %arg2[%dma_wait3A_72, %dma_wait3A_73] : memref<10240x64xf32, #tpu.memory_space<hbm>> -> memref<10240x64xf32, #tpu.memory_space<hbm>>
      tpu.wait_indirect_dma semaphore(%arg12 : memref<!tpu.dma_semaphore, #tpu.memory_space<semaphore_mem>>) src(%dma_wait3A_74 : memref<10240x64xf32, #tpu.memory_space<hbm>>) dst(%arg9 : memref<128x64xf32, #tpu.memory_space<vmem>>)
      %dma_wait3A_75 = arith.constant 0 : i32
      %dma_wait3A_76 = arith.constant 0 : i32
      %dma_wait3A_77 = tpu.memref_slice %arg7[%dma_wait3A_75, %dma_wait3A_76] : memref<10x128xi32, #tpu.memory_space<vmem>> -> memref<1x128xi32, #tpu.memory_space<vmem>>
      %dma_wait3A_78 = tpu.memref_squeeze %dma_wait3A_77 : memref<1x128xi32, #tpu.memory_space<vmem>> -> memref<128xi32, #tpu.memory_space<vmem>>
      %dma_wait3A_79 = arith.constant 0 : i32
      %dma_wait3A_80 = arith.constant 0 : i32
      %dma_wait3A_81 = tpu.memref_slice %arg10[%dma_wait3A_79, %dma_wait3A_80] : memref<10240x64xf32, #tpu.memory_space<vmem_shared>> -> memref<10240x64xf32, #tpu.memory_space<vmem_shared>>
      tpu.wait_indirect_dma semaphore(%arg13 : memref<!tpu.dma_semaphore, #tpu.memory_space<semaphore_mem>>) src(%arg8 : memref<128x64xf32, #tpu.memory_space<vmem>>) dst(%dma_wait3A_81 : memref<10240x64xf32, #tpu.memory_space<vmem_shared>>)
      %dma_start3A_82 = arith.constant 2 : i32
      %dma_start3A_83 = arith.constant 0 : i32
      %dma_start3A_84 = tpu.memref_slice %arg6[%dma_start3A_82, %dma_start3A_83] : memref<10x128xi32, #tpu.memory_space<vmem>> -> memref<1x128xi32, #tpu.memory_space<vmem>>
      %dma_start3A_85 = tpu.memref_squeeze %dma_start3A_84 : memref<1x128xi32, #tpu.memory_space<vmem>> -> memref<128xi32, #tpu.memory_space<vmem>>
      %dma_start3A_86 = arith.constant 0 : i32
      %dma_start3A_87 = arith.constant 0 : i32
      %dma_start3A_88 = tpu.memref_slice %arg2[%dma_start3A_86, %dma_start3A_87] : memref<10240x64xf32, #tpu.memory_space<hbm>> -> memref<10240x64xf32, #tpu.memory_space<hbm>>
      tpu.enqueue_indirect_dma source(%dma_start3A_88 : memref<10240x64xf32, #tpu.memory_space<hbm>>) target(%arg8 : memref<128x64xf32, #tpu.memory_space<vmem>>) offsets(%dma_start3A_85 : memref<128xi32, #tpu.memory_space<vmem>>) semaphore(%arg11 : memref<!tpu.dma_semaphore, #tpu.memory_space<semaphore_mem>>)
      %dma_start3A_89 = arith.constant 1 : i32
      %dma_start3A_90 = arith.constant 0 : i32
      %dma_start3A_91 = tpu.memref_slice %arg7[%dma_start3A_89, %dma_start3A_90] : memref<10x128xi32, #tpu.memory_space<vmem>> -> memref<1x128xi32, #tpu.memory_space<vmem>>
      %dma_start3A_92 = tpu.memref_squeeze %dma_start3A_91 : memref<1x128xi32, #tpu.memory_space<vmem>> -> memref<128xi32, #tpu.memory_space<vmem>>
      %dma_start3A_93 = arith.constant 0 : i32
      %dma_start3A_94 = arith.constant 0 : i32
      %dma_start3A_95 = tpu.memref_slice %arg10[%dma_start3A_93, %dma_start3A_94] : memref<10240x64xf32, #tpu.memory_space<vmem_shared>> -> memref<10240x64xf32, #tpu.memory_space<vmem_shared>>
      tpu.enqueue_indirect_dma source(%arg9 : memref<128x64xf32, #tpu.memory_space<vmem>>) target(%dma_start3A_95 : memref<10240x64xf32, #tpu.memory_space<vmem_shared>>) offsets(%dma_start3A_92 : memref<128xi32, #tpu.memory_space<vmem>>) semaphore(%arg14 : memref<!tpu.dma_semaphore, #tpu.memory_space<semaphore_mem>>) {add = true}
      %dma_wait3A_96 = arith.constant 2 : i32
      %dma_wait3A_97 = arith.constant 0 : i32
      %dma_wait3A_98 = tpu.memref_slice %arg6[%dma_wait3A_96, %dma_wait3A_97] : memref<10x128xi32, #tpu.memory_space<vmem>> -> memref<1x128xi32, #tpu.memory_space<vmem>>
      %dma_wait3A_99 = tpu.memref_squeeze %dma_wait3A_98 : memref<1x128xi32, #tpu.memory_space<vmem>> -> memref<128xi32, #tpu.memory_space<vmem>>
      %dma_wait3A_100 = arith.constant 0 : i32
      %dma_wait3A_101 = arith.constant 0 : i32
      %dma_wait3A_102 = tpu.memref_slice %arg2[%dma_wait3A_100, %dma_wait3A_101] : memref<10240x64xf32, #tpu.memory_space<hbm>> -> memref<10240x64xf32, #tpu.memory_space<hbm>>
      tpu.wait_indirect_dma semaphore(%arg11 : memref<!tpu.dma_semaphore, #tpu.memory_space<semaphore_mem>>) src(%dma_wait3A_102 : memref<10240x64xf32, #tpu.memory_space<hbm>>) dst(%arg8 : memref<128x64xf32, #tpu.memory_space<vmem>>)
      %dma_wait3A_103 = arith.constant 1 : i32
      %dma_wait3A_104 = arith.constant 0 : i32
      %dma_wait3A_105 = tpu.memref_slice %arg7[%dma_wait3A_103, %dma_wait3A_104] : memref<10x128xi32, #tpu.memory_space<vmem>> -> memref<1x128xi32, #tpu.memory_space<vmem>>
      %dma_wait3A_106 = tpu.memref_squeeze %dma_wait3A_105 : memref<1x128xi32, #tpu.memory_space<vmem>> -> memref<128xi32, #tpu.memory_space<vmem>>
      %dma_wait3A_107 = arith.constant 0 : i32
      %dma_wait3A_108 = arith.constant 0 : i32
      %dma_wait3A_109 = tpu.memref_slice %arg10[%dma_wait3A_107, %dma_wait3A_108] : memref<10240x64xf32, #tpu.memory_space<vmem_shared>> -> memref<10240x64xf32, #tpu.memory_space<vmem_shared>>
      tpu.wait_indirect_dma semaphore(%arg14 : memref<!tpu.dma_semaphore, #tpu.memory_space<semaphore_mem>>) src(%arg9 : memref<128x64xf32, #tpu.memory_space<vmem>>) dst(%dma_wait3A_109 : memref<10240x64xf32, #tpu.memory_space<vmem_shared>>)
      %dma_start3A_110 = arith.constant 3 : i32
      %dma_start3A_111 = arith.constant 0 : i32
      %dma_start3A_112 = tpu.memref_slice %arg6[%dma_start3A_110, %dma_start3A_111] : memref<10x128xi32, #tpu.memory_space<vmem>> -> memref<1x128xi32, #tpu.memory_space<vmem>>
      %dma_start3A_113 = tpu.memref_squeeze %dma_start3A_112 : memref<1x128xi32, #tpu.memory_space<vmem>> -> memref<128xi32, #tpu.memory_space<vmem>>
      %dma_start3A_114 = arith.constant 0 : i32
      %dma_start3A_115 = arith.constant 0 : i32
      %dma_start3A_116 = tpu.memref_slice %arg2[%dma_start3A_114, %dma_start3A_115] : memref<10240x64xf32, #tpu.memory_space<hbm>> -> memref<10240x64xf32, #tpu.memory_space<hbm>>
      tpu.enqueue_indirect_dma source(%dma_start3A_116 : memref<10240x64xf32, #tpu.memory_space<hbm>>) target(%arg9 : memref<128x64xf32, #tpu.memory_space<vmem>>) offsets(%dma_start3A_113 : memref<128xi32, #tpu.memory_space<vmem>>) semaphore(%arg12 : memref<!tpu.dma_semaphore, #tpu.memory_space<semaphore_mem>>)
      %dma_start3A_117 = arith.constant 2 : i32
      %dma_start3A_118 = arith.constant 0 : i32
      %dma_start3A_119 = tpu.memref_slice %arg7[%dma_start3A_117, %dma_start3A_118] : memref<10x128xi32, #tpu.memory_space<vmem>> -> memref<1x128xi32, #tpu.memory_space<vmem>>
      %dma_start3A_120 = tpu.memref_squeeze %dma_start3A_119 : memref<1x128xi32, #tpu.memory_space<vmem>> -> memref<128xi32, #tpu.memory_space<vmem>>
      %dma_start3A_121 = arith.constant 0 : i32
      %dma_start3A_122 = arith.constant 0 : i32
      %dma_start3A_123 = tpu.memref_slice %arg10[%dma_start3A_121, %dma_start3A_122] : memref<10240x64xf32, #tpu.memory_space<vmem_shared>> -> memref<10240x64xf32, #tpu.memory_space<vmem_shared>>
      tpu.enqueue_indirect_dma source(%arg8 : memref<128x64xf32, #tpu.memory_space<vmem>>) target(%dma_start3A_123 : memref<10240x64xf32, #tpu.memory_space<vmem_shared>>) offsets(%dma_start3A_120 : memref<128xi32, #tpu.memory_space<vmem>>) semaphore(%arg13 : memref<!tpu.dma_semaphore, #tpu.memory_space<semaphore_mem>>) {add = true}
      %dma_wait3A_124 = arith.constant 3 : i32
      %dma_wait3A_125 = arith.constant 0 : i32
      %dma_wait3A_126 = tpu.memref_slice %arg6[%dma_wait3A_124, %dma_wait3A_125] : memref<10x128xi32, #tpu.memory_space<vmem>> -> memref<1x128xi32, #tpu.memory_space<vmem>>
      %dma_wait3A_127 = tpu.memref_squeeze %dma_wait3A_126 : memref<1x128xi32, #tpu.memory_space<vmem>> -> memref<128xi32, #tpu.memory_space<vmem>>
      %dma_wait3A_128 = arith.constant 0 : i32
      %dma_wait3A_129 = arith.constant 0 : i32
      %dma_wait3A_130 = tpu.memref_slice %arg2[%dma_wait3A_128, %dma_wait3A_129] : memref<10240x64xf32, #tpu.memory_space<hbm>> -> memref<10240x64xf32, #tpu.memory_space<hbm>>
      tpu.wait_indirect_dma semaphore(%arg12 : memref<!tpu.dma_semaphore, #tpu.memory_space<semaphore_mem>>) src(%dma_wait3A_130 : memref<10240x64xf32, #tpu.memory_space<hbm>>) dst(%arg9 : memref<128x64xf32, #tpu.memory_space<vmem>>)
      %dma_wait3A_131 = arith.constant 2 : i32
      %dma_wait3A_132 = arith.constant 0 : i32
      %dma_wait3A_133 = tpu.memref_slice %arg7[%dma_wait3A_131, %dma_wait3A_132] : memref<10x128xi32, #tpu.memory_space<vmem>> -> memref<1x128xi32, #tpu.memory_space<vmem>>
      %dma_wait3A_134 = tpu.memref_squeeze %dma_wait3A_133 : memref<1x128xi32, #tpu.memory_space<vmem>> -> memref<128xi32, #tpu.memory_space<vmem>>
      %dma_wait3A_135 = arith.constant 0 : i32
      %dma_wait3A_136 = arith.constant 0 : i32
      %dma_wait3A_137 = tpu.memref_slice %arg10[%dma_wait3A_135, %dma_wait3A_136] : memref<10240x64xf32, #tpu.memory_space<vmem_shared>> -> memref<10240x64xf32, #tpu.memory_space<vmem_shared>>
      tpu.wait_indirect_dma semaphore(%arg13 : memref<!tpu.dma_semaphore, #tpu.memory_space<semaphore_mem>>) src(%arg8 : memref<128x64xf32, #tpu.memory_space<vmem>>) dst(%dma_wait3A_137 : memref<10240x64xf32, #tpu.memory_space<vmem_shared>>)
      %dma_start3A_138 = arith.constant 4 : i32
      %dma_start3A_139 = arith.constant 0 : i32
      %dma_start3A_140 = tpu.memref_slice %arg6[%dma_start3A_138, %dma_start3A_139] : memref<10x128xi32, #tpu.memory_space<vmem>> -> memref<1x128xi32, #tpu.memory_space<vmem>>
      %dma_start3A_141 = tpu.memref_squeeze %dma_start3A_140 : memref<1x128xi32, #tpu.memory_space<vmem>> -> memref<128xi32, #tpu.memory_space<vmem>>
      %dma_start3A_142 = arith.constant 0 : i32
      %dma_start3A_143 = arith.constant 0 : i32
      %dma_start3A_144 = tpu.memref_slice %arg2[%dma_start3A_142, %dma_start3A_143] : memref<10240x64xf32, #tpu.memory_space<hbm>> -> memref<10240x64xf32, #tpu.memory_space<hbm>>
      tpu.enqueue_indirect_dma source(%dma_start3A_144 : memref<10240x64xf32, #tpu.memory_space<hbm>>) target(%arg8 : memref<128x64xf32, #tpu.memory_space<vmem>>) offsets(%dma_start3A_141 : memref<128xi32, #tpu.memory_space<vmem>>) semaphore(%arg11 : memref<!tpu.dma_semaphore, #tpu.memory_space<semaphore_mem>>)
      %dma_start3A_145 = arith.constant 3 : i32
      %dma_start3A_146 = arith.constant 0 : i32
      %dma_start3A_147 = tpu.memref_slice %arg7[%dma_start3A_145, %dma_start3A_146] : memref<10x128xi32, #tpu.memory_space<vmem>> -> memref<1x128xi32, #tpu.memory_space<vmem>>
      %dma_start3A_148 = tpu.memref_squeeze %dma_start3A_147 : memref<1x128xi32, #tpu.memory_space<vmem>> -> memref<128xi32, #tpu.memory_space<vmem>>
      %dma_start3A_149 = arith.constant 0 : i32
      %dma_start3A_150 = arith.constant 0 : i32
      %dma_start3A_151 = tpu.memref_slice %arg10[%dma_start3A_149, %dma_start3A_150] : memref<10240x64xf32, #tpu.memory_space<vmem_shared>> -> memref<10240x64xf32, #tpu.memory_space<vmem_shared>>
      tpu.enqueue_indirect_dma source(%arg9 : memref<128x64xf32, #tpu.memory_space<vmem>>) target(%dma_start3A_151 : memref<10240x64xf32, #tpu.memory_space<vmem_shared>>) offsets(%dma_start3A_148 : memref<128xi32, #tpu.memory_space<vmem>>) semaphore(%arg14 : memref<!tpu.dma_semaphore, #tpu.memory_space<semaphore_mem>>) {add = true}
      %dma_wait3A_152 = arith.constant 4 : i32
      %dma_wait3A_153 = arith.constant 0 : i32
      %dma_wait3A_154 = tpu.memref_slice %arg6[%dma_wait3A_152, %dma_wait3A_153] : memref<10x128xi32, #tpu.memory_space<vmem>> -> memref<1x128xi32, #tpu.memory_space<vmem>>
      %dma_wait3A_155 = tpu.memref_squeeze %dma_wait3A_154 : memref<1x128xi32, #tpu.memory_space<vmem>> -> memref<128xi32, #tpu.memory_space<vmem>>
      %dma_wait3A_156 = arith.constant 0 : i32
      %dma_wait3A_157 = arith.constant 0 : i32
      %dma_wait3A_158 = tpu.memref_slice %arg2[%dma_wait3A_156, %dma_wait3A_157] : memref<10240x64xf32, #tpu.memory_space<hbm>> -> memref<10240x64xf32, #tpu.memory_space<hbm>>
      tpu.wait_indirect_dma semaphore(%arg11 : memref<!tpu.dma_semaphore, #tpu.memory_space<semaphore_mem>>) src(%dma_wait3A_158 : memref<10240x64xf32, #tpu.memory_space<hbm>>) dst(%arg8 : memref<128x64xf32, #tpu.memory_space<vmem>>)
      %dma_wait3A_159 = arith.constant 3 : i32
      %dma_wait3A_160 = arith.constant 0 : i32
      %dma_wait3A_161 = tpu.memref_slice %arg7[%dma_wait3A_159, %dma_wait3A_160] : memref<10x128xi32, #tpu.memory_space<vmem>> -> memref<1x128xi32, #tpu.memory_space<vmem>>
      %dma_wait3A_162 = tpu.memref_squeeze %dma_wait3A_161 : memref<1x128xi32, #tpu.memory_space<vmem>> -> memref<128xi32, #tpu.memory_space<vmem>>
      %dma_wait3A_163 = arith.constant 0 : i32
      %dma_wait3A_164 = arith.constant 0 : i32
      %dma_wait3A_165 = tpu.memref_slice %arg10[%dma_wait3A_163, %dma_wait3A_164] : memref<10240x64xf32, #tpu.memory_space<vmem_shared>> -> memref<10240x64xf32, #tpu.memory_space<vmem_shared>>
      tpu.wait_indirect_dma semaphore(%arg14 : memref<!tpu.dma_semaphore, #tpu.memory_space<semaphore_mem>>) src(%arg9 : memref<128x64xf32, #tpu.memory_space<vmem>>) dst(%dma_wait3A_165 : memref<10240x64xf32, #tpu.memory_space<vmem_shared>>)
      %dma_start3A_166 = arith.constant 5 : i32
      %dma_start3A_167 = arith.constant 0 : i32
      %dma_start3A_168 = tpu.memref_slice %arg6[%dma_start3A_166, %dma_start3A_167] : memref<10x128xi32, #tpu.memory_space<vmem>> -> memref<1x128xi32, #tpu.memory_space<vmem>>
      %dma_start3A_169 = tpu.memref_squeeze %dma_start3A_168 : memref<1x128xi32, #tpu.memory_space<vmem>> -> memref<128xi32, #tpu.memory_space<vmem>>
      %dma_start3A_170 = arith.constant 0 : i32
      %dma_start3A_171 = arith.constant 0 : i32
      %dma_start3A_172 = tpu.memref_slice %arg2[%dma_start3A_170, %dma_start3A_171] : memref<10240x64xf32, #tpu.memory_space<hbm>> -> memref<10240x64xf32, #tpu.memory_space<hbm>>
      tpu.enqueue_indirect_dma source(%dma_start3A_172 : memref<10240x64xf32, #tpu.memory_space<hbm>>) target(%arg9 : memref<128x64xf32, #tpu.memory_space<vmem>>) offsets(%dma_start3A_169 : memref<128xi32, #tpu.memory_space<vmem>>) semaphore(%arg12 : memref<!tpu.dma_semaphore, #tpu.memory_space<semaphore_mem>>)
      %dma_start3A_173 = arith.constant 4 : i32
      %dma_start3A_174 = arith.constant 0 : i32
      %dma_start3A_175 = tpu.memref_slice %arg7[%dma_start3A_173, %dma_start3A_174] : memref<10x128xi32, #tpu.memory_space<vmem>> -> memref<1x128xi32, #tpu.memory_space<vmem>>
      %dma_start3A_176 = tpu.memref_squeeze %dma_start3A_175 : memref<1x128xi32, #tpu.memory_space<vmem>> -> memref<128xi32, #tpu.memory_space<vmem>>
      %dma_start3A_177 = arith.constant 0 : i32
      %dma_start3A_178 = arith.constant 0 : i32
      %dma_start3A_179 = tpu.memref_slice %arg10[%dma_start3A_177, %dma_start3A_178] : memref<10240x64xf32, #tpu.memory_space<vmem_shared>> -> memref<10240x64xf32, #tpu.memory_space<vmem_shared>>
      tpu.enqueue_indirect_dma source(%arg8 : memref<128x64xf32, #tpu.memory_space<vmem>>) target(%dma_start3A_179 : memref<10240x64xf32, #tpu.memory_space<vmem_shared>>) offsets(%dma_start3A_176 : memref<128xi32, #tpu.memory_space<vmem>>) semaphore(%arg13 : memref<!tpu.dma_semaphore, #tpu.memory_space<semaphore_mem>>) {add = true}
      %dma_wait3A_180 = arith.constant 5 : i32
      %dma_wait3A_181 = arith.constant 0 : i32
      %dma_wait3A_182 = tpu.memref_slice %arg6[%dma_wait3A_180, %dma_wait3A_181] : memref<10x128xi32, #tpu.memory_space<vmem>> -> memref<1x128xi32, #tpu.memory_space<vmem>>
      %dma_wait3A_183 = tpu.memref_squeeze %dma_wait3A_182 : memref<1x128xi32, #tpu.memory_space<vmem>> -> memref<128xi32, #tpu.memory_space<vmem>>
      %dma_wait3A_184 = arith.constant 0 : i32
      %dma_wait3A_185 = arith.constant 0 : i32
      %dma_wait3A_186 = tpu.memref_slice %arg2[%dma_wait3A_184, %dma_wait3A_185] : memref<10240x64xf32, #tpu.memory_space<hbm>> -> memref<10240x64xf32, #tpu.memory_space<hbm>>
      tpu.wait_indirect_dma semaphore(%arg12 : memref<!tpu.dma_semaphore, #tpu.memory_space<semaphore_mem>>) src(%dma_wait3A_186 : memref<10240x64xf32, #tpu.memory_space<hbm>>) dst(%arg9 : memref<128x64xf32, #tpu.memory_space<vmem>>)
      %dma_wait3A_187 = arith.constant 4 : i32
      %dma_wait3A_188 = arith.constant 0 : i32
      %dma_wait3A_189 = tpu.memref_slice %arg7[%dma_wait3A_187, %dma_wait3A_188] : memref<10x128xi32, #tpu.memory_space<vmem>> -> memref<1x128xi32, #tpu.memory_space<vmem>>
      %dma_wait3A_190 = tpu.memref_squeeze %dma_wait3A_189 : memref<1x128xi32, #tpu.memory_space<vmem>> -> memref<128xi32, #tpu.memory_space<vmem>>
      %dma_wait3A_191 = arith.constant 0 : i32
      %dma_wait3A_192 = arith.constant 0 : i32
      %dma_wait3A_193 = tpu.memref_slice %arg10[%dma_wait3A_191, %dma_wait3A_192] : memref<10240x64xf32, #tpu.memory_space<vmem_shared>> -> memref<10240x64xf32, #tpu.memory_space<vmem_shared>>
      tpu.wait_indirect_dma semaphore(%arg13 : memref<!tpu.dma_semaphore, #tpu.memory_space<semaphore_mem>>) src(%arg8 : memref<128x64xf32, #tpu.memory_space<vmem>>) dst(%dma_wait3A_193 : memref<10240x64xf32, #tpu.memory_space<vmem_shared>>)
      %dma_start3A_194 = arith.constant 6 : i32
      %dma_start3A_195 = arith.constant 0 : i32
      %dma_start3A_196 = tpu.memref_slice %arg6[%dma_start3A_194, %dma_start3A_195] : memref<10x128xi32, #tpu.memory_space<vmem>> -> memref<1x128xi32, #tpu.memory_space<vmem>>
      %dma_start3A_197 = tpu.memref_squeeze %dma_start3A_196 : memref<1x128xi32, #tpu.memory_space<vmem>> -> memref<128xi32, #tpu.memory_space<vmem>>
      %dma_start3A_198 = arith.constant 0 : i32
      %dma_start3A_199 = arith.constant 0 : i32
      %dma_start3A_200 = tpu.memref_slice %arg2[%dma_start3A_198, %dma_start3A_199] : memref<10240x64xf32, #tpu.memory_space<hbm>> -> memref<10240x64xf32, #tpu.memory_space<hbm>>
      tpu.enqueue_indirect_dma source(%dma_start3A_200 : memref<10240x64xf32, #tpu.memory_space<hbm>>) target(%arg8 : memref<128x64xf32, #tpu.memory_space<vmem>>) offsets(%dma_start3A_197 : memref<128xi32, #tpu.memory_space<vmem>>) semaphore(%arg11 : memref<!tpu.dma_semaphore, #tpu.memory_space<semaphore_mem>>)
      %dma_start3A_201 = arith.constant 5 : i32
      %dma_start3A_202 = arith.constant 0 : i32
      %dma_start3A_203 = tpu.memref_slice %arg7[%dma_start3A_201, %dma_start3A_202] : memref<10x128xi32, #tpu.memory_space<vmem>> -> memref<1x128xi32, #tpu.memory_space<vmem>>
      %dma_start3A_204 = tpu.memref_squeeze %dma_start3A_203 : memref<1x128xi32, #tpu.memory_space<vmem>> -> memref<128xi32, #tpu.memory_space<vmem>>
      %dma_start3A_205 = arith.constant 0 : i32
      %dma_start3A_206 = arith.constant 0 : i32
      %dma_start3A_207 = tpu.memref_slice %arg10[%dma_start3A_205, %dma_start3A_206] : memref<10240x64xf32, #tpu.memory_space<vmem_shared>> -> memref<10240x64xf32, #tpu.memory_space<vmem_shared>>
      tpu.enqueue_indirect_dma source(%arg9 : memref<128x64xf32, #tpu.memory_space<vmem>>) target(%dma_start3A_207 : memref<10240x64xf32, #tpu.memory_space<vmem_shared>>) offsets(%dma_start3A_204 : memref<128xi32, #tpu.memory_space<vmem>>) semaphore(%arg14 : memref<!tpu.dma_semaphore, #tpu.memory_space<semaphore_mem>>) {add = true}
      %dma_wait3A_208 = arith.constant 6 : i32
      %dma_wait3A_209 = arith.constant 0 : i32
      %dma_wait3A_210 = tpu.memref_slice %arg6[%dma_wait3A_208, %dma_wait3A_209] : memref<10x128xi32, #tpu.memory_space<vmem>> -> memref<1x128xi32, #tpu.memory_space<vmem>>
      %dma_wait3A_211 = tpu.memref_squeeze %dma_wait3A_210 : memref<1x128xi32, #tpu.memory_space<vmem>> -> memref<128xi32, #tpu.memory_space<vmem>>
      %dma_wait3A_212 = arith.constant 0 : i32
      %dma_wait3A_213 = arith.constant 0 : i32
      %dma_wait3A_214 = tpu.memref_slice %arg2[%dma_wait3A_212, %dma_wait3A_213] : memref<10240x64xf32, #tpu.memory_space<hbm>> -> memref<10240x64xf32, #tpu.memory_space<hbm>>
      tpu.wait_indirect_dma semaphore(%arg11 : memref<!tpu.dma_semaphore, #tpu.memory_space<semaphore_mem>>) src(%dma_wait3A_214 : memref<10240x64xf32, #tpu.memory_space<hbm>>) dst(%arg8 : memref<128x64xf32, #tpu.memory_space<vmem>>)
      %dma_wait3A_215 = arith.constant 5 : i32
      %dma_wait3A_216 = arith.constant 0 : i32
      %dma_wait3A_217 = tpu.memref_slice %arg7[%dma_wait3A_215, %dma_wait3A_216] : memref<10x128xi32, #tpu.memory_space<vmem>> -> memref<1x128xi32, #tpu.memory_space<vmem>>
      %dma_wait3A_218 = tpu.memref_squeeze %dma_wait3A_217 : memref<1x128xi32, #tpu.memory_space<vmem>> -> memref<128xi32, #tpu.memory_space<vmem>>
      %dma_wait3A_219 = arith.constant 0 : i32
      %dma_wait3A_220 = arith.constant 0 : i32
      %dma_wait3A_221 = tpu.memref_slice %arg10[%dma_wait3A_219, %dma_wait3A_220] : memref<10240x64xf32, #tpu.memory_space<vmem_shared>> -> memref<10240x64xf32, #tpu.memory_space<vmem_shared>>
      tpu.wait_indirect_dma semaphore(%arg14 : memref<!tpu.dma_semaphore, #tpu.memory_space<semaphore_mem>>) src(%arg9 : memref<128x64xf32, #tpu.memory_space<vmem>>) dst(%dma_wait3A_221 : memref<10240x64xf32, #tpu.memory_space<vmem_shared>>)
      %dma_start3A_222 = arith.constant 7 : i32
      %dma_start3A_223 = arith.constant 0 : i32
      %dma_start3A_224 = tpu.memref_slice %arg6[%dma_start3A_222, %dma_start3A_223] : memref<10x128xi32, #tpu.memory_space<vmem>> -> memref<1x128xi32, #tpu.memory_space<vmem>>
      %dma_start3A_225 = tpu.memref_squeeze %dma_start3A_224 : memref<1x128xi32, #tpu.memory_space<vmem>> -> memref<128xi32, #tpu.memory_space<vmem>>
      %dma_start3A_226 = arith.constant 0 : i32
      %dma_start3A_227 = arith.constant 0 : i32
      %dma_start3A_228 = tpu.memref_slice %arg2[%dma_start3A_226, %dma_start3A_227] : memref<10240x64xf32, #tpu.memory_space<hbm>> -> memref<10240x64xf32, #tpu.memory_space<hbm>>
      tpu.enqueue_indirect_dma source(%dma_start3A_228 : memref<10240x64xf32, #tpu.memory_space<hbm>>) target(%arg9 : memref<128x64xf32, #tpu.memory_space<vmem>>) offsets(%dma_start3A_225 : memref<128xi32, #tpu.memory_space<vmem>>) semaphore(%arg12 : memref<!tpu.dma_semaphore, #tpu.memory_space<semaphore_mem>>)
      %dma_start3A_229 = arith.constant 6 : i32
      %dma_start3A_230 = arith.constant 0 : i32
      %dma_start3A_231 = tpu.memref_slice %arg7[%dma_start3A_229, %dma_start3A_230] : memref<10x128xi32, #tpu.memory_space<vmem>> -> memref<1x128xi32, #tpu.memory_space<vmem>>
      %dma_start3A_232 = tpu.memref_squeeze %dma_start3A_231 : memref<1x128xi32, #tpu.memory_space<vmem>> -> memref<128xi32, #tpu.memory_space<vmem>>
      %dma_start3A_233 = arith.constant 0 : i32
      %dma_start3A_234 = arith.constant 0 : i32
      %dma_start3A_235 = tpu.memref_slice %arg10[%dma_start3A_233, %dma_start3A_234] : memref<10240x64xf32, #tpu.memory_space<vmem_shared>> -> memref<10240x64xf32, #tpu.memory_space<vmem_shared>>
      tpu.enqueue_indirect_dma source(%arg8 : memref<128x64xf32, #tpu.memory_space<vmem>>) target(%dma_start3A_235 : memref<10240x64xf32, #tpu.memory_space<vmem_shared>>) offsets(%dma_start3A_232 : memref<128xi32, #tpu.memory_space<vmem>>) semaphore(%arg13 : memref<!tpu.dma_semaphore, #tpu.memory_space<semaphore_mem>>) {add = true}
      %dma_wait3A_236 = arith.constant 7 : i32
      %dma_wait3A_237 = arith.constant 0 : i32
      %dma_wait3A_238 = tpu.memref_slice %arg6[%dma_wait3A_236, %dma_wait3A_237] : memref<10x128xi32, #tpu.memory_space<vmem>> -> memref<1x128xi32, #tpu.memory_space<vmem>>
      %dma_wait3A_239 = tpu.memref_squeeze %dma_wait3A_238 : memref<1x128xi32, #tpu.memory_space<vmem>> -> memref<128xi32, #tpu.memory_space<vmem>>
      %dma_wait3A_240 = arith.constant 0 : i32
      %dma_wait3A_241 = arith.constant 0 : i32
      %dma_wait3A_242 = tpu.memref_slice %arg2[%dma_wait3A_240, %dma_wait3A_241] : memref<10240x64xf32, #tpu.memory_space<hbm>> -> memref<10240x64xf32, #tpu.memory_space<hbm>>
      tpu.wait_indirect_dma semaphore(%arg12 : memref<!tpu.dma_semaphore, #tpu.memory_space<semaphore_mem>>) src(%dma_wait3A_242 : memref<10240x64xf32, #tpu.memory_space<hbm>>) dst(%arg9 : memref<128x64xf32, #tpu.memory_space<vmem>>)
      %dma_wait3A_243 = arith.constant 6 : i32
      %dma_wait3A_244 = arith.constant 0 : i32
      %dma_wait3A_245 = tpu.memref_slice %arg7[%dma_wait3A_243, %dma_wait3A_244] : memref<10x128xi32, #tpu.memory_space<vmem>> -> memref<1x128xi32, #tpu.memory_space<vmem>>
      %dma_wait3A_246 = tpu.memref_squeeze %dma_wait3A_245 : memref<1x128xi32, #tpu.memory_space<vmem>> -> memref<128xi32, #tpu.memory_space<vmem>>
      %dma_wait3A_247 = arith.constant 0 : i32
      %dma_wait3A_248 = arith.constant 0 : i32
      %dma_wait3A_249 = tpu.memref_slice %arg10[%dma_wait3A_247, %dma_wait3A_248] : memref<10240x64xf32, #tpu.memory_space<vmem_shared>> -> memref<10240x64xf32, #tpu.memory_space<vmem_shared>>
      tpu.wait_indirect_dma semaphore(%arg13 : memref<!tpu.dma_semaphore, #tpu.memory_space<semaphore_mem>>) src(%arg8 : memref<128x64xf32, #tpu.memory_space<vmem>>) dst(%dma_wait3A_249 : memref<10240x64xf32, #tpu.memory_space<vmem_shared>>)
      %dma_start3A_250 = arith.constant 8 : i32
      %dma_start3A_251 = arith.constant 0 : i32
      %dma_start3A_252 = tpu.memref_slice %arg6[%dma_start3A_250, %dma_start3A_251] : memref<10x128xi32, #tpu.memory_space<vmem>> -> memref<1x128xi32, #tpu.memory_space<vmem>>
      %dma_start3A_253 = tpu.memref_squeeze %dma_start3A_252 : memref<1x128xi32, #tpu.memory_space<vmem>> -> memref<128xi32, #tpu.memory_space<vmem>>
      %dma_start3A_254 = arith.constant 0 : i32
      %dma_start3A_255 = arith.constant 0 : i32
      %dma_start3A_256 = tpu.memref_slice %arg2[%dma_start3A_254, %dma_start3A_255] : memref<10240x64xf32, #tpu.memory_space<hbm>> -> memref<10240x64xf32, #tpu.memory_space<hbm>>
      tpu.enqueue_indirect_dma source(%dma_start3A_256 : memref<10240x64xf32, #tpu.memory_space<hbm>>) target(%arg8 : memref<128x64xf32, #tpu.memory_space<vmem>>) offsets(%dma_start3A_253 : memref<128xi32, #tpu.memory_space<vmem>>) semaphore(%arg11 : memref<!tpu.dma_semaphore, #tpu.memory_space<semaphore_mem>>)
      %dma_start3A_257 = arith.constant 7 : i32
      %dma_start3A_258 = arith.constant 0 : i32
      %dma_start3A_259 = tpu.memref_slice %arg7[%dma_start3A_257, %dma_start3A_258] : memref<10x128xi32, #tpu.memory_space<vmem>> -> memref<1x128xi32, #tpu.memory_space<vmem>>
      %dma_start3A_260 = tpu.memref_squeeze %dma_start3A_259 : memref<1x128xi32, #tpu.memory_space<vmem>> -> memref<128xi32, #tpu.memory_space<vmem>>
      %dma_start3A_261 = arith.constant 0 : i32
      %dma_start3A_262 = arith.constant 0 : i32
      %dma_start3A_263 = tpu.memref_slice %arg10[%dma_start3A_261, %dma_start3A_262] : memref<10240x64xf32, #tpu.memory_space<vmem_shared>> -> memref<10240x64xf32, #tpu.memory_space<vmem_shared>>
      tpu.enqueue_indirect_dma source(%arg9 : memref<128x64xf32, #tpu.memory_space<vmem>>) target(%dma_start3A_263 : memref<10240x64xf32, #tpu.memory_space<vmem_shared>>) offsets(%dma_start3A_260 : memref<128xi32, #tpu.memory_space<vmem>>) semaphore(%arg14 : memref<!tpu.dma_semaphore, #tpu.memory_space<semaphore_mem>>) {add = true}
      %dma_wait3A_264 = arith.constant 8 : i32
      %dma_wait3A_265 = arith.constant 0 : i32
      %dma_wait3A_266 = tpu.memref_slice %arg6[%dma_wait3A_264, %dma_wait3A_265] : memref<10x128xi32, #tpu.memory_space<vmem>> -> memref<1x128xi32, #tpu.memory_space<vmem>>
      %dma_wait3A_267 = tpu.memref_squeeze %dma_wait3A_266 : memref<1x128xi32, #tpu.memory_space<vmem>> -> memref<128xi32, #tpu.memory_space<vmem>>
      %dma_wait3A_268 = arith.constant 0 : i32
      %dma_wait3A_269 = arith.constant 0 : i32
      %dma_wait3A_270 = tpu.memref_slice %arg2[%dma_wait3A_268, %dma_wait3A_269] : memref<10240x64xf32, #tpu.memory_space<hbm>> -> memref<10240x64xf32, #tpu.memory_space<hbm>>
      tpu.wait_indirect_dma semaphore(%arg11 : memref<!tpu.dma_semaphore, #tpu.memory_space<semaphore_mem>>) src(%dma_wait3A_270 : memref<10240x64xf32, #tpu.memory_space<hbm>>) dst(%arg8 : memref<128x64xf32, #tpu.memory_space<vmem>>)
      %dma_wait3A_271 = arith.constant 7 : i32
      %dma_wait3A_272 = arith.constant 0 : i32
      %dma_wait3A_273 = tpu.memref_slice %arg7[%dma_wait3A_271, %dma_wait3A_272] : memref<10x128xi32, #tpu.memory_space<vmem>> -> memref<1x128xi32, #tpu.memory_space<vmem>>
      %dma_wait3A_274 = tpu.memref_squeeze %dma_wait3A_273 : memref<1x128xi32, #tpu.memory_space<vmem>> -> memref<128xi32, #tpu.memory_space<vmem>>
      %dma_wait3A_275 = arith.constant 0 : i32
      %dma_wait3A_276 = arith.constant 0 : i32
      %dma_wait3A_277 = tpu.memref_slice %arg10[%dma_wait3A_275, %dma_wait3A_276] : memref<10240x64xf32, #tpu.memory_space<vmem_shared>> -> memref<10240x64xf32, #tpu.memory_space<vmem_shared>>
      tpu.wait_indirect_dma semaphore(%arg14 : memref<!tpu.dma_semaphore, #tpu.memory_space<semaphore_mem>>) src(%arg9 : memref<128x64xf32, #tpu.memory_space<vmem>>) dst(%dma_wait3A_277 : memref<10240x64xf32, #tpu.memory_space<vmem_shared>>)
      %dma_start3A_278 = arith.constant 9 : i32
      %dma_start3A_279 = arith.constant 0 : i32
      %dma_start3A_280 = tpu.memref_slice %arg6[%dma_start3A_278, %dma_start3A_279] : memref<10x128xi32, #tpu.memory_space<vmem>> -> memref<1x128xi32, #tpu.memory_space<vmem>>
      %dma_start3A_281 = tpu.memref_squeeze %dma_start3A_280 : memref<1x128xi32, #tpu.memory_space<vmem>> -> memref<128xi32, #tpu.memory_space<vmem>>
      %dma_start3A_282 = arith.constant 0 : i32
      %dma_start3A_283 = arith.constant 0 : i32
      %dma_start3A_284 = tpu.memref_slice %arg2[%dma_start3A_282, %dma_start3A_283] : memref<10240x64xf32, #tpu.memory_space<hbm>> -> memref<10240x64xf32, #tpu.memory_space<hbm>>
      tpu.enqueue_indirect_dma source(%dma_start3A_284 : memref<10240x64xf32, #tpu.memory_space<hbm>>) target(%arg9 : memref<128x64xf32, #tpu.memory_space<vmem>>) offsets(%dma_start3A_281 : memref<128xi32, #tpu.memory_space<vmem>>) semaphore(%arg12 : memref<!tpu.dma_semaphore, #tpu.memory_space<semaphore_mem>>)
      %dma_start3A_285 = arith.constant 8 : i32
      %dma_start3A_286 = arith.constant 0 : i32
      %dma_start3A_287 = tpu.memref_slice %arg7[%dma_start3A_285, %dma_start3A_286] : memref<10x128xi32, #tpu.memory_space<vmem>> -> memref<1x128xi32, #tpu.memory_space<vmem>>
      %dma_start3A_288 = tpu.memref_squeeze %dma_start3A_287 : memref<1x128xi32, #tpu.memory_space<vmem>> -> memref<128xi32, #tpu.memory_space<vmem>>
      %dma_start3A_289 = arith.constant 0 : i32
      %dma_start3A_290 = arith.constant 0 : i32
      %dma_start3A_291 = tpu.memref_slice %arg10[%dma_start3A_289, %dma_start3A_290] : memref<10240x64xf32, #tpu.memory_space<vmem_shared>> -> memref<10240x64xf32, #tpu.memory_space<vmem_shared>>
      tpu.enqueue_indirect_dma source(%arg8 : memref<128x64xf32, #tpu.memory_space<vmem>>) target(%dma_start3A_291 : memref<10240x64xf32, #tpu.memory_space<vmem_shared>>) offsets(%dma_start3A_288 : memref<128xi32, #tpu.memory_space<vmem>>) semaphore(%arg13 : memref<!tpu.dma_semaphore, #tpu.memory_space<semaphore_mem>>) {add = true}
      %dma_wait3A_292 = arith.constant 9 : i32
      %dma_wait3A_293 = arith.constant 0 : i32
      %dma_wait3A_294 = tpu.memref_slice %arg6[%dma_wait3A_292, %dma_wait3A_293] : memref<10x128xi32, #tpu.memory_space<vmem>> -> memref<1x128xi32, #tpu.memory_space<vmem>>
      %dma_wait3A_295 = tpu.memref_squeeze %dma_wait3A_294 : memref<1x128xi32, #tpu.memory_space<vmem>> -> memref<128xi32, #tpu.memory_space<vmem>>
      %dma_wait3A_296 = arith.constant 0 : i32
      %dma_wait3A_297 = arith.constant 0 : i32
      %dma_wait3A_298 = tpu.memref_slice %arg2[%dma_wait3A_296, %dma_wait3A_297] : memref<10240x64xf32, #tpu.memory_space<hbm>> -> memref<10240x64xf32, #tpu.memory_space<hbm>>
      tpu.wait_indirect_dma semaphore(%arg12 : memref<!tpu.dma_semaphore, #tpu.memory_space<semaphore_mem>>) src(%dma_wait3A_298 : memref<10240x64xf32, #tpu.memory_space<hbm>>) dst(%arg9 : memref<128x64xf32, #tpu.memory_space<vmem>>)
      %dma_wait3A_299 = arith.constant 8 : i32
      %dma_wait3A_300 = arith.constant 0 : i32
      %dma_wait3A_301 = tpu.memref_slice %arg7[%dma_wait3A_299, %dma_wait3A_300] : memref<10x128xi32, #tpu.memory_space<vmem>> -> memref<1x128xi32, #tpu.memory_space<vmem>>
      %dma_wait3A_302 = tpu.memref_squeeze %dma_wait3A_301 : memref<1x128xi32, #tpu.memory_space<vmem>> -> memref<128xi32, #tpu.memory_space<vmem>>
      %dma_wait3A_303 = arith.constant 0 : i32
      %dma_wait3A_304 = arith.constant 0 : i32
      %dma_wait3A_305 = tpu.memref_slice %arg10[%dma_wait3A_303, %dma_wait3A_304] : memref<10240x64xf32, #tpu.memory_space<vmem_shared>> -> memref<10240x64xf32, #tpu.memory_space<vmem_shared>>
      tpu.wait_indirect_dma semaphore(%arg13 : memref<!tpu.dma_semaphore, #tpu.memory_space<semaphore_mem>>) src(%arg8 : memref<128x64xf32, #tpu.memory_space<vmem>>) dst(%dma_wait3A_305 : memref<10240x64xf32, #tpu.memory_space<vmem_shared>>)
      %dma_start3A_306 = arith.constant 9 : i32
      %dma_start3A_307 = arith.constant 0 : i32
      %dma_start3A_308 = tpu.memref_slice %arg7[%dma_start3A_306, %dma_start3A_307] : memref<10x128xi32, #tpu.memory_space<vmem>> -> memref<1x128xi32, #tpu.memory_space<vmem>>
      %dma_start3A_309 = tpu.memref_squeeze %dma_start3A_308 : memref<1x128xi32, #tpu.memory_space<vmem>> -> memref<128xi32, #tpu.memory_space<vmem>>
      %dma_start3A_310 = arith.constant 0 : i32
      %dma_start3A_311 = arith.constant 0 : i32
      %dma_start3A_312 = tpu.memref_slice %arg10[%dma_start3A_310, %dma_start3A_311] : memref<10240x64xf32, #tpu.memory_space<vmem_shared>> -> memref<10240x64xf32, #tpu.memory_space<vmem_shared>>
      tpu.enqueue_indirect_dma source(%arg9 : memref<128x64xf32, #tpu.memory_space<vmem>>) target(%dma_start3A_312 : memref<10240x64xf32, #tpu.memory_space<vmem_shared>>) offsets(%dma_start3A_309 : memref<128xi32, #tpu.memory_space<vmem>>) semaphore(%arg14 : memref<!tpu.dma_semaphore, #tpu.memory_space<semaphore_mem>>) {add = true}
      %dma_wait3A_313 = arith.constant 9 : i32
      %dma_wait3A_314 = arith.constant 0 : i32
      %dma_wait3A_315 = tpu.memref_slice %arg7[%dma_wait3A_313, %dma_wait3A_314] : memref<10x128xi32, #tpu.memory_space<vmem>> -> memref<1x128xi32, #tpu.memory_space<vmem>>
      %dma_wait3A_316 = tpu.memref_squeeze %dma_wait3A_315 : memref<1x128xi32, #tpu.memory_space<vmem>> -> memref<128xi32, #tpu.memory_space<vmem>>
      %dma_wait3A_317 = arith.constant 0 : i32
      %dma_wait3A_318 = arith.constant 0 : i32
      %dma_wait3A_319 = tpu.memref_slice %arg10[%dma_wait3A_317, %dma_wait3A_318] : memref<10240x64xf32, #tpu.memory_space<vmem_shared>> -> memref<10240x64xf32, #tpu.memory_space<vmem_shared>>
      tpu.wait_indirect_dma semaphore(%arg14 : memref<!tpu.dma_semaphore, #tpu.memory_space<semaphore_mem>>) src(%arg9 : memref<128x64xf32, #tpu.memory_space<vmem>>) dst(%dma_wait3A_319 : memref<10240x64xf32, #tpu.memory_space<vmem_shared>>)
      %scan3A_320 = arith.constant 0 : i32
      scf.yield %scan3A_320 : i32
    }
    %scan3A_34 = arith.constant 8 : i32
    %barrier3A_35 = arith.constant 0 : index
    tpu.barrier barrier_id(%barrier3A_35)
    %mul3A_36 = arith.constant 640 : i32
    %mul3A_37 = arith.muli %arg1, %mul3A_36 : i32
    %mul3A_38 = arith.constant 640 : i32
    %mul3A_39 = arith.muli %arg1, %mul3A_38 : i32
    "tpu.region"() ({
      %run_scoped3A = tpu.sem_alloc : memref<!tpu.dma_semaphore, #tpu.memory_space<semaphore_mem>>
      %dma_start3A = arith.constant 0 : i32
      %dma_start3A_40 = tpu.memref_slice %arg5[%arg0, %mul3A_39, %dma_start3A] : memref<2x10240x64xf32, #tpu.memory_space<hbm>> -> memref<1x640x64xf32, #tpu.memory_space<hbm>>
      %dma_start3A_41 = tpu.memref_squeeze %dma_start3A_40 : memref<1x640x64xf32, #tpu.memory_space<hbm>> -> memref<640x64xf32, #tpu.memory_space<hbm>>
      %dma_start3A_42 = arith.constant 0 : i32
      %dma_start3A_43 = tpu.memref_slice %arg10[%mul3A_37, %dma_start3A_42] : memref<10240x64xf32, #tpu.memory_space<vmem_shared>> -> memref<640x64xf32, #tpu.memory_space<vmem_shared>>
      tpu.enqueue_dma source(%dma_start3A_43 : memref<640x64xf32, #tpu.memory_space<vmem_shared>>) target(%dma_start3A_41 : memref<640x64xf32, #tpu.memory_space<hbm>>) target_semaphore(%run_scoped3A : memref<!tpu.dma_semaphore, #tpu.memory_space<semaphore_mem>>)
      %dma_wait3A = arith.constant 0 : i32
      %dma_wait3A_44 = tpu.memref_slice %arg5[%arg0, %mul3A_39, %dma_wait3A] : memref<2x10240x64xf32, #tpu.memory_space<hbm>> -> memref<1x640x64xf32, #tpu.memory_space<hbm>>
      %dma_wait3A_45 = tpu.memref_squeeze %dma_wait3A_44 : memref<1x640x64xf32, #tpu.memory_space<hbm>> -> memref<640x64xf32, #tpu.memory_space<hbm>>
      %dma_wait3A_46 = arith.constant 0 : i32
      %dma_wait3A_47 = tpu.memref_slice %arg10[%mul3A_37, %dma_wait3A_46] : memref<10240x64xf32, #tpu.memory_space<vmem_shared>> -> memref<640x64xf32, #tpu.memory_space<vmem_shared>>
      tpu.wait_dma2 semaphore(%run_scoped3A : memref<!tpu.dma_semaphore, #tpu.memory_space<semaphore_mem>>) src(%dma_wait3A_47 : memref<640x64xf32, #tpu.memory_space<vmem_shared>>) dst(%dma_wait3A_45 : memref<640x64xf32, #tpu.memory_space<hbm>>)
      tpu.yield
    }) : () -> ()
    return
  }
}

#map = affine_map<(d0, d1) -> (0, 0, 0, 0)>
#map1 = affine_map<(d0, d1) -> (0, 0)>
module attributes {stable_mosaic.version = 14 : i64} {
  func.func @_sc_degree(%arg0: i32, %arg1: i32, %arg2: memref<32x8x10x128xi32, #tpu.memory_space<hbm>>, %arg3: memref<2x10240xf32, #tpu.memory_space<hbm>>, %arg4: memref<10x128xi32, #tpu.memory_space<vmem>>, %arg5: memref<128xf32, #tpu.memory_space<vmem>>, %arg6: memref<640xf32, #tpu.memory_space<vmem>>, %arg7: memref<10240xf32, #tpu.memory_space<vmem_shared>>) attributes {dimension_semantics = [#tpu.dimension_semantics<core_parallel>, #tpu.dimension_semantics<subcore_parallel>], iteration_bounds = array<i64: 2, 16>, scalar_prefetch = 0 : i64, scratch_operands = 4 : i64, tpu.core_type = #tpu.core_type<sc_vector_subcore>, window_params = [{transform_indices = #map}, {transform_indices = #map1}]} {
    %mul3A = arith.constant 2 : i32
    %mul3A_0 = arith.muli %arg1, %mul3A : i32
    %add3A = arith.addi %mul3A_0, %arg0 : i32
    %scan3A = arith.constant 0 : i32
    %scan3A_1 = arith.constant 0 : i32
    %scan3A_2 = arith.constant 8 : i32
    %scan3A_3 = arith.addi %scan3A_1, %scan3A_2 : i32
    %scan3A_4 = arith.constant 1 : i32
    %scan3A_5 = scf.for %scan3A_28 = %scan3A_1 to %scan3A_3 step %scan3A_4 iter_args(%scan3A_29 = %scan3A) -> (i32)  : i32 {
      %broadcast_in_dim3A = arith.constant 1.000000e+00 : f32
      %broadcast_in_dim3A_30 = vector.broadcast %broadcast_in_dim3A : f32 to vector<16xf32>
      %mul3A_31 = arith.constant 16 : i32
      %mul3A_32 = arith.muli %scan3A_28, %mul3A_31 : i32
      %swap3A = arith.index_cast %mul3A_32 : i32 to index
      %swap3A_33 = tpu.vector_load %arg5[%swap3A] {strides = array<i32>} : memref<128xf32, #tpu.memory_space<vmem>>, vector<16xf32>,
      %swap3A_34 = vector.shape_cast %swap3A_33 : vector<16xf32> to vector<16xf32>
      %swap3A_35 = vector.shape_cast %broadcast_in_dim3A_30 : vector<16xf32> to vector<16xf32>
      tpu.vector_store %arg5[%swap3A], %swap3A_35 {strides = array<i32>} : memref<128xf32, #tpu.memory_space<vmem>>, vector<16xf32>,
      %scan3A_36 = arith.constant 0 : i32
      scf.yield %scan3A_36 : i32
    }
    %scan3A_6 = arith.constant 8 : i32
    %scan3A_7 = arith.constant 0 : i32
    %scan3A_8 = arith.constant 0 : i32
    %scan3A_9 = arith.constant 40 : i32
    %scan3A_10 = arith.addi %scan3A_8, %scan3A_9 : i32
    %scan3A_11 = arith.constant 1 : i32
    %scan3A_12 = scf.for %scan3A_28 = %scan3A_8 to %scan3A_10 step %scan3A_11 iter_args(%scan3A_29 = %scan3A_7) -> (i32)  : i32 {
      %broadcast_in_dim3A = arith.constant 0.000000e+00 : f32
      %broadcast_in_dim3A_30 = vector.broadcast %broadcast_in_dim3A : f32 to vector<16xf32>
      %mul3A_31 = arith.constant 16 : i32
      %mul3A_32 = arith.muli %scan3A_28, %mul3A_31 : i32
      %swap3A = arith.index_cast %mul3A_32 : i32 to index
      %swap3A_33 = tpu.vector_load %arg6[%swap3A] {strides = array<i32>} : memref<640xf32, #tpu.memory_space<vmem>>, vector<16xf32>,
      %swap3A_34 = vector.shape_cast %swap3A_33 : vector<16xf32> to vector<16xf32>
      %swap3A_35 = vector.shape_cast %broadcast_in_dim3A_30 : vector<16xf32> to vector<16xf32>
      tpu.vector_store %arg6[%swap3A], %swap3A_35 {strides = array<i32>} : memref<640xf32, #tpu.memory_space<vmem>>, vector<16xf32>,
      %scan3A_36 = arith.constant 0 : i32
      scf.yield %scan3A_36 : i32
    }
    %scan3A_13 = arith.constant 40 : i32
    %mul3A_14 = arith.constant 640 : i32
    %mul3A_15 = arith.muli %arg1, %mul3A_14 : i32
    "tpu.region"() ({
      %run_scoped3A = tpu.sem_alloc : memref<!tpu.dma_semaphore, #tpu.memory_space<semaphore_mem>>
      %dma_start3A = tpu.memref_slice %arg7[%mul3A_15] : memref<10240xf32, #tpu.memory_space<vmem_shared>> -> memref<640xf32, #tpu.memory_space<vmem_shared>>
      %dma_start3A_28 = tpu.memref_slice %arg7[%mul3A_15] : memref<10240xf32, #tpu.memory_space<vmem_shared>> -> memref<640xf32, #tpu.memory_space<vmem_shared>>
      tpu.enqueue_dma source(%arg6 : memref<640xf32, #tpu.memory_space<vmem>>) target(%dma_start3A_28 : memref<640xf32, #tpu.memory_space<vmem_shared>>) target_semaphore(%run_scoped3A : memref<!tpu.dma_semaphore, #tpu.memory_space<semaphore_mem>>)
      %dma_wait3A = tpu.memref_slice %arg7[%mul3A_15] : memref<10240xf32, #tpu.memory_space<vmem_shared>> -> memref<640xf32, #tpu.memory_space<vmem_shared>>
      %dma_wait3A_29 = tpu.memref_slice %arg7[%mul3A_15] : memref<10240xf32, #tpu.memory_space<vmem_shared>> -> memref<640xf32, #tpu.memory_space<vmem_shared>>
      tpu.wait_dma2 semaphore(%run_scoped3A : memref<!tpu.dma_semaphore, #tpu.memory_space<semaphore_mem>>) src(%arg6 : memref<640xf32, #tpu.memory_space<vmem>>) dst(%dma_wait3A_29 : memref<640xf32, #tpu.memory_space<vmem_shared>>)
      tpu.yield
    }) : () -> ()
    %barrier3A = arith.constant 0 : index
    tpu.barrier barrier_id(%barrier3A)
    %scan3A_16 = arith.constant 0 : i32
    %scan3A_17 = arith.constant 0 : i32
    %scan3A_18 = arith.constant 8 : i32
    %scan3A_19 = arith.addi %scan3A_17, %scan3A_18 : i32
    %scan3A_20 = arith.constant 1 : i32
    %scan3A_21 = scf.for %scan3A_28 = %scan3A_17 to %scan3A_19 step %scan3A_20 iter_args(%scan3A_29 = %scan3A_16) -> (i32)  : i32 {
      "tpu.region"() ({
        %run_scoped3A_40 = tpu.sem_alloc : memref<!tpu.dma_semaphore, #tpu.memory_space<semaphore_mem>>
        %dma_start3A = arith.constant 0 : i32
        %dma_start3A_41 = arith.constant 0 : i32
        %dma_start3A_42 = tpu.memref_slice %arg2[%add3A, %scan3A_28, %dma_start3A, %dma_start3A_41] : memref<32x8x10x128xi32, #tpu.memory_space<hbm>> -> memref<1x1x10x128xi32, #tpu.memory_space<hbm>>
        %dma_start3A_43 = tpu.memref_squeeze %dma_start3A_42 : memref<1x1x10x128xi32, #tpu.memory_space<hbm>> -> memref<10x128xi32, #tpu.memory_space<hbm>>
        %dma_start3A_44 = arith.constant 0 : i32
        %dma_start3A_45 = arith.constant 0 : i32
        %dma_start3A_46 = tpu.memref_slice %arg2[%add3A, %scan3A_28, %dma_start3A_44, %dma_start3A_45] : memref<32x8x10x128xi32, #tpu.memory_space<hbm>> -> memref<1x1x10x128xi32, #tpu.memory_space<hbm>>
        %dma_start3A_47 = tpu.memref_squeeze %dma_start3A_46 : memref<1x1x10x128xi32, #tpu.memory_space<hbm>> -> memref<10x128xi32, #tpu.memory_space<hbm>>
        tpu.enqueue_dma source(%dma_start3A_47 : memref<10x128xi32, #tpu.memory_space<hbm>>) target(%arg4 : memref<10x128xi32, #tpu.memory_space<vmem>>) target_semaphore(%run_scoped3A_40 : memref<!tpu.dma_semaphore, #tpu.memory_space<semaphore_mem>>)
        %dma_wait3A = arith.constant 0 : i32
        %dma_wait3A_48 = arith.constant 0 : i32
        %dma_wait3A_49 = tpu.memref_slice %arg2[%add3A, %scan3A_28, %dma_wait3A, %dma_wait3A_48] : memref<32x8x10x128xi32, #tpu.memory_space<hbm>> -> memref<1x1x10x128xi32, #tpu.memory_space<hbm>>
        %dma_wait3A_50 = tpu.memref_squeeze %dma_wait3A_49 : memref<1x1x10x128xi32, #tpu.memory_space<hbm>> -> memref<10x128xi32, #tpu.memory_space<hbm>>
        %dma_wait3A_51 = arith.constant 0 : i32
        %dma_wait3A_52 = arith.constant 0 : i32
        %dma_wait3A_53 = tpu.memref_slice %arg2[%add3A, %scan3A_28, %dma_wait3A_51, %dma_wait3A_52] : memref<32x8x10x128xi32, #tpu.memory_space<hbm>> -> memref<1x1x10x128xi32, #tpu.memory_space<hbm>>
        %dma_wait3A_54 = tpu.memref_squeeze %dma_wait3A_53 : memref<1x1x10x128xi32, #tpu.memory_space<hbm>> -> memref<10x128xi32, #tpu.memory_space<hbm>>
        tpu.wait_dma2 semaphore(%run_scoped3A_40 : memref<!tpu.dma_semaphore, #tpu.memory_space<semaphore_mem>>) src(%dma_wait3A_54 : memref<10x128xi32, #tpu.memory_space<hbm>>) dst(%arg4 : memref<10x128xi32, #tpu.memory_space<vmem>>)
        tpu.yield
      }) : () -> ()
      %run_scoped3A = arith.constant 0 : i32
      "tpu.region"() ({
        %run_scoped3A_40 = tpu.sem_alloc : memref<!tpu.dma_semaphore, #tpu.memory_space<semaphore_mem>>
        %dma_start3A = arith.constant 0 : i32
        %dma_start3A_41 = tpu.memref_slice %arg4[%run_scoped3A, %dma_start3A] : memref<10x128xi32, #tpu.memory_space<vmem>> -> memref<1x128xi32, #tpu.memory_space<vmem>>
        %dma_start3A_42 = tpu.memref_squeeze %dma_start3A_41 : memref<1x128xi32, #tpu.memory_space<vmem>> -> memref<128xi32, #tpu.memory_space<vmem>>
        %dma_start3A_43 = arith.constant 0 : i32
        %dma_start3A_44 = tpu.memref_slice %arg7[%dma_start3A_43] : memref<10240xf32, #tpu.memory_space<vmem_shared>> -> memref<10240xf32, #tpu.memory_space<vmem_shared>>
        tpu.enqueue_indirect_dma source(%arg5 : memref<128xf32, #tpu.memory_space<vmem>>) target(%dma_start3A_44 : memref<10240xf32, #tpu.memory_space<vmem_shared>>) offsets(%dma_start3A_42 : memref<128xi32, #tpu.memory_space<vmem>>) semaphore(%run_scoped3A_40 : memref<!tpu.dma_semaphore, #tpu.memory_space<semaphore_mem>>) {add = true}
        %dma_wait3A = arith.constant 0 : i32
        %dma_wait3A_45 = tpu.memref_slice %arg4[%run_scoped3A, %dma_wait3A] : memref<10x128xi32, #tpu.memory_space<vmem>> -> memref<1x128xi32, #tpu.memory_space<vmem>>
        %dma_wait3A_46 = tpu.memref_squeeze %dma_wait3A_45 : memref<1x128xi32, #tpu.memory_space<vmem>> -> memref<128xi32, #tpu.memory_space<vmem>>
        %dma_wait3A_47 = arith.constant 0 : i32
        %dma_wait3A_48 = tpu.memref_slice %arg7[%dma_wait3A_47] : memref<10240xf32, #tpu.memory_space<vmem_shared>> -> memref<10240xf32, #tpu.memory_space<vmem_shared>>
        tpu.wait_indirect_dma semaphore(%run_scoped3A_40 : memref<!tpu.dma_semaphore, #tpu.memory_space<semaphore_mem>>) src(%arg5 : memref<128xf32, #tpu.memory_space<vmem>>) dst(%dma_wait3A_48 : memref<10240xf32, #tpu.memory_space<vmem_shared>>)
        tpu.yield
      }) : () -> ()
      %run_scoped3A_30 = arith.constant 1 : i32
      "tpu.region"() ({
        %run_scoped3A_40 = tpu.sem_alloc : memref<!tpu.dma_semaphore, #tpu.memory_space<semaphore_mem>>
        %dma_start3A = arith.constant 0 : i32
        %dma_start3A_41 = tpu.memref_slice %arg4[%run_scoped3A_30, %dma_start3A] : memref<10x128xi32, #tpu.memory_space<vmem>> -> memref<1x128xi32, #tpu.memory_space<vmem>>
        %dma_start3A_42 = tpu.memref_squeeze %dma_start3A_41 : memref<1x128xi32, #tpu.memory_space<vmem>> -> memref<128xi32, #tpu.memory_space<vmem>>
        %dma_start3A_43 = arith.constant 0 : i32
        %dma_start3A_44 = tpu.memref_slice %arg7[%dma_start3A_43] : memref<10240xf32, #tpu.memory_space<vmem_shared>> -> memref<10240xf32, #tpu.memory_space<vmem_shared>>
        tpu.enqueue_indirect_dma source(%arg5 : memref<128xf32, #tpu.memory_space<vmem>>) target(%dma_start3A_44 : memref<10240xf32, #tpu.memory_space<vmem_shared>>) offsets(%dma_start3A_42 : memref<128xi32, #tpu.memory_space<vmem>>) semaphore(%run_scoped3A_40 : memref<!tpu.dma_semaphore, #tpu.memory_space<semaphore_mem>>) {add = true}
        %dma_wait3A = arith.constant 0 : i32
        %dma_wait3A_45 = tpu.memref_slice %arg4[%run_scoped3A_30, %dma_wait3A] : memref<10x128xi32, #tpu.memory_space<vmem>> -> memref<1x128xi32, #tpu.memory_space<vmem>>
        %dma_wait3A_46 = tpu.memref_squeeze %dma_wait3A_45 : memref<1x128xi32, #tpu.memory_space<vmem>> -> memref<128xi32, #tpu.memory_space<vmem>>
        %dma_wait3A_47 = arith.constant 0 : i32
        %dma_wait3A_48 = tpu.memref_slice %arg7[%dma_wait3A_47] : memref<10240xf32, #tpu.memory_space<vmem_shared>> -> memref<10240xf32, #tpu.memory_space<vmem_shared>>
        tpu.wait_indirect_dma semaphore(%run_scoped3A_40 : memref<!tpu.dma_semaphore, #tpu.memory_space<semaphore_mem>>) src(%arg5 : memref<128xf32, #tpu.memory_space<vmem>>) dst(%dma_wait3A_48 : memref<10240xf32, #tpu.memory_space<vmem_shared>>)
        tpu.yield
      }) : () -> ()
      %run_scoped3A_31 = arith.constant 2 : i32
      "tpu.region"() ({
        %run_scoped3A_40 = tpu.sem_alloc : memref<!tpu.dma_semaphore, #tpu.memory_space<semaphore_mem>>
        %dma_start3A = arith.constant 0 : i32
        %dma_start3A_41 = tpu.memref_slice %arg4[%run_scoped3A_31, %dma_start3A] : memref<10x128xi32, #tpu.memory_space<vmem>> -> memref<1x128xi32, #tpu.memory_space<vmem>>
        %dma_start3A_42 = tpu.memref_squeeze %dma_start3A_41 : memref<1x128xi32, #tpu.memory_space<vmem>> -> memref<128xi32, #tpu.memory_space<vmem>>
        %dma_start3A_43 = arith.constant 0 : i32
        %dma_start3A_44 = tpu.memref_slice %arg7[%dma_start3A_43] : memref<10240xf32, #tpu.memory_space<vmem_shared>> -> memref<10240xf32, #tpu.memory_space<vmem_shared>>
        tpu.enqueue_indirect_dma source(%arg5 : memref<128xf32, #tpu.memory_space<vmem>>) target(%dma_start3A_44 : memref<10240xf32, #tpu.memory_space<vmem_shared>>) offsets(%dma_start3A_42 : memref<128xi32, #tpu.memory_space<vmem>>) semaphore(%run_scoped3A_40 : memref<!tpu.dma_semaphore, #tpu.memory_space<semaphore_mem>>) {add = true}
        %dma_wait3A = arith.constant 0 : i32
        %dma_wait3A_45 = tpu.memref_slice %arg4[%run_scoped3A_31, %dma_wait3A] : memref<10x128xi32, #tpu.memory_space<vmem>> -> memref<1x128xi32, #tpu.memory_space<vmem>>
        %dma_wait3A_46 = tpu.memref_squeeze %dma_wait3A_45 : memref<1x128xi32, #tpu.memory_space<vmem>> -> memref<128xi32, #tpu.memory_space<vmem>>
        %dma_wait3A_47 = arith.constant 0 : i32
        %dma_wait3A_48 = tpu.memref_slice %arg7[%dma_wait3A_47] : memref<10240xf32, #tpu.memory_space<vmem_shared>> -> memref<10240xf32, #tpu.memory_space<vmem_shared>>
        tpu.wait_indirect_dma semaphore(%run_scoped3A_40 : memref<!tpu.dma_semaphore, #tpu.memory_space<semaphore_mem>>) src(%arg5 : memref<128xf32, #tpu.memory_space<vmem>>) dst(%dma_wait3A_48 : memref<10240xf32, #tpu.memory_space<vmem_shared>>)
        tpu.yield
      }) : () -> ()
      %run_scoped3A_32 = arith.constant 3 : i32
      "tpu.region"() ({
        %run_scoped3A_40 = tpu.sem_alloc : memref<!tpu.dma_semaphore, #tpu.memory_space<semaphore_mem>>
        %dma_start3A = arith.constant 0 : i32
        %dma_start3A_41 = tpu.memref_slice %arg4[%run_scoped3A_32, %dma_start3A] : memref<10x128xi32, #tpu.memory_space<vmem>> -> memref<1x128xi32, #tpu.memory_space<vmem>>
        %dma_start3A_42 = tpu.memref_squeeze %dma_start3A_41 : memref<1x128xi32, #tpu.memory_space<vmem>> -> memref<128xi32, #tpu.memory_space<vmem>>
        %dma_start3A_43 = arith.constant 0 : i32
        %dma_start3A_44 = tpu.memref_slice %arg7[%dma_start3A_43] : memref<10240xf32, #tpu.memory_space<vmem_shared>> -> memref<10240xf32, #tpu.memory_space<vmem_shared>>
        tpu.enqueue_indirect_dma source(%arg5 : memref<128xf32, #tpu.memory_space<vmem>>) target(%dma_start3A_44 : memref<10240xf32, #tpu.memory_space<vmem_shared>>) offsets(%dma_start3A_42 : memref<128xi32, #tpu.memory_space<vmem>>) semaphore(%run_scoped3A_40 : memref<!tpu.dma_semaphore, #tpu.memory_space<semaphore_mem>>) {add = true}
        %dma_wait3A = arith.constant 0 : i32
        %dma_wait3A_45 = tpu.memref_slice %arg4[%run_scoped3A_32, %dma_wait3A] : memref<10x128xi32, #tpu.memory_space<vmem>> -> memref<1x128xi32, #tpu.memory_space<vmem>>
        %dma_wait3A_46 = tpu.memref_squeeze %dma_wait3A_45 : memref<1x128xi32, #tpu.memory_space<vmem>> -> memref<128xi32, #tpu.memory_space<vmem>>
        %dma_wait3A_47 = arith.constant 0 : i32
        %dma_wait3A_48 = tpu.memref_slice %arg7[%dma_wait3A_47] : memref<10240xf32, #tpu.memory_space<vmem_shared>> -> memref<10240xf32, #tpu.memory_space<vmem_shared>>
        tpu.wait_indirect_dma semaphore(%run_scoped3A_40 : memref<!tpu.dma_semaphore, #tpu.memory_space<semaphore_mem>>) src(%arg5 : memref<128xf32, #tpu.memory_space<vmem>>) dst(%dma_wait3A_48 : memref<10240xf32, #tpu.memory_space<vmem_shared>>)
        tpu.yield
      }) : () -> ()
      %run_scoped3A_33 = arith.constant 4 : i32
      "tpu.region"() ({
        %run_scoped3A_40 = tpu.sem_alloc : memref<!tpu.dma_semaphore, #tpu.memory_space<semaphore_mem>>
        %dma_start3A = arith.constant 0 : i32
        %dma_start3A_41 = tpu.memref_slice %arg4[%run_scoped3A_33, %dma_start3A] : memref<10x128xi32, #tpu.memory_space<vmem>> -> memref<1x128xi32, #tpu.memory_space<vmem>>
        %dma_start3A_42 = tpu.memref_squeeze %dma_start3A_41 : memref<1x128xi32, #tpu.memory_space<vmem>> -> memref<128xi32, #tpu.memory_space<vmem>>
        %dma_start3A_43 = arith.constant 0 : i32
        %dma_start3A_44 = tpu.memref_slice %arg7[%dma_start3A_43] : memref<10240xf32, #tpu.memory_space<vmem_shared>> -> memref<10240xf32, #tpu.memory_space<vmem_shared>>
        tpu.enqueue_indirect_dma source(%arg5 : memref<128xf32, #tpu.memory_space<vmem>>) target(%dma_start3A_44 : memref<10240xf32, #tpu.memory_space<vmem_shared>>) offsets(%dma_start3A_42 : memref<128xi32, #tpu.memory_space<vmem>>) semaphore(%run_scoped3A_40 : memref<!tpu.dma_semaphore, #tpu.memory_space<semaphore_mem>>) {add = true}
        %dma_wait3A = arith.constant 0 : i32
        %dma_wait3A_45 = tpu.memref_slice %arg4[%run_scoped3A_33, %dma_wait3A] : memref<10x128xi32, #tpu.memory_space<vmem>> -> memref<1x128xi32, #tpu.memory_space<vmem>>
        %dma_wait3A_46 = tpu.memref_squeeze %dma_wait3A_45 : memref<1x128xi32, #tpu.memory_space<vmem>> -> memref<128xi32, #tpu.memory_space<vmem>>
        %dma_wait3A_47 = arith.constant 0 : i32
        %dma_wait3A_48 = tpu.memref_slice %arg7[%dma_wait3A_47] : memref<10240xf32, #tpu.memory_space<vmem_shared>> -> memref<10240xf32, #tpu.memory_space<vmem_shared>>
        tpu.wait_indirect_dma semaphore(%run_scoped3A_40 : memref<!tpu.dma_semaphore, #tpu.memory_space<semaphore_mem>>) src(%arg5 : memref<128xf32, #tpu.memory_space<vmem>>) dst(%dma_wait3A_48 : memref<10240xf32, #tpu.memory_space<vmem_shared>>)
        tpu.yield
      }) : () -> ()
      %run_scoped3A_34 = arith.constant 5 : i32
      "tpu.region"() ({
        %run_scoped3A_40 = tpu.sem_alloc : memref<!tpu.dma_semaphore, #tpu.memory_space<semaphore_mem>>
        %dma_start3A = arith.constant 0 : i32
        %dma_start3A_41 = tpu.memref_slice %arg4[%run_scoped3A_34, %dma_start3A] : memref<10x128xi32, #tpu.memory_space<vmem>> -> memref<1x128xi32, #tpu.memory_space<vmem>>
        %dma_start3A_42 = tpu.memref_squeeze %dma_start3A_41 : memref<1x128xi32, #tpu.memory_space<vmem>> -> memref<128xi32, #tpu.memory_space<vmem>>
        %dma_start3A_43 = arith.constant 0 : i32
        %dma_start3A_44 = tpu.memref_slice %arg7[%dma_start3A_43] : memref<10240xf32, #tpu.memory_space<vmem_shared>> -> memref<10240xf32, #tpu.memory_space<vmem_shared>>
        tpu.enqueue_indirect_dma source(%arg5 : memref<128xf32, #tpu.memory_space<vmem>>) target(%dma_start3A_44 : memref<10240xf32, #tpu.memory_space<vmem_shared>>) offsets(%dma_start3A_42 : memref<128xi32, #tpu.memory_space<vmem>>) semaphore(%run_scoped3A_40 : memref<!tpu.dma_semaphore, #tpu.memory_space<semaphore_mem>>) {add = true}
        %dma_wait3A = arith.constant 0 : i32
        %dma_wait3A_45 = tpu.memref_slice %arg4[%run_scoped3A_34, %dma_wait3A] : memref<10x128xi32, #tpu.memory_space<vmem>> -> memref<1x128xi32, #tpu.memory_space<vmem>>
        %dma_wait3A_46 = tpu.memref_squeeze %dma_wait3A_45 : memref<1x128xi32, #tpu.memory_space<vmem>> -> memref<128xi32, #tpu.memory_space<vmem>>
        %dma_wait3A_47 = arith.constant 0 : i32
        %dma_wait3A_48 = tpu.memref_slice %arg7[%dma_wait3A_47] : memref<10240xf32, #tpu.memory_space<vmem_shared>> -> memref<10240xf32, #tpu.memory_space<vmem_shared>>
        tpu.wait_indirect_dma semaphore(%run_scoped3A_40 : memref<!tpu.dma_semaphore, #tpu.memory_space<semaphore_mem>>) src(%arg5 : memref<128xf32, #tpu.memory_space<vmem>>) dst(%dma_wait3A_48 : memref<10240xf32, #tpu.memory_space<vmem_shared>>)
        tpu.yield
      }) : () -> ()
      %run_scoped3A_35 = arith.constant 6 : i32
      "tpu.region"() ({
        %run_scoped3A_40 = tpu.sem_alloc : memref<!tpu.dma_semaphore, #tpu.memory_space<semaphore_mem>>
        %dma_start3A = arith.constant 0 : i32
        %dma_start3A_41 = tpu.memref_slice %arg4[%run_scoped3A_35, %dma_start3A] : memref<10x128xi32, #tpu.memory_space<vmem>> -> memref<1x128xi32, #tpu.memory_space<vmem>>
        %dma_start3A_42 = tpu.memref_squeeze %dma_start3A_41 : memref<1x128xi32, #tpu.memory_space<vmem>> -> memref<128xi32, #tpu.memory_space<vmem>>
        %dma_start3A_43 = arith.constant 0 : i32
        %dma_start3A_44 = tpu.memref_slice %arg7[%dma_start3A_43] : memref<10240xf32, #tpu.memory_space<vmem_shared>> -> memref<10240xf32, #tpu.memory_space<vmem_shared>>
        tpu.enqueue_indirect_dma source(%arg5 : memref<128xf32, #tpu.memory_space<vmem>>) target(%dma_start3A_44 : memref<10240xf32, #tpu.memory_space<vmem_shared>>) offsets(%dma_start3A_42 : memref<128xi32, #tpu.memory_space<vmem>>) semaphore(%run_scoped3A_40 : memref<!tpu.dma_semaphore, #tpu.memory_space<semaphore_mem>>) {add = true}
        %dma_wait3A = arith.constant 0 : i32
        %dma_wait3A_45 = tpu.memref_slice %arg4[%run_scoped3A_35, %dma_wait3A] : memref<10x128xi32, #tpu.memory_space<vmem>> -> memref<1x128xi32, #tpu.memory_space<vmem>>
        %dma_wait3A_46 = tpu.memref_squeeze %dma_wait3A_45 : memref<1x128xi32, #tpu.memory_space<vmem>> -> memref<128xi32, #tpu.memory_space<vmem>>
        %dma_wait3A_47 = arith.constant 0 : i32
        %dma_wait3A_48 = tpu.memref_slice %arg7[%dma_wait3A_47] : memref<10240xf32, #tpu.memory_space<vmem_shared>> -> memref<10240xf32, #tpu.memory_space<vmem_shared>>
        tpu.wait_indirect_dma semaphore(%run_scoped3A_40 : memref<!tpu.dma_semaphore, #tpu.memory_space<semaphore_mem>>) src(%arg5 : memref<128xf32, #tpu.memory_space<vmem>>) dst(%dma_wait3A_48 : memref<10240xf32, #tpu.memory_space<vmem_shared>>)
        tpu.yield
      }) : () -> ()
      %run_scoped3A_36 = arith.constant 7 : i32
      "tpu.region"() ({
        %run_scoped3A_40 = tpu.sem_alloc : memref<!tpu.dma_semaphore, #tpu.memory_space<semaphore_mem>>
        %dma_start3A = arith.constant 0 : i32
        %dma_start3A_41 = tpu.memref_slice %arg4[%run_scoped3A_36, %dma_start3A] : memref<10x128xi32, #tpu.memory_space<vmem>> -> memref<1x128xi32, #tpu.memory_space<vmem>>
        %dma_start3A_42 = tpu.memref_squeeze %dma_start3A_41 : memref<1x128xi32, #tpu.memory_space<vmem>> -> memref<128xi32, #tpu.memory_space<vmem>>
        %dma_start3A_43 = arith.constant 0 : i32
        %dma_start3A_44 = tpu.memref_slice %arg7[%dma_start3A_43] : memref<10240xf32, #tpu.memory_space<vmem_shared>> -> memref<10240xf32, #tpu.memory_space<vmem_shared>>
        tpu.enqueue_indirect_dma source(%arg5 : memref<128xf32, #tpu.memory_space<vmem>>) target(%dma_start3A_44 : memref<10240xf32, #tpu.memory_space<vmem_shared>>) offsets(%dma_start3A_42 : memref<128xi32, #tpu.memory_space<vmem>>) semaphore(%run_scoped3A_40 : memref<!tpu.dma_semaphore, #tpu.memory_space<semaphore_mem>>) {add = true}
        %dma_wait3A = arith.constant 0 : i32
        %dma_wait3A_45 = tpu.memref_slice %arg4[%run_scoped3A_36, %dma_wait3A] : memref<10x128xi32, #tpu.memory_space<vmem>> -> memref<1x128xi32, #tpu.memory_space<vmem>>
        %dma_wait3A_46 = tpu.memref_squeeze %dma_wait3A_45 : memref<1x128xi32, #tpu.memory_space<vmem>> -> memref<128xi32, #tpu.memory_space<vmem>>
        %dma_wait3A_47 = arith.constant 0 : i32
        %dma_wait3A_48 = tpu.memref_slice %arg7[%dma_wait3A_47] : memref<10240xf32, #tpu.memory_space<vmem_shared>> -> memref<10240xf32, #tpu.memory_space<vmem_shared>>
        tpu.wait_indirect_dma semaphore(%run_scoped3A_40 : memref<!tpu.dma_semaphore, #tpu.memory_space<semaphore_mem>>) src(%arg5 : memref<128xf32, #tpu.memory_space<vmem>>) dst(%dma_wait3A_48 : memref<10240xf32, #tpu.memory_space<vmem_shared>>)
        tpu.yield
      }) : () -> ()
      %run_scoped3A_37 = arith.constant 8 : i32
      "tpu.region"() ({
        %run_scoped3A_40 = tpu.sem_alloc : memref<!tpu.dma_semaphore, #tpu.memory_space<semaphore_mem>>
        %dma_start3A = arith.constant 0 : i32
        %dma_start3A_41 = tpu.memref_slice %arg4[%run_scoped3A_37, %dma_start3A] : memref<10x128xi32, #tpu.memory_space<vmem>> -> memref<1x128xi32, #tpu.memory_space<vmem>>
        %dma_start3A_42 = tpu.memref_squeeze %dma_start3A_41 : memref<1x128xi32, #tpu.memory_space<vmem>> -> memref<128xi32, #tpu.memory_space<vmem>>
        %dma_start3A_43 = arith.constant 0 : i32
        %dma_start3A_44 = tpu.memref_slice %arg7[%dma_start3A_43] : memref<10240xf32, #tpu.memory_space<vmem_shared>> -> memref<10240xf32, #tpu.memory_space<vmem_shared>>
        tpu.enqueue_indirect_dma source(%arg5 : memref<128xf32, #tpu.memory_space<vmem>>) target(%dma_start3A_44 : memref<10240xf32, #tpu.memory_space<vmem_shared>>) offsets(%dma_start3A_42 : memref<128xi32, #tpu.memory_space<vmem>>) semaphore(%run_scoped3A_40 : memref<!tpu.dma_semaphore, #tpu.memory_space<semaphore_mem>>) {add = true}
        %dma_wait3A = arith.constant 0 : i32
        %dma_wait3A_45 = tpu.memref_slice %arg4[%run_scoped3A_37, %dma_wait3A] : memref<10x128xi32, #tpu.memory_space<vmem>> -> memref<1x128xi32, #tpu.memory_space<vmem>>
        %dma_wait3A_46 = tpu.memref_squeeze %dma_wait3A_45 : memref<1x128xi32, #tpu.memory_space<vmem>> -> memref<128xi32, #tpu.memory_space<vmem>>
        %dma_wait3A_47 = arith.constant 0 : i32
        %dma_wait3A_48 = tpu.memref_slice %arg7[%dma_wait3A_47] : memref<10240xf32, #tpu.memory_space<vmem_shared>> -> memref<10240xf32, #tpu.memory_space<vmem_shared>>
        tpu.wait_indirect_dma semaphore(%run_scoped3A_40 : memref<!tpu.dma_semaphore, #tpu.memory_space<semaphore_mem>>) src(%arg5 : memref<128xf32, #tpu.memory_space<vmem>>) dst(%dma_wait3A_48 : memref<10240xf32, #tpu.memory_space<vmem_shared>>)
        tpu.yield
      }) : () -> ()
      %run_scoped3A_38 = arith.constant 9 : i32
      "tpu.region"() ({
        %run_scoped3A_40 = tpu.sem_alloc : memref<!tpu.dma_semaphore, #tpu.memory_space<semaphore_mem>>
        %dma_start3A = arith.constant 0 : i32
        %dma_start3A_41 = tpu.memref_slice %arg4[%run_scoped3A_38, %dma_start3A] : memref<10x128xi32, #tpu.memory_space<vmem>> -> memref<1x128xi32, #tpu.memory_space<vmem>>
        %dma_start3A_42 = tpu.memref_squeeze %dma_start3A_41 : memref<1x128xi32, #tpu.memory_space<vmem>> -> memref<128xi32, #tpu.memory_space<vmem>>
        %dma_start3A_43 = arith.constant 0 : i32
        %dma_start3A_44 = tpu.memref_slice %arg7[%dma_start3A_43] : memref<10240xf32, #tpu.memory_space<vmem_shared>> -> memref<10240xf32, #tpu.memory_space<vmem_shared>>
        tpu.enqueue_indirect_dma source(%arg5 : memref<128xf32, #tpu.memory_space<vmem>>) target(%dma_start3A_44 : memref<10240xf32, #tpu.memory_space<vmem_shared>>) offsets(%dma_start3A_42 : memref<128xi32, #tpu.memory_space<vmem>>) semaphore(%run_scoped3A_40 : memref<!tpu.dma_semaphore, #tpu.memory_space<semaphore_mem>>) {add = true}
        %dma_wait3A = arith.constant 0 : i32
        %dma_wait3A_45 = tpu.memref_slice %arg4[%run_scoped3A_38, %dma_wait3A] : memref<10x128xi32, #tpu.memory_space<vmem>> -> memref<1x128xi32, #tpu.memory_space<vmem>>
        %dma_wait3A_46 = tpu.memref_squeeze %dma_wait3A_45 : memref<1x128xi32, #tpu.memory_space<vmem>> -> memref<128xi32, #tpu.memory_space<vmem>>
        %dma_wait3A_47 = arith.constant 0 : i32
        %dma_wait3A_48 = tpu.memref_slice %arg7[%dma_wait3A_47] : memref<10240xf32, #tpu.memory_space<vmem_shared>> -> memref<10240xf32, #tpu.memory_space<vmem_shared>>
        tpu.wait_indirect_dma semaphore(%run_scoped3A_40 : memref<!tpu.dma_semaphore, #tpu.memory_space<semaphore_mem>>) src(%arg5 : memref<128xf32, #tpu.memory_space<vmem>>) dst(%dma_wait3A_48 : memref<10240xf32, #tpu.memory_space<vmem_shared>>)
        tpu.yield
      }) : () -> ()
      %scan3A_39 = arith.constant 0 : i32
      scf.yield %scan3A_39 : i32
    }
    %scan3A_22 = arith.constant 8 : i32
    %barrier3A_23 = arith.constant 0 : index
    tpu.barrier barrier_id(%barrier3A_23)
    %mul3A_24 = arith.constant 640 : i32
    %mul3A_25 = arith.muli %arg1, %mul3A_24 : i32
    %mul3A_26 = arith.constant 640 : i32
    %mul3A_27 = arith.muli %arg1, %mul3A_26 : i32
    "tpu.region"() ({
      %run_scoped3A = tpu.sem_alloc : memref<!tpu.dma_semaphore, #tpu.memory_space<semaphore_mem>>
      %dma_start3A = tpu.memref_slice %arg3[%arg0, %mul3A_27] : memref<2x10240xf32, #tpu.memory_space<hbm>> -> memref<1x640xf32, #tpu.memory_space<hbm>>
      %dma_start3A_28 = tpu.memref_squeeze %dma_start3A : memref<1x640xf32, #tpu.memory_space<hbm>> -> memref<640xf32, #tpu.memory_space<hbm>>
      %dma_start3A_29 = tpu.memref_slice %arg7[%mul3A_25] : memref<10240xf32, #tpu.memory_space<vmem_shared>> -> memref<640xf32, #tpu.memory_space<vmem_shared>>
      tpu.enqueue_dma source(%dma_start3A_29 : memref<640xf32, #tpu.memory_space<vmem_shared>>) target(%dma_start3A_28 : memref<640xf32, #tpu.memory_space<hbm>>) target_semaphore(%run_scoped3A : memref<!tpu.dma_semaphore, #tpu.memory_space<semaphore_mem>>)
      %dma_wait3A = tpu.memref_slice %arg3[%arg0, %mul3A_27] : memref<2x10240xf32, #tpu.memory_space<hbm>> -> memref<1x640xf32, #tpu.memory_space<hbm>>
      %dma_wait3A_30 = tpu.memref_squeeze %dma_wait3A : memref<1x640xf32, #tpu.memory_space<hbm>> -> memref<640xf32, #tpu.memory_space<hbm>>
      %dma_wait3A_31 = tpu.memref_slice %arg7[%mul3A_25] : memref<10240xf32, #tpu.memory_space<vmem_shared>> -> memref<640xf32, #tpu.memory_space<vmem_shared>>
      tpu.wait_dma2 semaphore(%run_scoped3A : memref<!tpu.dma_semaphore, #tpu.memory_space<semaphore_mem>>) src(%dma_wait3A_31 : memref<640xf32, #tpu.memory_space<vmem_shared>>) dst(%dma_wait3A_30 : memref<640xf32, #tpu.memory_space<hbm>>)
      tpu.yield
    }) : () -> ()
    return
  }
}

#map = affine_map<(d0, d1) -> (0, 0)>
#map1 = affine_map<(d0, d1) -> (0, 0, 0, 0)>
#map2 = affine_map<(d0, d1) -> (0, 0, 0)>
module attributes {stable_mosaic.version = 14 : i64} {
  func.func @agg(%arg0: i32, %arg1: i32, %arg2: memref<10240x128xf32, #tpu.memory_space<hbm>>, %arg3: memref<32x8x10x128xi32, #tpu.memory_space<hbm>>, %arg4: memref<32x8x10x128xi32, #tpu.memory_space<hbm>>, %arg5: memref<2x10240x128xf32, #tpu.memory_space<hbm>>, %arg6: memref<10x128xi32, #tpu.memory_space<vmem>>, %arg7: memref<10x128xi32, #tpu.memory_space<vmem>>, %arg8: memref<128x128xf32, #tpu.memory_space<vmem>>, %arg9: memref<128x128xf32, #tpu.memory_space<vmem>>, %arg10: memref<10240x128xf32, #tpu.memory_space<vmem_shared>>, %arg11: memref<!tpu.dma_semaphore, #tpu.memory_space<semaphore_mem>>, %arg12: memref<!tpu.dma_semaphore, #tpu.memory_space<semaphore_mem>>, %arg13: memref<!tpu.dma_semaphore, #tpu.memory_space<semaphore_mem>>, %arg14: memref<!tpu.dma_semaphore, #tpu.memory_space<semaphore_mem>>) attributes {dimension_semantics = [#tpu.dimension_semantics<core_parallel>, #tpu.dimension_semantics<subcore_parallel>], iteration_bounds = array<i64: 2, 16>, scalar_prefetch = 0 : i64, scratch_operands = 9 : i64, tpu.core_type = #tpu.core_type<sc_vector_subcore>, window_params = [{transform_indices = #map}, {transform_indices = #map1}, {transform_indices = #map1}, {transform_indices = #map2}]} {
    %mul3A = arith.constant 2 : i32
    %mul3A_0 = arith.muli %arg1, %mul3A : i32
    %add3A = arith.addi %mul3A_0, %arg0 : i32
    %broadcast_in_dim3A = arith.constant 0.000000e+00 : f32
    %broadcast_in_dim3A_1 = vector.broadcast %broadcast_in_dim3A : f32 to vector<16xf32>
    %scan3A = arith.constant 0 : i32
    %scan3A_2 = arith.constant 0 : i32
    %scan3A_3 = arith.constant 1024 : i32
    %scan3A_4 = arith.addi %scan3A_2, %scan3A_3 : i32
    %scan3A_5 = arith.constant 1 : i32
    %scan3A_6 = scf.for %scan3A_40 = %scan3A_2 to %scan3A_4 step %scan3A_5 iter_args(%scan3A_41 = %scan3A) -> (i32)  : i32 {
      %jit3A = arith.constant 8 : i32
      %div3A = arith.divsi %scan3A_40, %jit3A : i32
      %sign3A = arith.constant 0 : i32
      %sign3A_42 = arith.cmpi sgt, %scan3A_40, %sign3A : i32
      %sign3A_43 = arith.extui %sign3A_42 : i1 to i32
      %sign3A_44 = arith.constant 0 : i32
      %sign3A_45 = arith.cmpi slt, %scan3A_40, %sign3A_44 : i32
      %sign3A_46 = arith.extui %sign3A_45 : i1 to i32
      %sign3A_47 = arith.subi %sign3A_43, %sign3A_46 : i32
      %sign3A_48 = arith.constant 0 : i32
      %sign3A_49 = arith.cmpi sgt, %jit3A, %sign3A_48 : i32
      %sign3A_50 = arith.extui %sign3A_49 : i1 to i32
      %sign3A_51 = arith.constant 0 : i32
      %sign3A_52 = arith.cmpi slt, %jit3A, %sign3A_51 : i32
      %sign3A_53 = arith.extui %sign3A_52 : i1 to i32
      %sign3A_54 = arith.subi %sign3A_50, %sign3A_53 : i32
      %ne3A = arith.cmpi ne, %sign3A_47, %sign3A_54 : i32
      %rem3A = arith.remsi %scan3A_40, %jit3A : i32
      %ne3A_55 = arith.constant 0 : i32
      %ne3A_56 = arith.cmpi ne, %rem3A, %ne3A_55 : i32
      %and3A = arith.andi %ne3A, %ne3A_56 : i1
      %sub3A = arith.constant 1 : i32
      %sub3A_57 = arith.subi %div3A, %sub3A : i32
      %select_n3A = arith.select %and3A, %sub3A_57, %div3A : i32
      %jit3A_58 = arith.constant 8 : i32
      %eq3A = arith.constant 0 : i32
      %eq3A_59 = arith.cmpi eq, %jit3A_58, %eq3A : i32
      %jit3A_60 = arith.constant 1 : i32
      %select_n3A_61 = arith.select %eq3A_59, %jit3A_60, %jit3A_58 : i32
      %rem3A_62 = arith.remsi %scan3A_40, %select_n3A_61 : i32
      %ne3A_63 = arith.constant 0 : i32
      %ne3A_64 = arith.cmpi ne, %rem3A_62, %ne3A_63 : i32
      %lt3A = arith.constant 0 : i32
      %lt3A_65 = arith.cmpi slt, %rem3A_62, %lt3A : i32
      %lt3A_66 = arith.constant 0 : i32
      %lt3A_67 = arith.cmpi slt, %select_n3A_61, %lt3A_66 : i32
      %ne3A_68 = arith.xori %lt3A_65, %lt3A_67 : i1
      %and3A_69 = arith.andi %ne3A_68, %ne3A_64 : i1
      %add3A_70 = arith.addi %rem3A_62, %select_n3A_61 : i32
      %select_n3A_71 = arith.select %and3A_69, %add3A_70, %rem3A_62 : i32
      %mul3A_72 = arith.constant 16 : i32
      %mul3A_73 = arith.muli %select_n3A_71, %mul3A_72 : i32
      %swap3A = arith.index_cast %select_n3A : i32 to index
      %swap3A_74 = arith.index_cast %mul3A_73 : i32 to index
      %swap3A_75 = tpu.vector_load %arg8[%swap3A, %swap3A_74] {strides = array<i32>} : memref<128x128xf32, #tpu.memory_space<vmem>>, vector<1x16xf32>,
      %swap3A_76 = vector.shape_cast %swap3A_75 : vector<1x16xf32> to vector<16xf32>
      %swap3A_77 = vector.shape_cast %broadcast_in_dim3A_1 : vector<16xf32> to vector<1x16xf32>
      tpu.vector_store %arg8[%swap3A, %swap3A_74], %swap3A_77 {strides = array<i32>} : memref<128x128xf32, #tpu.memory_space<vmem>>, vector<1x16xf32>,
      %scan3A_78 = arith.constant 0 : i32
      scf.yield %scan3A_78 : i32
    }
    %scan3A_7 = arith.constant 1024 : i32
    %mul3A_8 = arith.constant 640 : i32
    %mul3A_9 = arith.muli %arg1, %mul3A_8 : i32
    %add3A_10 = arith.constant 0 : i32
    %add3A_11 = arith.addi %mul3A_9, %add3A_10 : i32
    "tpu.region"() ({
      %run_scoped3A = tpu.sem_alloc : memref<!tpu.dma_semaphore, #tpu.memory_space<semaphore_mem>>
      %dma_start3A = arith.constant 0 : i32
      %dma_start3A_40 = tpu.memref_slice %arg10[%add3A_11, %dma_start3A] : memref<10240x128xf32, #tpu.memory_space<vmem_shared>> -> memref<128x128xf32, #tpu.memory_space<vmem_shared>>
      %dma_start3A_41 = arith.constant 0 : i32
      %dma_start3A_42 = tpu.memref_slice %arg10[%add3A_11, %dma_start3A_41] : memref<10240x128xf32, #tpu.memory_space<vmem_shared>> -> memref<128x128xf32, #tpu.memory_space<vmem_shared>>
      tpu.enqueue_dma source(%arg8 : memref<128x128xf32, #tpu.memory_space<vmem>>) target(%dma_start3A_42 : memref<128x128xf32, #tpu.memory_space<vmem_shared>>) target_semaphore(%run_scoped3A : memref<!tpu.dma_semaphore, #tpu.memory_space<semaphore_mem>>)
      %dma_wait3A = arith.constant 0 : i32
      %dma_wait3A_43 = tpu.memref_slice %arg10[%add3A_11, %dma_wait3A] : memref<10240x128xf32, #tpu.memory_space<vmem_shared>> -> memref<128x128xf32, #tpu.memory_space<vmem_shared>>
      %dma_wait3A_44 = arith.constant 0 : i32
      %dma_wait3A_45 = tpu.memref_slice %arg10[%add3A_11, %dma_wait3A_44] : memref<10240x128xf32, #tpu.memory_space<vmem_shared>> -> memref<128x128xf32, #tpu.memory_space<vmem_shared>>
      tpu.wait_dma2 semaphore(%run_scoped3A : memref<!tpu.dma_semaphore, #tpu.memory_space<semaphore_mem>>) src(%arg8 : memref<128x128xf32, #tpu.memory_space<vmem>>) dst(%dma_wait3A_45 : memref<128x128xf32, #tpu.memory_space<vmem_shared>>)
      tpu.yield
    }) : () -> ()
    %mul3A_12 = arith.constant 640 : i32
    %mul3A_13 = arith.muli %arg1, %mul3A_12 : i32
    %add3A_14 = arith.constant 128 : i32
    %add3A_15 = arith.addi %mul3A_13, %add3A_14 : i32
    "tpu.region"() ({
      %run_scoped3A = tpu.sem_alloc : memref<!tpu.dma_semaphore, #tpu.memory_space<semaphore_mem>>
      %dma_start3A = arith.constant 0 : i32
      %dma_start3A_40 = tpu.memref_slice %arg10[%add3A_15, %dma_start3A] : memref<10240x128xf32, #tpu.memory_space<vmem_shared>> -> memref<128x128xf32, #tpu.memory_space<vmem_shared>>
      %dma_start3A_41 = arith.constant 0 : i32
      %dma_start3A_42 = tpu.memref_slice %arg10[%add3A_15, %dma_start3A_41] : memref<10240x128xf32, #tpu.memory_space<vmem_shared>> -> memref<128x128xf32, #tpu.memory_space<vmem_shared>>
      tpu.enqueue_dma source(%arg8 : memref<128x128xf32, #tpu.memory_space<vmem>>) target(%dma_start3A_42 : memref<128x128xf32, #tpu.memory_space<vmem_shared>>) target_semaphore(%run_scoped3A : memref<!tpu.dma_semaphore, #tpu.memory_space<semaphore_mem>>)
      %dma_wait3A = arith.constant 0 : i32
      %dma_wait3A_43 = tpu.memref_slice %arg10[%add3A_15, %dma_wait3A] : memref<10240x128xf32, #tpu.memory_space<vmem_shared>> -> memref<128x128xf32, #tpu.memory_space<vmem_shared>>
      %dma_wait3A_44 = arith.constant 0 : i32
      %dma_wait3A_45 = tpu.memref_slice %arg10[%add3A_15, %dma_wait3A_44] : memref<10240x128xf32, #tpu.memory_space<vmem_shared>> -> memref<128x128xf32, #tpu.memory_space<vmem_shared>>
      tpu.wait_dma2 semaphore(%run_scoped3A : memref<!tpu.dma_semaphore, #tpu.memory_space<semaphore_mem>>) src(%arg8 : memref<128x128xf32, #tpu.memory_space<vmem>>) dst(%dma_wait3A_45 : memref<128x128xf32, #tpu.memory_space<vmem_shared>>)
      tpu.yield
    }) : () -> ()
    %mul3A_16 = arith.constant 640 : i32
    %mul3A_17 = arith.muli %arg1, %mul3A_16 : i32
    %add3A_18 = arith.constant 256 : i32
    %add3A_19 = arith.addi %mul3A_17, %add3A_18 : i32
    "tpu.region"() ({
      %run_scoped3A = tpu.sem_alloc : memref<!tpu.dma_semaphore, #tpu.memory_space<semaphore_mem>>
      %dma_start3A = arith.constant 0 : i32
      %dma_start3A_40 = tpu.memref_slice %arg10[%add3A_19, %dma_start3A] : memref<10240x128xf32, #tpu.memory_space<vmem_shared>> -> memref<128x128xf32, #tpu.memory_space<vmem_shared>>
      %dma_start3A_41 = arith.constant 0 : i32
      %dma_start3A_42 = tpu.memref_slice %arg10[%add3A_19, %dma_start3A_41] : memref<10240x128xf32, #tpu.memory_space<vmem_shared>> -> memref<128x128xf32, #tpu.memory_space<vmem_shared>>
      tpu.enqueue_dma source(%arg8 : memref<128x128xf32, #tpu.memory_space<vmem>>) target(%dma_start3A_42 : memref<128x128xf32, #tpu.memory_space<vmem_shared>>) target_semaphore(%run_scoped3A : memref<!tpu.dma_semaphore, #tpu.memory_space<semaphore_mem>>)
      %dma_wait3A = arith.constant 0 : i32
      %dma_wait3A_43 = tpu.memref_slice %arg10[%add3A_19, %dma_wait3A] : memref<10240x128xf32, #tpu.memory_space<vmem_shared>> -> memref<128x128xf32, #tpu.memory_space<vmem_shared>>
      %dma_wait3A_44 = arith.constant 0 : i32
      %dma_wait3A_45 = tpu.memref_slice %arg10[%add3A_19, %dma_wait3A_44] : memref<10240x128xf32, #tpu.memory_space<vmem_shared>> -> memref<128x128xf32, #tpu.memory_space<vmem_shared>>
      tpu.wait_dma2 semaphore(%run_scoped3A : memref<!tpu.dma_semaphore, #tpu.memory_space<semaphore_mem>>) src(%arg8 : memref<128x128xf32, #tpu.memory_space<vmem>>) dst(%dma_wait3A_45 : memref<128x128xf32, #tpu.memory_space<vmem_shared>>)
      tpu.yield
    }) : () -> ()
    %mul3A_20 = arith.constant 640 : i32
    %mul3A_21 = arith.muli %arg1, %mul3A_20 : i32
    %add3A_22 = arith.constant 384 : i32
    %add3A_23 = arith.addi %mul3A_21, %add3A_22 : i32
    "tpu.region"() ({
      %run_scoped3A = tpu.sem_alloc : memref<!tpu.dma_semaphore, #tpu.memory_space<semaphore_mem>>
      %dma_start3A = arith.constant 0 : i32
      %dma_start3A_40 = tpu.memref_slice %arg10[%add3A_23, %dma_start3A] : memref<10240x128xf32, #tpu.memory_space<vmem_shared>> -> memref<128x128xf32, #tpu.memory_space<vmem_shared>>
      %dma_start3A_41 = arith.constant 0 : i32
      %dma_start3A_42 = tpu.memref_slice %arg10[%add3A_23, %dma_start3A_41] : memref<10240x128xf32, #tpu.memory_space<vmem_shared>> -> memref<128x128xf32, #tpu.memory_space<vmem_shared>>
      tpu.enqueue_dma source(%arg8 : memref<128x128xf32, #tpu.memory_space<vmem>>) target(%dma_start3A_42 : memref<128x128xf32, #tpu.memory_space<vmem_shared>>) target_semaphore(%run_scoped3A : memref<!tpu.dma_semaphore, #tpu.memory_space<semaphore_mem>>)
      %dma_wait3A = arith.constant 0 : i32
      %dma_wait3A_43 = tpu.memref_slice %arg10[%add3A_23, %dma_wait3A] : memref<10240x128xf32, #tpu.memory_space<vmem_shared>> -> memref<128x128xf32, #tpu.memory_space<vmem_shared>>
      %dma_wait3A_44 = arith.constant 0 : i32
      %dma_wait3A_45 = tpu.memref_slice %arg10[%add3A_23, %dma_wait3A_44] : memref<10240x128xf32, #tpu.memory_space<vmem_shared>> -> memref<128x128xf32, #tpu.memory_space<vmem_shared>>
      tpu.wait_dma2 semaphore(%run_scoped3A : memref<!tpu.dma_semaphore, #tpu.memory_space<semaphore_mem>>) src(%arg8 : memref<128x128xf32, #tpu.memory_space<vmem>>) dst(%dma_wait3A_45 : memref<128x128xf32, #tpu.memory_space<vmem_shared>>)
      tpu.yield
    }) : () -> ()
    %mul3A_24 = arith.constant 640 : i32
    %mul3A_25 = arith.muli %arg1, %mul3A_24 : i32
    %add3A_26 = arith.constant 512 : i32
    %add3A_27 = arith.addi %mul3A_25, %add3A_26 : i32
    "tpu.region"() ({
      %run_scoped3A = tpu.sem_alloc : memref<!tpu.dma_semaphore, #tpu.memory_space<semaphore_mem>>
      %dma_start3A = arith.constant 0 : i32
      %dma_start3A_40 = tpu.memref_slice %arg10[%add3A_27, %dma_start3A] : memref<10240x128xf32, #tpu.memory_space<vmem_shared>> -> memref<128x128xf32, #tpu.memory_space<vmem_shared>>
      %dma_start3A_41 = arith.constant 0 : i32
      %dma_start3A_42 = tpu.memref_slice %arg10[%add3A_27, %dma_start3A_41] : memref<10240x128xf32, #tpu.memory_space<vmem_shared>> -> memref<128x128xf32, #tpu.memory_space<vmem_shared>>
      tpu.enqueue_dma source(%arg8 : memref<128x128xf32, #tpu.memory_space<vmem>>) target(%dma_start3A_42 : memref<128x128xf32, #tpu.memory_space<vmem_shared>>) target_semaphore(%run_scoped3A : memref<!tpu.dma_semaphore, #tpu.memory_space<semaphore_mem>>)
      %dma_wait3A = arith.constant 0 : i32
      %dma_wait3A_43 = tpu.memref_slice %arg10[%add3A_27, %dma_wait3A] : memref<10240x128xf32, #tpu.memory_space<vmem_shared>> -> memref<128x128xf32, #tpu.memory_space<vmem_shared>>
      %dma_wait3A_44 = arith.constant 0 : i32
      %dma_wait3A_45 = tpu.memref_slice %arg10[%add3A_27, %dma_wait3A_44] : memref<10240x128xf32, #tpu.memory_space<vmem_shared>> -> memref<128x128xf32, #tpu.memory_space<vmem_shared>>
      tpu.wait_dma2 semaphore(%run_scoped3A : memref<!tpu.dma_semaphore, #tpu.memory_space<semaphore_mem>>) src(%arg8 : memref<128x128xf32, #tpu.memory_space<vmem>>) dst(%dma_wait3A_45 : memref<128x128xf32, #tpu.memory_space<vmem_shared>>)
      tpu.yield
    }) : () -> ()
    %barrier3A = arith.constant 0 : index
    tpu.barrier barrier_id(%barrier3A)
    %scan3A_28 = arith.constant 0 : i32
    %scan3A_29 = arith.constant 0 : i32
    %scan3A_30 = arith.constant 8 : i32
    %scan3A_31 = arith.addi %scan3A_29, %scan3A_30 : i32
    %scan3A_32 = arith.constant 1 : i32
    %scan3A_33 = scf.for %scan3A_40 = %scan3A_29 to %scan3A_31 step %scan3A_32 iter_args(%scan3A_41 = %scan3A_28) -> (i32)  : i32 {
      "tpu.region"() ({
        %run_scoped3A = tpu.sem_alloc : memref<!tpu.dma_semaphore, #tpu.memory_space<semaphore_mem>>
        %dma_start3A_321 = arith.constant 0 : i32
        %dma_start3A_322 = arith.constant 0 : i32
        %dma_start3A_323 = tpu.memref_slice %arg3[%add3A, %scan3A_40, %dma_start3A_321, %dma_start3A_322] : memref<32x8x10x128xi32, #tpu.memory_space<hbm>> -> memref<1x1x10x128xi32, #tpu.memory_space<hbm>>
        %dma_start3A_324 = tpu.memref_squeeze %dma_start3A_323 : memref<1x1x10x128xi32, #tpu.memory_space<hbm>> -> memref<10x128xi32, #tpu.memory_space<hbm>>
        %dma_start3A_325 = arith.constant 0 : i32
        %dma_start3A_326 = arith.constant 0 : i32
        %dma_start3A_327 = tpu.memref_slice %arg3[%add3A, %scan3A_40, %dma_start3A_325, %dma_start3A_326] : memref<32x8x10x128xi32, #tpu.memory_space<hbm>> -> memref<1x1x10x128xi32, #tpu.memory_space<hbm>>
        %dma_start3A_328 = tpu.memref_squeeze %dma_start3A_327 : memref<1x1x10x128xi32, #tpu.memory_space<hbm>> -> memref<10x128xi32, #tpu.memory_space<hbm>>
        tpu.enqueue_dma source(%dma_start3A_328 : memref<10x128xi32, #tpu.memory_space<hbm>>) target(%arg6 : memref<10x128xi32, #tpu.memory_space<vmem>>) target_semaphore(%run_scoped3A : memref<!tpu.dma_semaphore, #tpu.memory_space<semaphore_mem>>)
        %dma_wait3A_329 = arith.constant 0 : i32
        %dma_wait3A_330 = arith.constant 0 : i32
        %dma_wait3A_331 = tpu.memref_slice %arg3[%add3A, %scan3A_40, %dma_wait3A_329, %dma_wait3A_330] : memref<32x8x10x128xi32, #tpu.memory_space<hbm>> -> memref<1x1x10x128xi32, #tpu.memory_space<hbm>>
        %dma_wait3A_332 = tpu.memref_squeeze %dma_wait3A_331 : memref<1x1x10x128xi32, #tpu.memory_space<hbm>> -> memref<10x128xi32, #tpu.memory_space<hbm>>
        %dma_wait3A_333 = arith.constant 0 : i32
        %dma_wait3A_334 = arith.constant 0 : i32
        %dma_wait3A_335 = tpu.memref_slice %arg3[%add3A, %scan3A_40, %dma_wait3A_333, %dma_wait3A_334] : memref<32x8x10x128xi32, #tpu.memory_space<hbm>> -> memref<1x1x10x128xi32, #tpu.memory_space<hbm>>
        %dma_wait3A_336 = tpu.memref_squeeze %dma_wait3A_335 : memref<1x1x10x128xi32, #tpu.memory_space<hbm>> -> memref<10x128xi32, #tpu.memory_space<hbm>>
        tpu.wait_dma2 semaphore(%run_scoped3A : memref<!tpu.dma_semaphore, #tpu.memory_space<semaphore_mem>>) src(%dma_wait3A_336 : memref<10x128xi32, #tpu.memory_space<hbm>>) dst(%arg6 : memref<10x128xi32, #tpu.memory_space<vmem>>)
        tpu.yield
      }) : () -> ()
      "tpu.region"() ({
        %run_scoped3A = tpu.sem_alloc : memref<!tpu.dma_semaphore, #tpu.memory_space<semaphore_mem>>
        %dma_start3A_321 = arith.constant 0 : i32
        %dma_start3A_322 = arith.constant 0 : i32
        %dma_start3A_323 = tpu.memref_slice %arg4[%add3A, %scan3A_40, %dma_start3A_321, %dma_start3A_322] : memref<32x8x10x128xi32, #tpu.memory_space<hbm>> -> memref<1x1x10x128xi32, #tpu.memory_space<hbm>>
        %dma_start3A_324 = tpu.memref_squeeze %dma_start3A_323 : memref<1x1x10x128xi32, #tpu.memory_space<hbm>> -> memref<10x128xi32, #tpu.memory_space<hbm>>
        %dma_start3A_325 = arith.constant 0 : i32
        %dma_start3A_326 = arith.constant 0 : i32
        %dma_start3A_327 = tpu.memref_slice %arg4[%add3A, %scan3A_40, %dma_start3A_325, %dma_start3A_326] : memref<32x8x10x128xi32, #tpu.memory_space<hbm>> -> memref<1x1x10x128xi32, #tpu.memory_space<hbm>>
        %dma_start3A_328 = tpu.memref_squeeze %dma_start3A_327 : memref<1x1x10x128xi32, #tpu.memory_space<hbm>> -> memref<10x128xi32, #tpu.memory_space<hbm>>
        tpu.enqueue_dma source(%dma_start3A_328 : memref<10x128xi32, #tpu.memory_space<hbm>>) target(%arg7 : memref<10x128xi32, #tpu.memory_space<vmem>>) target_semaphore(%run_scoped3A : memref<!tpu.dma_semaphore, #tpu.memory_space<semaphore_mem>>)
        %dma_wait3A_329 = arith.constant 0 : i32
        %dma_wait3A_330 = arith.constant 0 : i32
        %dma_wait3A_331 = tpu.memref_slice %arg4[%add3A, %scan3A_40, %dma_wait3A_329, %dma_wait3A_330] : memref<32x8x10x128xi32, #tpu.memory_space<hbm>> -> memref<1x1x10x128xi32, #tpu.memory_space<hbm>>
        %dma_wait3A_332 = tpu.memref_squeeze %dma_wait3A_331 : memref<1x1x10x128xi32, #tpu.memory_space<hbm>> -> memref<10x128xi32, #tpu.memory_space<hbm>>
        %dma_wait3A_333 = arith.constant 0 : i32
        %dma_wait3A_334 = arith.constant 0 : i32
        %dma_wait3A_335 = tpu.memref_slice %arg4[%add3A, %scan3A_40, %dma_wait3A_333, %dma_wait3A_334] : memref<32x8x10x128xi32, #tpu.memory_space<hbm>> -> memref<1x1x10x128xi32, #tpu.memory_space<hbm>>
        %dma_wait3A_336 = tpu.memref_squeeze %dma_wait3A_335 : memref<1x1x10x128xi32, #tpu.memory_space<hbm>> -> memref<10x128xi32, #tpu.memory_space<hbm>>
        tpu.wait_dma2 semaphore(%run_scoped3A : memref<!tpu.dma_semaphore, #tpu.memory_space<semaphore_mem>>) src(%dma_wait3A_336 : memref<10x128xi32, #tpu.memory_space<hbm>>) dst(%arg7 : memref<10x128xi32, #tpu.memory_space<vmem>>)
        tpu.yield
      }) : () -> ()
      %dma_start3A = arith.constant 0 : i32
      %dma_start3A_42 = arith.constant 0 : i32
      %dma_start3A_43 = tpu.memref_slice %arg6[%dma_start3A, %dma_start3A_42] : memref<10x128xi32, #tpu.memory_space<vmem>> -> memref<1x128xi32, #tpu.memory_space<vmem>>
      %dma_start3A_44 = tpu.memref_squeeze %dma_start3A_43 : memref<1x128xi32, #tpu.memory_space<vmem>> -> memref<128xi32, #tpu.memory_space<vmem>>
      %dma_start3A_45 = arith.constant 0 : i32
      %dma_start3A_46 = arith.constant 0 : i32
      %dma_start3A_47 = tpu.memref_slice %arg2[%dma_start3A_45, %dma_start3A_46] : memref<10240x128xf32, #tpu.memory_space<hbm>> -> memref<10240x128xf32, #tpu.memory_space<hbm>>
      tpu.enqueue_indirect_dma source(%dma_start3A_47 : memref<10240x128xf32, #tpu.memory_space<hbm>>) target(%arg8 : memref<128x128xf32, #tpu.memory_space<vmem>>) offsets(%dma_start3A_44 : memref<128xi32, #tpu.memory_space<vmem>>) semaphore(%arg11 : memref<!tpu.dma_semaphore, #tpu.memory_space<semaphore_mem>>)
      %dma_wait3A = arith.constant 0 : i32
      %dma_wait3A_48 = arith.constant 0 : i32
      %dma_wait3A_49 = tpu.memref_slice %arg6[%dma_wait3A, %dma_wait3A_48] : memref<10x128xi32, #tpu.memory_space<vmem>> -> memref<1x128xi32, #tpu.memory_space<vmem>>
      %dma_wait3A_50 = tpu.memref_squeeze %dma_wait3A_49 : memref<1x128xi32, #tpu.memory_space<vmem>> -> memref<128xi32, #tpu.memory_space<vmem>>
      %dma_wait3A_51 = arith.constant 0 : i32
      %dma_wait3A_52 = arith.constant 0 : i32
      %dma_wait3A_53 = tpu.memref_slice %arg2[%dma_wait3A_51, %dma_wait3A_52] : memref<10240x128xf32, #tpu.memory_space<hbm>> -> memref<10240x128xf32, #tpu.memory_space<hbm>>
      tpu.wait_indirect_dma semaphore(%arg11 : memref<!tpu.dma_semaphore, #tpu.memory_space<semaphore_mem>>) src(%dma_wait3A_53 : memref<10240x128xf32, #tpu.memory_space<hbm>>) dst(%arg8 : memref<128x128xf32, #tpu.memory_space<vmem>>)
      %dma_start3A_54 = arith.constant 1 : i32
      %dma_start3A_55 = arith.constant 0 : i32
      %dma_start3A_56 = tpu.memref_slice %arg6[%dma_start3A_54, %dma_start3A_55] : memref<10x128xi32, #tpu.memory_space<vmem>> -> memref<1x128xi32, #tpu.memory_space<vmem>>
      %dma_start3A_57 = tpu.memref_squeeze %dma_start3A_56 : memref<1x128xi32, #tpu.memory_space<vmem>> -> memref<128xi32, #tpu.memory_space<vmem>>
      %dma_start3A_58 = arith.constant 0 : i32
      %dma_start3A_59 = arith.constant 0 : i32
      %dma_start3A_60 = tpu.memref_slice %arg2[%dma_start3A_58, %dma_start3A_59] : memref<10240x128xf32, #tpu.memory_space<hbm>> -> memref<10240x128xf32, #tpu.memory_space<hbm>>
      tpu.enqueue_indirect_dma source(%dma_start3A_60 : memref<10240x128xf32, #tpu.memory_space<hbm>>) target(%arg9 : memref<128x128xf32, #tpu.memory_space<vmem>>) offsets(%dma_start3A_57 : memref<128xi32, #tpu.memory_space<vmem>>) semaphore(%arg12 : memref<!tpu.dma_semaphore, #tpu.memory_space<semaphore_mem>>)
      %dma_start3A_61 = arith.constant 0 : i32
      %dma_start3A_62 = arith.constant 0 : i32
      %dma_start3A_63 = tpu.memref_slice %arg7[%dma_start3A_61, %dma_start3A_62] : memref<10x128xi32, #tpu.memory_space<vmem>> -> memref<1x128xi32, #tpu.memory_space<vmem>>
      %dma_start3A_64 = tpu.memref_squeeze %dma_start3A_63 : memref<1x128xi32, #tpu.memory_space<vmem>> -> memref<128xi32, #tpu.memory_space<vmem>>
      %dma_start3A_65 = arith.constant 0 : i32
      %dma_start3A_66 = arith.constant 0 : i32
      %dma_start3A_67 = tpu.memref_slice %arg10[%dma_start3A_65, %dma_start3A_66] : memref<10240x128xf32, #tpu.memory_space<vmem_shared>> -> memref<10240x128xf32, #tpu.memory_space<vmem_shared>>
      tpu.enqueue_indirect_dma source(%arg8 : memref<128x128xf32, #tpu.memory_space<vmem>>) target(%dma_start3A_67 : memref<10240x128xf32, #tpu.memory_space<vmem_shared>>) offsets(%dma_start3A_64 : memref<128xi32, #tpu.memory_space<vmem>>) semaphore(%arg13 : memref<!tpu.dma_semaphore, #tpu.memory_space<semaphore_mem>>) {add = true}
      %dma_wait3A_68 = arith.constant 1 : i32
      %dma_wait3A_69 = arith.constant 0 : i32
      %dma_wait3A_70 = tpu.memref_slice %arg6[%dma_wait3A_68, %dma_wait3A_69] : memref<10x128xi32, #tpu.memory_space<vmem>> -> memref<1x128xi32, #tpu.memory_space<vmem>>
      %dma_wait3A_71 = tpu.memref_squeeze %dma_wait3A_70 : memref<1x128xi32, #tpu.memory_space<vmem>> -> memref<128xi32, #tpu.memory_space<vmem>>
      %dma_wait3A_72 = arith.constant 0 : i32
      %dma_wait3A_73 = arith.constant 0 : i32
      %dma_wait3A_74 = tpu.memref_slice %arg2[%dma_wait3A_72, %dma_wait3A_73] : memref<10240x128xf32, #tpu.memory_space<hbm>> -> memref<10240x128xf32, #tpu.memory_space<hbm>>
      tpu.wait_indirect_dma semaphore(%arg12 : memref<!tpu.dma_semaphore, #tpu.memory_space<semaphore_mem>>) src(%dma_wait3A_74 : memref<10240x128xf32, #tpu.memory_space<hbm>>) dst(%arg9 : memref<128x128xf32, #tpu.memory_space<vmem>>)
      %dma_wait3A_75 = arith.constant 0 : i32
      %dma_wait3A_76 = arith.constant 0 : i32
      %dma_wait3A_77 = tpu.memref_slice %arg7[%dma_wait3A_75, %dma_wait3A_76] : memref<10x128xi32, #tpu.memory_space<vmem>> -> memref<1x128xi32, #tpu.memory_space<vmem>>
      %dma_wait3A_78 = tpu.memref_squeeze %dma_wait3A_77 : memref<1x128xi32, #tpu.memory_space<vmem>> -> memref<128xi32, #tpu.memory_space<vmem>>
      %dma_wait3A_79 = arith.constant 0 : i32
      %dma_wait3A_80 = arith.constant 0 : i32
      %dma_wait3A_81 = tpu.memref_slice %arg10[%dma_wait3A_79, %dma_wait3A_80] : memref<10240x128xf32, #tpu.memory_space<vmem_shared>> -> memref<10240x128xf32, #tpu.memory_space<vmem_shared>>
      tpu.wait_indirect_dma semaphore(%arg13 : memref<!tpu.dma_semaphore, #tpu.memory_space<semaphore_mem>>) src(%arg8 : memref<128x128xf32, #tpu.memory_space<vmem>>) dst(%dma_wait3A_81 : memref<10240x128xf32, #tpu.memory_space<vmem_shared>>)
      %dma_start3A_82 = arith.constant 2 : i32
      %dma_start3A_83 = arith.constant 0 : i32
      %dma_start3A_84 = tpu.memref_slice %arg6[%dma_start3A_82, %dma_start3A_83] : memref<10x128xi32, #tpu.memory_space<vmem>> -> memref<1x128xi32, #tpu.memory_space<vmem>>
      %dma_start3A_85 = tpu.memref_squeeze %dma_start3A_84 : memref<1x128xi32, #tpu.memory_space<vmem>> -> memref<128xi32, #tpu.memory_space<vmem>>
      %dma_start3A_86 = arith.constant 0 : i32
      %dma_start3A_87 = arith.constant 0 : i32
      %dma_start3A_88 = tpu.memref_slice %arg2[%dma_start3A_86, %dma_start3A_87] : memref<10240x128xf32, #tpu.memory_space<hbm>> -> memref<10240x128xf32, #tpu.memory_space<hbm>>
      tpu.enqueue_indirect_dma source(%dma_start3A_88 : memref<10240x128xf32, #tpu.memory_space<hbm>>) target(%arg8 : memref<128x128xf32, #tpu.memory_space<vmem>>) offsets(%dma_start3A_85 : memref<128xi32, #tpu.memory_space<vmem>>) semaphore(%arg11 : memref<!tpu.dma_semaphore, #tpu.memory_space<semaphore_mem>>)
      %dma_start3A_89 = arith.constant 1 : i32
      %dma_start3A_90 = arith.constant 0 : i32
      %dma_start3A_91 = tpu.memref_slice %arg7[%dma_start3A_89, %dma_start3A_90] : memref<10x128xi32, #tpu.memory_space<vmem>> -> memref<1x128xi32, #tpu.memory_space<vmem>>
      %dma_start3A_92 = tpu.memref_squeeze %dma_start3A_91 : memref<1x128xi32, #tpu.memory_space<vmem>> -> memref<128xi32, #tpu.memory_space<vmem>>
      %dma_start3A_93 = arith.constant 0 : i32
      %dma_start3A_94 = arith.constant 0 : i32
      %dma_start3A_95 = tpu.memref_slice %arg10[%dma_start3A_93, %dma_start3A_94] : memref<10240x128xf32, #tpu.memory_space<vmem_shared>> -> memref<10240x128xf32, #tpu.memory_space<vmem_shared>>
      tpu.enqueue_indirect_dma source(%arg9 : memref<128x128xf32, #tpu.memory_space<vmem>>) target(%dma_start3A_95 : memref<10240x128xf32, #tpu.memory_space<vmem_shared>>) offsets(%dma_start3A_92 : memref<128xi32, #tpu.memory_space<vmem>>) semaphore(%arg14 : memref<!tpu.dma_semaphore, #tpu.memory_space<semaphore_mem>>) {add = true}
      %dma_wait3A_96 = arith.constant 2 : i32
      %dma_wait3A_97 = arith.constant 0 : i32
      %dma_wait3A_98 = tpu.memref_slice %arg6[%dma_wait3A_96, %dma_wait3A_97] : memref<10x128xi32, #tpu.memory_space<vmem>> -> memref<1x128xi32, #tpu.memory_space<vmem>>
      %dma_wait3A_99 = tpu.memref_squeeze %dma_wait3A_98 : memref<1x128xi32, #tpu.memory_space<vmem>> -> memref<128xi32, #tpu.memory_space<vmem>>
      %dma_wait3A_100 = arith.constant 0 : i32
      %dma_wait3A_101 = arith.constant 0 : i32
      %dma_wait3A_102 = tpu.memref_slice %arg2[%dma_wait3A_100, %dma_wait3A_101] : memref<10240x128xf32, #tpu.memory_space<hbm>> -> memref<10240x128xf32, #tpu.memory_space<hbm>>
      tpu.wait_indirect_dma semaphore(%arg11 : memref<!tpu.dma_semaphore, #tpu.memory_space<semaphore_mem>>) src(%dma_wait3A_102 : memref<10240x128xf32, #tpu.memory_space<hbm>>) dst(%arg8 : memref<128x128xf32, #tpu.memory_space<vmem>>)
      %dma_wait3A_103 = arith.constant 1 : i32
      %dma_wait3A_104 = arith.constant 0 : i32
      %dma_wait3A_105 = tpu.memref_slice %arg7[%dma_wait3A_103, %dma_wait3A_104] : memref<10x128xi32, #tpu.memory_space<vmem>> -> memref<1x128xi32, #tpu.memory_space<vmem>>
      %dma_wait3A_106 = tpu.memref_squeeze %dma_wait3A_105 : memref<1x128xi32, #tpu.memory_space<vmem>> -> memref<128xi32, #tpu.memory_space<vmem>>
      %dma_wait3A_107 = arith.constant 0 : i32
      %dma_wait3A_108 = arith.constant 0 : i32
      %dma_wait3A_109 = tpu.memref_slice %arg10[%dma_wait3A_107, %dma_wait3A_108] : memref<10240x128xf32, #tpu.memory_space<vmem_shared>> -> memref<10240x128xf32, #tpu.memory_space<vmem_shared>>
      tpu.wait_indirect_dma semaphore(%arg14 : memref<!tpu.dma_semaphore, #tpu.memory_space<semaphore_mem>>) src(%arg9 : memref<128x128xf32, #tpu.memory_space<vmem>>) dst(%dma_wait3A_109 : memref<10240x128xf32, #tpu.memory_space<vmem_shared>>)
      %dma_start3A_110 = arith.constant 3 : i32
      %dma_start3A_111 = arith.constant 0 : i32
      %dma_start3A_112 = tpu.memref_slice %arg6[%dma_start3A_110, %dma_start3A_111] : memref<10x128xi32, #tpu.memory_space<vmem>> -> memref<1x128xi32, #tpu.memory_space<vmem>>
      %dma_start3A_113 = tpu.memref_squeeze %dma_start3A_112 : memref<1x128xi32, #tpu.memory_space<vmem>> -> memref<128xi32, #tpu.memory_space<vmem>>
      %dma_start3A_114 = arith.constant 0 : i32
      %dma_start3A_115 = arith.constant 0 : i32
      %dma_start3A_116 = tpu.memref_slice %arg2[%dma_start3A_114, %dma_start3A_115] : memref<10240x128xf32, #tpu.memory_space<hbm>> -> memref<10240x128xf32, #tpu.memory_space<hbm>>
      tpu.enqueue_indirect_dma source(%dma_start3A_116 : memref<10240x128xf32, #tpu.memory_space<hbm>>) target(%arg9 : memref<128x128xf32, #tpu.memory_space<vmem>>) offsets(%dma_start3A_113 : memref<128xi32, #tpu.memory_space<vmem>>) semaphore(%arg12 : memref<!tpu.dma_semaphore, #tpu.memory_space<semaphore_mem>>)
      %dma_start3A_117 = arith.constant 2 : i32
      %dma_start3A_118 = arith.constant 0 : i32
      %dma_start3A_119 = tpu.memref_slice %arg7[%dma_start3A_117, %dma_start3A_118] : memref<10x128xi32, #tpu.memory_space<vmem>> -> memref<1x128xi32, #tpu.memory_space<vmem>>
      %dma_start3A_120 = tpu.memref_squeeze %dma_start3A_119 : memref<1x128xi32, #tpu.memory_space<vmem>> -> memref<128xi32, #tpu.memory_space<vmem>>
      %dma_start3A_121 = arith.constant 0 : i32
      %dma_start3A_122 = arith.constant 0 : i32
      %dma_start3A_123 = tpu.memref_slice %arg10[%dma_start3A_121, %dma_start3A_122] : memref<10240x128xf32, #tpu.memory_space<vmem_shared>> -> memref<10240x128xf32, #tpu.memory_space<vmem_shared>>
      tpu.enqueue_indirect_dma source(%arg8 : memref<128x128xf32, #tpu.memory_space<vmem>>) target(%dma_start3A_123 : memref<10240x128xf32, #tpu.memory_space<vmem_shared>>) offsets(%dma_start3A_120 : memref<128xi32, #tpu.memory_space<vmem>>) semaphore(%arg13 : memref<!tpu.dma_semaphore, #tpu.memory_space<semaphore_mem>>) {add = true}
      %dma_wait3A_124 = arith.constant 3 : i32
      %dma_wait3A_125 = arith.constant 0 : i32
      %dma_wait3A_126 = tpu.memref_slice %arg6[%dma_wait3A_124, %dma_wait3A_125] : memref<10x128xi32, #tpu.memory_space<vmem>> -> memref<1x128xi32, #tpu.memory_space<vmem>>
      %dma_wait3A_127 = tpu.memref_squeeze %dma_wait3A_126 : memref<1x128xi32, #tpu.memory_space<vmem>> -> memref<128xi32, #tpu.memory_space<vmem>>
      %dma_wait3A_128 = arith.constant 0 : i32
      %dma_wait3A_129 = arith.constant 0 : i32
      %dma_wait3A_130 = tpu.memref_slice %arg2[%dma_wait3A_128, %dma_wait3A_129] : memref<10240x128xf32, #tpu.memory_space<hbm>> -> memref<10240x128xf32, #tpu.memory_space<hbm>>
      tpu.wait_indirect_dma semaphore(%arg12 : memref<!tpu.dma_semaphore, #tpu.memory_space<semaphore_mem>>) src(%dma_wait3A_130 : memref<10240x128xf32, #tpu.memory_space<hbm>>) dst(%arg9 : memref<128x128xf32, #tpu.memory_space<vmem>>)
      %dma_wait3A_131 = arith.constant 2 : i32
      %dma_wait3A_132 = arith.constant 0 : i32
      %dma_wait3A_133 = tpu.memref_slice %arg7[%dma_wait3A_131, %dma_wait3A_132] : memref<10x128xi32, #tpu.memory_space<vmem>> -> memref<1x128xi32, #tpu.memory_space<vmem>>
      %dma_wait3A_134 = tpu.memref_squeeze %dma_wait3A_133 : memref<1x128xi32, #tpu.memory_space<vmem>> -> memref<128xi32, #tpu.memory_space<vmem>>
      %dma_wait3A_135 = arith.constant 0 : i32
      %dma_wait3A_136 = arith.constant 0 : i32
      %dma_wait3A_137 = tpu.memref_slice %arg10[%dma_wait3A_135, %dma_wait3A_136] : memref<10240x128xf32, #tpu.memory_space<vmem_shared>> -> memref<10240x128xf32, #tpu.memory_space<vmem_shared>>
      tpu.wait_indirect_dma semaphore(%arg13 : memref<!tpu.dma_semaphore, #tpu.memory_space<semaphore_mem>>) src(%arg8 : memref<128x128xf32, #tpu.memory_space<vmem>>) dst(%dma_wait3A_137 : memref<10240x128xf32, #tpu.memory_space<vmem_shared>>)
      %dma_start3A_138 = arith.constant 4 : i32
      %dma_start3A_139 = arith.constant 0 : i32
      %dma_start3A_140 = tpu.memref_slice %arg6[%dma_start3A_138, %dma_start3A_139] : memref<10x128xi32, #tpu.memory_space<vmem>> -> memref<1x128xi32, #tpu.memory_space<vmem>>
      %dma_start3A_141 = tpu.memref_squeeze %dma_start3A_140 : memref<1x128xi32, #tpu.memory_space<vmem>> -> memref<128xi32, #tpu.memory_space<vmem>>
      %dma_start3A_142 = arith.constant 0 : i32
      %dma_start3A_143 = arith.constant 0 : i32
      %dma_start3A_144 = tpu.memref_slice %arg2[%dma_start3A_142, %dma_start3A_143] : memref<10240x128xf32, #tpu.memory_space<hbm>> -> memref<10240x128xf32, #tpu.memory_space<hbm>>
      tpu.enqueue_indirect_dma source(%dma_start3A_144 : memref<10240x128xf32, #tpu.memory_space<hbm>>) target(%arg8 : memref<128x128xf32, #tpu.memory_space<vmem>>) offsets(%dma_start3A_141 : memref<128xi32, #tpu.memory_space<vmem>>) semaphore(%arg11 : memref<!tpu.dma_semaphore, #tpu.memory_space<semaphore_mem>>)
      %dma_start3A_145 = arith.constant 3 : i32
      %dma_start3A_146 = arith.constant 0 : i32
      %dma_start3A_147 = tpu.memref_slice %arg7[%dma_start3A_145, %dma_start3A_146] : memref<10x128xi32, #tpu.memory_space<vmem>> -> memref<1x128xi32, #tpu.memory_space<vmem>>
      %dma_start3A_148 = tpu.memref_squeeze %dma_start3A_147 : memref<1x128xi32, #tpu.memory_space<vmem>> -> memref<128xi32, #tpu.memory_space<vmem>>
      %dma_start3A_149 = arith.constant 0 : i32
      %dma_start3A_150 = arith.constant 0 : i32
      %dma_start3A_151 = tpu.memref_slice %arg10[%dma_start3A_149, %dma_start3A_150] : memref<10240x128xf32, #tpu.memory_space<vmem_shared>> -> memref<10240x128xf32, #tpu.memory_space<vmem_shared>>
      tpu.enqueue_indirect_dma source(%arg9 : memref<128x128xf32, #tpu.memory_space<vmem>>) target(%dma_start3A_151 : memref<10240x128xf32, #tpu.memory_space<vmem_shared>>) offsets(%dma_start3A_148 : memref<128xi32, #tpu.memory_space<vmem>>) semaphore(%arg14 : memref<!tpu.dma_semaphore, #tpu.memory_space<semaphore_mem>>) {add = true}
      %dma_wait3A_152 = arith.constant 4 : i32
      %dma_wait3A_153 = arith.constant 0 : i32
      %dma_wait3A_154 = tpu.memref_slice %arg6[%dma_wait3A_152, %dma_wait3A_153] : memref<10x128xi32, #tpu.memory_space<vmem>> -> memref<1x128xi32, #tpu.memory_space<vmem>>
      %dma_wait3A_155 = tpu.memref_squeeze %dma_wait3A_154 : memref<1x128xi32, #tpu.memory_space<vmem>> -> memref<128xi32, #tpu.memory_space<vmem>>
      %dma_wait3A_156 = arith.constant 0 : i32
      %dma_wait3A_157 = arith.constant 0 : i32
      %dma_wait3A_158 = tpu.memref_slice %arg2[%dma_wait3A_156, %dma_wait3A_157] : memref<10240x128xf32, #tpu.memory_space<hbm>> -> memref<10240x128xf32, #tpu.memory_space<hbm>>
      tpu.wait_indirect_dma semaphore(%arg11 : memref<!tpu.dma_semaphore, #tpu.memory_space<semaphore_mem>>) src(%dma_wait3A_158 : memref<10240x128xf32, #tpu.memory_space<hbm>>) dst(%arg8 : memref<128x128xf32, #tpu.memory_space<vmem>>)
      %dma_wait3A_159 = arith.constant 3 : i32
      %dma_wait3A_160 = arith.constant 0 : i32
      %dma_wait3A_161 = tpu.memref_slice %arg7[%dma_wait3A_159, %dma_wait3A_160] : memref<10x128xi32, #tpu.memory_space<vmem>> -> memref<1x128xi32, #tpu.memory_space<vmem>>
      %dma_wait3A_162 = tpu.memref_squeeze %dma_wait3A_161 : memref<1x128xi32, #tpu.memory_space<vmem>> -> memref<128xi32, #tpu.memory_space<vmem>>
      %dma_wait3A_163 = arith.constant 0 : i32
      %dma_wait3A_164 = arith.constant 0 : i32
      %dma_wait3A_165 = tpu.memref_slice %arg10[%dma_wait3A_163, %dma_wait3A_164] : memref<10240x128xf32, #tpu.memory_space<vmem_shared>> -> memref<10240x128xf32, #tpu.memory_space<vmem_shared>>
      tpu.wait_indirect_dma semaphore(%arg14 : memref<!tpu.dma_semaphore, #tpu.memory_space<semaphore_mem>>) src(%arg9 : memref<128x128xf32, #tpu.memory_space<vmem>>) dst(%dma_wait3A_165 : memref<10240x128xf32, #tpu.memory_space<vmem_shared>>)
      %dma_start3A_166 = arith.constant 5 : i32
      %dma_start3A_167 = arith.constant 0 : i32
      %dma_start3A_168 = tpu.memref_slice %arg6[%dma_start3A_166, %dma_start3A_167] : memref<10x128xi32, #tpu.memory_space<vmem>> -> memref<1x128xi32, #tpu.memory_space<vmem>>
      %dma_start3A_169 = tpu.memref_squeeze %dma_start3A_168 : memref<1x128xi32, #tpu.memory_space<vmem>> -> memref<128xi32, #tpu.memory_space<vmem>>
      %dma_start3A_170 = arith.constant 0 : i32
      %dma_start3A_171 = arith.constant 0 : i32
      %dma_start3A_172 = tpu.memref_slice %arg2[%dma_start3A_170, %dma_start3A_171] : memref<10240x128xf32, #tpu.memory_space<hbm>> -> memref<10240x128xf32, #tpu.memory_space<hbm>>
      tpu.enqueue_indirect_dma source(%dma_start3A_172 : memref<10240x128xf32, #tpu.memory_space<hbm>>) target(%arg9 : memref<128x128xf32, #tpu.memory_space<vmem>>) offsets(%dma_start3A_169 : memref<128xi32, #tpu.memory_space<vmem>>) semaphore(%arg12 : memref<!tpu.dma_semaphore, #tpu.memory_space<semaphore_mem>>)
      %dma_start3A_173 = arith.constant 4 : i32
      %dma_start3A_174 = arith.constant 0 : i32
      %dma_start3A_175 = tpu.memref_slice %arg7[%dma_start3A_173, %dma_start3A_174] : memref<10x128xi32, #tpu.memory_space<vmem>> -> memref<1x128xi32, #tpu.memory_space<vmem>>
      %dma_start3A_176 = tpu.memref_squeeze %dma_start3A_175 : memref<1x128xi32, #tpu.memory_space<vmem>> -> memref<128xi32, #tpu.memory_space<vmem>>
      %dma_start3A_177 = arith.constant 0 : i32
      %dma_start3A_178 = arith.constant 0 : i32
      %dma_start3A_179 = tpu.memref_slice %arg10[%dma_start3A_177, %dma_start3A_178] : memref<10240x128xf32, #tpu.memory_space<vmem_shared>> -> memref<10240x128xf32, #tpu.memory_space<vmem_shared>>
      tpu.enqueue_indirect_dma source(%arg8 : memref<128x128xf32, #tpu.memory_space<vmem>>) target(%dma_start3A_179 : memref<10240x128xf32, #tpu.memory_space<vmem_shared>>) offsets(%dma_start3A_176 : memref<128xi32, #tpu.memory_space<vmem>>) semaphore(%arg13 : memref<!tpu.dma_semaphore, #tpu.memory_space<semaphore_mem>>) {add = true}
      %dma_wait3A_180 = arith.constant 5 : i32
      %dma_wait3A_181 = arith.constant 0 : i32
      %dma_wait3A_182 = tpu.memref_slice %arg6[%dma_wait3A_180, %dma_wait3A_181] : memref<10x128xi32, #tpu.memory_space<vmem>> -> memref<1x128xi32, #tpu.memory_space<vmem>>
      %dma_wait3A_183 = tpu.memref_squeeze %dma_wait3A_182 : memref<1x128xi32, #tpu.memory_space<vmem>> -> memref<128xi32, #tpu.memory_space<vmem>>
      %dma_wait3A_184 = arith.constant 0 : i32
      %dma_wait3A_185 = arith.constant 0 : i32
      %dma_wait3A_186 = tpu.memref_slice %arg2[%dma_wait3A_184, %dma_wait3A_185] : memref<10240x128xf32, #tpu.memory_space<hbm>> -> memref<10240x128xf32, #tpu.memory_space<hbm>>
      tpu.wait_indirect_dma semaphore(%arg12 : memref<!tpu.dma_semaphore, #tpu.memory_space<semaphore_mem>>) src(%dma_wait3A_186 : memref<10240x128xf32, #tpu.memory_space<hbm>>) dst(%arg9 : memref<128x128xf32, #tpu.memory_space<vmem>>)
      %dma_wait3A_187 = arith.constant 4 : i32
      %dma_wait3A_188 = arith.constant 0 : i32
      %dma_wait3A_189 = tpu.memref_slice %arg7[%dma_wait3A_187, %dma_wait3A_188] : memref<10x128xi32, #tpu.memory_space<vmem>> -> memref<1x128xi32, #tpu.memory_space<vmem>>
      %dma_wait3A_190 = tpu.memref_squeeze %dma_wait3A_189 : memref<1x128xi32, #tpu.memory_space<vmem>> -> memref<128xi32, #tpu.memory_space<vmem>>
      %dma_wait3A_191 = arith.constant 0 : i32
      %dma_wait3A_192 = arith.constant 0 : i32
      %dma_wait3A_193 = tpu.memref_slice %arg10[%dma_wait3A_191, %dma_wait3A_192] : memref<10240x128xf32, #tpu.memory_space<vmem_shared>> -> memref<10240x128xf32, #tpu.memory_space<vmem_shared>>
      tpu.wait_indirect_dma semaphore(%arg13 : memref<!tpu.dma_semaphore, #tpu.memory_space<semaphore_mem>>) src(%arg8 : memref<128x128xf32, #tpu.memory_space<vmem>>) dst(%dma_wait3A_193 : memref<10240x128xf32, #tpu.memory_space<vmem_shared>>)
      %dma_start3A_194 = arith.constant 6 : i32
      %dma_start3A_195 = arith.constant 0 : i32
      %dma_start3A_196 = tpu.memref_slice %arg6[%dma_start3A_194, %dma_start3A_195] : memref<10x128xi32, #tpu.memory_space<vmem>> -> memref<1x128xi32, #tpu.memory_space<vmem>>
      %dma_start3A_197 = tpu.memref_squeeze %dma_start3A_196 : memref<1x128xi32, #tpu.memory_space<vmem>> -> memref<128xi32, #tpu.memory_space<vmem>>
      %dma_start3A_198 = arith.constant 0 : i32
      %dma_start3A_199 = arith.constant 0 : i32
      %dma_start3A_200 = tpu.memref_slice %arg2[%dma_start3A_198, %dma_start3A_199] : memref<10240x128xf32, #tpu.memory_space<hbm>> -> memref<10240x128xf32, #tpu.memory_space<hbm>>
      tpu.enqueue_indirect_dma source(%dma_start3A_200 : memref<10240x128xf32, #tpu.memory_space<hbm>>) target(%arg8 : memref<128x128xf32, #tpu.memory_space<vmem>>) offsets(%dma_start3A_197 : memref<128xi32, #tpu.memory_space<vmem>>) semaphore(%arg11 : memref<!tpu.dma_semaphore, #tpu.memory_space<semaphore_mem>>)
      %dma_start3A_201 = arith.constant 5 : i32
      %dma_start3A_202 = arith.constant 0 : i32
      %dma_start3A_203 = tpu.memref_slice %arg7[%dma_start3A_201, %dma_start3A_202] : memref<10x128xi32, #tpu.memory_space<vmem>> -> memref<1x128xi32, #tpu.memory_space<vmem>>
      %dma_start3A_204 = tpu.memref_squeeze %dma_start3A_203 : memref<1x128xi32, #tpu.memory_space<vmem>> -> memref<128xi32, #tpu.memory_space<vmem>>
      %dma_start3A_205 = arith.constant 0 : i32
      %dma_start3A_206 = arith.constant 0 : i32
      %dma_start3A_207 = tpu.memref_slice %arg10[%dma_start3A_205, %dma_start3A_206] : memref<10240x128xf32, #tpu.memory_space<vmem_shared>> -> memref<10240x128xf32, #tpu.memory_space<vmem_shared>>
      tpu.enqueue_indirect_dma source(%arg9 : memref<128x128xf32, #tpu.memory_space<vmem>>) target(%dma_start3A_207 : memref<10240x128xf32, #tpu.memory_space<vmem_shared>>) offsets(%dma_start3A_204 : memref<128xi32, #tpu.memory_space<vmem>>) semaphore(%arg14 : memref<!tpu.dma_semaphore, #tpu.memory_space<semaphore_mem>>) {add = true}
      %dma_wait3A_208 = arith.constant 6 : i32
      %dma_wait3A_209 = arith.constant 0 : i32
      %dma_wait3A_210 = tpu.memref_slice %arg6[%dma_wait3A_208, %dma_wait3A_209] : memref<10x128xi32, #tpu.memory_space<vmem>> -> memref<1x128xi32, #tpu.memory_space<vmem>>
      %dma_wait3A_211 = tpu.memref_squeeze %dma_wait3A_210 : memref<1x128xi32, #tpu.memory_space<vmem>> -> memref<128xi32, #tpu.memory_space<vmem>>
      %dma_wait3A_212 = arith.constant 0 : i32
      %dma_wait3A_213 = arith.constant 0 : i32
      %dma_wait3A_214 = tpu.memref_slice %arg2[%dma_wait3A_212, %dma_wait3A_213] : memref<10240x128xf32, #tpu.memory_space<hbm>> -> memref<10240x128xf32, #tpu.memory_space<hbm>>
      tpu.wait_indirect_dma semaphore(%arg11 : memref<!tpu.dma_semaphore, #tpu.memory_space<semaphore_mem>>) src(%dma_wait3A_214 : memref<10240x128xf32, #tpu.memory_space<hbm>>) dst(%arg8 : memref<128x128xf32, #tpu.memory_space<vmem>>)
      %dma_wait3A_215 = arith.constant 5 : i32
      %dma_wait3A_216 = arith.constant 0 : i32
      %dma_wait3A_217 = tpu.memref_slice %arg7[%dma_wait3A_215, %dma_wait3A_216] : memref<10x128xi32, #tpu.memory_space<vmem>> -> memref<1x128xi32, #tpu.memory_space<vmem>>
      %dma_wait3A_218 = tpu.memref_squeeze %dma_wait3A_217 : memref<1x128xi32, #tpu.memory_space<vmem>> -> memref<128xi32, #tpu.memory_space<vmem>>
      %dma_wait3A_219 = arith.constant 0 : i32
      %dma_wait3A_220 = arith.constant 0 : i32
      %dma_wait3A_221 = tpu.memref_slice %arg10[%dma_wait3A_219, %dma_wait3A_220] : memref<10240x128xf32, #tpu.memory_space<vmem_shared>> -> memref<10240x128xf32, #tpu.memory_space<vmem_shared>>
      tpu.wait_indirect_dma semaphore(%arg14 : memref<!tpu.dma_semaphore, #tpu.memory_space<semaphore_mem>>) src(%arg9 : memref<128x128xf32, #tpu.memory_space<vmem>>) dst(%dma_wait3A_221 : memref<10240x128xf32, #tpu.memory_space<vmem_shared>>)
      %dma_start3A_222 = arith.constant 7 : i32
      %dma_start3A_223 = arith.constant 0 : i32
      %dma_start3A_224 = tpu.memref_slice %arg6[%dma_start3A_222, %dma_start3A_223] : memref<10x128xi32, #tpu.memory_space<vmem>> -> memref<1x128xi32, #tpu.memory_space<vmem>>
      %dma_start3A_225 = tpu.memref_squeeze %dma_start3A_224 : memref<1x128xi32, #tpu.memory_space<vmem>> -> memref<128xi32, #tpu.memory_space<vmem>>
      %dma_start3A_226 = arith.constant 0 : i32
      %dma_start3A_227 = arith.constant 0 : i32
      %dma_start3A_228 = tpu.memref_slice %arg2[%dma_start3A_226, %dma_start3A_227] : memref<10240x128xf32, #tpu.memory_space<hbm>> -> memref<10240x128xf32, #tpu.memory_space<hbm>>
      tpu.enqueue_indirect_dma source(%dma_start3A_228 : memref<10240x128xf32, #tpu.memory_space<hbm>>) target(%arg9 : memref<128x128xf32, #tpu.memory_space<vmem>>) offsets(%dma_start3A_225 : memref<128xi32, #tpu.memory_space<vmem>>) semaphore(%arg12 : memref<!tpu.dma_semaphore, #tpu.memory_space<semaphore_mem>>)
      %dma_start3A_229 = arith.constant 6 : i32
      %dma_start3A_230 = arith.constant 0 : i32
      %dma_start3A_231 = tpu.memref_slice %arg7[%dma_start3A_229, %dma_start3A_230] : memref<10x128xi32, #tpu.memory_space<vmem>> -> memref<1x128xi32, #tpu.memory_space<vmem>>
      %dma_start3A_232 = tpu.memref_squeeze %dma_start3A_231 : memref<1x128xi32, #tpu.memory_space<vmem>> -> memref<128xi32, #tpu.memory_space<vmem>>
      %dma_start3A_233 = arith.constant 0 : i32
      %dma_start3A_234 = arith.constant 0 : i32
      %dma_start3A_235 = tpu.memref_slice %arg10[%dma_start3A_233, %dma_start3A_234] : memref<10240x128xf32, #tpu.memory_space<vmem_shared>> -> memref<10240x128xf32, #tpu.memory_space<vmem_shared>>
      tpu.enqueue_indirect_dma source(%arg8 : memref<128x128xf32, #tpu.memory_space<vmem>>) target(%dma_start3A_235 : memref<10240x128xf32, #tpu.memory_space<vmem_shared>>) offsets(%dma_start3A_232 : memref<128xi32, #tpu.memory_space<vmem>>) semaphore(%arg13 : memref<!tpu.dma_semaphore, #tpu.memory_space<semaphore_mem>>) {add = true}
      %dma_wait3A_236 = arith.constant 7 : i32
      %dma_wait3A_237 = arith.constant 0 : i32
      %dma_wait3A_238 = tpu.memref_slice %arg6[%dma_wait3A_236, %dma_wait3A_237] : memref<10x128xi32, #tpu.memory_space<vmem>> -> memref<1x128xi32, #tpu.memory_space<vmem>>
      %dma_wait3A_239 = tpu.memref_squeeze %dma_wait3A_238 : memref<1x128xi32, #tpu.memory_space<vmem>> -> memref<128xi32, #tpu.memory_space<vmem>>
      %dma_wait3A_240 = arith.constant 0 : i32
      %dma_wait3A_241 = arith.constant 0 : i32
      %dma_wait3A_242 = tpu.memref_slice %arg2[%dma_wait3A_240, %dma_wait3A_241] : memref<10240x128xf32, #tpu.memory_space<hbm>> -> memref<10240x128xf32, #tpu.memory_space<hbm>>
      tpu.wait_indirect_dma semaphore(%arg12 : memref<!tpu.dma_semaphore, #tpu.memory_space<semaphore_mem>>) src(%dma_wait3A_242 : memref<10240x128xf32, #tpu.memory_space<hbm>>) dst(%arg9 : memref<128x128xf32, #tpu.memory_space<vmem>>)
      %dma_wait3A_243 = arith.constant 6 : i32
      %dma_wait3A_244 = arith.constant 0 : i32
      %dma_wait3A_245 = tpu.memref_slice %arg7[%dma_wait3A_243, %dma_wait3A_244] : memref<10x128xi32, #tpu.memory_space<vmem>> -> memref<1x128xi32, #tpu.memory_space<vmem>>
      %dma_wait3A_246 = tpu.memref_squeeze %dma_wait3A_245 : memref<1x128xi32, #tpu.memory_space<vmem>> -> memref<128xi32, #tpu.memory_space<vmem>>
      %dma_wait3A_247 = arith.constant 0 : i32
      %dma_wait3A_248 = arith.constant 0 : i32
      %dma_wait3A_249 = tpu.memref_slice %arg10[%dma_wait3A_247, %dma_wait3A_248] : memref<10240x128xf32, #tpu.memory_space<vmem_shared>> -> memref<10240x128xf32, #tpu.memory_space<vmem_shared>>
      tpu.wait_indirect_dma semaphore(%arg13 : memref<!tpu.dma_semaphore, #tpu.memory_space<semaphore_mem>>) src(%arg8 : memref<128x128xf32, #tpu.memory_space<vmem>>) dst(%dma_wait3A_249 : memref<10240x128xf32, #tpu.memory_space<vmem_shared>>)
      %dma_start3A_250 = arith.constant 8 : i32
      %dma_start3A_251 = arith.constant 0 : i32
      %dma_start3A_252 = tpu.memref_slice %arg6[%dma_start3A_250, %dma_start3A_251] : memref<10x128xi32, #tpu.memory_space<vmem>> -> memref<1x128xi32, #tpu.memory_space<vmem>>
      %dma_start3A_253 = tpu.memref_squeeze %dma_start3A_252 : memref<1x128xi32, #tpu.memory_space<vmem>> -> memref<128xi32, #tpu.memory_space<vmem>>
      %dma_start3A_254 = arith.constant 0 : i32
      %dma_start3A_255 = arith.constant 0 : i32
      %dma_start3A_256 = tpu.memref_slice %arg2[%dma_start3A_254, %dma_start3A_255] : memref<10240x128xf32, #tpu.memory_space<hbm>> -> memref<10240x128xf32, #tpu.memory_space<hbm>>
      tpu.enqueue_indirect_dma source(%dma_start3A_256 : memref<10240x128xf32, #tpu.memory_space<hbm>>) target(%arg8 : memref<128x128xf32, #tpu.memory_space<vmem>>) offsets(%dma_start3A_253 : memref<128xi32, #tpu.memory_space<vmem>>) semaphore(%arg11 : memref<!tpu.dma_semaphore, #tpu.memory_space<semaphore_mem>>)
      %dma_start3A_257 = arith.constant 7 : i32
      %dma_start3A_258 = arith.constant 0 : i32
      %dma_start3A_259 = tpu.memref_slice %arg7[%dma_start3A_257, %dma_start3A_258] : memref<10x128xi32, #tpu.memory_space<vmem>> -> memref<1x128xi32, #tpu.memory_space<vmem>>
      %dma_start3A_260 = tpu.memref_squeeze %dma_start3A_259 : memref<1x128xi32, #tpu.memory_space<vmem>> -> memref<128xi32, #tpu.memory_space<vmem>>
      %dma_start3A_261 = arith.constant 0 : i32
      %dma_start3A_262 = arith.constant 0 : i32
      %dma_start3A_263 = tpu.memref_slice %arg10[%dma_start3A_261, %dma_start3A_262] : memref<10240x128xf32, #tpu.memory_space<vmem_shared>> -> memref<10240x128xf32, #tpu.memory_space<vmem_shared>>
      tpu.enqueue_indirect_dma source(%arg9 : memref<128x128xf32, #tpu.memory_space<vmem>>) target(%dma_start3A_263 : memref<10240x128xf32, #tpu.memory_space<vmem_shared>>) offsets(%dma_start3A_260 : memref<128xi32, #tpu.memory_space<vmem>>) semaphore(%arg14 : memref<!tpu.dma_semaphore, #tpu.memory_space<semaphore_mem>>) {add = true}
      %dma_wait3A_264 = arith.constant 8 : i32
      %dma_wait3A_265 = arith.constant 0 : i32
      %dma_wait3A_266 = tpu.memref_slice %arg6[%dma_wait3A_264, %dma_wait3A_265] : memref<10x128xi32, #tpu.memory_space<vmem>> -> memref<1x128xi32, #tpu.memory_space<vmem>>
      %dma_wait3A_267 = tpu.memref_squeeze %dma_wait3A_266 : memref<1x128xi32, #tpu.memory_space<vmem>> -> memref<128xi32, #tpu.memory_space<vmem>>
      %dma_wait3A_268 = arith.constant 0 : i32
      %dma_wait3A_269 = arith.constant 0 : i32
      %dma_wait3A_270 = tpu.memref_slice %arg2[%dma_wait3A_268, %dma_wait3A_269] : memref<10240x128xf32, #tpu.memory_space<hbm>> -> memref<10240x128xf32, #tpu.memory_space<hbm>>
      tpu.wait_indirect_dma semaphore(%arg11 : memref<!tpu.dma_semaphore, #tpu.memory_space<semaphore_mem>>) src(%dma_wait3A_270 : memref<10240x128xf32, #tpu.memory_space<hbm>>) dst(%arg8 : memref<128x128xf32, #tpu.memory_space<vmem>>)
      %dma_wait3A_271 = arith.constant 7 : i32
      %dma_wait3A_272 = arith.constant 0 : i32
      %dma_wait3A_273 = tpu.memref_slice %arg7[%dma_wait3A_271, %dma_wait3A_272] : memref<10x128xi32, #tpu.memory_space<vmem>> -> memref<1x128xi32, #tpu.memory_space<vmem>>
      %dma_wait3A_274 = tpu.memref_squeeze %dma_wait3A_273 : memref<1x128xi32, #tpu.memory_space<vmem>> -> memref<128xi32, #tpu.memory_space<vmem>>
      %dma_wait3A_275 = arith.constant 0 : i32
      %dma_wait3A_276 = arith.constant 0 : i32
      %dma_wait3A_277 = tpu.memref_slice %arg10[%dma_wait3A_275, %dma_wait3A_276] : memref<10240x128xf32, #tpu.memory_space<vmem_shared>> -> memref<10240x128xf32, #tpu.memory_space<vmem_shared>>
      tpu.wait_indirect_dma semaphore(%arg14 : memref<!tpu.dma_semaphore, #tpu.memory_space<semaphore_mem>>) src(%arg9 : memref<128x128xf32, #tpu.memory_space<vmem>>) dst(%dma_wait3A_277 : memref<10240x128xf32, #tpu.memory_space<vmem_shared>>)
      %dma_start3A_278 = arith.constant 9 : i32
      %dma_start3A_279 = arith.constant 0 : i32
      %dma_start3A_280 = tpu.memref_slice %arg6[%dma_start3A_278, %dma_start3A_279] : memref<10x128xi32, #tpu.memory_space<vmem>> -> memref<1x128xi32, #tpu.memory_space<vmem>>
      %dma_start3A_281 = tpu.memref_squeeze %dma_start3A_280 : memref<1x128xi32, #tpu.memory_space<vmem>> -> memref<128xi32, #tpu.memory_space<vmem>>
      %dma_start3A_282 = arith.constant 0 : i32
      %dma_start3A_283 = arith.constant 0 : i32
      %dma_start3A_284 = tpu.memref_slice %arg2[%dma_start3A_282, %dma_start3A_283] : memref<10240x128xf32, #tpu.memory_space<hbm>> -> memref<10240x128xf32, #tpu.memory_space<hbm>>
      tpu.enqueue_indirect_dma source(%dma_start3A_284 : memref<10240x128xf32, #tpu.memory_space<hbm>>) target(%arg9 : memref<128x128xf32, #tpu.memory_space<vmem>>) offsets(%dma_start3A_281 : memref<128xi32, #tpu.memory_space<vmem>>) semaphore(%arg12 : memref<!tpu.dma_semaphore, #tpu.memory_space<semaphore_mem>>)
      %dma_start3A_285 = arith.constant 8 : i32
      %dma_start3A_286 = arith.constant 0 : i32
      %dma_start3A_287 = tpu.memref_slice %arg7[%dma_start3A_285, %dma_start3A_286] : memref<10x128xi32, #tpu.memory_space<vmem>> -> memref<1x128xi32, #tpu.memory_space<vmem>>
      %dma_start3A_288 = tpu.memref_squeeze %dma_start3A_287 : memref<1x128xi32, #tpu.memory_space<vmem>> -> memref<128xi32, #tpu.memory_space<vmem>>
      %dma_start3A_289 = arith.constant 0 : i32
      %dma_start3A_290 = arith.constant 0 : i32
      %dma_start3A_291 = tpu.memref_slice %arg10[%dma_start3A_289, %dma_start3A_290] : memref<10240x128xf32, #tpu.memory_space<vmem_shared>> -> memref<10240x128xf32, #tpu.memory_space<vmem_shared>>
      tpu.enqueue_indirect_dma source(%arg8 : memref<128x128xf32, #tpu.memory_space<vmem>>) target(%dma_start3A_291 : memref<10240x128xf32, #tpu.memory_space<vmem_shared>>) offsets(%dma_start3A_288 : memref<128xi32, #tpu.memory_space<vmem>>) semaphore(%arg13 : memref<!tpu.dma_semaphore, #tpu.memory_space<semaphore_mem>>) {add = true}
      %dma_wait3A_292 = arith.constant 9 : i32
      %dma_wait3A_293 = arith.constant 0 : i32
      %dma_wait3A_294 = tpu.memref_slice %arg6[%dma_wait3A_292, %dma_wait3A_293] : memref<10x128xi32, #tpu.memory_space<vmem>> -> memref<1x128xi32, #tpu.memory_space<vmem>>
      %dma_wait3A_295 = tpu.memref_squeeze %dma_wait3A_294 : memref<1x128xi32, #tpu.memory_space<vmem>> -> memref<128xi32, #tpu.memory_space<vmem>>
      %dma_wait3A_296 = arith.constant 0 : i32
      %dma_wait3A_297 = arith.constant 0 : i32
      %dma_wait3A_298 = tpu.memref_slice %arg2[%dma_wait3A_296, %dma_wait3A_297] : memref<10240x128xf32, #tpu.memory_space<hbm>> -> memref<10240x128xf32, #tpu.memory_space<hbm>>
      tpu.wait_indirect_dma semaphore(%arg12 : memref<!tpu.dma_semaphore, #tpu.memory_space<semaphore_mem>>) src(%dma_wait3A_298 : memref<10240x128xf32, #tpu.memory_space<hbm>>) dst(%arg9 : memref<128x128xf32, #tpu.memory_space<vmem>>)
      %dma_wait3A_299 = arith.constant 8 : i32
      %dma_wait3A_300 = arith.constant 0 : i32
      %dma_wait3A_301 = tpu.memref_slice %arg7[%dma_wait3A_299, %dma_wait3A_300] : memref<10x128xi32, #tpu.memory_space<vmem>> -> memref<1x128xi32, #tpu.memory_space<vmem>>
      %dma_wait3A_302 = tpu.memref_squeeze %dma_wait3A_301 : memref<1x128xi32, #tpu.memory_space<vmem>> -> memref<128xi32, #tpu.memory_space<vmem>>
      %dma_wait3A_303 = arith.constant 0 : i32
      %dma_wait3A_304 = arith.constant 0 : i32
      %dma_wait3A_305 = tpu.memref_slice %arg10[%dma_wait3A_303, %dma_wait3A_304] : memref<10240x128xf32, #tpu.memory_space<vmem_shared>> -> memref<10240x128xf32, #tpu.memory_space<vmem_shared>>
      tpu.wait_indirect_dma semaphore(%arg13 : memref<!tpu.dma_semaphore, #tpu.memory_space<semaphore_mem>>) src(%arg8 : memref<128x128xf32, #tpu.memory_space<vmem>>) dst(%dma_wait3A_305 : memref<10240x128xf32, #tpu.memory_space<vmem_shared>>)
      %dma_start3A_306 = arith.constant 9 : i32
      %dma_start3A_307 = arith.constant 0 : i32
      %dma_start3A_308 = tpu.memref_slice %arg7[%dma_start3A_306, %dma_start3A_307] : memref<10x128xi32, #tpu.memory_space<vmem>> -> memref<1x128xi32, #tpu.memory_space<vmem>>
      %dma_start3A_309 = tpu.memref_squeeze %dma_start3A_308 : memref<1x128xi32, #tpu.memory_space<vmem>> -> memref<128xi32, #tpu.memory_space<vmem>>
      %dma_start3A_310 = arith.constant 0 : i32
      %dma_start3A_311 = arith.constant 0 : i32
      %dma_start3A_312 = tpu.memref_slice %arg10[%dma_start3A_310, %dma_start3A_311] : memref<10240x128xf32, #tpu.memory_space<vmem_shared>> -> memref<10240x128xf32, #tpu.memory_space<vmem_shared>>
      tpu.enqueue_indirect_dma source(%arg9 : memref<128x128xf32, #tpu.memory_space<vmem>>) target(%dma_start3A_312 : memref<10240x128xf32, #tpu.memory_space<vmem_shared>>) offsets(%dma_start3A_309 : memref<128xi32, #tpu.memory_space<vmem>>) semaphore(%arg14 : memref<!tpu.dma_semaphore, #tpu.memory_space<semaphore_mem>>) {add = true}
      %dma_wait3A_313 = arith.constant 9 : i32
      %dma_wait3A_314 = arith.constant 0 : i32
      %dma_wait3A_315 = tpu.memref_slice %arg7[%dma_wait3A_313, %dma_wait3A_314] : memref<10x128xi32, #tpu.memory_space<vmem>> -> memref<1x128xi32, #tpu.memory_space<vmem>>
      %dma_wait3A_316 = tpu.memref_squeeze %dma_wait3A_315 : memref<1x128xi32, #tpu.memory_space<vmem>> -> memref<128xi32, #tpu.memory_space<vmem>>
      %dma_wait3A_317 = arith.constant 0 : i32
      %dma_wait3A_318 = arith.constant 0 : i32
      %dma_wait3A_319 = tpu.memref_slice %arg10[%dma_wait3A_317, %dma_wait3A_318] : memref<10240x128xf32, #tpu.memory_space<vmem_shared>> -> memref<10240x128xf32, #tpu.memory_space<vmem_shared>>
      tpu.wait_indirect_dma semaphore(%arg14 : memref<!tpu.dma_semaphore, #tpu.memory_space<semaphore_mem>>) src(%arg9 : memref<128x128xf32, #tpu.memory_space<vmem>>) dst(%dma_wait3A_319 : memref<10240x128xf32, #tpu.memory_space<vmem_shared>>)
      %scan3A_320 = arith.constant 0 : i32
      scf.yield %scan3A_320 : i32
    }
    %scan3A_34 = arith.constant 8 : i32
    %barrier3A_35 = arith.constant 0 : index
    tpu.barrier barrier_id(%barrier3A_35)
    %mul3A_36 = arith.constant 640 : i32
    %mul3A_37 = arith.muli %arg1, %mul3A_36 : i32
    %mul3A_38 = arith.constant 640 : i32
    %mul3A_39 = arith.muli %arg1, %mul3A_38 : i32
    "tpu.region"() ({
      %run_scoped3A = tpu.sem_alloc : memref<!tpu.dma_semaphore, #tpu.memory_space<semaphore_mem>>
      %dma_start3A = arith.constant 0 : i32
      %dma_start3A_40 = tpu.memref_slice %arg5[%arg0, %mul3A_39, %dma_start3A] : memref<2x10240x128xf32, #tpu.memory_space<hbm>> -> memref<1x640x128xf32, #tpu.memory_space<hbm>>
      %dma_start3A_41 = tpu.memref_squeeze %dma_start3A_40 : memref<1x640x128xf32, #tpu.memory_space<hbm>> -> memref<640x128xf32, #tpu.memory_space<hbm>>
      %dma_start3A_42 = arith.constant 0 : i32
      %dma_start3A_43 = tpu.memref_slice %arg10[%mul3A_37, %dma_start3A_42] : memref<10240x128xf32, #tpu.memory_space<vmem_shared>> -> memref<640x128xf32, #tpu.memory_space<vmem_shared>>
      tpu.enqueue_dma source(%dma_start3A_43 : memref<640x128xf32, #tpu.memory_space<vmem_shared>>) target(%dma_start3A_41 : memref<640x128xf32, #tpu.memory_space<hbm>>) target_semaphore(%run_scoped3A : memref<!tpu.dma_semaphore, #tpu.memory_space<semaphore_mem>>)
      %dma_wait3A = arith.constant 0 : i32
      %dma_wait3A_44 = tpu.memref_slice %arg5[%arg0, %mul3A_39, %dma_wait3A] : memref<2x10240x128xf32, #tpu.memory_space<hbm>> -> memref<1x640x128xf32, #tpu.memory_space<hbm>>
      %dma_wait3A_45 = tpu.memref_squeeze %dma_wait3A_44 : memref<1x640x128xf32, #tpu.memory_space<hbm>> -> memref<640x128xf32, #tpu.memory_space<hbm>>
      %dma_wait3A_46 = arith.constant 0 : i32
      %dma_wait3A_47 = tpu.memref_slice %arg10[%mul3A_37, %dma_wait3A_46] : memref<10240x128xf32, #tpu.memory_space<vmem_shared>> -> memref<640x128xf32, #tpu.memory_space<vmem_shared>>
      tpu.wait_dma2 semaphore(%run_scoped3A : memref<!tpu.dma_semaphore, #tpu.memory_space<semaphore_mem>>) src(%dma_wait3A_47 : memref<640x128xf32, #tpu.memory_space<vmem_shared>>) dst(%dma_wait3A_45 : memref<640x128xf32, #tpu.memory_space<hbm>>)
      tpu.yield
    }) : () -> ()
    return
  }
}

#map = affine_map<(d0, d1) -> (0, 0)>
#map1 = affine_map<(d0, d1) -> (0, 0, 0)>
module attributes {stable_mosaic.version = 14 : i64} {
  func.func @_sc_decode(%arg0: i32, %arg1: i32, %arg2: memref<10240x64xf32, #tpu.memory_space<hbm>>, %arg3: memref<32x5x128xi32, #tpu.memory_space<hbm>>, %arg4: memref<32x5x128xi32, #tpu.memory_space<hbm>>, %arg5: memref<20480x64xf32, #tpu.memory_space<hbm>>, %arg6: memref<20480x64xf32, #tpu.memory_space<hbm>>, %arg7: memref<5x128xi32, #tpu.memory_space<vmem>>, %arg8: memref<5x128xi32, #tpu.memory_space<vmem>>, %arg9: memref<128x64xf32, #tpu.memory_space<vmem>>, %arg10: memref<128x64xf32, #tpu.memory_space<vmem>>, %arg11: memref<128x64xf32, #tpu.memory_space<vmem>>, %arg12: memref<128x64xf32, #tpu.memory_space<vmem>>, %arg13: memref<!tpu.dma_semaphore, #tpu.memory_space<semaphore_mem>>, %arg14: memref<!tpu.dma_semaphore, #tpu.memory_space<semaphore_mem>>, %arg15: memref<!tpu.dma_semaphore, #tpu.memory_space<semaphore_mem>>, %arg16: memref<!tpu.dma_semaphore, #tpu.memory_space<semaphore_mem>>, %arg17: memref<!tpu.dma_semaphore, #tpu.memory_space<semaphore_mem>>, %arg18: memref<!tpu.dma_semaphore, #tpu.memory_space<semaphore_mem>>, %arg19: memref<!tpu.dma_semaphore, #tpu.memory_space<semaphore_mem>>, %arg20: memref<!tpu.dma_semaphore, #tpu.memory_space<semaphore_mem>>) attributes {dimension_semantics = [#tpu.dimension_semantics<core_parallel>, #tpu.dimension_semantics<subcore_parallel>], iteration_bounds = array<i64: 2, 16>, scalar_prefetch = 0 : i64, scratch_operands = 14 : i64, tpu.core_type = #tpu.core_type<sc_vector_subcore>, window_params = [{transform_indices = #map}, {transform_indices = #map1}, {transform_indices = #map1}, {transform_indices = #map}, {transform_indices = #map}]} {
    %mul3A = arith.constant 2 : i32
    %mul3A_0 = arith.muli %arg1, %mul3A : i32
    %add3A = arith.addi %mul3A_0, %arg0 : i32
    "tpu.region"() ({
      %run_scoped3A = tpu.sem_alloc : memref<!tpu.dma_semaphore, #tpu.memory_space<semaphore_mem>>
      %dma_start3A_239 = arith.constant 0 : i32
      %dma_start3A_240 = arith.constant 0 : i32
      %dma_start3A_241 = tpu.memref_slice %arg3[%add3A, %dma_start3A_239, %dma_start3A_240] : memref<32x5x128xi32, #tpu.memory_space<hbm>> -> memref<1x5x128xi32, #tpu.memory_space<hbm>>
      %dma_start3A_242 = tpu.memref_squeeze %dma_start3A_241 : memref<1x5x128xi32, #tpu.memory_space<hbm>> -> memref<5x128xi32, #tpu.memory_space<hbm>>
      %dma_start3A_243 = arith.constant 0 : i32
      %dma_start3A_244 = arith.constant 0 : i32
      %dma_start3A_245 = tpu.memref_slice %arg3[%add3A, %dma_start3A_243, %dma_start3A_244] : memref<32x5x128xi32, #tpu.memory_space<hbm>> -> memref<1x5x128xi32, #tpu.memory_space<hbm>>
      %dma_start3A_246 = tpu.memref_squeeze %dma_start3A_245 : memref<1x5x128xi32, #tpu.memory_space<hbm>> -> memref<5x128xi32, #tpu.memory_space<hbm>>
      tpu.enqueue_dma source(%dma_start3A_246 : memref<5x128xi32, #tpu.memory_space<hbm>>) target(%arg7 : memref<5x128xi32, #tpu.memory_space<vmem>>) target_semaphore(%run_scoped3A : memref<!tpu.dma_semaphore, #tpu.memory_space<semaphore_mem>>)
      %dma_wait3A_247 = arith.constant 0 : i32
      %dma_wait3A_248 = arith.constant 0 : i32
      %dma_wait3A_249 = tpu.memref_slice %arg3[%add3A, %dma_wait3A_247, %dma_wait3A_248] : memref<32x5x128xi32, #tpu.memory_space<hbm>> -> memref<1x5x128xi32, #tpu.memory_space<hbm>>
      %dma_wait3A_250 = tpu.memref_squeeze %dma_wait3A_249 : memref<1x5x128xi32, #tpu.memory_space<hbm>> -> memref<5x128xi32, #tpu.memory_space<hbm>>
      %dma_wait3A_251 = arith.constant 0 : i32
      %dma_wait3A_252 = arith.constant 0 : i32
      %dma_wait3A_253 = tpu.memref_slice %arg3[%add3A, %dma_wait3A_251, %dma_wait3A_252] : memref<32x5x128xi32, #tpu.memory_space<hbm>> -> memref<1x5x128xi32, #tpu.memory_space<hbm>>
      %dma_wait3A_254 = tpu.memref_squeeze %dma_wait3A_253 : memref<1x5x128xi32, #tpu.memory_space<hbm>> -> memref<5x128xi32, #tpu.memory_space<hbm>>
      tpu.wait_dma2 semaphore(%run_scoped3A : memref<!tpu.dma_semaphore, #tpu.memory_space<semaphore_mem>>) src(%dma_wait3A_254 : memref<5x128xi32, #tpu.memory_space<hbm>>) dst(%arg7 : memref<5x128xi32, #tpu.memory_space<vmem>>)
      tpu.yield
    }) : () -> ()
    "tpu.region"() ({
      %run_scoped3A = tpu.sem_alloc : memref<!tpu.dma_semaphore, #tpu.memory_space<semaphore_mem>>
      %dma_start3A_239 = arith.constant 0 : i32
      %dma_start3A_240 = arith.constant 0 : i32
      %dma_start3A_241 = tpu.memref_slice %arg4[%add3A, %dma_start3A_239, %dma_start3A_240] : memref<32x5x128xi32, #tpu.memory_space<hbm>> -> memref<1x5x128xi32, #tpu.memory_space<hbm>>
      %dma_start3A_242 = tpu.memref_squeeze %dma_start3A_241 : memref<1x5x128xi32, #tpu.memory_space<hbm>> -> memref<5x128xi32, #tpu.memory_space<hbm>>
      %dma_start3A_243 = arith.constant 0 : i32
      %dma_start3A_244 = arith.constant 0 : i32
      %dma_start3A_245 = tpu.memref_slice %arg4[%add3A, %dma_start3A_243, %dma_start3A_244] : memref<32x5x128xi32, #tpu.memory_space<hbm>> -> memref<1x5x128xi32, #tpu.memory_space<hbm>>
      %dma_start3A_246 = tpu.memref_squeeze %dma_start3A_245 : memref<1x5x128xi32, #tpu.memory_space<hbm>> -> memref<5x128xi32, #tpu.memory_space<hbm>>
      tpu.enqueue_dma source(%dma_start3A_246 : memref<5x128xi32, #tpu.memory_space<hbm>>) target(%arg8 : memref<5x128xi32, #tpu.memory_space<vmem>>) target_semaphore(%run_scoped3A : memref<!tpu.dma_semaphore, #tpu.memory_space<semaphore_mem>>)
      %dma_wait3A_247 = arith.constant 0 : i32
      %dma_wait3A_248 = arith.constant 0 : i32
      %dma_wait3A_249 = tpu.memref_slice %arg4[%add3A, %dma_wait3A_247, %dma_wait3A_248] : memref<32x5x128xi32, #tpu.memory_space<hbm>> -> memref<1x5x128xi32, #tpu.memory_space<hbm>>
      %dma_wait3A_250 = tpu.memref_squeeze %dma_wait3A_249 : memref<1x5x128xi32, #tpu.memory_space<hbm>> -> memref<5x128xi32, #tpu.memory_space<hbm>>
      %dma_wait3A_251 = arith.constant 0 : i32
      %dma_wait3A_252 = arith.constant 0 : i32
      %dma_wait3A_253 = tpu.memref_slice %arg4[%add3A, %dma_wait3A_251, %dma_wait3A_252] : memref<32x5x128xi32, #tpu.memory_space<hbm>> -> memref<1x5x128xi32, #tpu.memory_space<hbm>>
      %dma_wait3A_254 = tpu.memref_squeeze %dma_wait3A_253 : memref<1x5x128xi32, #tpu.memory_space<hbm>> -> memref<5x128xi32, #tpu.memory_space<hbm>>
      tpu.wait_dma2 semaphore(%run_scoped3A : memref<!tpu.dma_semaphore, #tpu.memory_space<semaphore_mem>>) src(%dma_wait3A_254 : memref<5x128xi32, #tpu.memory_space<hbm>>) dst(%arg8 : memref<5x128xi32, #tpu.memory_space<vmem>>)
      tpu.yield
    }) : () -> ()
    %dma_start3A = arith.constant 0 : i32
    %dma_start3A_1 = arith.constant 0 : i32
    %dma_start3A_2 = tpu.memref_slice %arg7[%dma_start3A, %dma_start3A_1] : memref<5x128xi32, #tpu.memory_space<vmem>> -> memref<1x128xi32, #tpu.memory_space<vmem>>
    %dma_start3A_3 = tpu.memref_squeeze %dma_start3A_2 : memref<1x128xi32, #tpu.memory_space<vmem>> -> memref<128xi32, #tpu.memory_space<vmem>>
    %dma_start3A_4 = arith.constant 0 : i32
    %dma_start3A_5 = arith.constant 0 : i32
    %dma_start3A_6 = tpu.memref_slice %arg2[%dma_start3A_4, %dma_start3A_5] : memref<10240x64xf32, #tpu.memory_space<hbm>> -> memref<10240x64xf32, #tpu.memory_space<hbm>>
    tpu.enqueue_indirect_dma source(%dma_start3A_6 : memref<10240x64xf32, #tpu.memory_space<hbm>>) target(%arg9 : memref<128x64xf32, #tpu.memory_space<vmem>>) offsets(%dma_start3A_3 : memref<128xi32, #tpu.memory_space<vmem>>) semaphore(%arg13 : memref<!tpu.dma_semaphore, #tpu.memory_space<semaphore_mem>>)
    %dma_start3A_7 = arith.constant 0 : i32
    %dma_start3A_8 = arith.constant 0 : i32
    %dma_start3A_9 = tpu.memref_slice %arg8[%dma_start3A_7, %dma_start3A_8] : memref<5x128xi32, #tpu.memory_space<vmem>> -> memref<1x128xi32, #tpu.memory_space<vmem>>
    %dma_start3A_10 = tpu.memref_squeeze %dma_start3A_9 : memref<1x128xi32, #tpu.memory_space<vmem>> -> memref<128xi32, #tpu.memory_space<vmem>>
    %dma_start3A_11 = arith.constant 0 : i32
    %dma_start3A_12 = arith.constant 0 : i32
    %dma_start3A_13 = tpu.memref_slice %arg2[%dma_start3A_11, %dma_start3A_12] : memref<10240x64xf32, #tpu.memory_space<hbm>> -> memref<10240x64xf32, #tpu.memory_space<hbm>>
    tpu.enqueue_indirect_dma source(%dma_start3A_13 : memref<10240x64xf32, #tpu.memory_space<hbm>>) target(%arg10 : memref<128x64xf32, #tpu.memory_space<vmem>>) offsets(%dma_start3A_10 : memref<128xi32, #tpu.memory_space<vmem>>) semaphore(%arg14 : memref<!tpu.dma_semaphore, #tpu.memory_space<semaphore_mem>>)
    %dma_start3A_14 = arith.constant 1 : i32
    %dma_start3A_15 = arith.constant 0 : i32
    %dma_start3A_16 = tpu.memref_slice %arg7[%dma_start3A_14, %dma_start3A_15] : memref<5x128xi32, #tpu.memory_space<vmem>> -> memref<1x128xi32, #tpu.memory_space<vmem>>
    %dma_start3A_17 = tpu.memref_squeeze %dma_start3A_16 : memref<1x128xi32, #tpu.memory_space<vmem>> -> memref<128xi32, #tpu.memory_space<vmem>>
    %dma_start3A_18 = arith.constant 0 : i32
    %dma_start3A_19 = arith.constant 0 : i32
    %dma_start3A_20 = tpu.memref_slice %arg2[%dma_start3A_18, %dma_start3A_19] : memref<10240x64xf32, #tpu.memory_space<hbm>> -> memref<10240x64xf32, #tpu.memory_space<hbm>>
    tpu.enqueue_indirect_dma source(%dma_start3A_20 : memref<10240x64xf32, #tpu.memory_space<hbm>>) target(%arg11 : memref<128x64xf32, #tpu.memory_space<vmem>>) offsets(%dma_start3A_17 : memref<128xi32, #tpu.memory_space<vmem>>) semaphore(%arg15 : memref<!tpu.dma_semaphore, #tpu.memory_space<semaphore_mem>>)
    %dma_start3A_21 = arith.constant 1 : i32
    %dma_start3A_22 = arith.constant 0 : i32
    %dma_start3A_23 = tpu.memref_slice %arg8[%dma_start3A_21, %dma_start3A_22] : memref<5x128xi32, #tpu.memory_space<vmem>> -> memref<1x128xi32, #tpu.memory_space<vmem>>
    %dma_start3A_24 = tpu.memref_squeeze %dma_start3A_23 : memref<1x128xi32, #tpu.memory_space<vmem>> -> memref<128xi32, #tpu.memory_space<vmem>>
    %dma_start3A_25 = arith.constant 0 : i32
    %dma_start3A_26 = arith.constant 0 : i32
    %dma_start3A_27 = tpu.memref_slice %arg2[%dma_start3A_25, %dma_start3A_26] : memref<10240x64xf32, #tpu.memory_space<hbm>> -> memref<10240x64xf32, #tpu.memory_space<hbm>>
    tpu.enqueue_indirect_dma source(%dma_start3A_27 : memref<10240x64xf32, #tpu.memory_space<hbm>>) target(%arg12 : memref<128x64xf32, #tpu.memory_space<vmem>>) offsets(%dma_start3A_24 : memref<128xi32, #tpu.memory_space<vmem>>) semaphore(%arg16 : memref<!tpu.dma_semaphore, #tpu.memory_space<semaphore_mem>>)
    %mul3A_28 = arith.constant 640 : i32
    %mul3A_29 = arith.muli %add3A, %mul3A_28 : i32
    %add3A_30 = arith.constant 0 : i32
    %add3A_31 = arith.addi %mul3A_29, %add3A_30 : i32
    %dma_wait3A = arith.constant 0 : i32
    %dma_wait3A_32 = arith.constant 0 : i32
    %dma_wait3A_33 = tpu.memref_slice %arg7[%dma_wait3A, %dma_wait3A_32] : memref<5x128xi32, #tpu.memory_space<vmem>> -> memref<1x128xi32, #tpu.memory_space<vmem>>
    %dma_wait3A_34 = tpu.memref_squeeze %dma_wait3A_33 : memref<1x128xi32, #tpu.memory_space<vmem>> -> memref<128xi32, #tpu.memory_space<vmem>>
    %dma_wait3A_35 = arith.constant 0 : i32
    %dma_wait3A_36 = arith.constant 0 : i32
    %dma_wait3A_37 = tpu.memref_slice %arg2[%dma_wait3A_35, %dma_wait3A_36] : memref<10240x64xf32, #tpu.memory_space<hbm>> -> memref<10240x64xf32, #tpu.memory_space<hbm>>
    tpu.wait_indirect_dma semaphore(%arg13 : memref<!tpu.dma_semaphore, #tpu.memory_space<semaphore_mem>>) src(%dma_wait3A_37 : memref<10240x64xf32, #tpu.memory_space<hbm>>) dst(%arg9 : memref<128x64xf32, #tpu.memory_space<vmem>>)
    %dma_wait3A_38 = arith.constant 0 : i32
    %dma_wait3A_39 = arith.constant 0 : i32
    %dma_wait3A_40 = tpu.memref_slice %arg8[%dma_wait3A_38, %dma_wait3A_39] : memref<5x128xi32, #tpu.memory_space<vmem>> -> memref<1x128xi32, #tpu.memory_space<vmem>>
    %dma_wait3A_41 = tpu.memref_squeeze %dma_wait3A_40 : memref<1x128xi32, #tpu.memory_space<vmem>> -> memref<128xi32, #tpu.memory_space<vmem>>
    %dma_wait3A_42 = arith.constant 0 : i32
    %dma_wait3A_43 = arith.constant 0 : i32
    %dma_wait3A_44 = tpu.memref_slice %arg2[%dma_wait3A_42, %dma_wait3A_43] : memref<10240x64xf32, #tpu.memory_space<hbm>> -> memref<10240x64xf32, #tpu.memory_space<hbm>>
    tpu.wait_indirect_dma semaphore(%arg14 : memref<!tpu.dma_semaphore, #tpu.memory_space<semaphore_mem>>) src(%dma_wait3A_44 : memref<10240x64xf32, #tpu.memory_space<hbm>>) dst(%arg10 : memref<128x64xf32, #tpu.memory_space<vmem>>)
    %dma_start3A_45 = arith.constant 0 : i32
    %dma_start3A_46 = tpu.memref_slice %arg5[%add3A_31, %dma_start3A_45] : memref<20480x64xf32, #tpu.memory_space<hbm>> -> memref<128x64xf32, #tpu.memory_space<hbm>>
    %dma_start3A_47 = arith.constant 0 : i32
    %dma_start3A_48 = tpu.memref_slice %arg5[%add3A_31, %dma_start3A_47] : memref<20480x64xf32, #tpu.memory_space<hbm>> -> memref<128x64xf32, #tpu.memory_space<hbm>>
    tpu.enqueue_dma source(%arg9 : memref<128x64xf32, #tpu.memory_space<vmem>>) target(%dma_start3A_48 : memref<128x64xf32, #tpu.memory_space<hbm>>) target_semaphore(%arg17 : memref<!tpu.dma_semaphore, #tpu.memory_space<semaphore_mem>>)
    %dma_start3A_49 = arith.constant 0 : i32
    %dma_start3A_50 = tpu.memref_slice %arg6[%add3A_31, %dma_start3A_49] : memref<20480x64xf32, #tpu.memory_space<hbm>> -> memref<128x64xf32, #tpu.memory_space<hbm>>
    %dma_start3A_51 = arith.constant 0 : i32
    %dma_start3A_52 = tpu.memref_slice %arg6[%add3A_31, %dma_start3A_51] : memref<20480x64xf32, #tpu.memory_space<hbm>> -> memref<128x64xf32, #tpu.memory_space<hbm>>
    tpu.enqueue_dma source(%arg10 : memref<128x64xf32, #tpu.memory_space<vmem>>) target(%dma_start3A_52 : memref<128x64xf32, #tpu.memory_space<hbm>>) target_semaphore(%arg18 : memref<!tpu.dma_semaphore, #tpu.memory_space<semaphore_mem>>)
    %dma_wait3A_53 = arith.constant 0 : i32
    %dma_wait3A_54 = tpu.memref_slice %arg5[%add3A_31, %dma_wait3A_53] : memref<20480x64xf32, #tpu.memory_space<hbm>> -> memref<128x64xf32, #tpu.memory_space<hbm>>
    %dma_wait3A_55 = arith.constant 0 : i32
    %dma_wait3A_56 = tpu.memref_slice %arg5[%add3A_31, %dma_wait3A_55] : memref<20480x64xf32, #tpu.memory_space<hbm>> -> memref<128x64xf32, #tpu.memory_space<hbm>>
    tpu.wait_dma2 semaphore(%arg17 : memref<!tpu.dma_semaphore, #tpu.memory_space<semaphore_mem>>) src(%arg9 : memref<128x64xf32, #tpu.memory_space<vmem>>) dst(%dma_wait3A_56 : memref<128x64xf32, #tpu.memory_space<hbm>>)
    %dma_wait3A_57 = arith.constant 0 : i32
    %dma_wait3A_58 = tpu.memref_slice %arg6[%add3A_31, %dma_wait3A_57] : memref<20480x64xf32, #tpu.memory_space<hbm>> -> memref<128x64xf32, #tpu.memory_space<hbm>>
    %dma_wait3A_59 = arith.constant 0 : i32
    %dma_wait3A_60 = tpu.memref_slice %arg6[%add3A_31, %dma_wait3A_59] : memref<20480x64xf32, #tpu.memory_space<hbm>> -> memref<128x64xf32, #tpu.memory_space<hbm>>
    tpu.wait_dma2 semaphore(%arg18 : memref<!tpu.dma_semaphore, #tpu.memory_space<semaphore_mem>>) src(%arg10 : memref<128x64xf32, #tpu.memory_space<vmem>>) dst(%dma_wait3A_60 : memref<128x64xf32, #tpu.memory_space<hbm>>)
    %dma_start3A_61 = arith.constant 2 : i32
    %dma_start3A_62 = arith.constant 0 : i32
    %dma_start3A_63 = tpu.memref_slice %arg7[%dma_start3A_61, %dma_start3A_62] : memref<5x128xi32, #tpu.memory_space<vmem>> -> memref<1x128xi32, #tpu.memory_space<vmem>>
    %dma_start3A_64 = tpu.memref_squeeze %dma_start3A_63 : memref<1x128xi32, #tpu.memory_space<vmem>> -> memref<128xi32, #tpu.memory_space<vmem>>
    %dma_start3A_65 = arith.constant 0 : i32
    %dma_start3A_66 = arith.constant 0 : i32
    %dma_start3A_67 = tpu.memref_slice %arg2[%dma_start3A_65, %dma_start3A_66] : memref<10240x64xf32, #tpu.memory_space<hbm>> -> memref<10240x64xf32, #tpu.memory_space<hbm>>
    tpu.enqueue_indirect_dma source(%dma_start3A_67 : memref<10240x64xf32, #tpu.memory_space<hbm>>) target(%arg9 : memref<128x64xf32, #tpu.memory_space<vmem>>) offsets(%dma_start3A_64 : memref<128xi32, #tpu.memory_space<vmem>>) semaphore(%arg13 : memref<!tpu.dma_semaphore, #tpu.memory_space<semaphore_mem>>)
    %dma_start3A_68 = arith.constant 2 : i32
    %dma_start3A_69 = arith.constant 0 : i32
    %dma_start3A_70 = tpu.memref_slice %arg8[%dma_start3A_68, %dma_start3A_69] : memref<5x128xi32, #tpu.memory_space<vmem>> -> memref<1x128xi32, #tpu.memory_space<vmem>>
    %dma_start3A_71 = tpu.memref_squeeze %dma_start3A_70 : memref<1x128xi32, #tpu.memory_space<vmem>> -> memref<128xi32, #tpu.memory_space<vmem>>
    %dma_start3A_72 = arith.constant 0 : i32
    %dma_start3A_73 = arith.constant 0 : i32
    %dma_start3A_74 = tpu.memref_slice %arg2[%dma_start3A_72, %dma_start3A_73] : memref<10240x64xf32, #tpu.memory_space<hbm>> -> memref<10240x64xf32, #tpu.memory_space<hbm>>
    tpu.enqueue_indirect_dma source(%dma_start3A_74 : memref<10240x64xf32, #tpu.memory_space<hbm>>) target(%arg10 : memref<128x64xf32, #tpu.memory_space<vmem>>) offsets(%dma_start3A_71 : memref<128xi32, #tpu.memory_space<vmem>>) semaphore(%arg14 : memref<!tpu.dma_semaphore, #tpu.memory_space<semaphore_mem>>)
    %mul3A_75 = arith.constant 640 : i32
    %mul3A_76 = arith.muli %add3A, %mul3A_75 : i32
    %add3A_77 = arith.constant 128 : i32
    %add3A_78 = arith.addi %mul3A_76, %add3A_77 : i32
    %dma_wait3A_79 = arith.constant 1 : i32
    %dma_wait3A_80 = arith.constant 0 : i32
    %dma_wait3A_81 = tpu.memref_slice %arg7[%dma_wait3A_79, %dma_wait3A_80] : memref<5x128xi32, #tpu.memory_space<vmem>> -> memref<1x128xi32, #tpu.memory_space<vmem>>
    %dma_wait3A_82 = tpu.memref_squeeze %dma_wait3A_81 : memref<1x128xi32, #tpu.memory_space<vmem>> -> memref<128xi32, #tpu.memory_space<vmem>>
    %dma_wait3A_83 = arith.constant 0 : i32
    %dma_wait3A_84 = arith.constant 0 : i32
    %dma_wait3A_85 = tpu.memref_slice %arg2[%dma_wait3A_83, %dma_wait3A_84] : memref<10240x64xf32, #tpu.memory_space<hbm>> -> memref<10240x64xf32, #tpu.memory_space<hbm>>
    tpu.wait_indirect_dma semaphore(%arg15 : memref<!tpu.dma_semaphore, #tpu.memory_space<semaphore_mem>>) src(%dma_wait3A_85 : memref<10240x64xf32, #tpu.memory_space<hbm>>) dst(%arg11 : memref<128x64xf32, #tpu.memory_space<vmem>>)
    %dma_wait3A_86 = arith.constant 1 : i32
    %dma_wait3A_87 = arith.constant 0 : i32
    %dma_wait3A_88 = tpu.memref_slice %arg8[%dma_wait3A_86, %dma_wait3A_87] : memref<5x128xi32, #tpu.memory_space<vmem>> -> memref<1x128xi32, #tpu.memory_space<vmem>>
    %dma_wait3A_89 = tpu.memref_squeeze %dma_wait3A_88 : memref<1x128xi32, #tpu.memory_space<vmem>> -> memref<128xi32, #tpu.memory_space<vmem>>
    %dma_wait3A_90 = arith.constant 0 : i32
    %dma_wait3A_91 = arith.constant 0 : i32
    %dma_wait3A_92 = tpu.memref_slice %arg2[%dma_wait3A_90, %dma_wait3A_91] : memref<10240x64xf32, #tpu.memory_space<hbm>> -> memref<10240x64xf32, #tpu.memory_space<hbm>>
    tpu.wait_indirect_dma semaphore(%arg16 : memref<!tpu.dma_semaphore, #tpu.memory_space<semaphore_mem>>) src(%dma_wait3A_92 : memref<10240x64xf32, #tpu.memory_space<hbm>>) dst(%arg12 : memref<128x64xf32, #tpu.memory_space<vmem>>)
    %dma_start3A_93 = arith.constant 0 : i32
    %dma_start3A_94 = tpu.memref_slice %arg5[%add3A_78, %dma_start3A_93] : memref<20480x64xf32, #tpu.memory_space<hbm>> -> memref<128x64xf32, #tpu.memory_space<hbm>>
    %dma_start3A_95 = arith.constant 0 : i32
    %dma_start3A_96 = tpu.memref_slice %arg5[%add3A_78, %dma_start3A_95] : memref<20480x64xf32, #tpu.memory_space<hbm>> -> memref<128x64xf32, #tpu.memory_space<hbm>>
    tpu.enqueue_dma source(%arg11 : memref<128x64xf32, #tpu.memory_space<vmem>>) target(%dma_start3A_96 : memref<128x64xf32, #tpu.memory_space<hbm>>) target_semaphore(%arg19 : memref<!tpu.dma_semaphore, #tpu.memory_space<semaphore_mem>>)
    %dma_start3A_97 = arith.constant 0 : i32
    %dma_start3A_98 = tpu.memref_slice %arg6[%add3A_78, %dma_start3A_97] : memref<20480x64xf32, #tpu.memory_space<hbm>> -> memref<128x64xf32, #tpu.memory_space<hbm>>
    %dma_start3A_99 = arith.constant 0 : i32
    %dma_start3A_100 = tpu.memref_slice %arg6[%add3A_78, %dma_start3A_99] : memref<20480x64xf32, #tpu.memory_space<hbm>> -> memref<128x64xf32, #tpu.memory_space<hbm>>
    tpu.enqueue_dma source(%arg12 : memref<128x64xf32, #tpu.memory_space<vmem>>) target(%dma_start3A_100 : memref<128x64xf32, #tpu.memory_space<hbm>>) target_semaphore(%arg20 : memref<!tpu.dma_semaphore, #tpu.memory_space<semaphore_mem>>)
    %dma_wait3A_101 = arith.constant 0 : i32
    %dma_wait3A_102 = tpu.memref_slice %arg5[%add3A_78, %dma_wait3A_101] : memref<20480x64xf32, #tpu.memory_space<hbm>> -> memref<128x64xf32, #tpu.memory_space<hbm>>
    %dma_wait3A_103 = arith.constant 0 : i32
    %dma_wait3A_104 = tpu.memref_slice %arg5[%add3A_78, %dma_wait3A_103] : memref<20480x64xf32, #tpu.memory_space<hbm>> -> memref<128x64xf32, #tpu.memory_space<hbm>>
    tpu.wait_dma2 semaphore(%arg19 : memref<!tpu.dma_semaphore, #tpu.memory_space<semaphore_mem>>) src(%arg11 : memref<128x64xf32, #tpu.memory_space<vmem>>) dst(%dma_wait3A_104 : memref<128x64xf32, #tpu.memory_space<hbm>>)
    %dma_wait3A_105 = arith.constant 0 : i32
    %dma_wait3A_106 = tpu.memref_slice %arg6[%add3A_78, %dma_wait3A_105] : memref<20480x64xf32, #tpu.memory_space<hbm>> -> memref<128x64xf32, #tpu.memory_space<hbm>>
    %dma_wait3A_107 = arith.constant 0 : i32
    %dma_wait3A_108 = tpu.memref_slice %arg6[%add3A_78, %dma_wait3A_107] : memref<20480x64xf32, #tpu.memory_space<hbm>> -> memref<128x64xf32, #tpu.memory_space<hbm>>
    tpu.wait_dma2 semaphore(%arg20 : memref<!tpu.dma_semaphore, #tpu.memory_space<semaphore_mem>>) src(%arg12 : memref<128x64xf32, #tpu.memory_space<vmem>>) dst(%dma_wait3A_108 : memref<128x64xf32, #tpu.memory_space<hbm>>)
    %dma_start3A_109 = arith.constant 3 : i32
    %dma_start3A_110 = arith.constant 0 : i32
    %dma_start3A_111 = tpu.memref_slice %arg7[%dma_start3A_109, %dma_start3A_110] : memref<5x128xi32, #tpu.memory_space<vmem>> -> memref<1x128xi32, #tpu.memory_space<vmem>>
    %dma_start3A_112 = tpu.memref_squeeze %dma_start3A_111 : memref<1x128xi32, #tpu.memory_space<vmem>> -> memref<128xi32, #tpu.memory_space<vmem>>
    %dma_start3A_113 = arith.constant 0 : i32
    %dma_start3A_114 = arith.constant 0 : i32
    %dma_start3A_115 = tpu.memref_slice %arg2[%dma_start3A_113, %dma_start3A_114] : memref<10240x64xf32, #tpu.memory_space<hbm>> -> memref<10240x64xf32, #tpu.memory_space<hbm>>
    tpu.enqueue_indirect_dma source(%dma_start3A_115 : memref<10240x64xf32, #tpu.memory_space<hbm>>) target(%arg11 : memref<128x64xf32, #tpu.memory_space<vmem>>) offsets(%dma_start3A_112 : memref<128xi32, #tpu.memory_space<vmem>>) semaphore(%arg15 : memref<!tpu.dma_semaphore, #tpu.memory_space<semaphore_mem>>)
    %dma_start3A_116 = arith.constant 3 : i32
    %dma_start3A_117 = arith.constant 0 : i32
    %dma_start3A_118 = tpu.memref_slice %arg8[%dma_start3A_116, %dma_start3A_117] : memref<5x128xi32, #tpu.memory_space<vmem>> -> memref<1x128xi32, #tpu.memory_space<vmem>>
    %dma_start3A_119 = tpu.memref_squeeze %dma_start3A_118 : memref<1x128xi32, #tpu.memory_space<vmem>> -> memref<128xi32, #tpu.memory_space<vmem>>
    %dma_start3A_120 = arith.constant 0 : i32
    %dma_start3A_121 = arith.constant 0 : i32
    %dma_start3A_122 = tpu.memref_slice %arg2[%dma_start3A_120, %dma_start3A_121] : memref<10240x64xf32, #tpu.memory_space<hbm>> -> memref<10240x64xf32, #tpu.memory_space<hbm>>
    tpu.enqueue_indirect_dma source(%dma_start3A_122 : memref<10240x64xf32, #tpu.memory_space<hbm>>) target(%arg12 : memref<128x64xf32, #tpu.memory_space<vmem>>) offsets(%dma_start3A_119 : memref<128xi32, #tpu.memory_space<vmem>>) semaphore(%arg16 : memref<!tpu.dma_semaphore, #tpu.memory_space<semaphore_mem>>)
    %mul3A_123 = arith.constant 640 : i32
    %mul3A_124 = arith.muli %add3A, %mul3A_123 : i32
    %add3A_125 = arith.constant 256 : i32
    %add3A_126 = arith.addi %mul3A_124, %add3A_125 : i32
    %dma_wait3A_127 = arith.constant 2 : i32
    %dma_wait3A_128 = arith.constant 0 : i32
    %dma_wait3A_129 = tpu.memref_slice %arg7[%dma_wait3A_127, %dma_wait3A_128] : memref<5x128xi32, #tpu.memory_space<vmem>> -> memref<1x128xi32, #tpu.memory_space<vmem>>
    %dma_wait3A_130 = tpu.memref_squeeze %dma_wait3A_129 : memref<1x128xi32, #tpu.memory_space<vmem>> -> memref<128xi32, #tpu.memory_space<vmem>>
    %dma_wait3A_131 = arith.constant 0 : i32
    %dma_wait3A_132 = arith.constant 0 : i32
    %dma_wait3A_133 = tpu.memref_slice %arg2[%dma_wait3A_131, %dma_wait3A_132] : memref<10240x64xf32, #tpu.memory_space<hbm>> -> memref<10240x64xf32, #tpu.memory_space<hbm>>
    tpu.wait_indirect_dma semaphore(%arg13 : memref<!tpu.dma_semaphore, #tpu.memory_space<semaphore_mem>>) src(%dma_wait3A_133 : memref<10240x64xf32, #tpu.memory_space<hbm>>) dst(%arg9 : memref<128x64xf32, #tpu.memory_space<vmem>>)
    %dma_wait3A_134 = arith.constant 2 : i32
    %dma_wait3A_135 = arith.constant 0 : i32
    %dma_wait3A_136 = tpu.memref_slice %arg8[%dma_wait3A_134, %dma_wait3A_135] : memref<5x128xi32, #tpu.memory_space<vmem>> -> memref<1x128xi32, #tpu.memory_space<vmem>>
    %dma_wait3A_137 = tpu.memref_squeeze %dma_wait3A_136 : memref<1x128xi32, #tpu.memory_space<vmem>> -> memref<128xi32, #tpu.memory_space<vmem>>
    %dma_wait3A_138 = arith.constant 0 : i32
    %dma_wait3A_139 = arith.constant 0 : i32
    %dma_wait3A_140 = tpu.memref_slice %arg2[%dma_wait3A_138, %dma_wait3A_139] : memref<10240x64xf32, #tpu.memory_space<hbm>> -> memref<10240x64xf32, #tpu.memory_space<hbm>>
    tpu.wait_indirect_dma semaphore(%arg14 : memref<!tpu.dma_semaphore, #tpu.memory_space<semaphore_mem>>) src(%dma_wait3A_140 : memref<10240x64xf32, #tpu.memory_space<hbm>>) dst(%arg10 : memref<128x64xf32, #tpu.memory_space<vmem>>)
    %dma_start3A_141 = arith.constant 0 : i32
    %dma_start3A_142 = tpu.memref_slice %arg5[%add3A_126, %dma_start3A_141] : memref<20480x64xf32, #tpu.memory_space<hbm>> -> memref<128x64xf32, #tpu.memory_space<hbm>>
    %dma_start3A_143 = arith.constant 0 : i32
    %dma_start3A_144 = tpu.memref_slice %arg5[%add3A_126, %dma_start3A_143] : memref<20480x64xf32, #tpu.memory_space<hbm>> -> memref<128x64xf32, #tpu.memory_space<hbm>>
    tpu.enqueue_dma source(%arg9 : memref<128x64xf32, #tpu.memory_space<vmem>>) target(%dma_start3A_144 : memref<128x64xf32, #tpu.memory_space<hbm>>) target_semaphore(%arg17 : memref<!tpu.dma_semaphore, #tpu.memory_space<semaphore_mem>>)
    %dma_start3A_145 = arith.constant 0 : i32
    %dma_start3A_146 = tpu.memref_slice %arg6[%add3A_126, %dma_start3A_145] : memref<20480x64xf32, #tpu.memory_space<hbm>> -> memref<128x64xf32, #tpu.memory_space<hbm>>
    %dma_start3A_147 = arith.constant 0 : i32
    %dma_start3A_148 = tpu.memref_slice %arg6[%add3A_126, %dma_start3A_147] : memref<20480x64xf32, #tpu.memory_space<hbm>> -> memref<128x64xf32, #tpu.memory_space<hbm>>
    tpu.enqueue_dma source(%arg10 : memref<128x64xf32, #tpu.memory_space<vmem>>) target(%dma_start3A_148 : memref<128x64xf32, #tpu.memory_space<hbm>>) target_semaphore(%arg18 : memref<!tpu.dma_semaphore, #tpu.memory_space<semaphore_mem>>)
    %dma_wait3A_149 = arith.constant 0 : i32
    %dma_wait3A_150 = tpu.memref_slice %arg5[%add3A_126, %dma_wait3A_149] : memref<20480x64xf32, #tpu.memory_space<hbm>> -> memref<128x64xf32, #tpu.memory_space<hbm>>
    %dma_wait3A_151 = arith.constant 0 : i32
    %dma_wait3A_152 = tpu.memref_slice %arg5[%add3A_126, %dma_wait3A_151] : memref<20480x64xf32, #tpu.memory_space<hbm>> -> memref<128x64xf32, #tpu.memory_space<hbm>>
    tpu.wait_dma2 semaphore(%arg17 : memref<!tpu.dma_semaphore, #tpu.memory_space<semaphore_mem>>) src(%arg9 : memref<128x64xf32, #tpu.memory_space<vmem>>) dst(%dma_wait3A_152 : memref<128x64xf32, #tpu.memory_space<hbm>>)
    %dma_wait3A_153 = arith.constant 0 : i32
    %dma_wait3A_154 = tpu.memref_slice %arg6[%add3A_126, %dma_wait3A_153] : memref<20480x64xf32, #tpu.memory_space<hbm>> -> memref<128x64xf32, #tpu.memory_space<hbm>>
    %dma_wait3A_155 = arith.constant 0 : i32
    %dma_wait3A_156 = tpu.memref_slice %arg6[%add3A_126, %dma_wait3A_155] : memref<20480x64xf32, #tpu.memory_space<hbm>> -> memref<128x64xf32, #tpu.memory_space<hbm>>
    tpu.wait_dma2 semaphore(%arg18 : memref<!tpu.dma_semaphore, #tpu.memory_space<semaphore_mem>>) src(%arg10 : memref<128x64xf32, #tpu.memory_space<vmem>>) dst(%dma_wait3A_156 : memref<128x64xf32, #tpu.memory_space<hbm>>)
    %dma_start3A_157 = arith.constant 4 : i32
    %dma_start3A_158 = arith.constant 0 : i32
    %dma_start3A_159 = tpu.memref_slice %arg7[%dma_start3A_157, %dma_start3A_158] : memref<5x128xi32, #tpu.memory_space<vmem>> -> memref<1x128xi32, #tpu.memory_space<vmem>>
    %dma_start3A_160 = tpu.memref_squeeze %dma_start3A_159 : memref<1x128xi32, #tpu.memory_space<vmem>> -> memref<128xi32, #tpu.memory_space<vmem>>
    %dma_start3A_161 = arith.constant 0 : i32
    %dma_start3A_162 = arith.constant 0 : i32
    %dma_start3A_163 = tpu.memref_slice %arg2[%dma_start3A_161, %dma_start3A_162] : memref<10240x64xf32, #tpu.memory_space<hbm>> -> memref<10240x64xf32, #tpu.memory_space<hbm>>
    tpu.enqueue_indirect_dma source(%dma_start3A_163 : memref<10240x64xf32, #tpu.memory_space<hbm>>) target(%arg9 : memref<128x64xf32, #tpu.memory_space<vmem>>) offsets(%dma_start3A_160 : memref<128xi32, #tpu.memory_space<vmem>>) semaphore(%arg13 : memref<!tpu.dma_semaphore, #tpu.memory_space<semaphore_mem>>)
    %dma_start3A_164 = arith.constant 4 : i32
    %dma_start3A_165 = arith.constant 0 : i32
    %dma_start3A_166 = tpu.memref_slice %arg8[%dma_start3A_164, %dma_start3A_165] : memref<5x128xi32, #tpu.memory_space<vmem>> -> memref<1x128xi32, #tpu.memory_space<vmem>>
    %dma_start3A_167 = tpu.memref_squeeze %dma_start3A_166 : memref<1x128xi32, #tpu.memory_space<vmem>> -> memref<128xi32, #tpu.memory_space<vmem>>
    %dma_start3A_168 = arith.constant 0 : i32
    %dma_start3A_169 = arith.constant 0 : i32
    %dma_start3A_170 = tpu.memref_slice %arg2[%dma_start3A_168, %dma_start3A_169] : memref<10240x64xf32, #tpu.memory_space<hbm>> -> memref<10240x64xf32, #tpu.memory_space<hbm>>
    tpu.enqueue_indirect_dma source(%dma_start3A_170 : memref<10240x64xf32, #tpu.memory_space<hbm>>) target(%arg10 : memref<128x64xf32, #tpu.memory_space<vmem>>) offsets(%dma_start3A_167 : memref<128xi32, #tpu.memory_space<vmem>>) semaphore(%arg14 : memref<!tpu.dma_semaphore, #tpu.memory_space<semaphore_mem>>)
    %mul3A_171 = arith.constant 640 : i32
    %mul3A_172 = arith.muli %add3A, %mul3A_171 : i32
    %add3A_173 = arith.constant 384 : i32
    %add3A_174 = arith.addi %mul3A_172, %add3A_173 : i32
    %dma_wait3A_175 = arith.constant 3 : i32
    %dma_wait3A_176 = arith.constant 0 : i32
    %dma_wait3A_177 = tpu.memref_slice %arg7[%dma_wait3A_175, %dma_wait3A_176] : memref<5x128xi32, #tpu.memory_space<vmem>> -> memref<1x128xi32, #tpu.memory_space<vmem>>
    %dma_wait3A_178 = tpu.memref_squeeze %dma_wait3A_177 : memref<1x128xi32, #tpu.memory_space<vmem>> -> memref<128xi32, #tpu.memory_space<vmem>>
    %dma_wait3A_179 = arith.constant 0 : i32
    %dma_wait3A_180 = arith.constant 0 : i32
    %dma_wait3A_181 = tpu.memref_slice %arg2[%dma_wait3A_179, %dma_wait3A_180] : memref<10240x64xf32, #tpu.memory_space<hbm>> -> memref<10240x64xf32, #tpu.memory_space<hbm>>
    tpu.wait_indirect_dma semaphore(%arg15 : memref<!tpu.dma_semaphore, #tpu.memory_space<semaphore_mem>>) src(%dma_wait3A_181 : memref<10240x64xf32, #tpu.memory_space<hbm>>) dst(%arg11 : memref<128x64xf32, #tpu.memory_space<vmem>>)
    %dma_wait3A_182 = arith.constant 3 : i32
    %dma_wait3A_183 = arith.constant 0 : i32
    %dma_wait3A_184 = tpu.memref_slice %arg8[%dma_wait3A_182, %dma_wait3A_183] : memref<5x128xi32, #tpu.memory_space<vmem>> -> memref<1x128xi32, #tpu.memory_space<vmem>>
    %dma_wait3A_185 = tpu.memref_squeeze %dma_wait3A_184 : memref<1x128xi32, #tpu.memory_space<vmem>> -> memref<128xi32, #tpu.memory_space<vmem>>
    %dma_wait3A_186 = arith.constant 0 : i32
    %dma_wait3A_187 = arith.constant 0 : i32
    %dma_wait3A_188 = tpu.memref_slice %arg2[%dma_wait3A_186, %dma_wait3A_187] : memref<10240x64xf32, #tpu.memory_space<hbm>> -> memref<10240x64xf32, #tpu.memory_space<hbm>>
    tpu.wait_indirect_dma semaphore(%arg16 : memref<!tpu.dma_semaphore, #tpu.memory_space<semaphore_mem>>) src(%dma_wait3A_188 : memref<10240x64xf32, #tpu.memory_space<hbm>>) dst(%arg12 : memref<128x64xf32, #tpu.memory_space<vmem>>)
    %dma_start3A_189 = arith.constant 0 : i32
    %dma_start3A_190 = tpu.memref_slice %arg5[%add3A_174, %dma_start3A_189] : memref<20480x64xf32, #tpu.memory_space<hbm>> -> memref<128x64xf32, #tpu.memory_space<hbm>>
    %dma_start3A_191 = arith.constant 0 : i32
    %dma_start3A_192 = tpu.memref_slice %arg5[%add3A_174, %dma_start3A_191] : memref<20480x64xf32, #tpu.memory_space<hbm>> -> memref<128x64xf32, #tpu.memory_space<hbm>>
    tpu.enqueue_dma source(%arg11 : memref<128x64xf32, #tpu.memory_space<vmem>>) target(%dma_start3A_192 : memref<128x64xf32, #tpu.memory_space<hbm>>) target_semaphore(%arg19 : memref<!tpu.dma_semaphore, #tpu.memory_space<semaphore_mem>>)
    %dma_start3A_193 = arith.constant 0 : i32
    %dma_start3A_194 = tpu.memref_slice %arg6[%add3A_174, %dma_start3A_193] : memref<20480x64xf32, #tpu.memory_space<hbm>> -> memref<128x64xf32, #tpu.memory_space<hbm>>
    %dma_start3A_195 = arith.constant 0 : i32
    %dma_start3A_196 = tpu.memref_slice %arg6[%add3A_174, %dma_start3A_195] : memref<20480x64xf32, #tpu.memory_space<hbm>> -> memref<128x64xf32, #tpu.memory_space<hbm>>
    tpu.enqueue_dma source(%arg12 : memref<128x64xf32, #tpu.memory_space<vmem>>) target(%dma_start3A_196 : memref<128x64xf32, #tpu.memory_space<hbm>>) target_semaphore(%arg20 : memref<!tpu.dma_semaphore, #tpu.memory_space<semaphore_mem>>)
    %dma_wait3A_197 = arith.constant 0 : i32
    %dma_wait3A_198 = tpu.memref_slice %arg5[%add3A_174, %dma_wait3A_197] : memref<20480x64xf32, #tpu.memory_space<hbm>> -> memref<128x64xf32, #tpu.memory_space<hbm>>
    %dma_wait3A_199 = arith.constant 0 : i32
    %dma_wait3A_200 = tpu.memref_slice %arg5[%add3A_174, %dma_wait3A_199] : memref<20480x64xf32, #tpu.memory_space<hbm>> -> memref<128x64xf32, #tpu.memory_space<hbm>>
    tpu.wait_dma2 semaphore(%arg19 : memref<!tpu.dma_semaphore, #tpu.memory_space<semaphore_mem>>) src(%arg11 : memref<128x64xf32, #tpu.memory_space<vmem>>) dst(%dma_wait3A_200 : memref<128x64xf32, #tpu.memory_space<hbm>>)
    %dma_wait3A_201 = arith.constant 0 : i32
    %dma_wait3A_202 = tpu.memref_slice %arg6[%add3A_174, %dma_wait3A_201] : memref<20480x64xf32, #tpu.memory_space<hbm>> -> memref<128x64xf32, #tpu.memory_space<hbm>>
    %dma_wait3A_203 = arith.constant 0 : i32
    %dma_wait3A_204 = tpu.memref_slice %arg6[%add3A_174, %dma_wait3A_203] : memref<20480x64xf32, #tpu.memory_space<hbm>> -> memref<128x64xf32, #tpu.memory_space<hbm>>
    tpu.wait_dma2 semaphore(%arg20 : memref<!tpu.dma_semaphore, #tpu.memory_space<semaphore_mem>>) src(%arg12 : memref<128x64xf32, #tpu.memory_space<vmem>>) dst(%dma_wait3A_204 : memref<128x64xf32, #tpu.memory_space<hbm>>)
    %mul3A_205 = arith.constant 640 : i32
    %mul3A_206 = arith.muli %add3A, %mul3A_205 : i32
    %add3A_207 = arith.constant 512 : i32
    %add3A_208 = arith.addi %mul3A_206, %add3A_207 : i32
    %dma_wait3A_209 = arith.constant 4 : i32
    %dma_wait3A_210 = arith.constant 0 : i32
    %dma_wait3A_211 = tpu.memref_slice %arg7[%dma_wait3A_209, %dma_wait3A_210] : memref<5x128xi32, #tpu.memory_space<vmem>> -> memref<1x128xi32, #tpu.memory_space<vmem>>
    %dma_wait3A_212 = tpu.memref_squeeze %dma_wait3A_211 : memref<1x128xi32, #tpu.memory_space<vmem>> -> memref<128xi32, #tpu.memory_space<vmem>>
    %dma_wait3A_213 = arith.constant 0 : i32
    %dma_wait3A_214 = arith.constant 0 : i32
    %dma_wait3A_215 = tpu.memref_slice %arg2[%dma_wait3A_213, %dma_wait3A_214] : memref<10240x64xf32, #tpu.memory_space<hbm>> -> memref<10240x64xf32, #tpu.memory_space<hbm>>
    tpu.wait_indirect_dma semaphore(%arg13 : memref<!tpu.dma_semaphore, #tpu.memory_space<semaphore_mem>>) src(%dma_wait3A_215 : memref<10240x64xf32, #tpu.memory_space<hbm>>) dst(%arg9 : memref<128x64xf32, #tpu.memory_space<vmem>>)
    %dma_wait3A_216 = arith.constant 4 : i32
    %dma_wait3A_217 = arith.constant 0 : i32
    %dma_wait3A_218 = tpu.memref_slice %arg8[%dma_wait3A_216, %dma_wait3A_217] : memref<5x128xi32, #tpu.memory_space<vmem>> -> memref<1x128xi32, #tpu.memory_space<vmem>>
    %dma_wait3A_219 = tpu.memref_squeeze %dma_wait3A_218 : memref<1x128xi32, #tpu.memory_space<vmem>> -> memref<128xi32, #tpu.memory_space<vmem>>
    %dma_wait3A_220 = arith.constant 0 : i32
    %dma_wait3A_221 = arith.constant 0 : i32
    %dma_wait3A_222 = tpu.memref_slice %arg2[%dma_wait3A_220, %dma_wait3A_221] : memref<10240x64xf32, #tpu.memory_space<hbm>> -> memref<10240x64xf32, #tpu.memory_space<hbm>>
    tpu.wait_indirect_dma semaphore(%arg14 : memref<!tpu.dma_semaphore, #tpu.memory_space<semaphore_mem>>) src(%dma_wait3A_222 : memref<10240x64xf32, #tpu.memory_space<hbm>>) dst(%arg10 : memref<128x64xf32, #tpu.memory_space<vmem>>)
    %dma_start3A_223 = arith.constant 0 : i32
    %dma_start3A_224 = tpu.memref_slice %arg5[%add3A_208, %dma_start3A_223] : memref<20480x64xf32, #tpu.memory_space<hbm>> -> memref<128x64xf32, #tpu.memory_space<hbm>>
    %dma_start3A_225 = arith.constant 0 : i32
    %dma_start3A_226 = tpu.memref_slice %arg5[%add3A_208, %dma_start3A_225] : memref<20480x64xf32, #tpu.memory_space<hbm>> -> memref<128x64xf32, #tpu.memory_space<hbm>>
    tpu.enqueue_dma source(%arg9 : memref<128x64xf32, #tpu.memory_space<vmem>>) target(%dma_start3A_226 : memref<128x64xf32, #tpu.memory_space<hbm>>) target_semaphore(%arg17 : memref<!tpu.dma_semaphore, #tpu.memory_space<semaphore_mem>>)
    %dma_start3A_227 = arith.constant 0 : i32
    %dma_start3A_228 = tpu.memref_slice %arg6[%add3A_208, %dma_start3A_227] : memref<20480x64xf32, #tpu.memory_space<hbm>> -> memref<128x64xf32, #tpu.memory_space<hbm>>
    %dma_start3A_229 = arith.constant 0 : i32
    %dma_start3A_230 = tpu.memref_slice %arg6[%add3A_208, %dma_start3A_229] : memref<20480x64xf32, #tpu.memory_space<hbm>> -> memref<128x64xf32, #tpu.memory_space<hbm>>
    tpu.enqueue_dma source(%arg10 : memref<128x64xf32, #tpu.memory_space<vmem>>) target(%dma_start3A_230 : memref<128x64xf32, #tpu.memory_space<hbm>>) target_semaphore(%arg18 : memref<!tpu.dma_semaphore, #tpu.memory_space<semaphore_mem>>)
    %dma_wait3A_231 = arith.constant 0 : i32
    %dma_wait3A_232 = tpu.memref_slice %arg5[%add3A_208, %dma_wait3A_231] : memref<20480x64xf32, #tpu.memory_space<hbm>> -> memref<128x64xf32, #tpu.memory_space<hbm>>
    %dma_wait3A_233 = arith.constant 0 : i32
    %dma_wait3A_234 = tpu.memref_slice %arg5[%add3A_208, %dma_wait3A_233] : memref<20480x64xf32, #tpu.memory_space<hbm>> -> memref<128x64xf32, #tpu.memory_space<hbm>>
    tpu.wait_dma2 semaphore(%arg17 : memref<!tpu.dma_semaphore, #tpu.memory_space<semaphore_mem>>) src(%arg9 : memref<128x64xf32, #tpu.memory_space<vmem>>) dst(%dma_wait3A_234 : memref<128x64xf32, #tpu.memory_space<hbm>>)
    %dma_wait3A_235 = arith.constant 0 : i32
    %dma_wait3A_236 = tpu.memref_slice %arg6[%add3A_208, %dma_wait3A_235] : memref<20480x64xf32, #tpu.memory_space<hbm>> -> memref<128x64xf32, #tpu.memory_space<hbm>>
    %dma_wait3A_237 = arith.constant 0 : i32
    %dma_wait3A_238 = tpu.memref_slice %arg6[%add3A_208, %dma_wait3A_237] : memref<20480x64xf32, #tpu.memory_space<hbm>> -> memref<128x64xf32, #tpu.memory_space<hbm>>
    tpu.wait_dma2 semaphore(%arg18 : memref<!tpu.dma_semaphore, #tpu.memory_space<semaphore_mem>>) src(%arg10 : memref<128x64xf32, #tpu.memory_space<vmem>>) dst(%dma_wait3A_238 : memref<128x64xf32, #tpu.memory_space<hbm>>)
    return
  }
}

module attributes {stable_mosaic.version = 14 : i64} {
  func.func @_tc1_body(%arg0: i32, %arg1: memref<1024x128xf32, #tpu.memory_space<vmem>>, %arg2: memref<128x128xf32, #tpu.memory_space<vmem>>, %arg3: memref<1024x8xf32, #tpu.memory_space<vmem>>, %arg4: memref<1024x8xf32, #tpu.memory_space<vmem>>, %arg5: memref<1024x128xf32, #tpu.memory_space<vmem>>) attributes {dimension_semantics = [#tpu.dimension_semantics<arbitrary>], iteration_bounds = array<i64: 10>, scalar_prefetch = 0 : i64, scratch_operands = 0 : i64, tpu.core_type = #tpu.core_type<tc>, window_params = [{transform_indices = @transform_0, window_bounds = array<i64: 1024, 128>}, {pipeline_mode = #tpu.pipeline_mode<synchronous>, transform_indices = @transform_1, window_bounds = array<i64: 128, 128>}, {transform_indices = @transform_2, window_bounds = array<i64: 1024, 8>}, {transform_indices = @transform_3, window_bounds = array<i64: 1024, 8>}, {transform_indices = @transform_4, window_bounds = array<i64: 1024, 128>}]} {
    %get3A = arith.constant 0 : index
    %get3A_0 = arith.constant 0 : index
    %get3A_1 = vector.load %arg1[%get3A, %get3A_0] : memref<1024x128xf32, #tpu.memory_space<vmem>>, vector<1024x128xf32>
    %get3A_2 = arith.constant 0 : index
    %get3A_3 = arith.constant 0 : index
    %get3A_4 = vector.load %arg2[%get3A_2, %get3A_3] : memref<128x128xf32, #tpu.memory_space<vmem>>, vector<128x128xf32>
    %dot_general3A = arith.constant dense<0.000000e+00> : vector<1024x128xf32>
    %dot_general3A_5 = tpu.matmul %get3A_1, %get3A_4, %dot_general3A {dimension_numbers = #tpu.dot_dimension_numbers<[1], [0], [0], [1], [0, 0, 1, 1], [], []>, transpose_lhs_hint = false} : vector<1024x128xf32>, vector<128x128xf32>, vector<1024x128xf32> -> vector<1024x128xf32>
    %get3A_6 = arith.constant 0 : index
    %get3A_7 = arith.constant 0 : index
    %get3A_8 = vector.load %arg3[%get3A_6, %get3A_7] : memref<1024x8xf32, #tpu.memory_space<vmem>>, vector<1024x8xf32>
    %get3A_9 = arith.constant 0 : index
    %get3A_10 = arith.constant 0 : index
    %get3A_11 = vector.load %arg4[%get3A_9, %get3A_10] : memref<1024x8xf32, #tpu.memory_space<vmem>>, vector<1024x8xf32>
    %add3A = arith.addf %get3A_8, %get3A_11 : vector<1024x8xf32>
    %add3A_12 = arith.constant 1.000000e+00 : f32
    %add3A_13 = vector.broadcast %add3A_12 : f32 to vector<1024x8xf32>
    %add3A_14 = arith.addf %add3A, %add3A_13 : vector<1024x8xf32>
    %rsqrt3A = math.rsqrt %add3A_14 : vector<1024x8xf32>
    %slice3A = vector.extract_strided_slice %rsqrt3A {offsets = [0, 0], sizes = [1024, 1], strides = [1, 1]} : vector<1024x8xf32> to vector<1024x1xf32>
    %mul3A = vector.broadcast %slice3A : vector<1024x1xf32> to vector<1024x128xf32>
    %mul3A_15 = arith.mulf %dot_general3A_5, %mul3A : vector<1024x128xf32>
    %swap3A = arith.constant 0 : index
    %swap3A_16 = arith.constant 0 : index
    %swap3A_17 = vector.load %arg5[%swap3A, %swap3A_16] : memref<1024x128xf32, #tpu.memory_space<vmem>>, vector<1024x128xf32>
    tpu.vector_store %arg5[%swap3A, %swap3A_16], %mul3A_15 {strides = array<i32>} : memref<1024x128xf32, #tpu.memory_space<vmem>>, vector<1024x128xf32>,
    return
  }
  func.func @transform_0(%arg0: i32) -> (i32, i32) {
    %c0_i32 = arith.constant 0 : i32
    %c0_i32_0 = arith.constant 0 : i32
    return %arg0, %c0_i32 : i32, i32
  }
  func.func @transform_1(%arg0: i32) -> (i32, i32) {
    %c0_i32 = arith.constant 0 : i32
    %c0_i32_0 = arith.constant 0 : i32
    %c0_i32_1 = arith.constant 0 : i32
    return %c0_i32, %c0_i32_0 : i32, i32
  }
  func.func @transform_2(%arg0: i32) -> (i32, i32) {
    %c0_i32 = arith.constant 0 : i32
    %c0_i32_0 = arith.constant 0 : i32
    return %arg0, %c0_i32 : i32, i32
  }
  func.func @transform_3(%arg0: i32) -> (i32, i32) {
    %c0_i32 = arith.constant 0 : i32
    %c0_i32_0 = arith.constant 0 : i32
    return %arg0, %c0_i32 : i32, i32
  }
  func.func @transform_4(%arg0: i32) -> (i32, i32) {
    %c0_i32 = arith.constant 0 : i32
    %c0_i32_0 = arith.constant 0 : i32
    return %arg0, %c0_i32 : i32, i32
  }
}

module attributes {stable_mosaic.version = 14 : i64} {
  func.func @_tc2_body(%arg0: i32, %arg1: memref<1024x128xf32, #tpu.memory_space<vmem>>, %arg2: memref<1024x128xf32, #tpu.memory_space<vmem>>, %arg3: memref<1024x128xf32, #tpu.memory_space<vmem>>, %arg4: memref<1024x8xf32, #tpu.memory_space<vmem>>, %arg5: memref<1024x8xf32, #tpu.memory_space<vmem>>, %arg6: memref<1x128xf32, #tpu.memory_space<vmem>>, %arg7: memref<128x64xf32, #tpu.memory_space<vmem>>, %arg8: memref<1024x64xf32, #tpu.memory_space<vmem>>) attributes {dimension_semantics = [#tpu.dimension_semantics<arbitrary>], iteration_bounds = array<i64: 10>, scalar_prefetch = 0 : i64, scratch_operands = 0 : i64, tpu.core_type = #tpu.core_type<tc>, window_params = [{transform_indices = @transform_0, window_bounds = array<i64: 1024, 128>}, {transform_indices = @transform_1, window_bounds = array<i64: 1024, 128>}, {transform_indices = @transform_2, window_bounds = array<i64: 1024, 128>}, {transform_indices = @transform_3, window_bounds = array<i64: 1024, 8>}, {transform_indices = @transform_4, window_bounds = array<i64: 1024, 8>}, {pipeline_mode = #tpu.pipeline_mode<synchronous>, transform_indices = @transform_5, window_bounds = array<i64: 1, 128>}, {pipeline_mode = #tpu.pipeline_mode<synchronous>, transform_indices = @transform_6, window_bounds = array<i64: 128, 64>}, {transform_indices = @transform_7, window_bounds = array<i64: 1024, 64>}]} {
    %get3A = arith.constant 0 : index
    %get3A_0 = arith.constant 0 : index
    %get3A_1 = vector.load %arg4[%get3A, %get3A_0] : memref<1024x8xf32, #tpu.memory_space<vmem>>, vector<1024x8xf32>
    %get3A_2 = arith.constant 0 : index
    %get3A_3 = arith.constant 0 : index
    %get3A_4 = vector.load %arg5[%get3A_2, %get3A_3] : memref<1024x8xf32, #tpu.memory_space<vmem>>, vector<1024x8xf32>
    %add3A = arith.addf %get3A_1, %get3A_4 : vector<1024x8xf32>
    %add3A_5 = arith.constant 1.000000e+00 : f32
    %add3A_6 = vector.broadcast %add3A_5 : f32 to vector<1024x8xf32>
    %add3A_7 = arith.addf %add3A, %add3A_6 : vector<1024x8xf32>
    %rsqrt3A = math.rsqrt %add3A_7 : vector<1024x8xf32>
    %slice3A = vector.extract_strided_slice %rsqrt3A {offsets = [0, 0], sizes = [1024, 1], strides = [1, 1]} : vector<1024x8xf32> to vector<1024x1xf32>
    %get3A_8 = arith.constant 0 : index
    %get3A_9 = arith.constant 0 : index
    %get3A_10 = vector.load %arg1[%get3A_8, %get3A_9] : memref<1024x128xf32, #tpu.memory_space<vmem>>, vector<1024x128xf32>
    %get3A_11 = arith.constant 0 : index
    %get3A_12 = arith.constant 0 : index
    %get3A_13 = vector.load %arg2[%get3A_11, %get3A_12] : memref<1024x128xf32, #tpu.memory_space<vmem>>, vector<1024x128xf32>
    %add3A_14 = arith.addf %get3A_10, %get3A_13 : vector<1024x128xf32>
    %get3A_15 = arith.constant 0 : index
    %get3A_16 = arith.constant 0 : index
    %get3A_17 = vector.load %arg3[%get3A_15, %get3A_16] : memref<1024x128xf32, #tpu.memory_space<vmem>>, vector<1024x128xf32>
    %add3A_18 = arith.addf %add3A_14, %get3A_17 : vector<1024x128xf32>
    %mul3A = vector.broadcast %slice3A : vector<1024x1xf32> to vector<1024x128xf32>
    %mul3A_19 = arith.mulf %mul3A, %add3A_18 : vector<1024x128xf32>
    %get3A_20 = arith.constant 0 : index
    %get3A_21 = arith.constant 0 : index
    %get3A_22 = vector.load %arg6[%get3A_20, %get3A_21] : memref<1x128xf32, #tpu.memory_space<vmem>>, vector<1x128xf32>
    %add3A_23 = vector.broadcast %get3A_22 : vector<1x128xf32> to vector<1024x128xf32>
    %add3A_24 = arith.addf %mul3A_19, %add3A_23 : vector<1024x128xf32>
    %max3A = arith.constant 0.000000e+00 : f32
    %max3A_25 = vector.broadcast %max3A : f32 to vector<1024x128xf32>
    %max3A_26 = arith.maximumf %add3A_24, %max3A_25 : vector<1024x128xf32>
    %get3A_27 = arith.constant 0 : index
    %get3A_28 = arith.constant 0 : index
    %get3A_29 = vector.load %arg7[%get3A_27, %get3A_28] : memref<128x64xf32, #tpu.memory_space<vmem>>, vector<128x64xf32>
    %dot_general3A = arith.constant dense<0.000000e+00> : vector<1024x64xf32>
    %dot_general3A_30 = tpu.matmul %max3A_26, %get3A_29, %dot_general3A {dimension_numbers = #tpu.dot_dimension_numbers<[1], [0], [0], [1], [0, 0, 1, 1], [], []>, transpose_lhs_hint = false} : vector<1024x128xf32>, vector<128x64xf32>, vector<1024x64xf32> -> vector<1024x64xf32>
    %mul3A_31 = vector.broadcast %slice3A : vector<1024x1xf32> to vector<1024x64xf32>
    %mul3A_32 = arith.mulf %dot_general3A_30, %mul3A_31 : vector<1024x64xf32>
    %swap3A = arith.constant 0 : index
    %swap3A_33 = arith.constant 0 : index
    %swap3A_34 = vector.load %arg8[%swap3A, %swap3A_33] : memref<1024x64xf32, #tpu.memory_space<vmem>>, vector<1024x64xf32>
    tpu.vector_store %arg8[%swap3A, %swap3A_33], %mul3A_32 {strides = array<i32>} : memref<1024x64xf32, #tpu.memory_space<vmem>>, vector<1024x64xf32>,
    return
  }
  func.func @transform_0(%arg0: i32) -> (i32, i32) {
    %c0_i32 = arith.constant 0 : i32
    %c0_i32_0 = arith.constant 0 : i32
    return %arg0, %c0_i32 : i32, i32
  }
  func.func @transform_1(%arg0: i32) -> (i32, i32) {
    %c0_i32 = arith.constant 0 : i32
    %c0_i32_0 = arith.constant 0 : i32
    return %arg0, %c0_i32 : i32, i32
  }
  func.func @transform_2(%arg0: i32) -> (i32, i32) {
    %c0_i32 = arith.constant 0 : i32
    %c0_i32_0 = arith.constant 0 : i32
    return %arg0, %c0_i32 : i32, i32
  }
  func.func @transform_3(%arg0: i32) -> (i32, i32) {
    %c0_i32 = arith.constant 0 : i32
    %c0_i32_0 = arith.constant 0 : i32
    return %arg0, %c0_i32 : i32, i32
  }
  func.func @transform_4(%arg0: i32) -> (i32, i32) {
    %c0_i32 = arith.constant 0 : i32
    %c0_i32_0 = arith.constant 0 : i32
    return %arg0, %c0_i32 : i32, i32
  }
  func.func @transform_5(%arg0: i32) -> (i32, i32) {
    %c0_i32 = arith.constant 0 : i32
    %c0_i32_0 = arith.constant 0 : i32
    %c0_i32_1 = arith.constant 0 : i32
    return %c0_i32, %c0_i32_0 : i32, i32
  }
  func.func @transform_6(%arg0: i32) -> (i32, i32) {
    %c0_i32 = arith.constant 0 : i32
    %c0_i32_0 = arith.constant 0 : i32
    %c0_i32_1 = arith.constant 0 : i32
    return %c0_i32, %c0_i32_0 : i32, i32
  }
  func.func @transform_7(%arg0: i32) -> (i32, i32) {
    %c0_i32 = arith.constant 0 : i32
    %c0_i32_0 = arith.constant 0 : i32
    return %arg0, %c0_i32 : i32, i32
  }
}

module attributes {stable_mosaic.version = 14 : i64} {
  func.func @_tc3_body(%arg0: i32, %arg1: memref<1024x64xf32, #tpu.memory_space<vmem>>, %arg2: memref<1024x64xf32, #tpu.memory_space<vmem>>, %arg3: memref<1024x64xf32, #tpu.memory_space<vmem>>, %arg4: memref<1024x8xf32, #tpu.memory_space<vmem>>, %arg5: memref<1024x8xf32, #tpu.memory_space<vmem>>, %arg6: memref<1x64xf32, #tpu.memory_space<vmem>>, %arg7: memref<1024x64xf32, #tpu.memory_space<vmem>>) attributes {dimension_semantics = [#tpu.dimension_semantics<arbitrary>], iteration_bounds = array<i64: 10>, scalar_prefetch = 0 : i64, scratch_operands = 0 : i64, tpu.core_type = #tpu.core_type<tc>, window_params = [{transform_indices = @transform_0, window_bounds = array<i64: 1024, 64>}, {transform_indices = @transform_1, window_bounds = array<i64: 1024, 64>}, {transform_indices = @transform_2, window_bounds = array<i64: 1024, 64>}, {transform_indices = @transform_3, window_bounds = array<i64: 1024, 8>}, {transform_indices = @transform_4, window_bounds = array<i64: 1024, 8>}, {pipeline_mode = #tpu.pipeline_mode<synchronous>, transform_indices = @transform_5, window_bounds = array<i64: 1, 64>}, {transform_indices = @transform_6, window_bounds = array<i64: 1024, 64>}]} {
    %get3A = arith.constant 0 : index
    %get3A_0 = arith.constant 0 : index
    %get3A_1 = vector.load %arg4[%get3A, %get3A_0] : memref<1024x8xf32, #tpu.memory_space<vmem>>, vector<1024x8xf32>
    %get3A_2 = arith.constant 0 : index
    %get3A_3 = arith.constant 0 : index
    %get3A_4 = vector.load %arg5[%get3A_2, %get3A_3] : memref<1024x8xf32, #tpu.memory_space<vmem>>, vector<1024x8xf32>
    %add3A = arith.addf %get3A_1, %get3A_4 : vector<1024x8xf32>
    %add3A_5 = arith.constant 1.000000e+00 : f32
    %add3A_6 = vector.broadcast %add3A_5 : f32 to vector<1024x8xf32>
    %add3A_7 = arith.addf %add3A, %add3A_6 : vector<1024x8xf32>
    %rsqrt3A = math.rsqrt %add3A_7 : vector<1024x8xf32>
    %slice3A = vector.extract_strided_slice %rsqrt3A {offsets = [0, 0], sizes = [1024, 1], strides = [1, 1]} : vector<1024x8xf32> to vector<1024x1xf32>
    %get3A_8 = arith.constant 0 : index
    %get3A_9 = arith.constant 0 : index
    %get3A_10 = vector.load %arg1[%get3A_8, %get3A_9] : memref<1024x64xf32, #tpu.memory_space<vmem>>, vector<1024x64xf32>
    %get3A_11 = arith.constant 0 : index
    %get3A_12 = arith.constant 0 : index
    %get3A_13 = vector.load %arg2[%get3A_11, %get3A_12] : memref<1024x64xf32, #tpu.memory_space<vmem>>, vector<1024x64xf32>
    %add3A_14 = arith.addf %get3A_10, %get3A_13 : vector<1024x64xf32>
    %get3A_15 = arith.constant 0 : index
    %get3A_16 = arith.constant 0 : index
    %get3A_17 = vector.load %arg3[%get3A_15, %get3A_16] : memref<1024x64xf32, #tpu.memory_space<vmem>>, vector<1024x64xf32>
    %add3A_18 = arith.addf %add3A_14, %get3A_17 : vector<1024x64xf32>
    %mul3A = vector.broadcast %slice3A : vector<1024x1xf32> to vector<1024x64xf32>
    %mul3A_19 = arith.mulf %mul3A, %add3A_18 : vector<1024x64xf32>
    %get3A_20 = arith.constant 0 : index
    %get3A_21 = arith.constant 0 : index
    %get3A_22 = vector.load %arg6[%get3A_20, %get3A_21] : memref<1x64xf32, #tpu.memory_space<vmem>>, vector<1x64xf32>
    %add3A_23 = vector.broadcast %get3A_22 : vector<1x64xf32> to vector<1024x64xf32>
    %add3A_24 = arith.addf %mul3A_19, %add3A_23 : vector<1024x64xf32>
    %swap3A = arith.constant 0 : index
    %swap3A_25 = arith.constant 0 : index
    %swap3A_26 = vector.load %arg7[%swap3A, %swap3A_25] : memref<1024x64xf32, #tpu.memory_space<vmem>>, vector<1024x64xf32>
    tpu.vector_store %arg7[%swap3A, %swap3A_25], %add3A_24 {strides = array<i32>} : memref<1024x64xf32, #tpu.memory_space<vmem>>, vector<1024x64xf32>,
    return
  }
  func.func @transform_0(%arg0: i32) -> (i32, i32) {
    %c0_i32 = arith.constant 0 : i32
    %c0_i32_0 = arith.constant 0 : i32
    return %arg0, %c0_i32 : i32, i32
  }
  func.func @transform_1(%arg0: i32) -> (i32, i32) {
    %c0_i32 = arith.constant 0 : i32
    %c0_i32_0 = arith.constant 0 : i32
    return %arg0, %c0_i32 : i32, i32
  }
  func.func @transform_2(%arg0: i32) -> (i32, i32) {
    %c0_i32 = arith.constant 0 : i32
    %c0_i32_0 = arith.constant 0 : i32
    return %arg0, %c0_i32 : i32, i32
  }
  func.func @transform_3(%arg0: i32) -> (i32, i32) {
    %c0_i32 = arith.constant 0 : i32
    %c0_i32_0 = arith.constant 0 : i32
    return %arg0, %c0_i32 : i32, i32
  }
  func.func @transform_4(%arg0: i32) -> (i32, i32) {
    %c0_i32 = arith.constant 0 : i32
    %c0_i32_0 = arith.constant 0 : i32
    return %arg0, %c0_i32 : i32, i32
  }
  func.func @transform_5(%arg0: i32) -> (i32, i32) {
    %c0_i32 = arith.constant 0 : i32
    %c0_i32_0 = arith.constant 0 : i32
    %c0_i32_1 = arith.constant 0 : i32
    return %c0_i32, %c0_i32_0 : i32, i32
  }
  func.func @transform_6(%arg0: i32) -> (i32, i32) {
    %c0_i32 = arith.constant 0 : i32
    %c0_i32_0 = arith.constant 0 : i32
    return %arg0, %c0_i32 : i32, i32
  }
}

module attributes {stable_mosaic.version = 14 : i64} {
  func.func @_tc4_body(%arg0: i32, %arg1: memref<1024x64xf32, #tpu.memory_space<vmem>>, %arg2: memref<1024x64xf32, #tpu.memory_space<vmem>>, %arg3: memref<8x128xf32, #tpu.memory_space<vmem>>) attributes {dimension_semantics = [#tpu.dimension_semantics<arbitrary>], iteration_bounds = array<i64: 20>, scalar_prefetch = 0 : i64, scratch_operands = 0 : i64, tpu.core_type = #tpu.core_type<tc>, window_params = [{transform_indices = @transform_0, window_bounds = array<i64: 1024, 64>}, {transform_indices = @transform_1, window_bounds = array<i64: 1024, 64>}, {transform_indices = @transform_2, window_bounds = array<i64: 8, 128>}]} {
    %get3A = arith.constant 0 : index
    %get3A_0 = arith.constant 0 : index
    %get3A_1 = vector.load %arg1[%get3A, %get3A_0] : memref<1024x64xf32, #tpu.memory_space<vmem>>, vector<1024x64xf32>
    %get3A_2 = arith.constant 0 : index
    %get3A_3 = arith.constant 0 : index
    %get3A_4 = vector.load %arg2[%get3A_2, %get3A_3] : memref<1024x64xf32, #tpu.memory_space<vmem>>, vector<1024x64xf32>
    %mul3A = arith.mulf %get3A_1, %get3A_4 : vector<1024x64xf32>
    %reshape3A = vector.shape_cast %mul3A : vector<1024x64xf32> to vector<8x128x64xf32>
    %reduce_sum3A = arith.constant dense<0.000000e+00> : vector<8x128xf32>
    %reduce_sum3A_5 = vector.multi_reduction <add>, %reshape3A, %reduce_sum3A [2] : vector<8x128x64xf32> to vector<8x128xf32>
    %swap3A = arith.constant 0 : index
    %swap3A_6 = arith.constant 0 : index
    %swap3A_7 = vector.load %arg3[%swap3A, %swap3A_6] : memref<8x128xf32, #tpu.memory_space<vmem>>, vector<8x128xf32>
    tpu.vector_store %arg3[%swap3A, %swap3A_6], %reduce_sum3A_5 {strides = array<i32>} : memref<8x128xf32, #tpu.memory_space<vmem>>, vector<8x128xf32>,
    return
  }
  func.func @transform_0(%arg0: i32) -> (i32, i32) {
    %c0_i32 = arith.constant 0 : i32
    %c0_i32_0 = arith.constant 0 : i32
    return %arg0, %c0_i32 : i32, i32
  }
  func.func @transform_1(%arg0: i32) -> (i32, i32) {
    %c0_i32 = arith.constant 0 : i32
    %c0_i32_0 = arith.constant 0 : i32
    return %arg0, %c0_i32 : i32, i32
  }
  func.func @transform_2(%arg0: i32) -> (i32, i32) {
    %c0_i32 = arith.constant 0 : i32
    %c0_i32_0 = arith.constant 0 : i32
    return %arg0, %c0_i32 : i32, i32
  }
}

</mosaic_0001>

<sc_bundles>
// kernel: kernel.10.cloned.1.call-start
scs
__scs_entry_jumppad:
0x0: {  	(pc) =	sbr.rel $0x88, $3  }
0x1: {  	(tag) =	ssettag $0x0;
	lr =	simm.s32 $0x1  }
0x2: {  	[smem:$0x3F9A] =	sst lr;
	_ =	strace $0xD0000000  }
0x3: {  	_ = 	snop  }
0x4: {  	_ = 	snop  }
0x5: {  	_ = 	snop  }
0x6: {  	_ = 	snop  }
0x7: {  	_ = 	snop  }
__scs_overlays_trampoline_lowered:
0x8: {  	[smem:$0x3FA9] =	sst s0  }
0x9: {  	[smem:$0x3FAA] =	sst s1  }
0xa: {  	[smem:$0x3FAB] =	sst s2  }
0xb: {  	[smem:$0x3FAC] =	sst s3  }
0xc: {  	[smem:$0x3FAD] =	sst s4  }
0xd: {  	[smem:$0x3FAE] =	sst s5  }
0xe: {  	[smem:$0x3FAF] =	sst s6  }
0xf: {  	[smem:$0x3FB0] =	sst s7  }
0x10: {  	[smem:$0x3FB1] =	sst s8  }
0x11: {  	[smem:$0x3FB2] =	sst s9;
	s0 =	simm.s32 @!p0 $0x0  }
0x12: {  	s1 =	sld [smem:$0x3F98];
	s0 =	simm.s32 @p0 $0x1  }
0x13: {  	[smem:$0x3FB3] =	sst s0;
	s0 =	simm.s32 @!p1 $0x0  }
0x14: {  	s2 =	sld [smem:$0x3F97];
	s0 =	simm.s32 @p1 $0x1  }
0x15: {  	[smem:$0x3FB4] =	sst s0;
	s0 =	simm.s32 @!p2 $0x0  }
0x16: {  	s3 =	sld [smem:$0x3FDB];
	s0 =	simm.s32 @p2 $0x1  }
0x17: {  	s4 =	simm.s32 $0x1BF5;
	[smem:$0x3FB6] =	sst s0  }
0x18: {  	s0 =	sld [smem:$0x3F99];
	_ =	swait.ge [sflag:s4], $0x0  }
0x19: {  	s7 =	sld [smem:$0x3F9A]  }
0x1a: {  	s8 =	sadd.s32 $0xFFFFE003, lr  }
0x1b: {  	s9 =	sadd.s32 $0xFFFFFEF7, lr;
	s5 =	simm.s32 $0xFFFFFFFF;
	p2 =	slt.u32 s8, $0xFFFFF086  }
0x1c: {  	p1 =	slt.u32 s9, $0xF7A;
	s5 =	simm.s32 @!p2 $0x0  }
0x1d: {  	s5 =	simm.s32 @p1 $0x1;
	p0 =	seq.s32 s7, s2  }
0x1e: {  	s7 =	smul.u32 @!p0 $0xF7A, s2;
	p2 =	seq.s32 @!p0 s5, $0x0  }
0x1f: {  	s9 =	smul.u32 $0xF7A, s1;
	s8 =	simm.s32 @!p0 $0x1BF5;
	p2 =	por !p2, p0  }
0x20: {  	[sflag:s8] =	ssyncset.s32 @!p0 $0xFFFFF086;
	s6 =	sadd.s32 @!p0 s3, s7;
	s7 =	simm.s32 @!p0 $0x108  }
0x21: {  	s3 =	sadd.s32 s3, s9;
	s6 =	sadd.s32 @!p0 $0x88, s6;
	s7 =	simm.s32 @p2 $0x1082  }
0x22: {  	[simem:s7], [sflag:s8] =	dma.local @!p0 [hbm:s6], $0xF7A  }
0x23: {  	s9 =	sor.u32 $0xD0000000, s2;
	s6 =	simm.s32 $0x108;
	_ =	swait.ge @!p0 [sflag:s8], $0x0  }
0x24: {  	s3 =	sadd.s32 $0x88, s3;
	s6 =	simm.s32 @!p1 $0x1082;
	[sflag:s4] =	ssyncset.s32 $0xFFFFF086  }
0x25: {  	[simem:s6], [sflag:s4] =	dma.local [hbm:s3], $0xF7A  }
0x26: {  	[smem:$0x3F9A] =	sst s1;
	(tag) =	ssettag s2;
	_ =	strace s9  }
0x27: {  	s1 =	sld [smem:$0x3FAA]  }
0x28: {  	s2 =	sld [smem:$0x3FAB]  }
0x29: {  	s4 =	sld [smem:$0x3FAD]  }
0x2a: {  	p0 =	seq.s32 s5, $0x0;
	s5 =	sld [smem:$0x3FAE]  }
0x2b: {  	s6 =	sld [smem:$0x3FAF]  }
0x2c: {  	s7 =	sld [smem:$0x3FB0]  }
0x2d: {  	s3 =	simm.s32 $0x108;
	s8 =	sld [smem:$0x3FB1]  }
0x2e: {  	s3 =	simm.s32 @!p0 $0x1082;
	s9 =	sld [smem:$0x3FB2]  }
0x2f: {  	lr =	sadd.s32 s0, s3;
	s0 =	sld [smem:$0x3FA9]  }
0x30: {  	s3 =	sld [smem:$0x3FAC]  }
0x31: {  	[smem:$0x3FB5] =	sst s10  }
0x32: {  	s10 =	sld [smem:$0x3FB3];
	_ =	sdelay $0x3  }
0x33: {  	p0 =	seq.s32 s10, $0x1;
	s10 =	sld [smem:$0x3FB5];
	_ =	sdelay $0x3  }
0x34: {  	[smem:$0x3FB5] =	sst s10  }
0x35: {  	s10 =	sld [smem:$0x3FB4];
	_ =	sdelay $0x3  }
0x36: {  	p1 =	seq.s32 s10, $0x1;
	s10 =	sld [smem:$0x3FB5];
	_ =	sdelay $0x3  }
0x37: {  	[smem:$0x3FB5] =	sst s10  }
0x38: {  	s10 =	sld [smem:$0x3FB6]  }
0x39: {  	_ = 	snop;
	(pc) =	sbr.ind lr, $3  }
0x3a: {  	_ = 	snop  }
0x3b: {  	_ = 	snop  }
0x3c: {  	p2 =	seq.s32 s10, $0x1;
	s10 =	sld [smem:$0x3FB5]  }
0x3d: {  	_ =	shalt  }
0x3e: {  	_ =	shalt  }
0x3f: {  	_ =	shalt  }
0x40: {  	_ =	shalt  }
0x41: {  	_ =	shalt  }
0x42: {  	_ =	shalt  }
0x43: {  	_ =	shalt  }
0x44: {  	_ =	shalt  }
0x45: {  	_ =	shalt  }
0x46: {  	_ =	shalt  }
0x47: {  	_ =	shalt  }
0x48: {  	_ =	shalt  }
0x49: {  	_ =	shalt  }
0x4a: {  	_ =	shalt  }
0x4b: {  	_ =	shalt  }
0x4c: {  	_ =	shalt  }
0x4d: {  	_ =	shalt  }
0x4e: {  	_ =	shalt  }
0x4f: {  	_ =	shalt  }
0x50: {  	_ =	shalt  }
0x51: {  	_ =	shalt  }
0x52: {  	_ =	shalt  }
0x53: {  	_ =	shalt  }
0x54: {  	_ =	shalt  }
0x55: {  	_ =	shalt  }
0x56: {  	_ =	shalt  }
0x57: {  	_ =	shalt  }
0x58: {  	_ =	shalt  }
0x59: {  	_ =	shalt  }
0x5a: {  	_ =	shalt  }
0x5b: {  	_ =	shalt  }
0x5c: {  	_ =	shalt  }
0x5d: {  	_ =	shalt  }
0x5e: {  	_ =	shalt  }
0x5f: {  	_ =	shalt  }
0x60: {  	_ =	shalt  }
0x61: {  	_ =	shalt  }
0x62: {  	_ =	shalt  }
0x63: {  	_ =	shalt  }
0x64: {  	_ =	shalt  }
0x65: {  	_ =	shalt  }
0x66: {  	_ =	shalt  }
0x67: {  	_ =	shalt  }
0x68: {  	_ =	shalt  }
0x69: {  	_ =	shalt  }
0x6a: {  	_ =	shalt  }
0x6b: {  	_ =	shalt  }
0x6c: {  	_ =	shalt  }
0x6d: {  	_ =	shalt  }
0x6e: {  	_ =	shalt  }
0x6f: {  	_ =	shalt  }
0x70: {  	_ =	shalt  }
0x71: {  	_ =	shalt  }
0x72: {  	_ =	shalt  }
0x73: {  	_ =	shalt  }
0x74: {  	_ =	shalt  }
0x75: {  	_ =	shalt  }
0x76: {  	_ =	shalt  }
0x77: {  	_ =	shalt  }
0x78: {  	_ =	shalt  }
0x79: {  	_ =	shalt  }
0x7a: {  	_ =	shalt  }
0x7b: {  	_ =	shalt  }
0x7c: {  	_ =	shalt  }
0x7d: {  	_ =	shalt  }
0x7e: {  	_ =	shalt  }
0x7f: {  	_ =	shalt  }
0x80: {  	_ =	shalt  }
0x81: {  	_ =	shalt  }
0x82: {  	_ =	shalt  }
0x83: {  	_ =	shalt  }
0x84: {  	_ =	shalt  }
0x85: {  	_ =	shalt  }
0x86: {  	_ =	shalt  }
0x87: {  	_ =	shalt  }
.Lfunc_end0:
.L_simem_size_0:
called_computation_lowered:
.L_overlay_start_0:
0x88: {  	s2 =	sld [smem:$0x3FD9]  }
0x89: {  	s3 =	sld [smem:$0x3FFE];
	_ =	sdelay $0x1  }
0x8a: {  	s1 =	srdreg.scid  }
0x8b: {  	s0 =	sand.u32 $0x1, s1  }
0x8c: {  	s17 =	sshll.u32 s0, $0xA;
	s2 =	sadd.s32 s3, s2  }
0x8d: {  	s2 =	sadd.s32 s2, s17  }
0x8e: {  	[smem:$0x3FC1] =	sst s2  }
0x8f: {  	_ = 	snop  }
0x90: {  	s2 =	sld [smem:$0x3FD0];
	(tm) =	ssettm $0x1  }
0x91: {  	s18 =	sld [smem:$0x3FFB];
	_ =	sdelay $0x3  }
0x92: {  	_ =	strace s18  }
0x93: {  	s3 =	sld [smem:$0x3FFC];
	_ =	sdelay $0x3  }
0x94: {  	_ =	strace s3  }
0x95: {  	s3 =	sld [smem:$0x3FFD];
	_ =	sdelay $0x3  }
0x96: {  	_ =	strace s3  }
0x97: {  	_ =	strace $0x8FFFFFFF  }
0x98: {  	s19 =	sld [smem:$0x3FDB];
	_ =	sdelay $0x1  }
0x99: {  	s4 =	simm.s32 $_scs_section_size  }
0x9a: {  	s5 =	simm.s32 $_size__tile_overlayer_lowered;
	s6 =	simm.s32 $_tile_overlayer_lowered  }
0x9b: {  	s22 =	simm.s32 $0x1BFF;
	s21 =	sshll.u32 s6, $0x1;
	s3 =	sadd.s32 s4, s19  }
0x9c: {  	s7 =	simm.s32 $0x0;
	s20 =	sshll.u32 s5, $0x1;
	s5 =	sadd.s32 s21, s3  }
0x9d: {  	[timem:s7], [sflag:s22] =	dma.local [hbm:s5], s20  }
0x9e: {  	_ =	swait.ge [sflag:s22], s20  }
0x9f: {  	s4 =	ssub.s32 $0x0, s20;
	[sflag:s22] =	ssyncset.done $0x0  }
0xa0: {  	[sflag:s22] =	ssyncadd.s32 s4;
	_ =	sdelay $0x1  }
0xa1: {  	s23 =	simm.s32 $0x1B8B  }
0xa2: {  	_ =	swait.ge [sflag:s23], $0x1  }
0xa3: {  	[sflag:s23] =	ssyncset.done $0x0  }
0xa4: {  	s25 =	simm.s32 $0x1B8E;
	s24 =	sld [smem:$0x3FFE];
	[sflag:s23] =	ssyncadd.s32 $0xFFFFFFFF  }
0xa5: {  	s26 =	simm.s32 $execute0_lowered;
	[smem:$0x3FD2] =	sst s25  }
0xa6: {  	s5 =	sshll.u32 s26, $0x1;
	_ =	strace $0x80000046;
	[dreg:$0x1] =	wrdreg $0xFFFFFFFF  }
0xa7: {  	s28 =	simm.s32 $_size_execute0_lowered;
	s3 =	sadd.s32 s3, s5;
	[dreg:$0x0] =	wrdreg $0x0  }
0xa8: {  	s5 =	sshll.u32 s28, $0x1;
	[dreg:$0x2] =	wrdreg s3  }
0xa9: {  	[dreg:$0x3] =	wrdreg s5  }
0xaa: {  	[dreg:$0x4] =	wrdreg $0xC0  }
0xab: {  	_ =	task [dreg:s7], $0x5FFFF  }
0xac: {  	[dreg:$0x1] =	wrdreg $0xFFFFFFFF  }
0xad: {  	[dreg:$0x0] =	wrdreg $0x60  }
0xae: {  	[dreg:$0x2] =	wrdreg s24  }
0xaf: {  	[dreg:$0x3] =	wrdreg s2  }
0xb0: {  	[dreg:$0x4] =	wrdreg $0xB000  }
0xb1: {  	[dreg:$0x5] =	wrdreg $0x9  }
0xb2: {  	_ =	task.clear_ibuf [dreg:s7], $0x6FFFF;
	_ =	strace $0x90000046  }
0xb3: {  	s29 =	simm.s32 $0x9;
	_ =	strace $0x80000048  }
0xb4: {  	_ =	swait.ge [sflag:s29], $0x1  }
0xb5: {  	[sflag:s29] =	ssyncadd.s32 $0xFFFFFFFF  }
0xb6: {  	_ =	strace $0x90000048  }
0xb7: {  	_ =	sfence  }
0xb8: {  	s30 =	sld [smem:$0x0];
	_ =	sdelay $0x2  }
0xb9: {  	s31 =	sshll.u32 s1, $0xD;
	s1 =	sshrl.u32 s1, $0x2  }
0xba: {  	s3 =	sand.u32 $0x4000, s31;
	s1 =	sadd.s32 s1, s30  }
0xbb: {  	s0 =	sor.u32 s3, s0;
	s1 =	sshll.u32 s1, $0x11  }
0xbc: {  	s0 =	sor.u32 s1, s0  }
0xbd: {  	s0 =	sadd.s32 $0x8F2B, s0  }
0xbe: {  	[sflag:s0] =	ssyncadd.remote.s32 $0x1  }
0xbf: {  	_ =	sfence.sel $0xFFFF  }
0xc0: {  	[dreg:$0x0] =	wrdreg $0xFFFFFFFF;
	(pc) =	sbr.abs _section_cstart, $3  }
0xc1: {  	[dreg:$0x1] =	wrdreg $0xFFFFFFFF  }
0xc2: {  	_ =	task.clear_ibuf [dreg:s7], $0x2FFFF;
	_ =	strace $0x9FFFFFFF  }
0xc3: {  	(tm) =	ssettm $0x7FFFFFFF  }
tec
execute0_lowered:
.L_overlay_start_1:
0x0: {  	(tag) =	ssettag $0x1  }
0x1: {  	s4 =	rddreg [dreg:$0x0]  }
0x2: {  	s5 =	rddreg [dreg:$0x1]  }
0x3: {  	s1 =	rddreg [dreg:$0x2]  }
0x4: {  	s0 =	rddreg [dreg:$0x3];
	s3 =	simm.s32 $0x0;
	s6 =	srdreg.scid  }
0x5: {  	s2 =	stileid.u32;
	s12 =	simm.s32 $0x100;
	s13 =	simm.s32 $0x180  }
0x6: {  	s14 =	simm.s32 $0x200;
	s15 =	simm.s32 $0x280;
	s16 =	simm.s32 $0x300  }
0x7: {  	s17 =	simm.s32 $0x380;
	s18 =	simm.s32 $0x400;
	s19 =	simm.s32 $0x480  }
0x8: {  	s22 =	simm.s32 $0x20;
	s23 =	simm.s32 $0x10;
	s24 =	simm.s32 $0x0  }
0x9: {  	[smem:$0x7FF] =	sst s3;
	s6 =	sand.u32 $0x1, s6;
	s8 =	smul.u32 $0xA00, s2  }
0xa: {  	s9 =	sshll.u32 s2, $0xC;
	s11 =	smul.u32 $0x500, s2;
	s20 =	sshll.u32 s2, $0x6  }
0xb: {  	_ =	strace $0x80000047;
	s7 =	ssub.s32 $0x2, s6;
	s9 =	sadd.s32 s9, s4  }
0xc: {  	s29 =	sshll.u32 s6, $0x7;
	s6 =	sshll.u32 s6, $0xB;
	s20 =	sor.u32 $0x1C01, s20  }
0xd: {  	s10 =	sshrl.u32 s7, $0x1;
	s8 =	sshrl.u32 s8, $0x2;
	s30 =	sor.u32 s29, s11  }
0xe: {  	s9 =	sadd.s32 s6, s9;
	s11 =	simm.s32 $0x800;
	s7 =	ssub.s32 s7, s10  }
0xf: {  	s4 =	sadd.s32 s8, s1;
	s31 =	sshrl.u32 s30, $0x3;
	s8 =	simm.s32 $0x880  }
0x10: {  	s10 =	simm.s32 $0x80;
	s5 =	sadd.s32 s5, s31;
	s6 =	smax.u32 s7, $0x1  }
0x11: {  	v0 =	vimm.f32 $1.000000000e+00;
	v1 =	vimm.f32 $0.0e+00;
	s7 =	sadd.s32 $0xCE00, s9;
	s9 =	simm.s32 $0x1;
	s21 =	sshrl.u32 s4, $0x3  }
.LBB2_1:
0x12: {  	[tilespmem:$0x800] =	vst v0  }
0x13: {  	[tilespmem:$0x810] =	vst v0  }
0x14: {  	[tilespmem:$0x820] =	vst v0  }
0x15: {  	[tilespmem:$0x830] =	vst v0  }
0x16: {  	[tilespmem:$0x840] =	vst v0  }
0x17: {  	[tilespmem:$0x850] =	vst v0  }
0x18: {  	[tilespmem:$0x860] =	vst v0  }
0x19: {  	[tilespmem:$0x870] =	vst v0  }
0x1a: {  	[tilespmem:$0x880] =	vst v1  }
0x1b: {  	[tilespmem:$0x890] =	vst v1  }
0x1c: {  	[tilespmem:$0x8A0] =	vst v1  }
0x1d: {  	[tilespmem:$0x8B0] =	vst v1  }
0x1e: {  	[tilespmem:$0x8C0] =	vst v1  }
0x1f: {  	[tilespmem:$0x8D0] =	vst v1  }
0x20: {  	[tilespmem:$0x8E0] =	vst v1  }
0x21: {  	[tilespmem:$0x8F0] =	vst v1  }
0x22: {  	[tilespmem:$0x900] =	vst v1  }
0x23: {  	[tilespmem:$0x910] =	vst v1  }
0x24: {  	[tilespmem:$0x920] =	vst v1  }
0x25: {  	[tilespmem:$0x930] =	vst v1  }
0x26: {  	[tilespmem:$0x940] =	vst v1  }
0x27: {  	[tilespmem:$0x950] =	vst v1  }
0x28: {  	[tilespmem:$0x960] =	vst v1  }
0x29: {  	[tilespmem:$0x970] =	vst v1  }
0x2a: {  	[tilespmem:$0x980] =	vst v1  }
0x2b: {  	[tilespmem:$0x990] =	vst v1  }
0x2c: {  	[tilespmem:$0x9A0] =	vst v1  }
0x2d: {  	[tilespmem:$0x9B0] =	vst v1  }
0x2e: {  	[tilespmem:$0x9C0] =	vst v1  }
0x2f: {  	[tilespmem:$0x9D0] =	vst v1  }
0x30: {  	[tilespmem:$0x9E0] =	vst v1  }
0x31: {  	[tilespmem:$0x9F0] =	vst v1  }
0x32: {  	[tilespmem:$0xA00] =	vst v1  }
0x33: {  	[tilespmem:$0xA10] =	vst v1  }
0x34: {  	[tilespmem:$0xA20] =	vst v1  }
0x35: {  	[tilespmem:$0xA30] =	vst v1  }
0x36: {  	[tilespmem:$0xA40] =	vst v1  }
0x37: {  	[tilespmem:$0xA50] =	vst v1  }
0x38: {  	[tilespmem:$0xA60] =	vst v1  }
0x39: {  	[tilespmem:$0xA70] =	vst v1  }
0x3a: {  	[tilespmem:$0xA80] =	vst v1  }
0x3b: {  	[tilespmem:$0xA90] =	vst v1  }
0x3c: {  	[tilespmem:$0xAA0] =	vst v1  }
0x3d: {  	[tilespmem:$0xAB0] =	vst v1  }
0x3e: {  	[tilespmem:$0xAC0] =	vst v1  }
0x3f: {  	[tilespmem:$0xAD0] =	vst v1  }
0x40: {  	[tilespmem:$0xAE0] =	vst v1  }
0x41: {  	[tilespmem:$0xAF0] =	vst v1  }
0x42: {  	[spmem:s4] =	stream.linear.scatter [tilespmem:s8], [sflag:$0x1], $0x280, $0x38;
	[tilespmem:$0xD80] =	vst v63  }
0x43: {  	_ =	swait.ge [sflag:s9], $0x280  }
0x44: {  	[sflag:s9] =	ssyncset.done $0x0  }
0x45: {  	[sflag:s9] =	ssyncadd.s32 $0xFFFFFD80  }
0x46: {  	s25 =	sadd.s32 $0x0, s7;
	[bflag:$0x0] =	sbarrier.arrive $0xFFFF  }
0x47: {  	[tilespmem:s3], [sflag:$0x1] =	stream.linear.gather [hbm4b:s25+s3], $0x500, $0x38;
	[tilespmem:$0xD80] =	vst v63  }
0x48: {  	_ =	swait.ge [sflag:s9], $0x500  }
0x49: {  	[sflag:s9] =	ssyncset.done $0x0  }
0x4a: {  	[sflag:s9] =	ssyncadd.s32 $0xFFFFFB00  }
0x4b: {  	[spmem:s1] =	stream.indirect.scatter.add.f32 [tilespmem:s11], [sflag:$0x1], $0x1, s3, s10, $0xb8;
	[tilespmem:$0xD80] =	vst v63  }
0x4c: {  	_ =	swait.ge [sflag:s9], $0x80  }
0x4d: {  	[sflag:s9] =	ssyncset.done $0x0  }
0x4e: {  	[sflag:s9] =	ssyncadd.s32 $0xFFFFFF80  }
0x4f: {  	[spmem:s1] =	stream.indirect.scatter.add.f32 [tilespmem:s11], [sflag:$0x1], $0x1, s10, s10, $0xb8;
	[tilespmem:$0xD80] =	vst v63  }
0x50: {  	_ =	swait.ge [sflag:s9], $0x80  }
0x51: {  	[sflag:s9] =	ssyncset.done $0x0  }
0x52: {  	[sflag:s9] =	ssyncadd.s32 $0xFFFFFF80  }
0x53: {  	[spmem:s1] =	stream.indirect.scatter.add.f32 [tilespmem:s11], [sflag:$0x1], $0x1, s12, s10, $0xb8;
	[tilespmem:$0xD80] =	vst v63  }
0x54: {  	_ =	swait.ge [sflag:s9], $0x80  }
0x55: {  	[sflag:s9] =	ssyncset.done $0x0  }
0x56: {  	[sflag:s9] =	ssyncadd.s32 $0xFFFFFF80  }
0x57: {  	[spmem:s1] =	stream.indirect.scatter.add.f32 [tilespmem:s11], [sflag:$0x1], $0x1, s13, s10, $0xb8;
	[tilespmem:$0xD80] =	vst v63  }
0x58: {  	_ =	swait.ge [sflag:s9], $0x80  }
0x59: {  	[sflag:s9] =	ssyncset.done $0x0  }
0x5a: {  	[sflag:s9] =	ssyncadd.s32 $0xFFFFFF80  }
0x5b: {  	[spmem:s1] =	stream.indirect.scatter.add.f32 [tilespmem:s11], [sflag:$0x1], $0x1, s14, s10, $0xb8;
	[tilespmem:$0xD80] =	vst v63  }
0x5c: {  	_ =	swait.ge [sflag:s9], $0x80  }
0x5d: {  	[sflag:s9] =	ssyncset.done $0x0  }
0x5e: {  	[sflag:s9] =	ssyncadd.s32 $0xFFFFFF80  }
0x5f: {  	[spmem:s1] =	stream.indirect.scatter.add.f32 [tilespmem:s11], [sflag:$0x1], $0x1, s15, s10, $0xb8;
	[tilespmem:$0xD80] =	vst v63  }
0x60: {  	_ =	swait.ge [sflag:s9], $0x80  }
0x61: {  	[sflag:s9] =	ssyncset.done $0x0  }
0x62: {  	[sflag:s9] =	ssyncadd.s32 $0xFFFFFF80  }
0x63: {  	[spmem:s1] =	stream.indirect.scatter.add.f32 [tilespmem:s11], [sflag:$0x1], $0x1, s16, s10, $0xb8;
	[tilespmem:$0xD80] =	vst v63  }
0x64: {  	_ =	swait.ge [sflag:s9], $0x80  }
0x65: {  	[sflag:s9] =	ssyncset.done $0x0  }
0x66: {  	[sflag:s9] =	ssyncadd.s32 $0xFFFFFF80  }
0x67: {  	[spmem:s1] =	stream.indirect.scatter.add.f32 [tilespmem:s11], [sflag:$0x1], $0x1, s17, s10, $0xb8;
	[tilespmem:$0xD80] =	vst v63  }
0x68: {  	_ =	swait.ge [sflag:s9], $0x80  }
0x69: {  	[sflag:s9] =	ssyncset.done $0x0  }
0x6a: {  	[sflag:s9] =	ssyncadd.s32 $0xFFFFFF80  }
0x6b: {  	[spmem:s1] =	stream.indirect.scatter.add.f32 [tilespmem:s11], [sflag:$0x1], $0x1, s18, s10, $0xb8;
	[tilespmem:$0xD80] =	vst v63  }
0x6c: {  	_ =	swait.ge [sflag:s9], $0x80  }
0x6d: {  	[sflag:s9] =	ssyncset.done $0x0  }
0x6e: {  	[sflag:s9] =	ssyncadd.s32 $0xFFFFFF80  }
0x6f: {  	[spmem:s1] =	stream.indirect.scatter.add.f32 [tilespmem:s11], [sflag:$0x1], $0x1, s19, s10, $0xb8;
	[tilespmem:$0xD80] =	vst v63  }
0x70: {  	_ =	swait.ge [sflag:s9], $0x80  }
0x71: {  	s28 =	simm.s32 $0x200;
	s25 =	simm.s32 $0x100;
	[sflag:s9] =	ssyncset.done $0x0  }
.LBB2_2:
0x72: {  	s29 =	sadd.s32 s25, s7  }
0x73: {  	[sflag:s9] =	ssyncadd.s32 $0xFFFFFF80;
	s25 =	smov.u32 s28;
	s26 =	sadd.s32 $0x100, s28  }
0x74: {  	[tilespmem:s3], [sflag:$0x1] =	stream.linear.gather [hbm4b:s29+s3], $0x500, $0x38;
	[tilespmem:$0xD80] =	vst v63  }
0x75: {  	p0 =	sne.s32 s28, $0x700;
	_ =	swait.ge [sflag:s9], $0x500  }
0x76: {  	[sflag:s9] =	ssyncset.done $0x0  }
0x77: {  	[sflag:s9] =	ssyncadd.s32 $0xFFFFFB00  }
0x78: {  	[spmem:s1] =	stream.indirect.scatter.add.f32 [tilespmem:s11], [sflag:$0x1], $0x1, s3, s10, $0xb8;
	[tilespmem:$0xD80] =	vst v63  }
0x79: {  	_ =	swait.ge [sflag:s9], $0x80  }
0x7a: {  	[sflag:s9] =	ssyncset.done $0x0  }
0x7b: {  	[sflag:s9] =	ssyncadd.s32 $0xFFFFFF80  }
0x7c: {  	[spmem:s1] =	stream.indirect.scatter.add.f32 [tilespmem:s11], [sflag:$0x1], $0x1, s10, s10, $0xb8;
	[tilespmem:$0xD80] =	vst v63  }
0x7d: {  	_ =	swait.ge [sflag:s9], $0x80  }
0x7e: {  	[sflag:s9] =	ssyncset.done $0x0  }
0x7f: {  	[sflag:s9] =	ssyncadd.s32 $0xFFFFFF80  }
0x80: {  	[spmem:s1] =	stream.indirect.scatter.add.f32 [tilespmem:s11], [sflag:$0x1], $0x1, s12, s10, $0xb8;
	[tilespmem:$0xD80] =	vst v63  }
0x81: {  	_ =	swait.ge [sflag:s9], $0x80  }
0x82: {  	[sflag:s9] =	ssyncset.done $0x0  }
0x83: {  	[sflag:s9] =	ssyncadd.s32 $0xFFFFFF80  }
0x84: {  	[spmem:s1] =	stream.indirect.scatter.add.f32 [tilespmem:s11], [sflag:$0x1], $0x1, s13, s10, $0xb8;
	[tilespmem:$0xD80] =	vst v63  }
0x85: {  	_ =	swait.ge [sflag:s9], $0x80  }
0x86: {  	[sflag:s9] =	ssyncset.done $0x0  }
0x87: {  	[sflag:s9] =	ssyncadd.s32 $0xFFFFFF80  }
0x88: {  	[spmem:s1] =	stream.indirect.scatter.add.f32 [tilespmem:s11], [sflag:$0x1], $0x1, s14, s10, $0xb8;
	[tilespmem:$0xD80] =	vst v63  }
0x89: {  	_ =	swait.ge [sflag:s9], $0x80  }
0x8a: {  	[sflag:s9] =	ssyncset.done $0x0  }
0x8b: {  	[sflag:s9] =	ssyncadd.s32 $0xFFFFFF80  }
0x8c: {  	[spmem:s1] =	stream.indirect.scatter.add.f32 [tilespmem:s11], [sflag:$0x1], $0x1, s15, s10, $0xb8;
	[tilespmem:$0xD80] =	vst v63  }
0x8d: {  	_ =	swait.ge [sflag:s9], $0x80  }
0x8e: {  	[sflag:s9] =	ssyncset.done $0x0  }
0x8f: {  	[sflag:s9] =	ssyncadd.s32 $0xFFFFFF80  }
0x90: {  	[spmem:s1] =	stream.indirect.scatter.add.f32 [tilespmem:s11], [sflag:$0x1], $0x1, s16, s10, $0xb8;
	[tilespmem:$0xD80] =	vst v63  }
0x91: {  	_ =	swait.ge [sflag:s9], $0x80  }
0x92: {  	[sflag:s9] =	ssyncset.done $0x0  }
0x93: {  	[sflag:s9] =	ssyncadd.s32 $0xFFFFFF80  }
0x94: {  	[spmem:s1] =	stream.indirect.scatter.add.f32 [tilespmem:s11], [sflag:$0x1], $0x1, s17, s10, $0xb8;
	[tilespmem:$0xD80] =	vst v63  }
0x95: {  	_ =	swait.ge [sflag:s9], $0x80  }
0x96: {  	[sflag:s9] =	ssyncset.done $0x0  }
0x97: {  	[sflag:s9] =	ssyncadd.s32 $0xFFFFFF80  }
0x98: {  	[spmem:s1] =	stream.indirect.scatter.add.f32 [tilespmem:s11], [sflag:$0x1], $0x1, s18, s10, $0xb8;
	[tilespmem:$0xD80] =	vst v63  }
0x99: {  	_ =	swait.ge [sflag:s9], $0x80  }
.Ltmp0:
0x9a: {  	[sflag:s9] =	ssyncset.done $0x0;
	(pc) =	sbr.rel @p0 .LBB2_2-.Ltmp0, $4  }
0x9b: {  	[sflag:s9] =	ssyncadd.s32 $0xFFFFFF80  }
0x9c: {  	[spmem:s1] =	stream.indirect.scatter.add.f32 [tilespmem:s11], [sflag:$0x1], $0x1, s19, s10, $0xb8;
	[tilespmem:$0xD80] =	vst v63  }
0x9d: {  	_ =	swait.ge [sflag:s9], $0x80  }
0x9e: {  	s28 =	smov.u32 s26;
	[sflag:s9] =	ssyncset.done $0x0  }
0x9f: {  	s25 =	sadd.s32 s25, s7;
	[sflag:s9] =	ssyncadd.s32 $0xFFFFFF80  }
0xa0: {  	[tilespmem:s3], [sflag:$0x1] =	stream.linear.gather [hbm4b:s25+s3], $0x500, $0x38;
	[tilespmem:$0xD80] =	vst v63  }
0xa1: {  	_ =	swait.ge [sflag:s9], $0x500  }
0xa2: {  	[sflag:s9] =	ssyncset.done $0x0  }
0xa3: {  	[sflag:s9] =	ssyncadd.s32 $0xFFFFFB00  }
0xa4: {  	[spmem:s1] =	stream.indirect.scatter.add.f32 [tilespmem:s11], [sflag:$0x1], $0x1, s3, s10, $0xb8;
	[tilespmem:$0xD80] =	vst v63  }
0xa5: {  	_ =	swait.ge [sflag:s9], $0x80  }
0xa6: {  	[sflag:s9] =	ssyncset.done $0x0  }
0xa7: {  	[sflag:s9] =	ssyncadd.s32 $0xFFFFFF80  }
0xa8: {  	[spmem:s1] =	stream.indirect.scatter.add.f32 [tilespmem:s11], [sflag:$0x1], $0x1, s10, s10, $0xb8;
	[tilespmem:$0xD80] =	vst v63  }
0xa9: {  	_ =	swait.ge [sflag:s9], $0x80  }
0xaa: {  	[sflag:s9] =	ssyncset.done $0x0  }
0xab: {  	[sflag:s9] =	ssyncadd.s32 $0xFFFFFF80  }
0xac: {  	[spmem:s1] =	stream.indirect.scatter.add.f32 [tilespmem:s11], [sflag:$0x1], $0x1, s12, s10, $0xb8;
	[tilespmem:$0xD80] =	vst v63  }
0xad: {  	_ =	swait.ge [sflag:s9], $0x80  }
0xae: {  	[sflag:s9] =	ssyncset.done $0x0  }
0xaf: {  	[sflag:s9] =	ssyncadd.s32 $0xFFFFFF80  }
0xb0: {  	[spmem:s1] =	stream.indirect.scatter.add.f32 [tilespmem:s11], [sflag:$0x1], $0x1, s13, s10, $0xb8;
	[tilespmem:$0xD80] =	vst v63  }
0xb1: {  	_ =	swait.ge [sflag:s9], $0x80  }
0xb2: {  	[sflag:s9] =	ssyncset.done $0x0  }
0xb3: {  	[sflag:s9] =	ssyncadd.s32 $0xFFFFFF80  }
0xb4: {  	[spmem:s1] =	stream.indirect.scatter.add.f32 [tilespmem:s11], [sflag:$0x1], $0x1, s14, s10, $0xb8;
	[tilespmem:$0xD80] =	vst v63  }
0xb5: {  	_ =	swait.ge [sflag:s9], $0x80  }
0xb6: {  	[sflag:s9] =	ssyncset.done $0x0  }
0xb7: {  	[sflag:s9] =	ssyncadd.s32 $0xFFFFFF80  }
0xb8: {  	[spmem:s1] =	stream.indirect.scatter.add.f32 [tilespmem:s11], [sflag:$0x1], $0x1, s15, s10, $0xb8;
	[tilespmem:$0xD80] =	vst v63  }
0xb9: {  	_ =	swait.ge [sflag:s9], $0x80  }
0xba: {  	[sflag:s9] =	ssyncset.done $0x0  }
0xbb: {  	[sflag:s9] =	ssyncadd.s32 $0xFFFFFF80  }
0xbc: {  	[spmem:s1] =	stream.indirect.scatter.add.f32 [tilespmem:s11], [sflag:$0x1], $0x1, s16, s10, $0xb8;
	[tilespmem:$0xD80] =	vst v63  }
0xbd: {  	_ =	swait.ge [sflag:s9], $0x80  }
0xbe: {  	[sflag:s9] =	ssyncset.done $0x0  }
0xbf: {  	[sflag:s9] =	ssyncadd.s32 $0xFFFFFF80  }
0xc0: {  	[spmem:s1] =	stream.indirect.scatter.add.f32 [tilespmem:s11], [sflag:$0x1], $0x1, s17, s10, $0xb8;
	[tilespmem:$0xD80] =	vst v63  }
0xc1: {  	_ =	swait.ge [sflag:s9], $0x80  }
0xc2: {  	[sflag:s9] =	ssyncset.done $0x0  }
0xc3: {  	[sflag:s9] =	ssyncadd.s32 $0xFFFFFF80  }
0xc4: {  	[spmem:s1] =	stream.indirect.scatter.add.f32 [tilespmem:s11], [sflag:$0x1], $0x1, s18, s10, $0xb8;
	[tilespmem:$0xD80] =	vst v63  }
0xc5: {  	_ =	swait.ge [sflag:s9], $0x80  }
0xc6: {  	[sflag:s9] =	ssyncset.done $0x0  }
0xc7: {  	[sflag:s9] =	ssyncadd.s32 $0xFFFFFF80  }
0xc8: {  	[spmem:s1] =	stream.indirect.scatter.add.f32 [tilespmem:s11], [sflag:$0x1], $0x1, s19, s10, $0xb8;
	[tilespmem:$0xD80] =	vst v63  }
0xc9: {  	_ =	swait.ge [sflag:s9], $0x80  }
0xca: {  	s24 =	sadd.s32 $0x1, s24;
	[sflag:s9] =	ssyncset.done $0x0  }
0xcb: {  	p0 =	sne.s32 s24, s6;
	[sflag:s9] =	ssyncadd.s32 $0xFFFFFF80  }
.Ltmp1:
0xcc: {  	[bflag:$0x0] =	sbarrier.arrive $0xFFFF;
	(pc) =	sbr.rel @p0 .LBB2_1-.Ltmp1, $4  }
0xcd: {  	[hbm:s5@s22], [sflag:s20] =	dma.strided [spmem:s21@s23], $0x50, s9, $0x10   }
0xce: {  	_ =	swait.ge [sflag:s9], $0x50  }
0xcf: {  	[sflag:s9] =	ssyncset.done $0x0  }
0xd0: {  	[sflag:s9] =	ssyncadd.s32 $0xFFFFFFB0  }
0xd1: {  	_ =	sfence.sel $0x180000  }
0xd2: {  	[bflag:$0x0] =	sbarrier.arrive $0xFFFF  }
0xd3: {  	p0 =	sne.s32 s2, $0x0;
	_ =	strace $0x90000047  }
0xd4: {  	s0 =	sadd.s32 @!p0 $0x100000, s0;
	[bflag:$0x2] =	sbarrier.arrive $0xFFFF  }
0xd5: {  	[sflag:s0] =	ssyncadd.tile.s32 @!p0 $0x1;
	_ =	shalt  }
.Lfunc_end2:
_tile_overlayer_lowered:
.L_overlay_start_2:
0xd6: {  	(tag) =	ssettag $0x2  }
0xd7: {  	s0 =	rddreg [dreg:$0x0];
	s2 =	stileid.u32  }
0xd8: {  	s1 =	rddreg [dreg:$0x1];
	p0 =	sne.s32 s2, $0x0  }
0xd9: {  	s3 =	rddreg [dreg:$0x2];
	[bflag:$0x3] =	sbarrier.arrive $0xFFFF;
	s2 =	simm.s32 @!p0 $0x1C01  }
0xda: {  	[timem:s3], [sflag:s2] =	dma.local @!p0 [hbm:s0], s1  }
0xdb: {  	s0 =	simm.s32 @!p0 $0x1  }
0xdc: {  	_ =	swait.ge @!p0 [sflag:s0], s1  }
0xdd: {  	s1 =	ssub.s32 @!p0 $0x0, s1;
	[sflag:s0] =	ssyncset.done @!p0 $0x0  }
0xde: {  	[sflag:s0] =	ssyncadd.s32 @!p0 s1  }
0xdf: {  	[bflag:$0x3] =	sbarrier.arrive $0xFFFF  }
0xe0: {  	_ =	shalt  }

// kernel: kernel.13.cloned.1.call-start
scs
__scs_entry_jumppad:
0x0: {  	(pc) =	sbr.rel $0x88, $3  }
0x1: {  	(tag) =	ssettag $0x0;
	lr =	simm.s32 $0x1  }
0x2: {  	[smem:$0x3F9A] =	sst lr;
	_ =	strace $0xD0000000  }
0x3: {  	_ = 	snop  }
0x4: {  	_ = 	snop  }
0x5: {  	_ = 	snop  }
0x6: {  	_ = 	snop  }
0x7: {  	_ = 	snop  }
__scs_overlays_trampoline_lowered:
0x8: {  	[smem:$0x3FA9] =	sst s0  }
0x9: {  	[smem:$0x3FAA] =	sst s1  }
0xa: {  	[smem:$0x3FAB] =	sst s2  }
0xb: {  	[smem:$0x3FAC] =	sst s3  }
0xc: {  	[smem:$0x3FAD] =	sst s4  }
0xd: {  	[smem:$0x3FAE] =	sst s5  }
0xe: {  	[smem:$0x3FAF] =	sst s6  }
0xf: {  	[smem:$0x3FB0] =	sst s7  }
0x10: {  	[smem:$0x3FB1] =	sst s8  }
0x11: {  	[smem:$0x3FB2] =	sst s9;
	s0 =	simm.s32 @!p0 $0x0  }
0x12: {  	s1 =	sld [smem:$0x3F98];
	s0 =	simm.s32 @p0 $0x1  }
0x13: {  	[smem:$0x3FB3] =	sst s0;
	s0 =	simm.s32 @!p1 $0x0  }
0x14: {  	s2 =	sld [smem:$0x3F97];
	s0 =	simm.s32 @p1 $0x1  }
0x15: {  	[smem:$0x3FB4] =	sst s0;
	s0 =	simm.s32 @!p2 $0x0  }
0x16: {  	s3 =	sld [smem:$0x3FDB];
	s0 =	simm.s32 @p2 $0x1  }
0x17: {  	s4 =	simm.s32 $0x1BF5;
	[smem:$0x3FB6] =	sst s0  }
0x18: {  	s0 =	sld [smem:$0x3F99];
	_ =	swait.ge [sflag:s4], $0x0  }
0x19: {  	s7 =	sld [smem:$0x3F9A]  }
0x1a: {  	s8 =	sadd.s32 $0xFFFFE003, lr  }
0x1b: {  	s9 =	sadd.s32 $0xFFFFFEF7, lr;
	s5 =	simm.s32 $0xFFFFFFFF;
	p2 =	slt.u32 s8, $0xFFFFF086  }
0x1c: {  	p1 =	slt.u32 s9, $0xF7A;
	s5 =	simm.s32 @!p2 $0x0  }
0x1d: {  	s5 =	simm.s32 @p1 $0x1;
	p0 =	seq.s32 s7, s2  }
0x1e: {  	s7 =	smul.u32 @!p0 $0xF7A, s2;
	p2 =	seq.s32 @!p0 s5, $0x0  }
0x1f: {  	s9 =	smul.u32 $0xF7A, s1;
	s8 =	simm.s32 @!p0 $0x1BF5;
	p2 =	por !p2, p0  }
0x20: {  	[sflag:s8] =	ssyncset.s32 @!p0 $0xFFFFF086;
	s6 =	sadd.s32 @!p0 s3, s7;
	s7 =	simm.s32 @!p0 $0x108  }
0x21: {  	s3 =	sadd.s32 s3, s9;
	s6 =	sadd.s32 @!p0 $0x88, s6;
	s7 =	simm.s32 @p2 $0x1082  }
0x22: {  	[simem:s7], [sflag:s8] =	dma.local @!p0 [hbm:s6], $0xF7A  }
0x23: {  	s9 =	sor.u32 $0xD0000000, s2;
	s6 =	simm.s32 $0x108;
	_ =	swait.ge @!p0 [sflag:s8], $0x0  }
0x24: {  	s3 =	sadd.s32 $0x88, s3;
	s6 =	simm.s32 @!p1 $0x1082;
	[sflag:s4] =	ssyncset.s32 $0xFFFFF086  }
0x25: {  	[simem:s6], [sflag:s4] =	dma.local [hbm:s3], $0xF7A  }
0x26: {  	[smem:$0x3F9A] =	sst s1;
	(tag) =	ssettag s2;
	_ =	strace s9  }
0x27: {  	s1 =	sld [smem:$0x3FAA]  }
0x28: {  	s2 =	sld [smem:$0x3FAB]  }
0x29: {  	s4 =	sld [smem:$0x3FAD]  }
0x2a: {  	p0 =	seq.s32 s5, $0x0;
	s5 =	sld [smem:$0x3FAE]  }
0x2b: {  	s6 =	sld [smem:$0x3FAF]  }
0x2c: {  	s7 =	sld [smem:$0x3FB0]  }
0x2d: {  	s3 =	simm.s32 $0x108;
	s8 =	sld [smem:$0x3FB1]  }
0x2e: {  	s3 =	simm.s32 @!p0 $0x1082;
	s9 =	sld [smem:$0x3FB2]  }
0x2f: {  	lr =	sadd.s32 s0, s3;
	s0 =	sld [smem:$0x3FA9]  }
0x30: {  	s3 =	sld [smem:$0x3FAC]  }
0x31: {  	[smem:$0x3FB5] =	sst s10  }
0x32: {  	s10 =	sld [smem:$0x3FB3];
	_ =	sdelay $0x3  }
0x33: {  	p0 =	seq.s32 s10, $0x1;
	s10 =	sld [smem:$0x3FB5];
	_ =	sdelay $0x3  }
0x34: {  	[smem:$0x3FB5] =	sst s10  }
0x35: {  	s10 =	sld [smem:$0x3FB4];
	_ =	sdelay $0x3  }
0x36: {  	p1 =	seq.s32 s10, $0x1;
	s10 =	sld [smem:$0x3FB5];
	_ =	sdelay $0x3  }
0x37: {  	[smem:$0x3FB5] =	sst s10  }
0x38: {  	s10 =	sld [smem:$0x3FB6]  }
0x39: {  	_ = 	snop;
	(pc) =	sbr.ind lr, $3  }
0x3a: {  	_ = 	snop  }
0x3b: {  	_ = 	snop  }
0x3c: {  	p2 =	seq.s32 s10, $0x1;
	s10 =	sld [smem:$0x3FB5]  }
0x3d: {  	_ =	shalt  }
0x3e: {  	_ =	shalt  }
0x3f: {  	_ =	shalt  }
0x40: {  	_ =	shalt  }
0x41: {  	_ =	shalt  }
0x42: {  	_ =	shalt  }
0x43: {  	_ =	shalt  }
0x44: {  	_ =	shalt  }
0x45: {  	_ =	shalt  }
0x46: {  	_ =	shalt  }
0x47: {  	_ =	shalt  }
0x48: {  	_ =	shalt  }
0x49: {  	_ =	shalt  }
0x4a: {  	_ =	shalt  }
0x4b: {  	_ =	shalt  }
0x4c: {  	_ =	shalt  }
0x4d: {  	_ =	shalt  }
0x4e: {  	_ =	shalt  }
0x4f: {  	_ =	shalt  }
0x50: {  	_ =	shalt  }
0x51: {  	_ =	shalt  }
0x52: {  	_ =	shalt  }
0x53: {  	_ =	shalt  }
0x54: {  	_ =	shalt  }
0x55: {  	_ =	shalt  }
0x56: {  	_ =	shalt  }
0x57: {  	_ =	shalt  }
0x58: {  	_ =	shalt  }
0x59: {  	_ =	shalt  }
0x5a: {  	_ =	shalt  }
0x5b: {  	_ =	shalt  }
0x5c: {  	_ =	shalt  }
0x5d: {  	_ =	shalt  }
0x5e: {  	_ =	shalt  }
0x5f: {  	_ =	shalt  }
0x60: {  	_ =	shalt  }
0x61: {  	_ =	shalt  }
0x62: {  	_ =	shalt  }
0x63: {  	_ =	shalt  }
0x64: {  	_ =	shalt  }
0x65: {  	_ =	shalt  }
0x66: {  	_ =	shalt  }
0x67: {  	_ =	shalt  }
0x68: {  	_ =	shalt  }
0x69: {  	_ =	shalt  }
0x6a: {  	_ =	shalt  }
0x6b: {  	_ =	shalt  }
0x6c: {  	_ =	shalt  }
0x6d: {  	_ =	shalt  }
0x6e: {  	_ =	shalt  }
0x6f: {  	_ =	shalt  }
0x70: {  	_ =	shalt  }
0x71: {  	_ =	shalt  }
0x72: {  	_ =	shalt  }
0x73: {  	_ =	shalt  }
0x74: {  	_ =	shalt  }
0x75: {  	_ =	shalt  }
0x76: {  	_ =	shalt  }
0x77: {  	_ =	shalt  }
0x78: {  	_ =	shalt  }
0x79: {  	_ =	shalt  }
0x7a: {  	_ =	shalt  }
0x7b: {  	_ =	shalt  }
0x7c: {  	_ =	shalt  }
0x7d: {  	_ =	shalt  }
0x7e: {  	_ =	shalt  }
0x7f: {  	_ =	shalt  }
0x80: {  	_ =	shalt  }
0x81: {  	_ =	shalt  }
0x82: {  	_ =	shalt  }
0x83: {  	_ =	shalt  }
0x84: {  	_ =	shalt  }
0x85: {  	_ =	shalt  }
0x86: {  	_ =	shalt  }
0x87: {  	_ =	shalt  }
.Lfunc_end0:
.L_simem_size_0:
called_computation.1_lowered:
.L_overlay_start_0:
0x88: {  	s2 =	sld [smem:$0x3FD9]  }
0x89: {  	s3 =	sld [smem:$0x3FFE];
	_ =	sdelay $0x1  }
0x8a: {  	s1 =	srdreg.scid  }
0x8b: {  	s0 =	sand.u32 $0x1, s1  }
0x8c: {  	s16 =	sshll.u32 s0, $0xA;
	s2 =	sadd.s32 s3, s2  }
0x8d: {  	s2 =	sadd.s32 s2, s16  }
0x8e: {  	[smem:$0x3FC1] =	sst s2  }
0x8f: {  	_ = 	snop  }
0x90: {  	(tm) =	ssettm $0x1  }
0x91: {  	s17 =	sld [smem:$0x3FFB];
	_ =	sdelay $0x3  }
0x92: {  	_ =	strace s17  }
0x93: {  	s2 =	sld [smem:$0x3FFC];
	_ =	sdelay $0x3  }
0x94: {  	_ =	strace s2  }
0x95: {  	s2 =	sld [smem:$0x3FFD];
	_ =	sdelay $0x3  }
0x96: {  	_ =	strace s2  }
0x97: {  	_ =	strace $0x8FFFFFFF  }
0x98: {  	s18 =	sld [smem:$0x3FDB];
	_ =	sdelay $0x1  }
0x99: {  	s19 =	simm.s32 $_scs_section_size  }
0x9a: {  	s4 =	simm.s32 $_size__tile_overlayer_lowered;
	s5 =	simm.s32 $_tile_overlayer_lowered  }
0x9b: {  	s22 =	simm.s32 $0x1BFF;
	s21 =	sshll.u32 s5, $0x1;
	s2 =	sadd.s32 s19, s18  }
0x9c: {  	s6 =	simm.s32 $0x0;
	s20 =	sshll.u32 s4, $0x1;
	s4 =	sadd.s32 s21, s2  }
0x9d: {  	[timem:s6], [sflag:s22] =	dma.local [hbm:s4], s20  }
0x9e: {  	_ =	swait.ge [sflag:s22], s20  }
0x9f: {  	s3 =	ssub.s32 $0x0, s20;
	[sflag:s22] =	ssyncset.done $0x0  }
0xa0: {  	[sflag:s22] =	ssyncadd.s32 s3;
	_ =	sdelay $0x1  }
0xa1: {  	s23 =	simm.s32 $0x1B8B  }
0xa2: {  	_ =	swait.ge [sflag:s23], $0x1  }
0xa3: {  	[sflag:s23] =	ssyncset.done $0x0  }
0xa4: {  	s25 =	simm.s32 $0x1B8E;
	s24 =	sld [smem:$0x3FFE];
	[sflag:s23] =	ssyncadd.s32 $0xFFFFFFFF  }
0xa5: {  	s26 =	simm.s32 $execute0_lowered;
	[smem:$0x3FD2] =	sst s25  }
0xa6: {  	s4 =	sshll.u32 s26, $0x1;
	_ =	strace $0x80000049;
	[dreg:$0x1] =	wrdreg $0xFFFFFFFF  }
0xa7: {  	s28 =	simm.s32 $_size_execute0_lowered;
	s2 =	sadd.s32 s2, s4;
	[dreg:$0x0] =	wrdreg $0x0  }
0xa8: {  	s4 =	sshll.u32 s28, $0x1;
	[dreg:$0x2] =	wrdreg s2  }
0xa9: {  	[dreg:$0x3] =	wrdreg s4  }
0xaa: {  	[dreg:$0x4] =	wrdreg $0xC0  }
0xab: {  	_ =	task [dreg:s6], $0x5FFFF  }
0xac: {  	[dreg:$0x1] =	wrdreg $0xFFFFFFFF  }
0xad: {  	[dreg:$0x0] =	wrdreg $0x60  }
0xae: {  	[dreg:$0x2] =	wrdreg s24  }
0xaf: {  	[dreg:$0x3] =	wrdreg $0x90000  }
0xb0: {  	[dreg:$0x4] =	wrdreg $0x9  }
0xb1: {  	_ =	task.clear_ibuf [dreg:s6], $0x5FFFF;
	_ =	strace $0x90000049  }
0xb2: {  	s29 =	simm.s32 $0x9;
	_ =	strace $0x8000004B  }
0xb3: {  	_ =	swait.ge [sflag:s29], $0x1  }
0xb4: {  	[sflag:s29] =	ssyncadd.s32 $0xFFFFFFFF  }
0xb5: {  	_ =	strace $0x9000004B  }
0xb6: {  	_ =	sfence  }
0xb7: {  	s30 =	sld [smem:$0x0];
	_ =	sdelay $0x2  }
0xb8: {  	s31 =	sshll.u32 s1, $0xD;
	s1 =	sshrl.u32 s1, $0x2  }
0xb9: {  	s3 =	sand.u32 $0x4000, s31;
	s1 =	sadd.s32 s1, s30  }
0xba: {  	s0 =	sor.u32 s3, s0;
	s1 =	sshll.u32 s1, $0x11  }
0xbb: {  	s0 =	sor.u32 s1, s0  }
0xbc: {  	s0 =	sadd.s32 $0x8F2B, s0  }
0xbd: {  	[sflag:s0] =	ssyncadd.remote.s32 $0x1  }
0xbe: {  	_ =	sfence.sel $0xFFFF  }
0xbf: {  	[dreg:$0x0] =	wrdreg $0xFFFFFFFF;
	(pc) =	sbr.abs _section_cstart, $3  }
0xc0: {  	[dreg:$0x1] =	wrdreg $0xFFFFFFFF  }
0xc1: {  	_ =	task.clear_ibuf [dreg:s6], $0x2FFFF;
	_ =	strace $0x9FFFFFFF  }
0xc2: {  	(tm) =	ssettm $0x7FFFFFFF  }
0xc3: {  	_ =	shalt  }
tec
execute0_lowered:
.L_overlay_start_1:
0x0: {  	(tag) =	ssettag $0x1  }
0x1: {  	s0 =	rddreg [dreg:$0x0]  }
0x2: {  	s1 =	rddreg [dreg:$0x1];
	s2 =	srdreg.scid;
	s3 =	simm.s32 $0x0  }
0x3: {  	s4 =	stileid.u32;
	s12 =	simm.s32 $0x1000;
	s13 =	simm.s32 $0x5  }
0x4: {  	s14 =	simm.s32 $0x800;
	s15 =	simm.s32 $0x80;
	s16 =	simm.s32 $0x1  }
0x5: {  	s25 =	simm.s32 $0x100;
	s26 =	simm.s32 $0x880;
	s28 =	simm.s32 $0x300  }
0x6: {  	s29 =	simm.s32 $0xA80;
	s30 =	simm.s32 $0x380;
	s31 =	simm.s32 $0xB00  }
0x7: {  	s9 =	simm.s32 $0x0;
	s2 =	sand.u32 $0x1, s2;
	s6 =	smul.u32 $0x14000, s4  }
0x8: {  	[smem:$0x7FF] =	sst s3;
	s7 =	sshll.u32 s4, $0xC;
	s8 =	smul.u32 $0x50000, s4  }
0x9: {  	s4 =	sadd.s32 $0x86E00, s0;
	s5 =	smul.u32 $0x140000, s2;
	_ =	strace $0x8000004A  }
0xa: {  	s7 =	sadd.s32 s7, s0;
	s17 =	ssub.s32 $0x2, s2;
	[dreg:$0x5] =	wrdreg s25  }
0xb: {  	s2 =	sshll.u32 s2, $0xB;
	[dreg:$0x6] =	wrdreg s26;
	s25 =	simm.s32 $0x280  }
0xc: {  	s26 =	simm.s32 $0xA00;
	s8 =	sshrl.u32 s8, $0x2;
	s18 =	sshrl.u32 s17, $0x1  }
0xd: {  	s2 =	sadd.s32 s2, s7;
	s7 =	simm.s32 $0xC00;
	s5 =	sadd.s32 s6, s5  }
0xe: {  	s8 =	sadd.s32 s8, s1;
	s23 =	sadd.s32 $0xCE00, s2;
	s24 =	sadd.s32 $0x26E00, s2  }
0xf: {  	s2 =	simm.s32 $0xB80;
	s6 =	simm.s32 $0x480;
	[dreg:$0x7] =	wrdreg s8  }
0x10: {  	s5 =	sshrl.u32 s5, $0x3;
	s19 =	sadd.s32 $0x4000, s8;
	[dreg:$0x3] =	wrdreg s23  }
0x11: {  	s20 =	sadd.s32 $0x8000, s8;
	s21 =	sadd.s32 $0xC000, s8;
	[dreg:$0x4] =	wrdreg s24  }
0x12: {  	s22 =	sadd.s32 $0x10000, s8;
	s23 =	simm.s32 $0x200;
	[dreg:$0x8] =	wrdreg s19  }
0x13: {  	s24 =	simm.s32 $0x980;
	s8 =	simm.s32 $0xC80;
	[dreg:$0x9] =	wrdreg s20  }
0x14: {  	s0 =	sadd.s32 s5, s0;
	s5 =	ssub.s32 s17, s18;
	[dreg:$0xa] =	wrdreg s21  }
0x15: {  	[dreg:$0xb] =	wrdreg s22;
	s17 =	simm.s32 $0x5000;
	s18 =	simm.s32 $0x2  }
0x16: {  	s19 =	simm.s32 $0x3;
	s20 =	simm.s32 $0x4;
	s0 =	sadd.s32 $0xAEE00, s0  }
0x17: {  	s21 =	simm.s32 $0x180;
	s5 =	smax.u32 s5, $0x1;
	[dreg:$0xc] =	wrdreg s0  }
0x18: {  	v0 =	vimm.f32 $0.0e+00;
	s22 =	simm.s32 $0x900;
	[dreg:$0xd] =	wrdreg s5;
	s0 =	simm.s32 $0x400  }
.LBB2_1:
0x19: {  	s5 =	sand.u32 $0xFE00, s3  }
0x1a: {  	[dreg:$0xe] =	wrdreg s9;
	s11 =	sand.u32 $0x70, s3;
	s5 =	sshrl.u32 s5, $0x2  }
0x1b: {  	s10 =	simm.s32 $0x40;
	s5 =	sor.u32 s11, s5;
	s11 =	simm.s32 $0x0  }
.LBB2_2:
0x1c: {  	p0 =	sne.s32 s10, $0xFFC0  }
0x1d: {  	[tilespmem:s5+$0x1000] =	vst v0;
	s11 =	sadd.s32 $0x10, s11;
	s5 =	smov.u32 s10;
	s10 =	sadd.s32 $0x40, s10  }
.Ltmp0:
0x1e: {  	(pc) =	sbr.rel @p0 .LBB2_2-.Ltmp0, $4  }
0x1f: {  	_ = 	snop  }
0x20: {  	s5 =	sand.u32 $0xFE00, s5  }
0x21: {  	s9 =	sand.u32 $0x70, s11;
	s5 =	sshrl.u32 s5, $0x2  }
0x22: {  	s5 =	sor.u32 s9, s5  }
0x23: {  	[tilespmem:s5+$0x1000] =	vst v0;
	s10 =	rddreg [dreg:$0x7]  }
0x24: {  	[spmem:s10] =	stream.linear.scatter [tilespmem:s12], [sflag:$0x5], $0x4000, $0x38;
	[tilespmem:$0x1D000] =	vst v63  }
0x25: {  	_ =	swait.ge [sflag:s13], $0x4000  }
0x26: {  	[sflag:s13] =	ssyncset.done $0x0  }
0x27: {  	s11 =	rddreg [dreg:$0x8];
	[sflag:s13] =	ssyncadd.s32 $0xFFFFC000  }
0x28: {  	[spmem:s11] =	stream.linear.scatter [tilespmem:s12], [sflag:$0x5], $0x4000, $0x38;
	[tilespmem:$0x1D000] =	vst v63  }
0x29: {  	_ =	swait.ge [sflag:s13], $0x4000  }
0x2a: {  	[sflag:s13] =	ssyncset.done $0x0  }
0x2b: {  	s9 =	rddreg [dreg:$0x9];
	[sflag:s13] =	ssyncadd.s32 $0xFFFFC000  }
0x2c: {  	[spmem:s9] =	stream.linear.scatter [tilespmem:s12], [sflag:$0x5], $0x4000, $0x38;
	[tilespmem:$0x1D000] =	vst v63  }
0x2d: {  	_ =	swait.ge [sflag:s13], $0x4000  }
0x2e: {  	[sflag:s13] =	ssyncset.done $0x0  }
0x2f: {  	s10 =	rddreg [dreg:$0xa];
	[sflag:s13] =	ssyncadd.s32 $0xFFFFC000  }
0x30: {  	[spmem:s10] =	stream.linear.scatter [tilespmem:s12], [sflag:$0x5], $0x4000, $0x38;
	[tilespmem:$0x1D000] =	vst v63  }
0x31: {  	_ =	swait.ge [sflag:s13], $0x4000  }
0x32: {  	[sflag:s13] =	ssyncset.done $0x0  }
0x33: {  	s11 =	rddreg [dreg:$0xb];
	[sflag:s13] =	ssyncadd.s32 $0xFFFFC000  }
0x34: {  	[spmem:s11] =	stream.linear.scatter [tilespmem:s12], [sflag:$0x5], $0x4000, $0x38;
	[tilespmem:$0x1D000] =	vst v63  }
0x35: {  	_ =	swait.ge [sflag:s13], $0x4000  }
0x36: {  	[sflag:s13] =	ssyncset.done $0x0  }
0x37: {  	[sflag:s13] =	ssyncadd.s32 $0xFFFFC000  }
0x38: {  	[bflag:$0x0] =	sbarrier.arrive $0xFFFF  }
0x39: {  	s9 =	rddreg [dreg:$0x4]  }
0x3a: {  	s5 =	sadd.s32 $0x0, s9  }
0x3b: {  	[tilespmem:s3], [sflag:$0x5] =	stream.linear.gather [hbm4b:s5+s3], $0x500, $0x38;
	[tilespmem:$0x1D000] =	vst v63  }
0x3c: {  	_ =	swait.ge [sflag:s13], $0x500  }
0x3d: {  	s10 =	rddreg [dreg:$0x3];
	[sflag:s13] =	ssyncset.done $0x0  }
0x3e: {  	[sflag:s13] =	ssyncadd.s32 $0xFFFFFB00;
	s5 =	sadd.s32 $0x0, s10  }
0x3f: {  	[tilespmem:s14], [sflag:$0x5] =	stream.linear.gather [hbm4b:s5+s3], $0x500, $0x38;
	[tilespmem:$0x1D000] =	vst v63  }
0x40: {  	_ =	swait.ge [sflag:s13], $0x500  }
0x41: {  	[sflag:s13] =	ssyncset.done $0x0  }
0x42: {  	[sflag:s13] =	ssyncadd.s32 $0xFFFFFB00  }
0x43: {  	[tilespmem:s12], [sflag:$0x1] =	stream.indirect.gather [hbm4b:s4+s15], $0x80, s3, s15, $0xb8;
	[tilespmem:$0x1D000] =	vst v63  }
0x44: {  	_ =	swait.ge [sflag:s16], $0x4000  }
0x45: {  	[sflag:s16] =	ssyncset.done $0x0  }
0x46: {  	[sflag:s16] =	ssyncadd.s32 $0xFFFFC000  }
0x47: {  	[tilespmem:s17], [sflag:$0x2] =	stream.indirect.gather [hbm4b:s4+s15], $0x80, s15, s15, $0xb8;
	[tilespmem:$0x1D000] =	vst v63  }
0x48: {  	_ = 	snop  }
0x49: {  	[spmem:s1] =	stream.indirect.scatter.add.f32 [tilespmem:s12], [sflag:$0x3], $0x80, s14, s15, $0xb8;
	[tilespmem:$0x1D000] =	vst v63  }
0x4a: {  	_ =	swait.ge [sflag:s18], $0x4000  }
0x4b: {  	[sflag:s18] =	ssyncset.done $0x0  }
0x4c: {  	[sflag:s18] =	ssyncadd.s32 $0xFFFFC000  }
0x4d: {  	_ =	swait.ge [sflag:s19], $0x4000  }
0x4e: {  	[sflag:s19] =	ssyncset.done $0x0  }
0x4f: {  	s11 =	rddreg [dreg:$0x5];
	[sflag:s19] =	ssyncadd.s32 $0xFFFFC000  }
0x50: {  	[tilespmem:s12], [sflag:$0x1] =	stream.indirect.gather [hbm4b:s4+s15], $0x80, s11, s15, $0xb8;
	[tilespmem:$0x1D000] =	vst v63  }
0x51: {  	s9 =	rddreg [dreg:$0x6]  }
0x52: {  	[spmem:s1] =	stream.indirect.scatter.add.f32 [tilespmem:s17], [sflag:$0x4], $0x80, s9, s15, $0xb8;
	[tilespmem:$0x1D000] =	vst v63  }
0x53: {  	_ =	swait.ge [sflag:s16], $0x4000  }
0x54: {  	[sflag:s16] =	ssyncset.done $0x0  }
0x55: {  	[sflag:s16] =	ssyncadd.s32 $0xFFFFC000  }
0x56: {  	_ =	swait.ge [sflag:s20], $0x4000  }
0x57: {  	[sflag:s20] =	ssyncset.done $0x0  }
0x58: {  	[sflag:s20] =	ssyncadd.s32 $0xFFFFC000  }
0x59: {  	[tilespmem:s17], [sflag:$0x2] =	stream.indirect.gather [hbm4b:s4+s15], $0x80, s21, s15, $0xb8;
	[tilespmem:$0x1D000] =	vst v63  }
0x5a: {  	_ = 	snop  }
0x5b: {  	[spmem:s1] =	stream.indirect.scatter.add.f32 [tilespmem:s12], [sflag:$0x3], $0x80, s22, s15, $0xb8;
	[tilespmem:$0x1D000] =	vst v63  }
0x5c: {  	_ =	swait.ge [sflag:s18], $0x4000  }
0x5d: {  	[sflag:s18] =	ssyncset.done $0x0  }
0x5e: {  	[sflag:s18] =	ssyncadd.s32 $0xFFFFC000  }
0x5f: {  	_ =	swait.ge [sflag:s19], $0x4000  }
0x60: {  	[sflag:s19] =	ssyncset.done $0x0  }
0x61: {  	[sflag:s19] =	ssyncadd.s32 $0xFFFFC000  }
0x62: {  	[tilespmem:s12], [sflag:$0x1] =	stream.indirect.gather [hbm4b:s4+s15], $0x80, s23, s15, $0xb8;
	[tilespmem:$0x1D000] =	vst v63  }
0x63: {  	_ = 	snop  }
0x64: {  	[spmem:s1] =	stream.indirect.scatter.add.f32 [tilespmem:s17], [sflag:$0x4], $0x80, s24, s15, $0xb8;
	[tilespmem:$0x1D000] =	vst v63  }
0x65: {  	_ =	swait.ge [sflag:s16], $0x4000  }
0x66: {  	[sflag:s16] =	ssyncset.done $0x0  }
0x67: {  	[sflag:s16] =	ssyncadd.s32 $0xFFFFC000  }
0x68: {  	_ =	swait.ge [sflag:s20], $0x4000  }
0x69: {  	[sflag:s20] =	ssyncset.done $0x0  }
0x6a: {  	[sflag:s20] =	ssyncadd.s32 $0xFFFFC000  }
0x6b: {  	[tilespmem:s17], [sflag:$0x2] =	stream.indirect.gather [hbm4b:s4+s15], $0x80, s25, s15, $0xb8;
	[tilespmem:$0x1D000] =	vst v63  }
0x6c: {  	_ = 	snop  }
0x6d: {  	[spmem:s1] =	stream.indirect.scatter.add.f32 [tilespmem:s12], [sflag:$0x3], $0x80, s26, s15, $0xb8;
	[tilespmem:$0x1D000] =	vst v63  }
0x6e: {  	_ =	swait.ge [sflag:s18], $0x4000  }
0x6f: {  	[sflag:s18] =	ssyncset.done $0x0  }
0x70: {  	[sflag:s18] =	ssyncadd.s32 $0xFFFFC000  }
0x71: {  	_ =	swait.ge [sflag:s19], $0x4000  }
0x72: {  	[sflag:s19] =	ssyncset.done $0x0  }
0x73: {  	[sflag:s19] =	ssyncadd.s32 $0xFFFFC000  }
0x74: {  	[tilespmem:s12], [sflag:$0x1] =	stream.indirect.gather [hbm4b:s4+s15], $0x80, s28, s15, $0xb8;
	[tilespmem:$0x1D000] =	vst v63  }
0x75: {  	_ = 	snop  }
0x76: {  	[spmem:s1] =	stream.indirect.scatter.add.f32 [tilespmem:s17], [sflag:$0x4], $0x80, s29, s15, $0xb8;
	[tilespmem:$0x1D000] =	vst v63  }
0x77: {  	_ =	swait.ge [sflag:s16], $0x4000  }
0x78: {  	[sflag:s16] =	ssyncset.done $0x0  }
0x79: {  	[sflag:s16] =	ssyncadd.s32 $0xFFFFC000  }
0x7a: {  	_ =	swait.ge [sflag:s20], $0x4000  }
0x7b: {  	[sflag:s20] =	ssyncset.done $0x0  }
0x7c: {  	[sflag:s20] =	ssyncadd.s32 $0xFFFFC000  }
0x7d: {  	[tilespmem:s17], [sflag:$0x2] =	stream.indirect.gather [hbm4b:s4+s15], $0x80, s30, s15, $0xb8;
	[tilespmem:$0x1D000] =	vst v63  }
0x7e: {  	_ = 	snop  }
0x7f: {  	[spmem:s1] =	stream.indirect.scatter.add.f32 [tilespmem:s12], [sflag:$0x3], $0x80, s31, s15, $0xb8;
	[tilespmem:$0x1D000] =	vst v63  }
0x80: {  	_ =	swait.ge [sflag:s18], $0x4000  }
0x81: {  	[sflag:s18] =	ssyncset.done $0x0  }
0x82: {  	[sflag:s18] =	ssyncadd.s32 $0xFFFFC000  }
0x83: {  	_ =	swait.ge [sflag:s19], $0x4000  }
0x84: {  	[sflag:s19] =	ssyncset.done $0x0  }
0x85: {  	[sflag:s19] =	ssyncadd.s32 $0xFFFFC000  }
0x86: {  	[tilespmem:s12], [sflag:$0x1] =	stream.indirect.gather [hbm4b:s4+s15], $0x80, s0, s15, $0xb8;
	[tilespmem:$0x1D000] =	vst v63  }
0x87: {  	_ = 	snop  }
0x88: {  	[spmem:s1] =	stream.indirect.scatter.add.f32 [tilespmem:s17], [sflag:$0x4], $0x80, s2, s15, $0xb8;
	[tilespmem:$0x1D000] =	vst v63  }
0x89: {  	_ =	swait.ge [sflag:s16], $0x4000  }
0x8a: {  	[sflag:s16] =	ssyncset.done $0x0  }
0x8b: {  	[sflag:s16] =	ssyncadd.s32 $0xFFFFC000  }
0x8c: {  	_ =	swait.ge [sflag:s20], $0x4000  }
0x8d: {  	[sflag:s20] =	ssyncset.done $0x0  }
0x8e: {  	[sflag:s20] =	ssyncadd.s32 $0xFFFFC000  }
0x8f: {  	[tilespmem:s17], [sflag:$0x2] =	stream.indirect.gather [hbm4b:s4+s15], $0x80, s6, s15, $0xb8;
	[tilespmem:$0x1D000] =	vst v63  }
0x90: {  	_ = 	snop  }
0x91: {  	[spmem:s1] =	stream.indirect.scatter.add.f32 [tilespmem:s12], [sflag:$0x3], $0x80, s7, s15, $0xb8;
	[tilespmem:$0x1D000] =	vst v63  }
0x92: {  	_ =	swait.ge [sflag:s18], $0x4000  }
0x93: {  	[sflag:s18] =	ssyncset.done $0x0  }
0x94: {  	[sflag:s18] =	ssyncadd.s32 $0xFFFFC000  }
0x95: {  	_ =	swait.ge [sflag:s19], $0x4000  }
0x96: {  	[sflag:s19] =	ssyncset.done $0x0  }
0x97: {  	[sflag:s19] =	ssyncadd.s32 $0xFFFFC000  }
0x98: {  	[spmem:s1] =	stream.indirect.scatter.add.f32 [tilespmem:s17], [sflag:$0x4], $0x80, s8, s15, $0xb8;
	[tilespmem:$0x1D000] =	vst v63  }
0x99: {  	s10 =	simm.s32 $0x100;
	_ =	swait.ge [sflag:s20], $0x4000  }
0x9a: {  	s11 =	simm.s32 $0x200;
	s5 =	rddreg [dreg:$0x4];
	[sflag:s20] =	ssyncset.done $0x0  }
.LBB2_4:
0x9b: {  	[sflag:s20] =	ssyncadd.s32 $0xFFFFC000;
	s5 =	sadd.s32 s10, s5  }
0x9c: {  	[tilespmem:s3], [sflag:$0x5] =	stream.linear.gather [hbm4b:s5+s3], $0x500, $0x38;
	[tilespmem:$0x1D000] =	vst v63  }
0x9d: {  	_ =	swait.ge [sflag:s13], $0x500  }
0x9e: {  	s5 =	rddreg [dreg:$0x3];
	[sflag:s13] =	ssyncset.done $0x0  }
0x9f: {  	[sflag:s13] =	ssyncadd.s32 $0xFFFFFB00;
	s5 =	sadd.s32 s10, s5  }
0xa0: {  	[tilespmem:s14], [sflag:$0x5] =	stream.linear.gather [hbm4b:s5+s3], $0x500, $0x38;
	[tilespmem:$0x1D000] =	vst v63  }
0xa1: {  	_ =	swait.ge [sflag:s13], $0x500  }
0xa2: {  	[sflag:s13] =	ssyncset.done $0x0  }
0xa3: {  	[sflag:s13] =	ssyncadd.s32 $0xFFFFFB00  }
0xa4: {  	[tilespmem:s12], [sflag:$0x1] =	stream.indirect.gather [hbm4b:s4+s15], $0x80, s3, s15, $0xb8;
	[tilespmem:$0x1D000] =	vst v63  }
0xa5: {  	_ =	swait.ge [sflag:s16], $0x4000  }
0xa6: {  	[sflag:s16] =	ssyncset.done $0x0  }
0xa7: {  	[sflag:s16] =	ssyncadd.s32 $0xFFFFC000  }
0xa8: {  	[tilespmem:s17], [sflag:$0x2] =	stream.indirect.gather [hbm4b:s4+s15], $0x80, s15, s15, $0xb8;
	[tilespmem:$0x1D000] =	vst v63  }
0xa9: {  	_ = 	snop  }
0xaa: {  	[spmem:s1] =	stream.indirect.scatter.add.f32 [tilespmem:s12], [sflag:$0x3], $0x80, s14, s15, $0xb8;
	[tilespmem:$0x1D000] =	vst v63  }
0xab: {  	_ =	swait.ge [sflag:s18], $0x4000  }
0xac: {  	[sflag:s18] =	ssyncset.done $0x0  }
0xad: {  	[sflag:s18] =	ssyncadd.s32 $0xFFFFC000  }
0xae: {  	_ =	swait.ge [sflag:s19], $0x4000  }
0xaf: {  	[sflag:s19] =	ssyncset.done $0x0  }
0xb0: {  	s9 =	smov.u32 s11;
	s5 =	rddreg [dreg:$0x5];
	[sflag:s19] =	ssyncadd.s32 $0xFFFFC000  }
0xb1: {  	[tilespmem:s12], [sflag:$0x1] =	stream.indirect.gather [hbm4b:s4+s15], $0x80, s5, s15, $0xb8;
	[tilespmem:$0x1D000] =	vst v63  }
0xb2: {  	s10 =	smov.u32 s9;
	s9 =	rddreg [dreg:$0x6]  }
0xb3: {  	[spmem:s1] =	stream.indirect.scatter.add.f32 [tilespmem:s17], [sflag:$0x4], $0x80, s9, s15, $0xb8;
	[tilespmem:$0x1D000] =	vst v63  }
0xb4: {  	_ =	swait.ge [sflag:s16], $0x4000  }
0xb5: {  	[sflag:s16] =	ssyncset.done $0x0  }
0xb6: {  	[sflag:s16] =	ssyncadd.s32 $0xFFFFC000  }
0xb7: {  	_ =	swait.ge [sflag:s20], $0x4000  }
0xb8: {  	[sflag:s20] =	ssyncset.done $0x0  }
0xb9: {  	[sflag:s20] =	ssyncadd.s32 $0xFFFFC000  }
0xba: {  	[tilespmem:s17], [sflag:$0x2] =	stream.indirect.gather [hbm4b:s4+s15], $0x80, s21, s15, $0xb8;
	[tilespmem:$0x1D000] =	vst v63  }
0xbb: {  	_ = 	snop  }
0xbc: {  	[spmem:s1] =	stream.indirect.scatter.add.f32 [tilespmem:s12], [sflag:$0x3], $0x80, s22, s15, $0xb8;
	[tilespmem:$0x1D000] =	vst v63  }
0xbd: {  	_ =	swait.ge [sflag:s18], $0x4000  }
0xbe: {  	[sflag:s18] =	ssyncset.done $0x0  }
0xbf: {  	[sflag:s18] =	ssyncadd.s32 $0xFFFFC000  }
0xc0: {  	_ =	swait.ge [sflag:s19], $0x4000  }
0xc1: {  	[sflag:s19] =	ssyncset.done $0x0  }
0xc2: {  	[sflag:s19] =	ssyncadd.s32 $0xFFFFC000  }
0xc3: {  	[tilespmem:s12], [sflag:$0x1] =	stream.indirect.gather [hbm4b:s4+s15], $0x80, s23, s15, $0xb8;
	[tilespmem:$0x1D000] =	vst v63  }
0xc4: {  	_ = 	snop  }
0xc5: {  	[spmem:s1] =	stream.indirect.scatter.add.f32 [tilespmem:s17], [sflag:$0x4], $0x80, s24, s15, $0xb8;
	[tilespmem:$0x1D000] =	vst v63  }
0xc6: {  	_ =	swait.ge [sflag:s16], $0x4000  }
0xc7: {  	[sflag:s16] =	ssyncset.done $0x0  }
0xc8: {  	[sflag:s16] =	ssyncadd.s32 $0xFFFFC000  }
0xc9: {  	_ =	swait.ge [sflag:s20], $0x4000  }
0xca: {  	[sflag:s20] =	ssyncset.done $0x0  }
0xcb: {  	[sflag:s20] =	ssyncadd.s32 $0xFFFFC000  }
0xcc: {  	[tilespmem:s17], [sflag:$0x2] =	stream.indirect.gather [hbm4b:s4+s15], $0x80, s25, s15, $0xb8;
	[tilespmem:$0x1D000] =	vst v63  }
0xcd: {  	_ = 	snop  }
0xce: {  	[spmem:s1] =	stream.indirect.scatter.add.f32 [tilespmem:s12], [sflag:$0x3], $0x80, s26, s15, $0xb8;
	[tilespmem:$0x1D000] =	vst v63  }
0xcf: {  	_ =	swait.ge [sflag:s18], $0x4000  }
0xd0: {  	[sflag:s18] =	ssyncset.done $0x0  }
0xd1: {  	[sflag:s18] =	ssyncadd.s32 $0xFFFFC000  }
0xd2: {  	_ =	swait.ge [sflag:s19], $0x4000  }
0xd3: {  	[sflag:s19] =	ssyncset.done $0x0  }
0xd4: {  	[sflag:s19] =	ssyncadd.s32 $0xFFFFC000  }
0xd5: {  	[tilespmem:s12], [sflag:$0x1] =	stream.indirect.gather [hbm4b:s4+s15], $0x80, s28, s15, $0xb8;
	[tilespmem:$0x1D000] =	vst v63  }
0xd6: {  	_ = 	snop  }
0xd7: {  	[spmem:s1] =	stream.indirect.scatter.add.f32 [tilespmem:s17], [sflag:$0x4], $0x80, s29, s15, $0xb8;
	[tilespmem:$0x1D000] =	vst v63  }
0xd8: {  	_ =	swait.ge [sflag:s16], $0x4000  }
0xd9: {  	[sflag:s16] =	ssyncset.done $0x0  }
0xda: {  	[sflag:s16] =	ssyncadd.s32 $0xFFFFC000  }
0xdb: {  	_ =	swait.ge [sflag:s20], $0x4000  }
0xdc: {  	[sflag:s20] =	ssyncset.done $0x0  }
0xdd: {  	[sflag:s20] =	ssyncadd.s32 $0xFFFFC000  }
0xde: {  	[tilespmem:s17], [sflag:$0x2] =	stream.indirect.gather [hbm4b:s4+s15], $0x80, s30, s15, $0xb8;
	[tilespmem:$0x1D000] =	vst v63  }
0xdf: {  	_ = 	snop  }
0xe0: {  	[spmem:s1] =	stream.indirect.scatter.add.f32 [tilespmem:s12], [sflag:$0x3], $0x80, s31, s15, $0xb8;
	[tilespmem:$0x1D000] =	vst v63  }
0xe1: {  	_ =	swait.ge [sflag:s18], $0x4000  }
0xe2: {  	[sflag:s18] =	ssyncset.done $0x0  }
0xe3: {  	[sflag:s18] =	ssyncadd.s32 $0xFFFFC000  }
0xe4: {  	_ =	swait.ge [sflag:s19], $0x4000  }
0xe5: {  	[sflag:s19] =	ssyncset.done $0x0  }
0xe6: {  	[sflag:s19] =	ssyncadd.s32 $0xFFFFC000  }
0xe7: {  	[tilespmem:s12], [sflag:$0x1] =	stream.indirect.gather [hbm4b:s4+s15], $0x80, s0, s15, $0xb8;
	[tilespmem:$0x1D000] =	vst v63  }
0xe8: {  	_ = 	snop  }
0xe9: {  	[spmem:s1] =	stream.indirect.scatter.add.f32 [tilespmem:s17], [sflag:$0x4], $0x80, s2, s15, $0xb8;
	[tilespmem:$0x1D000] =	vst v63  }
0xea: {  	_ =	swait.ge [sflag:s16], $0x4000  }
0xeb: {  	[sflag:s16] =	ssyncset.done $0x0  }
0xec: {  	[sflag:s16] =	ssyncadd.s32 $0xFFFFC000  }
0xed: {  	_ =	swait.ge [sflag:s20], $0x4000  }
0xee: {  	[sflag:s20] =	ssyncset.done $0x0  }
0xef: {  	[sflag:s20] =	ssyncadd.s32 $0xFFFFC000  }
0xf0: {  	[tilespmem:s17], [sflag:$0x2] =	stream.indirect.gather [hbm4b:s4+s15], $0x80, s6, s15, $0xb8;
	[tilespmem:$0x1D000] =	vst v63  }
0xf1: {  	_ = 	snop  }
0xf2: {  	[spmem:s1] =	stream.indirect.scatter.add.f32 [tilespmem:s12], [sflag:$0x3], $0x80, s7, s15, $0xb8;
	[tilespmem:$0x1D000] =	vst v63  }
0xf3: {  	_ =	swait.ge [sflag:s18], $0x4000  }
0xf4: {  	[sflag:s18] =	ssyncset.done $0x0  }
0xf5: {  	[sflag:s18] =	ssyncadd.s32 $0xFFFFC000  }
0xf6: {  	p0 =	sne.s32 s11, $0x700;
	_ =	swait.ge [sflag:s19], $0x4000  }
.Ltmp1:
0xf7: {  	[sflag:s19] =	ssyncset.done $0x0;
	(pc) =	sbr.rel @p0 .LBB2_4-.Ltmp1, $4  }
0xf8: {  	[sflag:s19] =	ssyncadd.s32 $0xFFFFC000  }
0xf9: {  	[spmem:s1] =	stream.indirect.scatter.add.f32 [tilespmem:s17], [sflag:$0x4], $0x80, s8, s15, $0xb8;
	[tilespmem:$0x1D000] =	vst v63  }
0xfa: {  	_ =	swait.ge [sflag:s20], $0x4000  }
0xfb: {  	s11 =	sadd.s32 $0x100, s11;
	s5 =	rddreg [dreg:$0x4];
	[sflag:s20] =	ssyncset.done $0x0  }
0xfc: {  	[sflag:s20] =	ssyncadd.s32 $0xFFFFC000;
	s5 =	sadd.s32 s10, s5  }
0xfd: {  	[tilespmem:s3], [sflag:$0x5] =	stream.linear.gather [hbm4b:s5+s3], $0x500, $0x38;
	[tilespmem:$0x1D000] =	vst v63  }
0xfe: {  	_ =	swait.ge [sflag:s13], $0x500  }
0xff: {  	s9 =	rddreg [dreg:$0x3];
	[sflag:s13] =	ssyncset.done $0x0  }
0x100: {  	[sflag:s13] =	ssyncadd.s32 $0xFFFFFB00;
	s5 =	sadd.s32 s10, s9  }
0x101: {  	[tilespmem:s14], [sflag:$0x5] =	stream.linear.gather [hbm4b:s5+s3], $0x500, $0x38;
	[tilespmem:$0x1D000] =	vst v63  }
0x102: {  	_ =	swait.ge [sflag:s13], $0x500  }
0x103: {  	[sflag:s13] =	ssyncset.done $0x0  }
0x104: {  	[sflag:s13] =	ssyncadd.s32 $0xFFFFFB00  }
0x105: {  	[tilespmem:s12], [sflag:$0x1] =	stream.indirect.gather [hbm4b:s4+s15], $0x80, s3, s15, $0xb8;
	[tilespmem:$0x1D000] =	vst v63  }
0x106: {  	_ =	swait.ge [sflag:s16], $0x4000  }
0x107: {  	[sflag:s16] =	ssyncset.done $0x0  }
0x108: {  	[sflag:s16] =	ssyncadd.s32 $0xFFFFC000  }
0x109: {  	[tilespmem:s17], [sflag:$0x2] =	stream.indirect.gather [hbm4b:s4+s15], $0x80, s15, s15, $0xb8;
	[tilespmem:$0x1D000] =	vst v63  }
0x10a: {  	_ = 	snop  }
0x10b: {  	[spmem:s1] =	stream.indirect.scatter.add.f32 [tilespmem:s12], [sflag:$0x3], $0x80, s14, s15, $0xb8;
	[tilespmem:$0x1D000] =	vst v63  }
0x10c: {  	_ =	swait.ge [sflag:s18], $0x4000  }
0x10d: {  	[sflag:s18] =	ssyncset.done $0x0  }
0x10e: {  	[sflag:s18] =	ssyncadd.s32 $0xFFFFC000  }
0x10f: {  	_ =	swait.ge [sflag:s19], $0x4000  }
0x110: {  	[sflag:s19] =	ssyncset.done $0x0  }
0x111: {  	s11 =	rddreg [dreg:$0x5];
	[sflag:s19] =	ssyncadd.s32 $0xFFFFC000  }
0x112: {  	[tilespmem:s12], [sflag:$0x1] =	stream.indirect.gather [hbm4b:s4+s15], $0x80, s11, s15, $0xb8;
	[tilespmem:$0x1D000] =	vst v63  }
0x113: {  	s9 =	rddreg [dreg:$0x6]  }
0x114: {  	[spmem:s1] =	stream.indirect.scatter.add.f32 [tilespmem:s17], [sflag:$0x4], $0x80, s9, s15, $0xb8;
	[tilespmem:$0x1D000] =	vst v63  }
0x115: {  	_ =	swait.ge [sflag:s16], $0x4000  }
0x116: {  	[sflag:s16] =	ssyncset.done $0x0  }
0x117: {  	[sflag:s16] =	ssyncadd.s32 $0xFFFFC000  }
0x118: {  	_ =	swait.ge [sflag:s20], $0x4000  }
0x119: {  	[sflag:s20] =	ssyncset.done $0x0  }
0x11a: {  	[sflag:s20] =	ssyncadd.s32 $0xFFFFC000  }
0x11b: {  	[tilespmem:s17], [sflag:$0x2] =	stream.indirect.gather [hbm4b:s4+s15], $0x80, s21, s15, $0xb8;
	[tilespmem:$0x1D000] =	vst v63  }
0x11c: {  	_ = 	snop  }
0x11d: {  	[spmem:s1] =	stream.indirect.scatter.add.f32 [tilespmem:s12], [sflag:$0x3], $0x80, s22, s15, $0xb8;
	[tilespmem:$0x1D000] =	vst v63  }
0x11e: {  	_ =	swait.ge [sflag:s18], $0x4000  }
0x11f: {  	[sflag:s18] =	ssyncset.done $0x0  }
0x120: {  	[sflag:s18] =	ssyncadd.s32 $0xFFFFC000  }
0x121: {  	_ =	swait.ge [sflag:s19], $0x4000  }
0x122: {  	[sflag:s19] =	ssyncset.done $0x0  }
0x123: {  	[sflag:s19] =	ssyncadd.s32 $0xFFFFC000  }
0x124: {  	[tilespmem:s12], [sflag:$0x1] =	stream.indirect.gather [hbm4b:s4+s15], $0x80, s23, s15, $0xb8;
	[tilespmem:$0x1D000] =	vst v63  }
0x125: {  	_ = 	snop  }
0x126: {  	[spmem:s1] =	stream.indirect.scatter.add.f32 [tilespmem:s17], [sflag:$0x4], $0x80, s24, s15, $0xb8;
	[tilespmem:$0x1D000] =	vst v63  }
0x127: {  	_ =	swait.ge [sflag:s16], $0x4000  }
0x128: {  	[sflag:s16] =	ssyncset.done $0x0  }
0x129: {  	[sflag:s16] =	ssyncadd.s32 $0xFFFFC000  }
0x12a: {  	_ =	swait.ge [sflag:s20], $0x4000  }
0x12b: {  	[sflag:s20] =	ssyncset.done $0x0  }
0x12c: {  	[sflag:s20] =	ssyncadd.s32 $0xFFFFC000  }
0x12d: {  	[tilespmem:s17], [sflag:$0x2] =	stream.indirect.gather [hbm4b:s4+s15], $0x80, s25, s15, $0xb8;
	[tilespmem:$0x1D000] =	vst v63  }
0x12e: {  	_ = 	snop  }
0x12f: {  	[spmem:s1] =	stream.indirect.scatter.add.f32 [tilespmem:s12], [sflag:$0x3], $0x80, s26, s15, $0xb8;
	[tilespmem:$0x1D000] =	vst v63  }
0x130: {  	_ =	swait.ge [sflag:s18], $0x4000  }
0x131: {  	[sflag:s18] =	ssyncset.done $0x0  }
0x132: {  	[sflag:s18] =	ssyncadd.s32 $0xFFFFC000  }
0x133: {  	_ =	swait.ge [sflag:s19], $0x4000  }
0x134: {  	[sflag:s19] =	ssyncset.done $0x0  }
0x135: {  	[sflag:s19] =	ssyncadd.s32 $0xFFFFC000  }
0x136: {  	[tilespmem:s12], [sflag:$0x1] =	stream.indirect.gather [hbm4b:s4+s15], $0x80, s28, s15, $0xb8;
	[tilespmem:$0x1D000] =	vst v63  }
0x137: {  	_ = 	snop  }
0x138: {  	[spmem:s1] =	stream.indirect.scatter.add.f32 [tilespmem:s17], [sflag:$0x4], $0x80, s29, s15, $0xb8;
	[tilespmem:$0x1D000] =	vst v63  }
0x139: {  	_ =	swait.ge [sflag:s16], $0x4000  }
0x13a: {  	[sflag:s16] =	ssyncset.done $0x0  }
0x13b: {  	[sflag:s16] =	ssyncadd.s32 $0xFFFFC000  }
0x13c: {  	_ =	swait.ge [sflag:s20], $0x4000  }
0x13d: {  	[sflag:s20] =	ssyncset.done $0x0  }
0x13e: {  	[sflag:s20] =	ssyncadd.s32 $0xFFFFC000  }
0x13f: {  	[tilespmem:s17], [sflag:$0x2] =	stream.indirect.gather [hbm4b:s4+s15], $0x80, s30, s15, $0xb8;
	[tilespmem:$0x1D000] =	vst v63  }
0x140: {  	_ = 	snop  }
0x141: {  	[spmem:s1] =	stream.indirect.scatter.add.f32 [tilespmem:s12], [sflag:$0x3], $0x80, s31, s15, $0xb8;
	[tilespmem:$0x1D000] =	vst v63  }
0x142: {  	_ =	swait.ge [sflag:s18], $0x4000  }
0x143: {  	[sflag:s18] =	ssyncset.done $0x0  }
0x144: {  	[sflag:s18] =	ssyncadd.s32 $0xFFFFC000  }
0x145: {  	_ =	swait.ge [sflag:s19], $0x4000  }
0x146: {  	[sflag:s19] =	ssyncset.done $0x0  }
0x147: {  	[sflag:s19] =	ssyncadd.s32 $0xFFFFC000  }
0x148: {  	[tilespmem:s12], [sflag:$0x1] =	stream.indirect.gather [hbm4b:s4+s15], $0x80, s0, s15, $0xb8;
	[tilespmem:$0x1D000] =	vst v63  }
0x149: {  	_ = 	snop  }
0x14a: {  	[spmem:s1] =	stream.indirect.scatter.add.f32 [tilespmem:s17], [sflag:$0x4], $0x80, s2, s15, $0xb8;
	[tilespmem:$0x1D000] =	vst v63  }
0x14b: {  	_ =	swait.ge [sflag:s16], $0x4000  }
0x14c: {  	[sflag:s16] =	ssyncset.done $0x0  }
0x14d: {  	[sflag:s16] =	ssyncadd.s32 $0xFFFFC000  }
0x14e: {  	_ =	swait.ge [sflag:s20], $0x4000  }
0x14f: {  	[sflag:s20] =	ssyncset.done $0x0  }
0x150: {  	[sflag:s20] =	ssyncadd.s32 $0xFFFFC000  }
0x151: {  	[tilespmem:s17], [sflag:$0x2] =	stream.indirect.gather [hbm4b:s4+s15], $0x80, s6, s15, $0xb8;
	[tilespmem:$0x1D000] =	vst v63  }
0x152: {  	_ = 	snop  }
0x153: {  	[spmem:s1] =	stream.indirect.scatter.add.f32 [tilespmem:s12], [sflag:$0x3], $0x80, s7, s15, $0xb8;
	[tilespmem:$0x1D000] =	vst v63  }
0x154: {  	_ =	swait.ge [sflag:s18], $0x4000  }
0x155: {  	[sflag:s18] =	ssyncset.done $0x0  }
0x156: {  	[sflag:s18] =	ssyncadd.s32 $0xFFFFC000  }
0x157: {  	_ =	swait.ge [sflag:s19], $0x4000  }
0x158: {  	[sflag:s19] =	ssyncset.done $0x0  }
0x159: {  	[sflag:s19] =	ssyncadd.s32 $0xFFFFC000  }
0x15a: {  	[spmem:s1] =	stream.indirect.scatter.add.f32 [tilespmem:s17], [sflag:$0x4], $0x80, s8, s15, $0xb8;
	[tilespmem:$0x1D000] =	vst v63  }
0x15b: {  	_ =	swait.ge [sflag:s20], $0x4000  }
0x15c: {  	[sflag:s20] =	ssyncset.done $0x0  }
0x15d: {  	[sflag:s20] =	ssyncadd.s32 $0xFFFFC000  }
0x15e: {  	s9 =	stileid.u32;
	[bflag:$0x0] =	sbarrier.arrive $0xFFFF  }
0x15f: {  	s5 =	sshll.u32 s9, $0x6;
	s10 =	rddreg [dreg:$0x7]  }
0x160: {  	s5 =	sor.u32 $0x1C05, s5;
	s11 =	rddreg [dreg:$0xc];
	s9 =	sshrl.u32 s10, $0x3  }
0x161: {  	[hbm:s11], [sflag:s5] =	dma.local [spmem:s9], $0x2800  }
0x162: {  	_ =	swait.ge [sflag:s13], $0x2800  }
0x163: {  	s10 =	rddreg [dreg:$0xe]  }
0x164: {  	s11 =	rddreg [dreg:$0xd];
	s9 =	sadd.s32 $0x1, s10  }
0x165: {  	p0 =	sne.s32 s9, s11  }
.Ltmp2:
0x166: {  	_ = 	snop;
	(pc) =	sbr.rel @p0 .LBB2_1-.Ltmp2, $3  }
0x167: {  	_ =	sdelay $0x1  }
0x168: {  	[sflag:s13] =	ssyncset.done $0x0  }
0x169: {  	[sflag:s13] =	ssyncadd.s32 $0xFFFFD800  }
0x16a: {  	_ =	sfence.sel $0x180000  }
0x16b: {  	[bflag:$0x0] =	sbarrier.arrive $0xFFFF  }
0x16c: {  	_ =	strace $0x9000004A  }
0x16d: {  	s0 =	stileid.u32;
	[bflag:$0x2] =	sbarrier.arrive $0xFFFF  }
0x16e: {  	p0 =	sne.s32 s0, $0x0;
	s0 =	rddreg [dreg:$0x2]  }
0x16f: {  	s0 =	sadd.s32 @!p0 $0x100000, s0  }
0x170: {  	[sflag:s0] =	ssyncadd.tile.s32 @!p0 $0x1;
	_ =	shalt  }
.Lfunc_end2:
_tile_overlayer_lowered:
.L_overlay_start_2:
0x171: {  	(tag) =	ssettag $0x2  }
0x172: {  	s0 =	rddreg [dreg:$0x0];
	s2 =	stileid.u32  }
0x173: {  	s1 =	rddreg [dreg:$0x1];
	p0 =	sne.s32 s2, $0x0  }
0x174: {  	s3 =	rddreg [dreg:$0x2];
	[bflag:$0x3] =	sbarrier.arrive $0xFFFF;
	s2 =	simm.s32 @!p0 $0x1C05  }
0x175: {  	[timem:s3], [sflag:s2] =	dma.local @!p0 [hbm:s0], s1  }
0x176: {  	s0 =	simm.s32 @!p0 $0x5  }
0x177: {  	_ =	swait.ge @!p0 [sflag:s0], s1  }
0x178: {  	s1 =	ssub.s32 @!p0 $0x0, s1;
	[sflag:s0] =	ssyncset.done @!p0 $0x0  }
0x179: {  	[sflag:s0] =	ssyncadd.s32 @!p0 s1  }
0x17a: {  	[bflag:$0x3] =	sbarrier.arrive $0xFFFF  }
0x17b: {  	_ =	shalt  }

// kernel: kernel.16.cloned.1.call-start
scs
__scs_entry_jumppad:
0x0: {  	(pc) =	sbr.rel $0x88, $3  }
0x1: {  	(tag) =	ssettag $0x0;
	lr =	simm.s32 $0x1  }
0x2: {  	[smem:$0x3F9A] =	sst lr;
	_ =	strace $0xD0000000  }
0x3: {  	_ = 	snop  }
0x4: {  	_ = 	snop  }
0x5: {  	_ = 	snop  }
0x6: {  	_ = 	snop  }
0x7: {  	_ = 	snop  }
__scs_overlays_trampoline_lowered:
0x8: {  	[smem:$0x3FA9] =	sst s0  }
0x9: {  	[smem:$0x3FAA] =	sst s1  }
0xa: {  	[smem:$0x3FAB] =	sst s2  }
0xb: {  	[smem:$0x3FAC] =	sst s3  }
0xc: {  	[smem:$0x3FAD] =	sst s4  }
0xd: {  	[smem:$0x3FAE] =	sst s5  }
0xe: {  	[smem:$0x3FAF] =	sst s6  }
0xf: {  	[smem:$0x3FB0] =	sst s7  }
0x10: {  	[smem:$0x3FB1] =	sst s8  }
0x11: {  	[smem:$0x3FB2] =	sst s9;
	s0 =	simm.s32 @!p0 $0x0  }
0x12: {  	s1 =	sld [smem:$0x3F98];
	s0 =	simm.s32 @p0 $0x1  }
0x13: {  	[smem:$0x3FB3] =	sst s0;
	s0 =	simm.s32 @!p1 $0x0  }
0x14: {  	s2 =	sld [smem:$0x3F97];
	s0 =	simm.s32 @p1 $0x1  }
0x15: {  	[smem:$0x3FB4] =	sst s0;
	s0 =	simm.s32 @!p2 $0x0  }
0x16: {  	s3 =	sld [smem:$0x3FDB];
	s0 =	simm.s32 @p2 $0x1  }
0x17: {  	s4 =	simm.s32 $0x1BF5;
	[smem:$0x3FB6] =	sst s0  }
0x18: {  	s0 =	sld [smem:$0x3F99];
	_ =	swait.ge [sflag:s4], $0x0  }
0x19: {  	s7 =	sld [smem:$0x3F9A]  }
0x1a: {  	s8 =	sadd.s32 $0xFFFFE003, lr  }
0x1b: {  	s9 =	sadd.s32 $0xFFFFFEF7, lr;
	s5 =	simm.s32 $0xFFFFFFFF;
	p2 =	slt.u32 s8, $0xFFFFF086  }
0x1c: {  	p1 =	slt.u32 s9, $0xF7A;
	s5 =	simm.s32 @!p2 $0x0  }
0x1d: {  	s5 =	simm.s32 @p1 $0x1;
	p0 =	seq.s32 s7, s2  }
0x1e: {  	s7 =	smul.u32 @!p0 $0xF7A, s2;
	p2 =	seq.s32 @!p0 s5, $0x0  }
0x1f: {  	s9 =	smul.u32 $0xF7A, s1;
	s8 =	simm.s32 @!p0 $0x1BF5;
	p2 =	por !p2, p0  }
0x20: {  	[sflag:s8] =	ssyncset.s32 @!p0 $0xFFFFF086;
	s6 =	sadd.s32 @!p0 s3, s7;
	s7 =	simm.s32 @!p0 $0x108  }
0x21: {  	s3 =	sadd.s32 s3, s9;
	s6 =	sadd.s32 @!p0 $0x88, s6;
	s7 =	simm.s32 @p2 $0x1082  }
0x22: {  	[simem:s7], [sflag:s8] =	dma.local @!p0 [hbm:s6], $0xF7A  }
0x23: {  	s9 =	sor.u32 $0xD0000000, s2;
	s6 =	simm.s32 $0x108;
	_ =	swait.ge @!p0 [sflag:s8], $0x0  }
0x24: {  	s3 =	sadd.s32 $0x88, s3;
	s6 =	simm.s32 @!p1 $0x1082;
	[sflag:s4] =	ssyncset.s32 $0xFFFFF086  }
0x25: {  	[simem:s6], [sflag:s4] =	dma.local [hbm:s3], $0xF7A  }
0x26: {  	[smem:$0x3F9A] =	sst s1;
	(tag) =	ssettag s2;
	_ =	strace s9  }
0x27: {  	s1 =	sld [smem:$0x3FAA]  }
0x28: {  	s2 =	sld [smem:$0x3FAB]  }
0x29: {  	s4 =	sld [smem:$0x3FAD]  }
0x2a: {  	p0 =	seq.s32 s5, $0x0;
	s5 =	sld [smem:$0x3FAE]  }
0x2b: {  	s6 =	sld [smem:$0x3FAF]  }
0x2c: {  	s7 =	sld [smem:$0x3FB0]  }
0x2d: {  	s3 =	simm.s32 $0x108;
	s8 =	sld [smem:$0x3FB1]  }
0x2e: {  	s3 =	simm.s32 @!p0 $0x1082;
	s9 =	sld [smem:$0x3FB2]  }
0x2f: {  	lr =	sadd.s32 s0, s3;
	s0 =	sld [smem:$0x3FA9]  }
0x30: {  	s3 =	sld [smem:$0x3FAC]  }
0x31: {  	[smem:$0x3FB5] =	sst s10  }
0x32: {  	s10 =	sld [smem:$0x3FB3];
	_ =	sdelay $0x3  }
0x33: {  	p0 =	seq.s32 s10, $0x1;
	s10 =	sld [smem:$0x3FB5];
	_ =	sdelay $0x3  }
0x34: {  	[smem:$0x3FB5] =	sst s10  }
0x35: {  	s10 =	sld [smem:$0x3FB4];
	_ =	sdelay $0x3  }
0x36: {  	p1 =	seq.s32 s10, $0x1;
	s10 =	sld [smem:$0x3FB5];
	_ =	sdelay $0x3  }
0x37: {  	[smem:$0x3FB5] =	sst s10  }
0x38: {  	s10 =	sld [smem:$0x3FB6]  }
0x39: {  	_ = 	snop;
	(pc) =	sbr.ind lr, $3  }
0x3a: {  	_ = 	snop  }
0x3b: {  	_ = 	snop  }
0x3c: {  	p2 =	seq.s32 s10, $0x1;
	s10 =	sld [smem:$0x3FB5]  }
0x3d: {  	_ =	shalt  }
0x3e: {  	_ =	shalt  }
0x3f: {  	_ =	shalt  }
0x40: {  	_ =	shalt  }
0x41: {  	_ =	shalt  }
0x42: {  	_ =	shalt  }
0x43: {  	_ =	shalt  }
0x44: {  	_ =	shalt  }
0x45: {  	_ =	shalt  }
0x46: {  	_ =	shalt  }
0x47: {  	_ =	shalt  }
0x48: {  	_ =	shalt  }
0x49: {  	_ =	shalt  }
0x4a: {  	_ =	shalt  }
0x4b: {  	_ =	shalt  }
0x4c: {  	_ =	shalt  }
0x4d: {  	_ =	shalt  }
0x4e: {  	_ =	shalt  }
0x4f: {  	_ =	shalt  }
0x50: {  	_ =	shalt  }
0x51: {  	_ =	shalt  }
0x52: {  	_ =	shalt  }
0x53: {  	_ =	shalt  }
0x54: {  	_ =	shalt  }
0x55: {  	_ =	shalt  }
0x56: {  	_ =	shalt  }
0x57: {  	_ =	shalt  }
0x58: {  	_ =	shalt  }
0x59: {  	_ =	shalt  }
0x5a: {  	_ =	shalt  }
0x5b: {  	_ =	shalt  }
0x5c: {  	_ =	shalt  }
0x5d: {  	_ =	shalt  }
0x5e: {  	_ =	shalt  }
0x5f: {  	_ =	shalt  }
0x60: {  	_ =	shalt  }
0x61: {  	_ =	shalt  }
0x62: {  	_ =	shalt  }
0x63: {  	_ =	shalt  }
0x64: {  	_ =	shalt  }
0x65: {  	_ =	shalt  }
0x66: {  	_ =	shalt  }
0x67: {  	_ =	shalt  }
0x68: {  	_ =	shalt  }
0x69: {  	_ =	shalt  }
0x6a: {  	_ =	shalt  }
0x6b: {  	_ =	shalt  }
0x6c: {  	_ =	shalt  }
0x6d: {  	_ =	shalt  }
0x6e: {  	_ =	shalt  }
0x6f: {  	_ =	shalt  }
0x70: {  	_ =	shalt  }
0x71: {  	_ =	shalt  }
0x72: {  	_ =	shalt  }
0x73: {  	_ =	shalt  }
0x74: {  	_ =	shalt  }
0x75: {  	_ =	shalt  }
0x76: {  	_ =	shalt  }
0x77: {  	_ =	shalt  }
0x78: {  	_ =	shalt  }
0x79: {  	_ =	shalt  }
0x7a: {  	_ =	shalt  }
0x7b: {  	_ =	shalt  }
0x7c: {  	_ =	shalt  }
0x7d: {  	_ =	shalt  }
0x7e: {  	_ =	shalt  }
0x7f: {  	_ =	shalt  }
0x80: {  	_ =	shalt  }
0x81: {  	_ =	shalt  }
0x82: {  	_ =	shalt  }
0x83: {  	_ =	shalt  }
0x84: {  	_ =	shalt  }
0x85: {  	_ =	shalt  }
0x86: {  	_ =	shalt  }
0x87: {  	_ =	shalt  }
.Lfunc_end0:
.L_simem_size_0:
called_computation.2_lowered:
.L_overlay_start_0:
0x88: {  	s2 =	sld [smem:$0x3FD9]  }
0x89: {  	s3 =	sld [smem:$0x3FFE];
	_ =	sdelay $0x1  }
0x8a: {  	s1 =	srdreg.scid  }
0x8b: {  	s0 =	sand.u32 $0x1, s1  }
0x8c: {  	s16 =	sshll.u32 s0, $0xA;
	s2 =	sadd.s32 s3, s2  }
0x8d: {  	s2 =	sadd.s32 s2, s16  }
0x8e: {  	[smem:$0x3FC1] =	sst s2  }
0x8f: {  	_ = 	snop  }
0x90: {  	(tm) =	ssettm $0x1  }
0x91: {  	s17 =	sld [smem:$0x3FFB];
	_ =	sdelay $0x3  }
0x92: {  	_ =	strace s17  }
0x93: {  	s2 =	sld [smem:$0x3FFC];
	_ =	sdelay $0x3  }
0x94: {  	_ =	strace s2  }
0x95: {  	s2 =	sld [smem:$0x3FFD];
	_ =	sdelay $0x3  }
0x96: {  	_ =	strace s2  }
0x97: {  	_ =	strace $0x8FFFFFFF  }
0x98: {  	s18 =	sld [smem:$0x3FDB];
	_ =	sdelay $0x1  }
0x99: {  	s19 =	simm.s32 $_scs_section_size  }
0x9a: {  	s4 =	simm.s32 $_size__tile_overlayer_lowered;
	s5 =	simm.s32 $_tile_overlayer_lowered  }
0x9b: {  	s22 =	simm.s32 $0x1BFF;
	s21 =	sshll.u32 s5, $0x1;
	s2 =	sadd.s32 s19, s18  }
0x9c: {  	s6 =	simm.s32 $0x0;
	s20 =	sshll.u32 s4, $0x1;
	s4 =	sadd.s32 s21, s2  }
0x9d: {  	[timem:s6], [sflag:s22] =	dma.local [hbm:s4], s20  }
0x9e: {  	_ =	swait.ge [sflag:s22], s20  }
0x9f: {  	s3 =	ssub.s32 $0x0, s20;
	[sflag:s22] =	ssyncset.done $0x0  }
0xa0: {  	[sflag:s22] =	ssyncadd.s32 s3;
	_ =	sdelay $0x1  }
0xa1: {  	s23 =	simm.s32 $0x1B8B  }
0xa2: {  	_ =	swait.ge [sflag:s23], $0x1  }
0xa3: {  	[sflag:s23] =	ssyncset.done $0x0  }
0xa4: {  	s25 =	simm.s32 $0x1B8E;
	s24 =	sld [smem:$0x3FFE];
	[sflag:s23] =	ssyncadd.s32 $0xFFFFFFFF  }
0xa5: {  	s26 =	simm.s32 $execute0_lowered;
	[smem:$0x3FD2] =	sst s25  }
0xa6: {  	s4 =	sshll.u32 s26, $0x1;
	_ =	strace $0x8000004C;
	[dreg:$0x1] =	wrdreg $0xFFFFFFFF  }
0xa7: {  	s28 =	simm.s32 $_size_execute0_lowered;
	s2 =	sadd.s32 s2, s4;
	[dreg:$0x0] =	wrdreg $0x0  }
0xa8: {  	s4 =	sshll.u32 s28, $0x1;
	[dreg:$0x2] =	wrdreg s2  }
0xa9: {  	[dreg:$0x3] =	wrdreg s4  }
0xaa: {  	[dreg:$0x4] =	wrdreg $0xC0  }
0xab: {  	_ =	task [dreg:s6], $0x5FFFF  }
0xac: {  	[dreg:$0x1] =	wrdreg $0xFFFFFFFF  }
0xad: {  	[dreg:$0x0] =	wrdreg $0x60  }
0xae: {  	[dreg:$0x2] =	wrdreg s24  }
0xaf: {  	[dreg:$0x3] =	wrdreg $0x4A000  }
0xb0: {  	[dreg:$0x4] =	wrdreg $0x9  }
0xb1: {  	_ =	task.clear_ibuf [dreg:s6], $0x5FFFF;
	_ =	strace $0x9000004C  }
0xb2: {  	s29 =	simm.s32 $0x9;
	_ =	strace $0x8000004E  }
0xb3: {  	_ =	swait.ge [sflag:s29], $0x1  }
0xb4: {  	[sflag:s29] =	ssyncadd.s32 $0xFFFFFFFF  }
0xb5: {  	_ =	strace $0x9000004E  }
0xb6: {  	_ =	sfence  }
0xb7: {  	s30 =	sld [smem:$0x0];
	_ =	sdelay $0x2  }
0xb8: {  	s31 =	sshll.u32 s1, $0xD;
	s1 =	sshrl.u32 s1, $0x2  }
0xb9: {  	s3 =	sand.u32 $0x4000, s31;
	s1 =	sadd.s32 s1, s30  }
0xba: {  	s0 =	sor.u32 s3, s0;
	s1 =	sshll.u32 s1, $0x11  }
0xbb: {  	s0 =	sor.u32 s1, s0  }
0xbc: {  	s0 =	sadd.s32 $0x8F2B, s0  }
0xbd: {  	[sflag:s0] =	ssyncadd.remote.s32 $0x1  }
0xbe: {  	_ =	sfence.sel $0xFFFF  }
0xbf: {  	[dreg:$0x0] =	wrdreg $0xFFFFFFFF;
	(pc) =	sbr.abs _section_cstart, $3  }
0xc0: {  	[dreg:$0x1] =	wrdreg $0xFFFFFFFF  }
0xc1: {  	_ =	task.clear_ibuf [dreg:s6], $0x2FFFF;
	_ =	strace $0x9FFFFFFF  }
0xc2: {  	(tm) =	ssettm $0x7FFFFFFF  }
0xc3: {  	_ =	shalt  }
tec
execute0_lowered:
.L_overlay_start_1:
0x0: {  	(tag) =	ssettag $0x1  }
0x1: {  	s0 =	srdreg.scid  }
0x2: {  	s9 =	stileid.u32;
	s1 =	rddreg [dreg:$0x0]  }
0x3: {  	s2 =	rddreg [dreg:$0x1];
	s3 =	simm.s32 $0x0;
	s12 =	simm.s32 $0xA00  }
0x4: {  	s13 =	simm.s32 $0x5;
	s14 =	simm.s32 $0x500;
	s25 =	simm.s32 $0x100  }
0x5: {  	s26 =	simm.s32 $0x580;
	s28 =	simm.s32 $0x300;
	s29 =	simm.s32 $0x780  }
0x6: {  	s30 =	simm.s32 $0x380;
	s31 =	simm.s32 $0x800;
	s5 =	smul.u32 $0x5000, s9  }
0x7: {  	s0 =	sand.u32 $0x1, s0;
	s7 =	smul.u32 $0xA000, s9;
	[smem:$0x7FF] =	sst s3  }
0x8: {  	s4 =	sadd.s32 $0x86E00, s1;
	s16 =	smul.u32 $0x28000, s9;
	s9 =	simm.s32 $0x0  }
0x9: {  	s6 =	smul.u32 $0x2800, s0;
	_ =	strace $0x8000004D;
	[dreg:$0x5] =	wrdreg s25  }
0xa: {  	s8 =	smul.u32 $0xA0000, s0;
	s0 =	ssub.s32 $0x2, s0;
	[dreg:$0x6] =	wrdreg s26  }
0xb: {  	s25 =	simm.s32 $0x280;
	s26 =	simm.s32 $0x700;
	s17 =	sshrl.u32 s0, $0x1  }
0xc: {  	s18 =	sadd.s32 s7, s2;
	s5 =	sadd.s32 s6, s5;
	s15 =	sadd.s32 s7, s8  }
0xd: {  	s8 =	sshrl.u32 s16, $0x2;
	s0 =	ssub.s32 s0, s17;
	[dreg:$0x7] =	wrdreg s18  }
0xe: {  	s16 =	simm.s32 $0x1;
	s17 =	simm.s32 $0x2A00;
	s18 =	simm.s32 $0x2  }
0xf: {  	s7 =	simm.s32 $0x900;
	s5 =	sshrl.u32 s5, $0x3;
	s6 =	sshrl.u32 s15, $0x3  }
0x10: {  	s19 =	sadd.s32 s8, s2;
	s0 =	smax.u32 s0, $0x1;
	s15 =	simm.s32 $0x80  }
0x11: {  	s8 =	simm.s32 $0x980;
	s20 =	sadd.s32 $0x2000, s19;
	[dreg:$0xd] =	wrdreg s0  }
0x12: {  	s5 =	sadd.s32 s5, s1;
	s21 =	sadd.s32 $0x4000, s19;
	[dreg:$0x8] =	wrdreg s20  }
0x13: {  	s1 =	sadd.s32 s6, s1;
	s22 =	sadd.s32 $0x6000, s19;
	[dreg:$0x9] =	wrdreg s21  }
0x14: {  	s6 =	sadd.s32 $0x8000, s19;
	s19 =	simm.s32 $0x3;
	[dreg:$0xa] =	wrdreg s22  }
0x15: {  	s0 =	simm.s32 $0x880;
	[dreg:$0xb] =	wrdreg s6;
	s1 =	sadd.s32 $0x9AE00, s1  }
0x16: {  	s23 =	sadd.s32 $0x2E00, s5;
	s24 =	sadd.s32 $0x1CE00, s5;
	[dreg:$0xc] =	wrdreg s1  }
0x17: {  	s20 =	simm.s32 $0x4;
	s21 =	simm.s32 $0x180;
	[dreg:$0x3] =	wrdreg s23  }
0x18: {  	s22 =	simm.s32 $0x600;
	s6 =	simm.s32 $0x480;
	[dreg:$0x4] =	wrdreg s24  }
0x19: {  	v0 =	vimm.f32 $0.0e+00;
	s23 =	simm.s32 $0x200;
	s24 =	simm.s32 $0x680;
	s1 =	simm.s32 $0x400  }
.LBB2_1:
0x1a: {  	s5 =	sand.u32 $0x7F00, s3  }
0x1b: {  	[dreg:$0xe] =	wrdreg s9;
	s11 =	sand.u32 $0x30, s3;
	s5 =	sshrl.u32 s5, $0x2  }
0x1c: {  	s10 =	simm.s32 $0x40;
	s5 =	sor.u32 s11, s5;
	s11 =	simm.s32 $0x0  }
.LBB2_2:
0x1d: {  	p0 =	sne.s32 s10, $0x7FC0  }
0x1e: {  	[tilespmem:s5+$0xA00] =	vst v0;
	s11 =	sadd.s32 $0x10, s11;
	s5 =	smov.u32 s10;
	s10 =	sadd.s32 $0x40, s10  }
.Ltmp0:
0x1f: {  	(pc) =	sbr.rel @p0 .LBB2_2-.Ltmp0, $4  }
0x20: {  	_ = 	snop  }
0x21: {  	s5 =	sand.u32 $0x7F00, s5  }
0x22: {  	s9 =	sand.u32 $0x30, s11;
	s5 =	sshrl.u32 s5, $0x2  }
0x23: {  	s5 =	sor.u32 s9, s5  }
0x24: {  	[tilespmem:s5+$0xA00] =	vst v0;
	s10 =	rddreg [dreg:$0x7]  }
0x25: {  	[spmem:s10] =	stream.linear.scatter [tilespmem:s12], [sflag:$0x5], $0x2000, $0x38;
	[tilespmem:$0xEA00] =	vst v63  }
0x26: {  	_ =	swait.ge [sflag:s13], $0x2000  }
0x27: {  	[sflag:s13] =	ssyncset.done $0x0  }
0x28: {  	s11 =	rddreg [dreg:$0x8];
	[sflag:s13] =	ssyncadd.s32 $0xFFFFE000  }
0x29: {  	[spmem:s11] =	stream.linear.scatter [tilespmem:s12], [sflag:$0x5], $0x2000, $0x38;
	[tilespmem:$0xEA00] =	vst v63  }
0x2a: {  	_ =	swait.ge [sflag:s13], $0x2000  }
0x2b: {  	[sflag:s13] =	ssyncset.done $0x0  }
0x2c: {  	s9 =	rddreg [dreg:$0x9];
	[sflag:s13] =	ssyncadd.s32 $0xFFFFE000  }
0x2d: {  	[spmem:s9] =	stream.linear.scatter [tilespmem:s12], [sflag:$0x5], $0x2000, $0x38;
	[tilespmem:$0xEA00] =	vst v63  }
0x2e: {  	_ =	swait.ge [sflag:s13], $0x2000  }
0x2f: {  	[sflag:s13] =	ssyncset.done $0x0  }
0x30: {  	s10 =	rddreg [dreg:$0xa];
	[sflag:s13] =	ssyncadd.s32 $0xFFFFE000  }
0x31: {  	[spmem:s10] =	stream.linear.scatter [tilespmem:s12], [sflag:$0x5], $0x2000, $0x38;
	[tilespmem:$0xEA00] =	vst v63  }
0x32: {  	_ =	swait.ge [sflag:s13], $0x2000  }
0x33: {  	[sflag:s13] =	ssyncset.done $0x0  }
0x34: {  	s11 =	rddreg [dreg:$0xb];
	[sflag:s13] =	ssyncadd.s32 $0xFFFFE000  }
0x35: {  	[spmem:s11] =	stream.linear.scatter [tilespmem:s12], [sflag:$0x5], $0x2000, $0x38;
	[tilespmem:$0xEA00] =	vst v63  }
0x36: {  	_ =	swait.ge [sflag:s13], $0x2000  }
0x37: {  	[sflag:s13] =	ssyncset.done $0x0  }
0x38: {  	[sflag:s13] =	ssyncadd.s32 $0xFFFFE000  }
0x39: {  	[bflag:$0x0] =	sbarrier.arrive $0xFFFF  }
0x3a: {  	s9 =	rddreg [dreg:$0x4]  }
0x3b: {  	s5 =	sadd.s32 $0x0, s9  }
0x3c: {  	[tilespmem:s3], [sflag:$0x5] =	stream.linear.gather [hbm4b:s5+s3], $0x500, $0x38;
	[tilespmem:$0xEA00] =	vst v63  }
0x3d: {  	_ =	swait.ge [sflag:s13], $0x500  }
0x3e: {  	s10 =	rddreg [dreg:$0x3];
	[sflag:s13] =	ssyncset.done $0x0  }
0x3f: {  	[sflag:s13] =	ssyncadd.s32 $0xFFFFFB00;
	s5 =	sadd.s32 $0x0, s10  }
0x40: {  	[tilespmem:s14], [sflag:$0x5] =	stream.linear.gather [hbm4b:s5+s3], $0x500, $0x38;
	[tilespmem:$0xEA00] =	vst v63  }
0x41: {  	_ =	swait.ge [sflag:s13], $0x500  }
0x42: {  	[sflag:s13] =	ssyncset.done $0x0  }
0x43: {  	[sflag:s13] =	ssyncadd.s32 $0xFFFFFB00  }
0x44: {  	[tilespmem:s12], [sflag:$0x1] =	stream.indirect.gather [hbm4b:s4+s15], $0x40, s3, s15, $0xb8;
	[tilespmem:$0xEA00] =	vst v63  }
0x45: {  	_ =	swait.ge [sflag:s16], $0x2000  }
0x46: {  	[sflag:s16] =	ssyncset.done $0x0  }
0x47: {  	[sflag:s16] =	ssyncadd.s32 $0xFFFFE000  }
0x48: {  	[tilespmem:s17], [sflag:$0x2] =	stream.indirect.gather [hbm4b:s4+s15], $0x40, s15, s15, $0xb8;
	[tilespmem:$0xEA00] =	vst v63  }
0x49: {  	_ = 	snop  }
0x4a: {  	[spmem:s2] =	stream.indirect.scatter.add.f32 [tilespmem:s12], [sflag:$0x3], $0x40, s14, s15, $0xb8;
	[tilespmem:$0xEA00] =	vst v63  }
0x4b: {  	_ =	swait.ge [sflag:s18], $0x2000  }
0x4c: {  	[sflag:s18] =	ssyncset.done $0x0  }
0x4d: {  	[sflag:s18] =	ssyncadd.s32 $0xFFFFE000  }
0x4e: {  	_ =	swait.ge [sflag:s19], $0x2000  }
0x4f: {  	[sflag:s19] =	ssyncset.done $0x0  }
0x50: {  	s11 =	rddreg [dreg:$0x5];
	[sflag:s19] =	ssyncadd.s32 $0xFFFFE000  }
0x51: {  	[tilespmem:s12], [sflag:$0x1] =	stream.indirect.gather [hbm4b:s4+s15], $0x40, s11, s15, $0xb8;
	[tilespmem:$0xEA00] =	vst v63  }
0x52: {  	s9 =	rddreg [dreg:$0x6]  }
0x53: {  	[spmem:s2] =	stream.indirect.scatter.add.f32 [tilespmem:s17], [sflag:$0x4], $0x40, s9, s15, $0xb8;
	[tilespmem:$0xEA00] =	vst v63  }
0x54: {  	_ =	swait.ge [sflag:s16], $0x2000  }
0x55: {  	[sflag:s16] =	ssyncset.done $0x0  }
0x56: {  	[sflag:s16] =	ssyncadd.s32 $0xFFFFE000  }
0x57: {  	_ =	swait.ge [sflag:s20], $0x2000  }
0x58: {  	[sflag:s20] =	ssyncset.done $0x0  }
0x59: {  	[sflag:s20] =	ssyncadd.s32 $0xFFFFE000  }
0x5a: {  	[tilespmem:s17], [sflag:$0x2] =	stream.indirect.gather [hbm4b:s4+s15], $0x40, s21, s15, $0xb8;
	[tilespmem:$0xEA00] =	vst v63  }
0x5b: {  	_ = 	snop  }
0x5c: {  	[spmem:s2] =	stream.indirect.scatter.add.f32 [tilespmem:s12], [sflag:$0x3], $0x40, s22, s15, $0xb8;
	[tilespmem:$0xEA00] =	vst v63  }
0x5d: {  	_ =	swait.ge [sflag:s18], $0x2000  }
0x5e: {  	[sflag:s18] =	ssyncset.done $0x0  }
0x5f: {  	[sflag:s18] =	ssyncadd.s32 $0xFFFFE000  }
0x60: {  	_ =	swait.ge [sflag:s19], $0x2000  }
0x61: {  	[sflag:s19] =	ssyncset.done $0x0  }
0x62: {  	[sflag:s19] =	ssyncadd.s32 $0xFFFFE000  }
0x63: {  	[tilespmem:s12], [sflag:$0x1] =	stream.indirect.gather [hbm4b:s4+s15], $0x40, s23, s15, $0xb8;
	[tilespmem:$0xEA00] =	vst v63  }
0x64: {  	_ = 	snop  }
0x65: {  	[spmem:s2] =	stream.indirect.scatter.add.f32 [tilespmem:s17], [sflag:$0x4], $0x40, s24, s15, $0xb8;
	[tilespmem:$0xEA00] =	vst v63  }
0x66: {  	_ =	swait.ge [sflag:s16], $0x2000  }
0x67: {  	[sflag:s16] =	ssyncset.done $0x0  }
0x68: {  	[sflag:s16] =	ssyncadd.s32 $0xFFFFE000  }
0x69: {  	_ =	swait.ge [sflag:s20], $0x2000  }
0x6a: {  	[sflag:s20] =	ssyncset.done $0x0  }
0x6b: {  	[sflag:s20] =	ssyncadd.s32 $0xFFFFE000  }
0x6c: {  	[tilespmem:s17], [sflag:$0x2] =	stream.indirect.gather [hbm4b:s4+s15], $0x40, s25, s15, $0xb8;
	[tilespmem:$0xEA00] =	vst v63  }
0x6d: {  	_ = 	snop  }
0x6e: {  	[spmem:s2] =	stream.indirect.scatter.add.f32 [tilespmem:s12], [sflag:$0x3], $0x40, s26, s15, $0xb8;
	[tilespmem:$0xEA00] =	vst v63  }
0x6f: {  	_ =	swait.ge [sflag:s18], $0x2000  }
0x70: {  	[sflag:s18] =	ssyncset.done $0x0  }
0x71: {  	[sflag:s18] =	ssyncadd.s32 $0xFFFFE000  }
0x72: {  	_ =	swait.ge [sflag:s19], $0x2000  }
0x73: {  	[sflag:s19] =	ssyncset.done $0x0  }
0x74: {  	[sflag:s19] =	ssyncadd.s32 $0xFFFFE000  }
0x75: {  	[tilespmem:s12], [sflag:$0x1] =	stream.indirect.gather [hbm4b:s4+s15], $0x40, s28, s15, $0xb8;
	[tilespmem:$0xEA00] =	vst v63  }
0x76: {  	_ = 	snop  }
0x77: {  	[spmem:s2] =	stream.indirect.scatter.add.f32 [tilespmem:s17], [sflag:$0x4], $0x40, s29, s15, $0xb8;
	[tilespmem:$0xEA00] =	vst v63  }
0x78: {  	_ =	swait.ge [sflag:s16], $0x2000  }
0x79: {  	[sflag:s16] =	ssyncset.done $0x0  }
0x7a: {  	[sflag:s16] =	ssyncadd.s32 $0xFFFFE000  }
0x7b: {  	_ =	swait.ge [sflag:s20], $0x2000  }
0x7c: {  	[sflag:s20] =	ssyncset.done $0x0  }
0x7d: {  	[sflag:s20] =	ssyncadd.s32 $0xFFFFE000  }
0x7e: {  	[tilespmem:s17], [sflag:$0x2] =	stream.indirect.gather [hbm4b:s4+s15], $0x40, s30, s15, $0xb8;
	[tilespmem:$0xEA00] =	vst v63  }
0x7f: {  	_ = 	snop  }
0x80: {  	[spmem:s2] =	stream.indirect.scatter.add.f32 [tilespmem:s12], [sflag:$0x3], $0x40, s31, s15, $0xb8;
	[tilespmem:$0xEA00] =	vst v63  }
0x81: {  	_ =	swait.ge [sflag:s18], $0x2000  }
0x82: {  	[sflag:s18] =	ssyncset.done $0x0  }
0x83: {  	[sflag:s18] =	ssyncadd.s32 $0xFFFFE000  }
0x84: {  	_ =	swait.ge [sflag:s19], $0x2000  }
0x85: {  	[sflag:s19] =	ssyncset.done $0x0  }
0x86: {  	[sflag:s19] =	ssyncadd.s32 $0xFFFFE000  }
0x87: {  	[tilespmem:s12], [sflag:$0x1] =	stream.indirect.gather [hbm4b:s4+s15], $0x40, s1, s15, $0xb8;
	[tilespmem:$0xEA00] =	vst v63  }
0x88: {  	_ = 	snop  }
0x89: {  	[spmem:s2] =	stream.indirect.scatter.add.f32 [tilespmem:s17], [sflag:$0x4], $0x40, s0, s15, $0xb8;
	[tilespmem:$0xEA00] =	vst v63  }
0x8a: {  	_ =	swait.ge [sflag:s16], $0x2000  }
0x8b: {  	[sflag:s16] =	ssyncset.done $0x0  }
0x8c: {  	[sflag:s16] =	ssyncadd.s32 $0xFFFFE000  }
0x8d: {  	_ =	swait.ge [sflag:s20], $0x2000  }
0x8e: {  	[sflag:s20] =	ssyncset.done $0x0  }
0x8f: {  	[sflag:s20] =	ssyncadd.s32 $0xFFFFE000  }
0x90: {  	[tilespmem:s17], [sflag:$0x2] =	stream.indirect.gather [hbm4b:s4+s15], $0x40, s6, s15, $0xb8;
	[tilespmem:$0xEA00] =	vst v63  }
0x91: {  	_ = 	snop  }
0x92: {  	[spmem:s2] =	stream.indirect.scatter.add.f32 [tilespmem:s12], [sflag:$0x3], $0x40, s7, s15, $0xb8;
	[tilespmem:$0xEA00] =	vst v63  }
0x93: {  	_ =	swait.ge [sflag:s18], $0x2000  }
0x94: {  	[sflag:s18] =	ssyncset.done $0x0  }
0x95: {  	[sflag:s18] =	ssyncadd.s32 $0xFFFFE000  }
0x96: {  	_ =	swait.ge [sflag:s19], $0x2000  }
0x97: {  	[sflag:s19] =	ssyncset.done $0x0  }
0x98: {  	[sflag:s19] =	ssyncadd.s32 $0xFFFFE000  }
0x99: {  	[spmem:s2] =	stream.indirect.scatter.add.f32 [tilespmem:s17], [sflag:$0x4], $0x40, s8, s15, $0xb8;
	[tilespmem:$0xEA00] =	vst v63  }
0x9a: {  	s10 =	simm.s32 $0xA0;
	_ =	swait.ge [sflag:s20], $0x2000  }
0x9b: {  	s11 =	simm.s32 $0x140;
	s5 =	rddreg [dreg:$0x4];
	[sflag:s20] =	ssyncset.done $0x0  }
.LBB2_4:
0x9c: {  	[sflag:s20] =	ssyncadd.s32 $0xFFFFE000;
	s5 =	sadd.s32 s10, s5  }
0x9d: {  	[tilespmem:s3], [sflag:$0x5] =	stream.linear.gather [hbm4b:s5+s3], $0x500, $0x38;
	[tilespmem:$0xEA00] =	vst v63  }
0x9e: {  	_ =	swait.ge [sflag:s13], $0x500  }
0x9f: {  	s5 =	rddreg [dreg:$0x3];
	[sflag:s13] =	ssyncset.done $0x0  }
0xa0: {  	[sflag:s13] =	ssyncadd.s32 $0xFFFFFB00;
	s5 =	sadd.s32 s10, s5  }
0xa1: {  	[tilespmem:s14], [sflag:$0x5] =	stream.linear.gather [hbm4b:s5+s3], $0x500, $0x38;
	[tilespmem:$0xEA00] =	vst v63  }
0xa2: {  	_ =	swait.ge [sflag:s13], $0x500  }
0xa3: {  	[sflag:s13] =	ssyncset.done $0x0  }
0xa4: {  	[sflag:s13] =	ssyncadd.s32 $0xFFFFFB00  }
0xa5: {  	[tilespmem:s12], [sflag:$0x1] =	stream.indirect.gather [hbm4b:s4+s15], $0x40, s3, s15, $0xb8;
	[tilespmem:$0xEA00] =	vst v63  }
0xa6: {  	_ =	swait.ge [sflag:s16], $0x2000  }
0xa7: {  	[sflag:s16] =	ssyncset.done $0x0  }
0xa8: {  	[sflag:s16] =	ssyncadd.s32 $0xFFFFE000  }
0xa9: {  	[tilespmem:s17], [sflag:$0x2] =	stream.indirect.gather [hbm4b:s4+s15], $0x40, s15, s15, $0xb8;
	[tilespmem:$0xEA00] =	vst v63  }
0xaa: {  	_ = 	snop  }
0xab: {  	[spmem:s2] =	stream.indirect.scatter.add.f32 [tilespmem:s12], [sflag:$0x3], $0x40, s14, s15, $0xb8;
	[tilespmem:$0xEA00] =	vst v63  }
0xac: {  	_ =	swait.ge [sflag:s18], $0x2000  }
0xad: {  	[sflag:s18] =	ssyncset.done $0x0  }
0xae: {  	[sflag:s18] =	ssyncadd.s32 $0xFFFFE000  }
0xaf: {  	_ =	swait.ge [sflag:s19], $0x2000  }
0xb0: {  	[sflag:s19] =	ssyncset.done $0x0  }
0xb1: {  	s9 =	smov.u32 s11;
	s5 =	rddreg [dreg:$0x5];
	[sflag:s19] =	ssyncadd.s32 $0xFFFFE000  }
0xb2: {  	[tilespmem:s12], [sflag:$0x1] =	stream.indirect.gather [hbm4b:s4+s15], $0x40, s5, s15, $0xb8;
	[tilespmem:$0xEA00] =	vst v63  }
0xb3: {  	s10 =	smov.u32 s9;
	s9 =	rddreg [dreg:$0x6]  }
0xb4: {  	[spmem:s2] =	stream.indirect.scatter.add.f32 [tilespmem:s17], [sflag:$0x4], $0x40, s9, s15, $0xb8;
	[tilespmem:$0xEA00] =	vst v63  }
0xb5: {  	_ =	swait.ge [sflag:s16], $0x2000  }
0xb6: {  	[sflag:s16] =	ssyncset.done $0x0  }
0xb7: {  	[sflag:s16] =	ssyncadd.s32 $0xFFFFE000  }
0xb8: {  	_ =	swait.ge [sflag:s20], $0x2000  }
0xb9: {  	[sflag:s20] =	ssyncset.done $0x0  }
0xba: {  	[sflag:s20] =	ssyncadd.s32 $0xFFFFE000  }
0xbb: {  	[tilespmem:s17], [sflag:$0x2] =	stream.indirect.gather [hbm4b:s4+s15], $0x40, s21, s15, $0xb8;
	[tilespmem:$0xEA00] =	vst v63  }
0xbc: {  	_ = 	snop  }
0xbd: {  	[spmem:s2] =	stream.indirect.scatter.add.f32 [tilespmem:s12], [sflag:$0x3], $0x40, s22, s15, $0xb8;
	[tilespmem:$0xEA00] =	vst v63  }
0xbe: {  	_ =	swait.ge [sflag:s18], $0x2000  }
0xbf: {  	[sflag:s18] =	ssyncset.done $0x0  }
0xc0: {  	[sflag:s18] =	ssyncadd.s32 $0xFFFFE000  }
0xc1: {  	_ =	swait.ge [sflag:s19], $0x2000  }
0xc2: {  	[sflag:s19] =	ssyncset.done $0x0  }
0xc3: {  	[sflag:s19] =	ssyncadd.s32 $0xFFFFE000  }
0xc4: {  	[tilespmem:s12], [sflag:$0x1] =	stream.indirect.gather [hbm4b:s4+s15], $0x40, s23, s15, $0xb8;
	[tilespmem:$0xEA00] =	vst v63  }
0xc5: {  	_ = 	snop  }
0xc6: {  	[spmem:s2] =	stream.indirect.scatter.add.f32 [tilespmem:s17], [sflag:$0x4], $0x40, s24, s15, $0xb8;
	[tilespmem:$0xEA00] =	vst v63  }
0xc7: {  	_ =	swait.ge [sflag:s16], $0x2000  }
0xc8: {  	[sflag:s16] =	ssyncset.done $0x0  }
0xc9: {  	[sflag:s16] =	ssyncadd.s32 $0xFFFFE000  }
0xca: {  	_ =	swait.ge [sflag:s20], $0x2000  }
0xcb: {  	[sflag:s20] =	ssyncset.done $0x0  }
0xcc: {  	[sflag:s20] =	ssyncadd.s32 $0xFFFFE000  }
0xcd: {  	[tilespmem:s17], [sflag:$0x2] =	stream.indirect.gather [hbm4b:s4+s15], $0x40, s25, s15, $0xb8;
	[tilespmem:$0xEA00] =	vst v63  }
0xce: {  	_ = 	snop  }
0xcf: {  	[spmem:s2] =	stream.indirect.scatter.add.f32 [tilespmem:s12], [sflag:$0x3], $0x40, s26, s15, $0xb8;
	[tilespmem:$0xEA00] =	vst v63  }
0xd0: {  	_ =	swait.ge [sflag:s18], $0x2000  }
0xd1: {  	[sflag:s18] =	ssyncset.done $0x0  }
0xd2: {  	[sflag:s18] =	ssyncadd.s32 $0xFFFFE000  }
0xd3: {  	_ =	swait.ge [sflag:s19], $0x2000  }
0xd4: {  	[sflag:s19] =	ssyncset.done $0x0  }
0xd5: {  	[sflag:s19] =	ssyncadd.s32 $0xFFFFE000  }
0xd6: {  	[tilespmem:s12], [sflag:$0x1] =	stream.indirect.gather [hbm4b:s4+s15], $0x40, s28, s15, $0xb8;
	[tilespmem:$0xEA00] =	vst v63  }
0xd7: {  	_ = 	snop  }
0xd8: {  	[spmem:s2] =	stream.indirect.scatter.add.f32 [tilespmem:s17], [sflag:$0x4], $0x40, s29, s15, $0xb8;
	[tilespmem:$0xEA00] =	vst v63  }
0xd9: {  	_ =	swait.ge [sflag:s16], $0x2000  }
0xda: {  	[sflag:s16] =	ssyncset.done $0x0  }
0xdb: {  	[sflag:s16] =	ssyncadd.s32 $0xFFFFE000  }
0xdc: {  	_ =	swait.ge [sflag:s20], $0x2000  }
0xdd: {  	[sflag:s20] =	ssyncset.done $0x0  }
0xde: {  	[sflag:s20] =	ssyncadd.s32 $0xFFFFE000  }
0xdf: {  	[tilespmem:s17], [sflag:$0x2] =	stream.indirect.gather [hbm4b:s4+s15], $0x40, s30, s15, $0xb8;
	[tilespmem:$0xEA00] =	vst v63  }
0xe0: {  	_ = 	snop  }
0xe1: {  	[spmem:s2] =	stream.indirect.scatter.add.f32 [tilespmem:s12], [sflag:$0x3], $0x40, s31, s15, $0xb8;
	[tilespmem:$0xEA00] =	vst v63  }
0xe2: {  	_ =	swait.ge [sflag:s18], $0x2000  }
0xe3: {  	[sflag:s18] =	ssyncset.done $0x0  }
0xe4: {  	[sflag:s18] =	ssyncadd.s32 $0xFFFFE000  }
0xe5: {  	_ =	swait.ge [sflag:s19], $0x2000  }
0xe6: {  	[sflag:s19] =	ssyncset.done $0x0  }
0xe7: {  	[sflag:s19] =	ssyncadd.s32 $0xFFFFE000  }
0xe8: {  	[tilespmem:s12], [sflag:$0x1] =	stream.indirect.gather [hbm4b:s4+s15], $0x40, s1, s15, $0xb8;
	[tilespmem:$0xEA00] =	vst v63  }
0xe9: {  	_ = 	snop  }
0xea: {  	[spmem:s2] =	stream.indirect.scatter.add.f32 [tilespmem:s17], [sflag:$0x4], $0x40, s0, s15, $0xb8;
	[tilespmem:$0xEA00] =	vst v63  }
0xeb: {  	_ =	swait.ge [sflag:s16], $0x2000  }
0xec: {  	[sflag:s16] =	ssyncset.done $0x0  }
0xed: {  	[sflag:s16] =	ssyncadd.s32 $0xFFFFE000  }
0xee: {  	_ =	swait.ge [sflag:s20], $0x2000  }
0xef: {  	[sflag:s20] =	ssyncset.done $0x0  }
0xf0: {  	[sflag:s20] =	ssyncadd.s32 $0xFFFFE000  }
0xf1: {  	[tilespmem:s17], [sflag:$0x2] =	stream.indirect.gather [hbm4b:s4+s15], $0x40, s6, s15, $0xb8;
	[tilespmem:$0xEA00] =	vst v63  }
0xf2: {  	_ = 	snop  }
0xf3: {  	[spmem:s2] =	stream.indirect.scatter.add.f32 [tilespmem:s12], [sflag:$0x3], $0x40, s7, s15, $0xb8;
	[tilespmem:$0xEA00] =	vst v63  }
0xf4: {  	_ =	swait.ge [sflag:s18], $0x2000  }
0xf5: {  	[sflag:s18] =	ssyncset.done $0x0  }
0xf6: {  	[sflag:s18] =	ssyncadd.s32 $0xFFFFE000  }
0xf7: {  	p0 =	sne.s32 s11, $0x460;
	_ =	swait.ge [sflag:s19], $0x2000  }
.Ltmp1:
0xf8: {  	[sflag:s19] =	ssyncset.done $0x0;
	(pc) =	sbr.rel @p0 .LBB2_4-.Ltmp1, $4  }
0xf9: {  	[sflag:s19] =	ssyncadd.s32 $0xFFFFE000  }
0xfa: {  	[spmem:s2] =	stream.indirect.scatter.add.f32 [tilespmem:s17], [sflag:$0x4], $0x40, s8, s15, $0xb8;
	[tilespmem:$0xEA00] =	vst v63  }
0xfb: {  	_ =	swait.ge [sflag:s20], $0x2000  }
0xfc: {  	s11 =	sadd.s32 $0xA0, s11;
	s5 =	rddreg [dreg:$0x4];
	[sflag:s20] =	ssyncset.done $0x0  }
0xfd: {  	[sflag:s20] =	ssyncadd.s32 $0xFFFFE000;
	s5 =	sadd.s32 s10, s5  }
0xfe: {  	[tilespmem:s3], [sflag:$0x5] =	stream.linear.gather [hbm4b:s5+s3], $0x500, $0x38;
	[tilespmem:$0xEA00] =	vst v63  }
0xff: {  	_ =	swait.ge [sflag:s13], $0x500  }
0x100: {  	s9 =	rddreg [dreg:$0x3];
	[sflag:s13] =	ssyncset.done $0x0  }
0x101: {  	[sflag:s13] =	ssyncadd.s32 $0xFFFFFB00;
	s5 =	sadd.s32 s10, s9  }
0x102: {  	[tilespmem:s14], [sflag:$0x5] =	stream.linear.gather [hbm4b:s5+s3], $0x500, $0x38;
	[tilespmem:$0xEA00] =	vst v63  }
0x103: {  	_ =	swait.ge [sflag:s13], $0x500  }
0x104: {  	[sflag:s13] =	ssyncset.done $0x0  }
0x105: {  	[sflag:s13] =	ssyncadd.s32 $0xFFFFFB00  }
0x106: {  	[tilespmem:s12], [sflag:$0x1] =	stream.indirect.gather [hbm4b:s4+s15], $0x40, s3, s15, $0xb8;
	[tilespmem:$0xEA00] =	vst v63  }
0x107: {  	_ =	swait.ge [sflag:s16], $0x2000  }
0x108: {  	[sflag:s16] =	ssyncset.done $0x0  }
0x109: {  	[sflag:s16] =	ssyncadd.s32 $0xFFFFE000  }
0x10a: {  	[tilespmem:s17], [sflag:$0x2] =	stream.indirect.gather [hbm4b:s4+s15], $0x40, s15, s15, $0xb8;
	[tilespmem:$0xEA00] =	vst v63  }
0x10b: {  	_ = 	snop  }
0x10c: {  	[spmem:s2] =	stream.indirect.scatter.add.f32 [tilespmem:s12], [sflag:$0x3], $0x40, s14, s15, $0xb8;
	[tilespmem:$0xEA00] =	vst v63  }
0x10d: {  	_ =	swait.ge [sflag:s18], $0x2000  }
0x10e: {  	[sflag:s18] =	ssyncset.done $0x0  }
0x10f: {  	[sflag:s18] =	ssyncadd.s32 $0xFFFFE000  }
0x110: {  	_ =	swait.ge [sflag:s19], $0x2000  }
0x111: {  	[sflag:s19] =	ssyncset.done $0x0  }
0x112: {  	s11 =	rddreg [dreg:$0x5];
	[sflag:s19] =	ssyncadd.s32 $0xFFFFE000  }
0x113: {  	[tilespmem:s12], [sflag:$0x1] =	stream.indirect.gather [hbm4b:s4+s15], $0x40, s11, s15, $0xb8;
	[tilespmem:$0xEA00] =	vst v63  }
0x114: {  	s9 =	rddreg [dreg:$0x6]  }
0x115: {  	[spmem:s2] =	stream.indirect.scatter.add.f32 [tilespmem:s17], [sflag:$0x4], $0x40, s9, s15, $0xb8;
	[tilespmem:$0xEA00] =	vst v63  }
0x116: {  	_ =	swait.ge [sflag:s16], $0x2000  }
0x117: {  	[sflag:s16] =	ssyncset.done $0x0  }
0x118: {  	[sflag:s16] =	ssyncadd.s32 $0xFFFFE000  }
0x119: {  	_ =	swait.ge [sflag:s20], $0x2000  }
0x11a: {  	[sflag:s20] =	ssyncset.done $0x0  }
0x11b: {  	[sflag:s20] =	ssyncadd.s32 $0xFFFFE000  }
0x11c: {  	[tilespmem:s17], [sflag:$0x2] =	stream.indirect.gather [hbm4b:s4+s15], $0x40, s21, s15, $0xb8;
	[tilespmem:$0xEA00] =	vst v63  }
0x11d: {  	_ = 	snop  }
0x11e: {  	[spmem:s2] =	stream.indirect.scatter.add.f32 [tilespmem:s12], [sflag:$0x3], $0x40, s22, s15, $0xb8;
	[tilespmem:$0xEA00] =	vst v63  }
0x11f: {  	_ =	swait.ge [sflag:s18], $0x2000  }
0x120: {  	[sflag:s18] =	ssyncset.done $0x0  }
0x121: {  	[sflag:s18] =	ssyncadd.s32 $0xFFFFE000  }
0x122: {  	_ =	swait.ge [sflag:s19], $0x2000  }
0x123: {  	[sflag:s19] =	ssyncset.done $0x0  }
0x124: {  	[sflag:s19] =	ssyncadd.s32 $0xFFFFE000  }
0x125: {  	[tilespmem:s12], [sflag:$0x1] =	stream.indirect.gather [hbm4b:s4+s15], $0x40, s23, s15, $0xb8;
	[tilespmem:$0xEA00] =	vst v63  }
0x126: {  	_ = 	snop  }
0x127: {  	[spmem:s2] =	stream.indirect.scatter.add.f32 [tilespmem:s17], [sflag:$0x4], $0x40, s24, s15, $0xb8;
	[tilespmem:$0xEA00] =	vst v63  }
0x128: {  	_ =	swait.ge [sflag:s16], $0x2000  }
0x129: {  	[sflag:s16] =	ssyncset.done $0x0  }
0x12a: {  	[sflag:s16] =	ssyncadd.s32 $0xFFFFE000  }
0x12b: {  	_ =	swait.ge [sflag:s20], $0x2000  }
0x12c: {  	[sflag:s20] =	ssyncset.done $0x0  }
0x12d: {  	[sflag:s20] =	ssyncadd.s32 $0xFFFFE000  }
0x12e: {  	[tilespmem:s17], [sflag:$0x2] =	stream.indirect.gather [hbm4b:s4+s15], $0x40, s25, s15, $0xb8;
	[tilespmem:$0xEA00] =	vst v63  }
0x12f: {  	_ = 	snop  }
0x130: {  	[spmem:s2] =	stream.indirect.scatter.add.f32 [tilespmem:s12], [sflag:$0x3], $0x40, s26, s15, $0xb8;
	[tilespmem:$0xEA00] =	vst v63  }
0x131: {  	_ =	swait.ge [sflag:s18], $0x2000  }
0x132: {  	[sflag:s18] =	ssyncset.done $0x0  }
0x133: {  	[sflag:s18] =	ssyncadd.s32 $0xFFFFE000  }
0x134: {  	_ =	swait.ge [sflag:s19], $0x2000  }
0x135: {  	[sflag:s19] =	ssyncset.done $0x0  }
0x136: {  	[sflag:s19] =	ssyncadd.s32 $0xFFFFE000  }
0x137: {  	[tilespmem:s12], [sflag:$0x1] =	stream.indirect.gather [hbm4b:s4+s15], $0x40, s28, s15, $0xb8;
	[tilespmem:$0xEA00] =	vst v63  }
0x138: {  	_ = 	snop  }
0x139: {  	[spmem:s2] =	stream.indirect.scatter.add.f32 [tilespmem:s17], [sflag:$0x4], $0x40, s29, s15, $0xb8;
	[tilespmem:$0xEA00] =	vst v63  }
0x13a: {  	_ =	swait.ge [sflag:s16], $0x2000  }
0x13b: {  	[sflag:s16] =	ssyncset.done $0x0  }
0x13c: {  	[sflag:s16] =	ssyncadd.s32 $0xFFFFE000  }
0x13d: {  	_ =	swait.ge [sflag:s20], $0x2000  }
0x13e: {  	[sflag:s20] =	ssyncset.done $0x0  }
0x13f: {  	[sflag:s20] =	ssyncadd.s32 $0xFFFFE000  }
0x140: {  	[tilespmem:s17], [sflag:$0x2] =	stream.indirect.gather [hbm4b:s4+s15], $0x40, s30, s15, $0xb8;
	[tilespmem:$0xEA00] =	vst v63  }
0x141: {  	_ = 	snop  }
0x142: {  	[spmem:s2] =	stream.indirect.scatter.add.f32 [tilespmem:s12], [sflag:$0x3], $0x40, s31, s15, $0xb8;
	[tilespmem:$0xEA00] =	vst v63  }
0x143: {  	_ =	swait.ge [sflag:s18], $0x2000  }
0x144: {  	[sflag:s18] =	ssyncset.done $0x0  }
0x145: {  	[sflag:s18] =	ssyncadd.s32 $0xFFFFE000  }
0x146: {  	_ =	swait.ge [sflag:s19], $0x2000  }
0x147: {  	[sflag:s19] =	ssyncset.done $0x0  }
0x148: {  	[sflag:s19] =	ssyncadd.s32 $0xFFFFE000  }
0x149: {  	[tilespmem:s12], [sflag:$0x1] =	stream.indirect.gather [hbm4b:s4+s15], $0x40, s1, s15, $0xb8;
	[tilespmem:$0xEA00] =	vst v63  }
0x14a: {  	_ = 	snop  }
0x14b: {  	[spmem:s2] =	stream.indirect.scatter.add.f32 [tilespmem:s17], [sflag:$0x4], $0x40, s0, s15, $0xb8;
	[tilespmem:$0xEA00] =	vst v63  }
0x14c: {  	_ =	swait.ge [sflag:s16], $0x2000  }
0x14d: {  	[sflag:s16] =	ssyncset.done $0x0  }
0x14e: {  	[sflag:s16] =	ssyncadd.s32 $0xFFFFE000  }
0x14f: {  	_ =	swait.ge [sflag:s20], $0x2000  }
0x150: {  	[sflag:s20] =	ssyncset.done $0x0  }
0x151: {  	[sflag:s20] =	ssyncadd.s32 $0xFFFFE000  }
0x152: {  	[tilespmem:s17], [sflag:$0x2] =	stream.indirect.gather [hbm4b:s4+s15], $0x40, s6, s15, $0xb8;
	[tilespmem:$0xEA00] =	vst v63  }
0x153: {  	_ = 	snop  }
0x154: {  	[spmem:s2] =	stream.indirect.scatter.add.f32 [tilespmem:s12], [sflag:$0x3], $0x40, s7, s15, $0xb8;
	[tilespmem:$0xEA00] =	vst v63  }
0x155: {  	_ =	swait.ge [sflag:s18], $0x2000  }
0x156: {  	[sflag:s18] =	ssyncset.done $0x0  }
0x157: {  	[sflag:s18] =	ssyncadd.s32 $0xFFFFE000  }
0x158: {  	_ =	swait.ge [sflag:s19], $0x2000  }
0x159: {  	[sflag:s19] =	ssyncset.done $0x0  }
0x15a: {  	[sflag:s19] =	ssyncadd.s32 $0xFFFFE000  }
0x15b: {  	[spmem:s2] =	stream.indirect.scatter.add.f32 [tilespmem:s17], [sflag:$0x4], $0x40, s8, s15, $0xb8;
	[tilespmem:$0xEA00] =	vst v63  }
0x15c: {  	_ =	swait.ge [sflag:s20], $0x2000  }
0x15d: {  	[sflag:s20] =	ssyncset.done $0x0  }
0x15e: {  	[sflag:s20] =	ssyncadd.s32 $0xFFFFE000  }
0x15f: {  	s9 =	stileid.u32;
	[bflag:$0x0] =	sbarrier.arrive $0xFFFF  }
0x160: {  	s5 =	sshll.u32 s9, $0x6;
	s10 =	rddreg [dreg:$0x7]  }
0x161: {  	s5 =	sor.u32 $0x1C05, s5;
	s11 =	rddreg [dreg:$0xc];
	s9 =	sshrl.u32 s10, $0x3  }
0x162: {  	[hbm:s11], [sflag:s5] =	dma.local [spmem:s9], $0x1400  }
0x163: {  	_ =	swait.ge [sflag:s13], $0x1400  }
0x164: {  	s10 =	rddreg [dreg:$0xe]  }
0x165: {  	s11 =	rddreg [dreg:$0xd];
	s9 =	sadd.s32 $0x1, s10  }
0x166: {  	p0 =	sne.s32 s9, s11  }
.Ltmp2:
0x167: {  	_ = 	snop;
	(pc) =	sbr.rel @p0 .LBB2_1-.Ltmp2, $3  }
0x168: {  	_ =	sdelay $0x1  }
0x169: {  	[sflag:s13] =	ssyncset.done $0x0  }
0x16a: {  	[sflag:s13] =	ssyncadd.s32 $0xFFFFEC00  }
0x16b: {  	_ =	sfence.sel $0x180000  }
0x16c: {  	[bflag:$0x0] =	sbarrier.arrive $0xFFFF  }
0x16d: {  	_ =	strace $0x9000004D  }
0x16e: {  	s0 =	stileid.u32;
	[bflag:$0x2] =	sbarrier.arrive $0xFFFF  }
0x16f: {  	p0 =	sne.s32 s0, $0x0;
	s0 =	rddreg [dreg:$0x2]  }
0x170: {  	s0 =	sadd.s32 @!p0 $0x100000, s0  }
0x171: {  	[sflag:s0] =	ssyncadd.tile.s32 @!p0 $0x1;
	_ =	shalt  }
.Lfunc_end2:
_tile_overlayer_lowered:
.L_overlay_start_2:
0x172: {  	(tag) =	ssettag $0x2  }
0x173: {  	s0 =	rddreg [dreg:$0x0];
	s2 =	stileid.u32  }
0x174: {  	s1 =	rddreg [dreg:$0x1];
	p0 =	sne.s32 s2, $0x0  }
0x175: {  	s3 =	rddreg [dreg:$0x2];
	[bflag:$0x3] =	sbarrier.arrive $0xFFFF;
	s2 =	simm.s32 @!p0 $0x1C05  }
0x176: {  	[timem:s3], [sflag:s2] =	dma.local @!p0 [hbm:s0], s1  }
0x177: {  	s0 =	simm.s32 @!p0 $0x5  }
0x178: {  	_ =	swait.ge @!p0 [sflag:s0], s1  }
0x179: {  	s1 =	ssub.s32 @!p0 $0x0, s1;
	[sflag:s0] =	ssyncset.done @!p0 $0x0  }
0x17a: {  	[sflag:s0] =	ssyncadd.s32 @!p0 s1  }
0x17b: {  	[bflag:$0x3] =	sbarrier.arrive $0xFFFF  }
0x17c: {  	_ =	shalt  }

// kernel: kernel.19.cloned.1.call-start
scs
__scs_entry_jumppad:
0x0: {  	(pc) =	sbr.rel $0x88, $3  }
0x1: {  	(tag) =	ssettag $0x0;
	lr =	simm.s32 $0x1  }
0x2: {  	[smem:$0x3F9A] =	sst lr;
	_ =	strace $0xD0000000  }
0x3: {  	_ = 	snop  }
0x4: {  	_ = 	snop  }
0x5: {  	_ = 	snop  }
0x6: {  	_ = 	snop  }
0x7: {  	_ = 	snop  }
__scs_overlays_trampoline_lowered:
0x8: {  	[smem:$0x3FA9] =	sst s0  }
0x9: {  	[smem:$0x3FAA] =	sst s1  }
0xa: {  	[smem:$0x3FAB] =	sst s2  }
0xb: {  	[smem:$0x3FAC] =	sst s3  }
0xc: {  	[smem:$0x3FAD] =	sst s4  }
0xd: {  	[smem:$0x3FAE] =	sst s5  }
0xe: {  	[smem:$0x3FAF] =	sst s6  }
0xf: {  	[smem:$0x3FB0] =	sst s7  }
0x10: {  	[smem:$0x3FB1] =	sst s8  }
0x11: {  	[smem:$0x3FB2] =	sst s9;
	s0 =	simm.s32 @!p0 $0x0  }
0x12: {  	s1 =	sld [smem:$0x3F98];
	s0 =	simm.s32 @p0 $0x1  }
0x13: {  	[smem:$0x3FB3] =	sst s0;
	s0 =	simm.s32 @!p1 $0x0  }
0x14: {  	s2 =	sld [smem:$0x3F97];
	s0 =	simm.s32 @p1 $0x1  }
0x15: {  	[smem:$0x3FB4] =	sst s0;
	s0 =	simm.s32 @!p2 $0x0  }
0x16: {  	s3 =	sld [smem:$0x3FDB];
	s0 =	simm.s32 @p2 $0x1  }
0x17: {  	s4 =	simm.s32 $0x1BF5;
	[smem:$0x3FB6] =	sst s0  }
0x18: {  	s0 =	sld [smem:$0x3F99];
	_ =	swait.ge [sflag:s4], $0x0  }
0x19: {  	s7 =	sld [smem:$0x3F9A]  }
0x1a: {  	s8 =	sadd.s32 $0xFFFFE003, lr  }
0x1b: {  	s9 =	sadd.s32 $0xFFFFFEF7, lr;
	s5 =	simm.s32 $0xFFFFFFFF;
	p2 =	slt.u32 s8, $0xFFFFF086  }
0x1c: {  	p1 =	slt.u32 s9, $0xF7A;
	s5 =	simm.s32 @!p2 $0x0  }
0x1d: {  	s5 =	simm.s32 @p1 $0x1;
	p0 =	seq.s32 s7, s2  }
0x1e: {  	s7 =	smul.u32 @!p0 $0xF7A, s2;
	p2 =	seq.s32 @!p0 s5, $0x0  }
0x1f: {  	s9 =	smul.u32 $0xF7A, s1;
	s8 =	simm.s32 @!p0 $0x1BF5;
	p2 =	por !p2, p0  }
0x20: {  	[sflag:s8] =	ssyncset.s32 @!p0 $0xFFFFF086;
	s6 =	sadd.s32 @!p0 s3, s7;
	s7 =	simm.s32 @!p0 $0x108  }
0x21: {  	s3 =	sadd.s32 s3, s9;
	s6 =	sadd.s32 @!p0 $0x88, s6;
	s7 =	simm.s32 @p2 $0x1082  }
0x22: {  	[simem:s7], [sflag:s8] =	dma.local @!p0 [hbm:s6], $0xF7A  }
0x23: {  	s9 =	sor.u32 $0xD0000000, s2;
	s6 =	simm.s32 $0x108;
	_ =	swait.ge @!p0 [sflag:s8], $0x0  }
0x24: {  	s3 =	sadd.s32 $0x88, s3;
	s6 =	simm.s32 @!p1 $0x1082;
	[sflag:s4] =	ssyncset.s32 $0xFFFFF086  }
0x25: {  	[simem:s6], [sflag:s4] =	dma.local [hbm:s3], $0xF7A  }
0x26: {  	[smem:$0x3F9A] =	sst s1;
	(tag) =	ssettag s2;
	_ =	strace s9  }
0x27: {  	s1 =	sld [smem:$0x3FAA]  }
0x28: {  	s2 =	sld [smem:$0x3FAB]  }
0x29: {  	s4 =	sld [smem:$0x3FAD]  }
0x2a: {  	p0 =	seq.s32 s5, $0x0;
	s5 =	sld [smem:$0x3FAE]  }
0x2b: {  	s6 =	sld [smem:$0x3FAF]  }
0x2c: {  	s7 =	sld [smem:$0x3FB0]  }
0x2d: {  	s3 =	simm.s32 $0x108;
	s8 =	sld [smem:$0x3FB1]  }
0x2e: {  	s3 =	simm.s32 @!p0 $0x1082;
	s9 =	sld [smem:$0x3FB2]  }
0x2f: {  	lr =	sadd.s32 s0, s3;
	s0 =	sld [smem:$0x3FA9]  }
0x30: {  	s3 =	sld [smem:$0x3FAC]  }
0x31: {  	[smem:$0x3FB5] =	sst s10  }
0x32: {  	s10 =	sld [smem:$0x3FB3];
	_ =	sdelay $0x3  }
0x33: {  	p0 =	seq.s32 s10, $0x1;
	s10 =	sld [smem:$0x3FB5];
	_ =	sdelay $0x3  }
0x34: {  	[smem:$0x3FB5] =	sst s10  }
0x35: {  	s10 =	sld [smem:$0x3FB4];
	_ =	sdelay $0x3  }
0x36: {  	p1 =	seq.s32 s10, $0x1;
	s10 =	sld [smem:$0x3FB5];
	_ =	sdelay $0x3  }
0x37: {  	[smem:$0x3FB5] =	sst s10  }
0x38: {  	s10 =	sld [smem:$0x3FB6]  }
0x39: {  	_ = 	snop;
	(pc) =	sbr.ind lr, $3  }
0x3a: {  	_ = 	snop  }
0x3b: {  	_ = 	snop  }
0x3c: {  	p2 =	seq.s32 s10, $0x1;
	s10 =	sld [smem:$0x3FB5]  }
0x3d: {  	_ =	shalt  }
0x3e: {  	_ =	shalt  }
0x3f: {  	_ =	shalt  }
0x40: {  	_ =	shalt  }
0x41: {  	_ =	shalt  }
0x42: {  	_ =	shalt  }
0x43: {  	_ =	shalt  }
0x44: {  	_ =	shalt  }
0x45: {  	_ =	shalt  }
0x46: {  	_ =	shalt  }
0x47: {  	_ =	shalt  }
0x48: {  	_ =	shalt  }
0x49: {  	_ =	shalt  }
0x4a: {  	_ =	shalt  }
0x4b: {  	_ =	shalt  }
0x4c: {  	_ =	shalt  }
0x4d: {  	_ =	shalt  }
0x4e: {  	_ =	shalt  }
0x4f: {  	_ =	shalt  }
0x50: {  	_ =	shalt  }
0x51: {  	_ =	shalt  }
0x52: {  	_ =	shalt  }
0x53: {  	_ =	shalt  }
0x54: {  	_ =	shalt  }
0x55: {  	_ =	shalt  }
0x56: {  	_ =	shalt  }
0x57: {  	_ =	shalt  }
0x58: {  	_ =	shalt  }
0x59: {  	_ =	shalt  }
0x5a: {  	_ =	shalt  }
0x5b: {  	_ =	shalt  }
0x5c: {  	_ =	shalt  }
0x5d: {  	_ =	shalt  }
0x5e: {  	_ =	shalt  }
0x5f: {  	_ =	shalt  }
0x60: {  	_ =	shalt  }
0x61: {  	_ =	shalt  }
0x62: {  	_ =	shalt  }
0x63: {  	_ =	shalt  }
0x64: {  	_ =	shalt  }
0x65: {  	_ =	shalt  }
0x66: {  	_ =	shalt  }
0x67: {  	_ =	shalt  }
0x68: {  	_ =	shalt  }
0x69: {  	_ =	shalt  }
0x6a: {  	_ =	shalt  }
0x6b: {  	_ =	shalt  }
0x6c: {  	_ =	shalt  }
0x6d: {  	_ =	shalt  }
0x6e: {  	_ =	shalt  }
0x6f: {  	_ =	shalt  }
0x70: {  	_ =	shalt  }
0x71: {  	_ =	shalt  }
0x72: {  	_ =	shalt  }
0x73: {  	_ =	shalt  }
0x74: {  	_ =	shalt  }
0x75: {  	_ =	shalt  }
0x76: {  	_ =	shalt  }
0x77: {  	_ =	shalt  }
0x78: {  	_ =	shalt  }
0x79: {  	_ =	shalt  }
0x7a: {  	_ =	shalt  }
0x7b: {  	_ =	shalt  }
0x7c: {  	_ =	shalt  }
0x7d: {  	_ =	shalt  }
0x7e: {  	_ =	shalt  }
0x7f: {  	_ =	shalt  }
0x80: {  	_ =	shalt  }
0x81: {  	_ =	shalt  }
0x82: {  	_ =	shalt  }
0x83: {  	_ =	shalt  }
0x84: {  	_ =	shalt  }
0x85: {  	_ =	shalt  }
0x86: {  	_ =	shalt  }
0x87: {  	_ =	shalt  }
.Lfunc_end0:
.L_simem_size_0:
called_computation.3_lowered:
.L_overlay_start_0:
0x88: {  	s2 =	sld [smem:$0x3FD9]  }
0x89: {  	s3 =	sld [smem:$0x3FFE];
	_ =	sdelay $0x1  }
0x8a: {  	s1 =	srdreg.scid  }
0x8b: {  	s0 =	sand.u32 $0x1, s1  }
0x8c: {  	s17 =	sshll.u32 s0, $0xA;
	s2 =	sadd.s32 s3, s2  }
0x8d: {  	s2 =	sadd.s32 s2, s17  }
0x8e: {  	[smem:$0x3FC1] =	sst s2  }
0x8f: {  	_ = 	snop  }
0x90: {  	s2 =	sld [smem:$0x3FD0];
	(tm) =	ssettm $0x1  }
0x91: {  	s18 =	sld [smem:$0x3FFB];
	_ =	sdelay $0x3  }
0x92: {  	_ =	strace s18  }
0x93: {  	s3 =	sld [smem:$0x3FFC];
	_ =	sdelay $0x3  }
0x94: {  	_ =	strace s3  }
0x95: {  	s3 =	sld [smem:$0x3FFD];
	_ =	sdelay $0x3  }
0x96: {  	_ =	strace s3  }
0x97: {  	_ =	strace $0x8FFFFFFF  }
0x98: {  	s19 =	sld [smem:$0x3FDB];
	_ =	sdelay $0x1  }
0x99: {  	s4 =	simm.s32 $_scs_section_size  }
0x9a: {  	s5 =	simm.s32 $_size__tile_overlayer_lowered;
	s6 =	simm.s32 $_tile_overlayer_lowered  }
0x9b: {  	s22 =	simm.s32 $0x1BFF;
	s21 =	sshll.u32 s6, $0x1;
	s3 =	sadd.s32 s4, s19  }
0x9c: {  	s7 =	simm.s32 $0x0;
	s20 =	sshll.u32 s5, $0x1;
	s5 =	sadd.s32 s21, s3  }
0x9d: {  	[timem:s7], [sflag:s22] =	dma.local [hbm:s5], s20  }
0x9e: {  	_ =	swait.ge [sflag:s22], s20  }
0x9f: {  	s4 =	ssub.s32 $0x0, s20;
	[sflag:s22] =	ssyncset.done $0x0  }
0xa0: {  	[sflag:s22] =	ssyncadd.s32 s4;
	_ =	sdelay $0x1  }
0xa1: {  	s23 =	simm.s32 $0x1B8B  }
0xa2: {  	_ =	swait.ge [sflag:s23], $0x1  }
0xa3: {  	[sflag:s23] =	ssyncset.done $0x0  }
0xa4: {  	s25 =	simm.s32 $0x1B8E;
	s24 =	sld [smem:$0x3FFE];
	[sflag:s23] =	ssyncadd.s32 $0xFFFFFFFF  }
0xa5: {  	s26 =	simm.s32 $execute0_lowered;
	[smem:$0x3FD2] =	sst s25  }
0xa6: {  	s5 =	sshll.u32 s26, $0x1;
	_ =	strace $0x8000004F;
	[dreg:$0x1] =	wrdreg $0xFFFFFFFF  }
0xa7: {  	s28 =	simm.s32 $_size_execute0_lowered;
	s3 =	sadd.s32 s3, s5;
	[dreg:$0x0] =	wrdreg $0x0  }
0xa8: {  	s5 =	sshll.u32 s28, $0x1;
	[dreg:$0x2] =	wrdreg s3  }
0xa9: {  	[dreg:$0x3] =	wrdreg s5  }
0xaa: {  	[dreg:$0x4] =	wrdreg $0xC0  }
0xab: {  	_ =	task [dreg:s7], $0x5FFFF  }
0xac: {  	[dreg:$0x1] =	wrdreg $0xFFFFFFFF  }
0xad: {  	[dreg:$0x0] =	wrdreg $0x60  }
0xae: {  	[dreg:$0x2] =	wrdreg s24  }
0xaf: {  	[dreg:$0x3] =	wrdreg s2  }
0xb0: {  	[dreg:$0x4] =	wrdreg $0x9  }
0xb1: {  	_ =	task.clear_ibuf [dreg:s7], $0x5FFFF;
	_ =	strace $0x9000004F  }
0xb2: {  	s29 =	simm.s32 $0x9;
	_ =	strace $0x80000051  }
0xb3: {  	_ =	swait.ge [sflag:s29], $0x1  }
0xb4: {  	[sflag:s29] =	ssyncadd.s32 $0xFFFFFFFF  }
0xb5: {  	_ =	strace $0x90000051  }
0xb6: {  	_ =	sfence  }
0xb7: {  	s30 =	sld [smem:$0x0];
	_ =	sdelay $0x2  }
0xb8: {  	s31 =	sshll.u32 s1, $0xD;
	s1 =	sshrl.u32 s1, $0x2  }
0xb9: {  	s3 =	sand.u32 $0x4000, s31;
	s1 =	sadd.s32 s1, s30  }
0xba: {  	s0 =	sor.u32 s3, s0;
	s1 =	sshll.u32 s1, $0x11  }
0xbb: {  	s0 =	sor.u32 s1, s0  }
0xbc: {  	s0 =	sadd.s32 $0x8F2B, s0  }
0xbd: {  	[sflag:s0] =	ssyncadd.remote.s32 $0x1  }
0xbe: {  	_ =	sfence.sel $0xFFFF  }
0xbf: {  	[dreg:$0x0] =	wrdreg $0xFFFFFFFF;
	(pc) =	sbr.abs _section_cstart, $3  }
0xc0: {  	[dreg:$0x1] =	wrdreg $0xFFFFFFFF  }
0xc1: {  	_ =	task.clear_ibuf [dreg:s7], $0x2FFFF;
	_ =	strace $0x9FFFFFFF  }
0xc2: {  	(tm) =	ssettm $0x7FFFFFFF  }
0xc3: {  	_ =	shalt  }
tec
execute0_lowered:
.L_overlay_start_1:
0x0: {  	(tag) =	ssettag $0x1  }
0x1: {  	s0 =	rddreg [dreg:$0x0];
	s1 =	srdreg.scid  }
0x2: {  	s22 =	stileid.u32;
	s4 =	rddreg [dreg:$0x1];
	s2 =	simm.s32 $0x0  }
0x3: {  	s30 =	simm.s32 $0x9;
	s29 =	simm.s32 $0x280;
	s14 =	simm.s32 $0x4500  }
0x4: {  	s13 =	simm.s32 $0x1;
	s12 =	simm.s32 $0x2;
	s31 =	simm.s32 $0x380  }
0x5: {  	p0 =	por $0x0, $0x0;
	s1 =	sand.u32 $0x1, s1;
	s3 =	sshll.u32 s22, $0x1  }
0x6: {  	[smem:$0x7FF] =	sst s2;
	s9 =	sadd.s32 $0x49800, s0;
	s5 =	sor.u32 s1, s3  }
0x7: {  	_ =	strace $0x80000050;
	s1 =	ssub.s32 $0x2, s1;
	s6 =	smul.u32 $0x50, s5  }
0x8: {  	s3 =	sadd.s32 $0xD800, s0;
	s8 =	smul.u32 $0x1400, s5;
	s23 =	sshrl.u32 s1, $0x1  }
0x9: {  	s5 =	smul.u32 $0xA000, s5;
	s1 =	ssub.s32 s1, s23;
	s23 =	simm.s32 $0x200  }
0xa: {  	s7 =	sadd.s32 s6, s0;
	s4 =	sadd.s32 s4, s6;
	s0 =	sadd.s32 $0x21800, s0  }
0xb: {  	s16 =	sadd.s32 s9, s8;
	s5 =	sshrl.u32 s5, $0x3;
	s26 =	smax.u32 s1, $0x1  }
0xc: {  	s6 =	simm.s32 $0x500;
	s1 =	simm.s32 $0x300;
	[dreg:$0x3] =	wrdreg s4  }
0xd: {  	s15 =	sadd.s32 $0xCE00, s7;
	[dreg:$0x5] =	wrdreg s16;
	s17 =	sadd.s32 s0, s8  }
0xe: {  	s18 =	sadd.s32 $0x400, s5;
	s21 =	sadd.s32 $0x800, s5;
	s25 =	sadd.s32 $0xC00, s5  }
0xf: {  	s5 =	sadd.s32 $0x1000, s5;
	s7 =	simm.s32 $0x2500;
	s8 =	simm.s32 $0x6  }
0x10: {  	p1 =	sne.s32 s26, $0x1;
	s28 =	sadd.s32 $0xFFFFFFFF, s26;
	[dreg:$0x4] =	wrdreg s15  }
0x11: {  	s26 =	simm.s32 $0x400;
	[dreg:$0x6] =	wrdreg s17;
	s19 =	sadd.s32 s9, s18  }
0x12: {  	s20 =	sadd.s32 s0, s18;
	s24 =	sadd.s32 s9, s21;
	s16 =	sadd.s32 s0, s21  }
0x13: {  	s10 =	sadd.s32 s9, s25;
	s11 =	sadd.s32 s0, s25;
	s4 =	sadd.s32 s9, s5  }
.Ltmp0:
0x14: {  	s5 =	sadd.s32 s0, s5;
	s0 =	rddreg [dreg:$0x3];
	(pc) =	sbr.rel @!p1 .LBB2_1-.Ltmp0, $4  }
0x15: {  	s17 =	simm.s32 $0x80;
	s15 =	simm.s32 $0x6500;
	[dreg:$0x7] =	wrdreg s19  }
0x16: {  	s9 =	simm.s32 $0x5;
	s21 =	simm.s32 $0x3;
	[dreg:$0x8] =	wrdreg s20  }
0x17: {  	s18 =	simm.s32 $0x8;
	s25 =	simm.s32 $0x180;
	[dreg:$0x9] =	wrdreg s24  }
0x18: {  	s20 =	simm.s32 $0x4;
	s19 =	simm.s32 $0x7;
	s24 =	simm.s32 $0x480  }
0x19: {  	[tilespmem:s2], [sflag:$0x9] =	stream.linear.gather [hbm4b:s0+s2], $0x280, $0x38;
	[tilespmem:$0x8500] =	vst v63  }
0x1a: {  	_ =	swait.ge [sflag:s30], $0x280  }
0x1b: {  	[sflag:s30] =	ssyncset.done $0x0  }
0x1c: {  	s22 =	rddreg [dreg:$0x4];
	[sflag:s30] =	ssyncadd.s32 $0xFFFFFD80  }
0x1d: {  	[tilespmem:s29], [sflag:$0x9] =	stream.linear.gather [hbm4b:s22+s2], $0x280, $0x38;
	[tilespmem:$0x8500] =	vst v63  }
0x1e: {  	_ =	swait.ge [sflag:s30], $0x280  }
0x1f: {  	[sflag:s30] =	ssyncset.done $0x0  }
0x20: {  	[sflag:s30] =	ssyncadd.s32 $0xFFFFFD80  }
0x21: {  	[tilespmem:s6], [sflag:$0x1] =	stream.indirect.gather [hbm4b:s3+s17], $0x40, s2, s17, $0xb8;
	[tilespmem:$0x8500] =	vst v63  }
0x22: {  	_ = 	snop  }
0x23: {  	[tilespmem:s7], [sflag:$0x2] =	stream.indirect.gather [hbm4b:s3+s17], $0x40, s29, s17, $0xb8;
	[tilespmem:$0x8500] =	vst v63  }
0x24: {  	_ = 	snop  }
0x25: {  	[tilespmem:s14], [sflag:$0x3] =	stream.indirect.gather [hbm4b:s3+s17], $0x40, s17, s17, $0xb8;
	[tilespmem:$0x8500] =	vst v63  }
0x26: {  	_ = 	snop  }
0x27: {  	[tilespmem:s15], [sflag:$0x4] =	stream.indirect.gather [hbm4b:s3+s17], $0x40, s1, s17, $0xb8;
	[tilespmem:$0x8500] =	vst v63  }
0x28: {  	_ =	swait.ge [sflag:s13], $0x2000  }
0x29: {  	[sflag:s13] =	ssyncset.done $0x0  }
0x2a: {  	[sflag:s13] =	ssyncadd.s32 $0xFFFFE000  }
0x2b: {  	_ =	swait.ge [sflag:s12], $0x2000  }
0x2c: {  	[sflag:s12] =	ssyncset.done $0x0  }
0x2d: {  	s0 =	rddreg [dreg:$0x5];
	[sflag:s12] =	ssyncadd.s32 $0xFFFFE000  }
0x2e: {  	[hbm4b:s0+s2] =	stream.linear.scatter [tilespmem:s6], [sflag:$0x5], $0x2000, $0x38;
	[tilespmem:$0x8500] =	vst v63  }
0x2f: {  	s1 =	rddreg [dreg:$0x6]  }
0x30: {  	[hbm4b:s1+s2] =	stream.linear.scatter [tilespmem:s7], [sflag:$0x6], $0x2000, $0x38;
	[tilespmem:$0x8500] =	vst v63  }
0x31: {  	_ =	swait.ge [sflag:s9], $0x2000  }
0x32: {  	[sflag:s9] =	ssyncset.done $0x0  }
0x33: {  	[sflag:s9] =	ssyncadd.s32 $0xFFFFE000  }
0x34: {  	_ =	swait.ge [sflag:s8], $0x2000  }
0x35: {  	[sflag:s8] =	ssyncset.done $0x0  }
0x36: {  	s1 =	simm.s32 $0x100;
	[sflag:s8] =	ssyncadd.s32 $0xFFFFE000  }
0x37: {  	[tilespmem:s6], [sflag:$0x1] =	stream.indirect.gather [hbm4b:s3+s17], $0x40, s1, s17, $0xb8;
	[tilespmem:$0x8500] =	vst v63  }
0x38: {  	_ = 	snop  }
0x39: {  	[tilespmem:s7], [sflag:$0x2] =	stream.indirect.gather [hbm4b:s3+s17], $0x40, s31, s17, $0xb8;
	[tilespmem:$0x8500] =	vst v63  }
0x3a: {  	_ =	swait.ge [sflag:s21], $0x2000  }
0x3b: {  	[sflag:s21] =	ssyncset.done $0x0  }
0x3c: {  	[sflag:s21] =	ssyncadd.s32 $0xFFFFE000  }
0x3d: {  	_ =	swait.ge [sflag:s20], $0x2000  }
0x3e: {  	[sflag:s20] =	ssyncset.done $0x0  }
0x3f: {  	s0 =	rddreg [dreg:$0x7];
	[sflag:s20] =	ssyncadd.s32 $0xFFFFE000  }
0x40: {  	[hbm4b:s0+s2] =	stream.linear.scatter [tilespmem:s14], [sflag:$0x7], $0x2000, $0x38;
	[tilespmem:$0x8500] =	vst v63  }
0x41: {  	s1 =	rddreg [dreg:$0x8]  }
0x42: {  	[hbm4b:s1+s2] =	stream.linear.scatter [tilespmem:s15], [sflag:$0x8], $0x2000, $0x38;
	[tilespmem:$0x8500] =	vst v63  }
0x43: {  	_ =	swait.ge [sflag:s19], $0x2000  }
0x44: {  	[sflag:s19] =	ssyncset.done $0x0  }
0x45: {  	[sflag:s19] =	ssyncadd.s32 $0xFFFFE000  }
0x46: {  	_ =	swait.ge [sflag:s18], $0x2000  }
0x47: {  	[sflag:s18] =	ssyncset.done $0x0  }
0x48: {  	[sflag:s18] =	ssyncadd.s32 $0xFFFFE000  }
0x49: {  	[tilespmem:s14], [sflag:$0x3] =	stream.indirect.gather [hbm4b:s3+s17], $0x40, s25, s17, $0xb8;
	[tilespmem:$0x8500] =	vst v63  }
0x4a: {  	_ = 	snop  }
0x4b: {  	[tilespmem:s15], [sflag:$0x4] =	stream.indirect.gather [hbm4b:s3+s17], $0x40, s26, s17, $0xb8;
	[tilespmem:$0x8500] =	vst v63  }
0x4c: {  	_ =	swait.ge [sflag:s13], $0x2000  }
0x4d: {  	[sflag:s13] =	ssyncset.done $0x0  }
0x4e: {  	[sflag:s13] =	ssyncadd.s32 $0xFFFFE000  }
0x4f: {  	_ =	swait.ge [sflag:s12], $0x2000  }
0x50: {  	[sflag:s12] =	ssyncset.done $0x0  }
0x51: {  	s1 =	rddreg [dreg:$0x9];
	[sflag:s12] =	ssyncadd.s32 $0xFFFFE000  }
0x52: {  	[hbm4b:s1+s2] =	stream.linear.scatter [tilespmem:s6], [sflag:$0x5], $0x2000, $0x38;
	[tilespmem:$0x8500] =	vst v63  }
0x53: {  	_ = 	snop  }
0x54: {  	[hbm4b:s16+s2] =	stream.linear.scatter [tilespmem:s7], [sflag:$0x6], $0x2000, $0x38;
	[tilespmem:$0x8500] =	vst v63  }
0x55: {  	_ =	swait.ge [sflag:s9], $0x2000  }
0x56: {  	[sflag:s9] =	ssyncset.done $0x0  }
0x57: {  	[sflag:s9] =	ssyncadd.s32 $0xFFFFE000  }
0x58: {  	_ =	swait.ge [sflag:s8], $0x2000  }
0x59: {  	[sflag:s8] =	ssyncset.done $0x0  }
0x5a: {  	[sflag:s8] =	ssyncadd.s32 $0xFFFFE000  }
0x5b: {  	[tilespmem:s6], [sflag:$0x1] =	stream.indirect.gather [hbm4b:s3+s17], $0x40, s23, s17, $0xb8;
	[tilespmem:$0x8500] =	vst v63  }
0x5c: {  	_ = 	snop  }
0x5d: {  	[tilespmem:s7], [sflag:$0x2] =	stream.indirect.gather [hbm4b:s3+s17], $0x40, s24, s17, $0xb8;
	[tilespmem:$0x8500] =	vst v63  }
0x5e: {  	_ =	swait.ge [sflag:s21], $0x2000  }
0x5f: {  	[sflag:s21] =	ssyncset.done $0x0  }
0x60: {  	[sflag:s21] =	ssyncadd.s32 $0xFFFFE000  }
0x61: {  	_ =	swait.ge [sflag:s20], $0x2000  }
0x62: {  	[sflag:s20] =	ssyncset.done $0x0  }
0x63: {  	[sflag:s20] =	ssyncadd.s32 $0xFFFFE000  }
0x64: {  	[hbm4b:s10+s2] =	stream.linear.scatter [tilespmem:s14], [sflag:$0x7], $0x2000, $0x38;
	[tilespmem:$0x8500] =	vst v63  }
0x65: {  	_ = 	snop  }
0x66: {  	[hbm4b:s11+s2] =	stream.linear.scatter [tilespmem:s15], [sflag:$0x8], $0x2000, $0x38;
	[tilespmem:$0x8500] =	vst v63  }
0x67: {  	_ =	swait.ge [sflag:s19], $0x2000  }
0x68: {  	[sflag:s19] =	ssyncset.done $0x0  }
0x69: {  	[sflag:s19] =	ssyncadd.s32 $0xFFFFE000  }
0x6a: {  	_ =	swait.ge [sflag:s18], $0x2000  }
0x6b: {  	[sflag:s18] =	ssyncset.done $0x0  }
0x6c: {  	[sflag:s18] =	ssyncadd.s32 $0xFFFFE000  }
0x6d: {  	_ =	swait.ge [sflag:s13], $0x2000  }
0x6e: {  	[sflag:s13] =	ssyncset.done $0x0  }
0x6f: {  	[sflag:s13] =	ssyncadd.s32 $0xFFFFE000  }
0x70: {  	_ =	swait.ge [sflag:s12], $0x2000  }
0x71: {  	[sflag:s12] =	ssyncset.done $0x0  }
0x72: {  	s22 =	smov.u32 s28;
	[sflag:s12] =	ssyncadd.s32 $0xFFFFE000  }
0x73: {  	[hbm4b:s4+s2] =	stream.linear.scatter [tilespmem:s6], [sflag:$0x5], $0x2000, $0x38;
	[tilespmem:$0x8500] =	vst v63  }
0x74: {  	p1 =	sne.s32 s22, $0x1  }
0x75: {  	[hbm4b:s5+s2] =	stream.linear.scatter [tilespmem:s7], [sflag:$0x6], $0x2000, $0x38;
	[tilespmem:$0x8500] =	vst v63  }
.Ltmp1:
0x76: {  	_ =	swait.ge [sflag:s9], $0x2000;
	(pc) =	sbr.rel @!p1 .LBB2_3-.Ltmp1, $4  }
0x77: {  	[sflag:s9] =	ssyncset.done $0x0  }
0x78: {  	[sflag:s9] =	ssyncadd.s32 $0xFFFFE000  }
0x79: {  	p0 =	por $0x1, $0x1;
	s28 =	simm.s32 $0x300;
	_ =	swait.ge [sflag:s8], $0x2000  }
0x7a: {  	s1 =	sadd.s32 $0xFFFFFFFF, s22;
	s0 =	rddreg [dreg:$0x3];
	[sflag:s8] =	ssyncset.done $0x0  }
.LBB2_4:
0x7b: {  	[sflag:s8] =	ssyncadd.s32 $0xFFFFE000  }
0x7c: {  	[tilespmem:s2], [sflag:$0x9] =	stream.linear.gather [hbm4b:s0+s2], $0x280, $0x38;
	[tilespmem:$0x8500] =	vst v63  }
0x7d: {  	_ =	swait.ge [sflag:s30], $0x280  }
0x7e: {  	[sflag:s30] =	ssyncset.done $0x0  }
0x7f: {  	s22 =	rddreg [dreg:$0x4];
	[sflag:s30] =	ssyncadd.s32 $0xFFFFFD80  }
0x80: {  	[tilespmem:s29], [sflag:$0x9] =	stream.linear.gather [hbm4b:s22+s2], $0x280, $0x38;
	[tilespmem:$0x8500] =	vst v63  }
0x81: {  	_ =	swait.ge [sflag:s30], $0x280  }
0x82: {  	[sflag:s30] =	ssyncset.done $0x0  }
0x83: {  	[sflag:s30] =	ssyncadd.s32 $0xFFFFFD80  }
0x84: {  	[tilespmem:s6], [sflag:$0x1] =	stream.indirect.gather [hbm4b:s3+s17], $0x40, s2, s17, $0xb8;
	[tilespmem:$0x8500] =	vst v63  }
0x85: {  	_ = 	snop  }
0x86: {  	[tilespmem:s7], [sflag:$0x2] =	stream.indirect.gather [hbm4b:s3+s17], $0x40, s29, s17, $0xb8;
	[tilespmem:$0x8500] =	vst v63  }
0x87: {  	_ = 	snop  }
0x88: {  	[tilespmem:s14], [sflag:$0x3] =	stream.indirect.gather [hbm4b:s3+s17], $0x40, s17, s17, $0xb8;
	[tilespmem:$0x8500] =	vst v63  }
0x89: {  	_ = 	snop  }
0x8a: {  	[tilespmem:s15], [sflag:$0x4] =	stream.indirect.gather [hbm4b:s3+s17], $0x40, s28, s17, $0xb8;
	[tilespmem:$0x8500] =	vst v63  }
0x8b: {  	_ =	swait.ge [sflag:s13], $0x2000  }
0x8c: {  	[sflag:s13] =	ssyncset.done $0x0  }
0x8d: {  	[sflag:s13] =	ssyncadd.s32 $0xFFFFE000  }
0x8e: {  	_ =	swait.ge [sflag:s12], $0x2000  }
0x8f: {  	[sflag:s12] =	ssyncset.done $0x0  }
0x90: {  	s0 =	rddreg [dreg:$0x5];
	[sflag:s12] =	ssyncadd.s32 $0xFFFFE000  }
0x91: {  	[hbm4b:s0+s2] =	stream.linear.scatter [tilespmem:s6], [sflag:$0x5], $0x2000, $0x38;
	[tilespmem:$0x8500] =	vst v63  }
0x92: {  	s22 =	rddreg [dreg:$0x6]  }
0x93: {  	[hbm4b:s22+s2] =	stream.linear.scatter [tilespmem:s7], [sflag:$0x6], $0x2000, $0x38;
	[tilespmem:$0x8500] =	vst v63  }
0x94: {  	_ =	swait.ge [sflag:s9], $0x2000  }
0x95: {  	[sflag:s9] =	ssyncset.done $0x0  }
0x96: {  	[sflag:s9] =	ssyncadd.s32 $0xFFFFE000  }
0x97: {  	_ =	swait.ge [sflag:s8], $0x2000  }
0x98: {  	[sflag:s8] =	ssyncset.done $0x0  }
0x99: {  	s22 =	simm.s32 $0x100;
	[sflag:s8] =	ssyncadd.s32 $0xFFFFE000  }
0x9a: {  	[tilespmem:s6], [sflag:$0x1] =	stream.indirect.gather [hbm4b:s3+s17], $0x40, s22, s17, $0xb8;
	[tilespmem:$0x8500] =	vst v63  }
0x9b: {  	_ = 	snop  }
0x9c: {  	[tilespmem:s7], [sflag:$0x2] =	stream.indirect.gather [hbm4b:s3+s17], $0x40, s31, s17, $0xb8;
	[tilespmem:$0x8500] =	vst v63  }
0x9d: {  	_ =	swait.ge [sflag:s21], $0x2000  }
0x9e: {  	[sflag:s21] =	ssyncset.done $0x0  }
0x9f: {  	[sflag:s21] =	ssyncadd.s32 $0xFFFFE000  }
0xa0: {  	_ =	swait.ge [sflag:s20], $0x2000  }
0xa1: {  	[sflag:s20] =	ssyncset.done $0x0  }
0xa2: {  	s0 =	rddreg [dreg:$0x7];
	[sflag:s20] =	ssyncadd.s32 $0xFFFFE000  }
0xa3: {  	[hbm4b:s0+s2] =	stream.linear.scatter [tilespmem:s14], [sflag:$0x7], $0x2000, $0x38;
	[tilespmem:$0x8500] =	vst v63  }
0xa4: {  	s22 =	rddreg [dreg:$0x8]  }
0xa5: {  	[hbm4b:s22+s2] =	stream.linear.scatter [tilespmem:s15], [sflag:$0x8], $0x2000, $0x38;
	[tilespmem:$0x8500] =	vst v63  }
0xa6: {  	_ =	swait.ge [sflag:s19], $0x2000  }
0xa7: {  	[sflag:s19] =	ssyncset.done $0x0  }
0xa8: {  	[sflag:s19] =	ssyncadd.s32 $0xFFFFE000  }
0xa9: {  	_ =	swait.ge [sflag:s18], $0x2000  }
0xaa: {  	[sflag:s18] =	ssyncset.done $0x0  }
0xab: {  	[sflag:s18] =	ssyncadd.s32 $0xFFFFE000  }
0xac: {  	[tilespmem:s14], [sflag:$0x3] =	stream.indirect.gather [hbm4b:s3+s17], $0x40, s25, s17, $0xb8;
	[tilespmem:$0x8500] =	vst v63  }
0xad: {  	_ = 	snop  }
0xae: {  	[tilespmem:s15], [sflag:$0x4] =	stream.indirect.gather [hbm4b:s3+s17], $0x40, s26, s17, $0xb8;
	[tilespmem:$0x8500] =	vst v63  }
0xaf: {  	_ =	swait.ge [sflag:s13], $0x2000  }
0xb0: {  	[sflag:s13] =	ssyncset.done $0x0  }
0xb1: {  	[sflag:s13] =	ssyncadd.s32 $0xFFFFE000  }
0xb2: {  	_ =	swait.ge [sflag:s12], $0x2000  }
0xb3: {  	[sflag:s12] =	ssyncset.done $0x0  }
0xb4: {  	s22 =	rddreg [dreg:$0x9];
	[sflag:s12] =	ssyncadd.s32 $0xFFFFE000  }
0xb5: {  	[hbm4b:s22+s2] =	stream.linear.scatter [tilespmem:s6], [sflag:$0x5], $0x2000, $0x38;
	[tilespmem:$0x8500] =	vst v63  }
0xb6: {  	_ = 	snop  }
0xb7: {  	[hbm4b:s16+s2] =	stream.linear.scatter [tilespmem:s7], [sflag:$0x6], $0x2000, $0x38;
	[tilespmem:$0x8500] =	vst v63  }
0xb8: {  	_ =	swait.ge [sflag:s9], $0x2000  }
0xb9: {  	[sflag:s9] =	ssyncset.done $0x0  }
0xba: {  	[sflag:s9] =	ssyncadd.s32 $0xFFFFE000  }
0xbb: {  	_ =	swait.ge [sflag:s8], $0x2000  }
0xbc: {  	[sflag:s8] =	ssyncset.done $0x0  }
0xbd: {  	[sflag:s8] =	ssyncadd.s32 $0xFFFFE000  }
0xbe: {  	[tilespmem:s6], [sflag:$0x1] =	stream.indirect.gather [hbm4b:s3+s17], $0x40, s23, s17, $0xb8;
	[tilespmem:$0x8500] =	vst v63  }
0xbf: {  	_ = 	snop  }
0xc0: {  	[tilespmem:s7], [sflag:$0x2] =	stream.indirect.gather [hbm4b:s3+s17], $0x40, s24, s17, $0xb8;
	[tilespmem:$0x8500] =	vst v63  }
0xc1: {  	_ =	swait.ge [sflag:s21], $0x2000  }
0xc2: {  	[sflag:s21] =	ssyncset.done $0x0  }
0xc3: {  	[sflag:s21] =	ssyncadd.s32 $0xFFFFE000  }
0xc4: {  	_ =	swait.ge [sflag:s20], $0x2000  }
0xc5: {  	[sflag:s20] =	ssyncset.done $0x0  }
0xc6: {  	[sflag:s20] =	ssyncadd.s32 $0xFFFFE000  }
0xc7: {  	[hbm4b:s10+s2] =	stream.linear.scatter [tilespmem:s14], [sflag:$0x7], $0x2000, $0x38;
	[tilespmem:$0x8500] =	vst v63  }
0xc8: {  	_ = 	snop  }
0xc9: {  	[hbm4b:s11+s2] =	stream.linear.scatter [tilespmem:s15], [sflag:$0x8], $0x2000, $0x38;
	[tilespmem:$0x8500] =	vst v63  }
0xca: {  	_ =	swait.ge [sflag:s19], $0x2000  }
0xcb: {  	[sflag:s19] =	ssyncset.done $0x0  }
0xcc: {  	[sflag:s19] =	ssyncadd.s32 $0xFFFFE000  }
0xcd: {  	_ =	swait.ge [sflag:s18], $0x2000  }
0xce: {  	[sflag:s18] =	ssyncset.done $0x0  }
0xcf: {  	[sflag:s18] =	ssyncadd.s32 $0xFFFFE000  }
0xd0: {  	_ =	swait.ge [sflag:s13], $0x2000  }
0xd1: {  	[sflag:s13] =	ssyncset.done $0x0  }
0xd2: {  	[sflag:s13] =	ssyncadd.s32 $0xFFFFE000  }
0xd3: {  	_ =	swait.ge [sflag:s12], $0x2000  }
0xd4: {  	[sflag:s12] =	ssyncset.done $0x0  }
0xd5: {  	[sflag:s12] =	ssyncadd.s32 $0xFFFFE000  }
0xd6: {  	[hbm4b:s4+s2] =	stream.linear.scatter [tilespmem:s6], [sflag:$0x5], $0x2000, $0x38;
	[tilespmem:$0x8500] =	vst v63  }
0xd7: {  	p1 =	sne.s32 s1, $0x1  }
0xd8: {  	[hbm4b:s5+s2] =	stream.linear.scatter [tilespmem:s7], [sflag:$0x6], $0x2000, $0x38;
	[tilespmem:$0x8500] =	vst v63  }
.Ltmp2:
0xd9: {  	_ =	swait.ge [sflag:s9], $0x2000;
	(pc) =	sbr.rel @p1 .LBB2_4-.Ltmp2, $4  }
0xda: {  	[sflag:s9] =	ssyncset.done $0x0  }
0xdb: {  	[sflag:s9] =	ssyncadd.s32 $0xFFFFE000  }
0xdc: {  	_ =	swait.ge [sflag:s8], $0x2000  }
0xdd: {  	s1 =	sadd.s32 $0xFFFFFFFF, s1;
	s0 =	rddreg [dreg:$0x3];
	[sflag:s8] =	ssyncset.done $0x0  }
0xde: {  	s31 =	simm.s32 $0x380;
	s28 =	simm.s32 $0x100  }
0xdf: {  	s26 =	simm.s32 $0x400;
	s25 =	simm.s32 $0x180;
	s24 =	simm.s32 $0x480  }
0xe0: {  	s23 =	simm.s32 $0x200;
	s22 =	stileid.u32;
	s1 =	simm.s32 $0x300  }
.LBB2_6:
0xe1: {  	[sflag:s8] =	ssyncadd.s32 @p0 $0xFFFFE000  }
0xe2: {  	[tilespmem:s2], [sflag:$0x9] =	stream.linear.gather [hbm4b:s0+s2], $0x280, $0x38;
	[tilespmem:$0x8500] =	vst v63  }
0xe3: {  	_ =	swait.ge [sflag:s30], $0x280  }
0xe4: {  	[sflag:s30] =	ssyncset.done $0x0  }
0xe5: {  	s0 =	rddreg [dreg:$0x4];
	[sflag:s30] =	ssyncadd.s32 $0xFFFFFD80  }
0xe6: {  	[tilespmem:s29], [sflag:$0x9] =	stream.linear.gather [hbm4b:s0+s2], $0x280, $0x38;
	[tilespmem:$0x8500] =	vst v63  }
0xe7: {  	_ =	swait.ge [sflag:s30], $0x280  }
0xe8: {  	[sflag:s30] =	ssyncset.done $0x0  }
0xe9: {  	[sflag:s30] =	ssyncadd.s32 $0xFFFFFD80  }
0xea: {  	[tilespmem:s6], [sflag:$0x1] =	stream.indirect.gather [hbm4b:s3+s17], $0x40, s2, s17, $0xb8;
	[tilespmem:$0x8500] =	vst v63  }
0xeb: {  	_ = 	snop  }
0xec: {  	[tilespmem:s7], [sflag:$0x2] =	stream.indirect.gather [hbm4b:s3+s17], $0x40, s29, s17, $0xb8;
	[tilespmem:$0x8500] =	vst v63  }
0xed: {  	_ = 	snop  }
0xee: {  	[tilespmem:s14], [sflag:$0x3] =	stream.indirect.gather [hbm4b:s3+s17], $0x40, s17, s17, $0xb8;
	[tilespmem:$0x8500] =	vst v63  }
0xef: {  	_ = 	snop  }
0xf0: {  	[tilespmem:s15], [sflag:$0x4] =	stream.indirect.gather [hbm4b:s3+s17], $0x40, s1, s17, $0xb8;
	[tilespmem:$0x8500] =	vst v63  }
0xf1: {  	_ =	swait.ge [sflag:s13], $0x2000  }
0xf2: {  	[sflag:s13] =	ssyncset.done $0x0  }
0xf3: {  	[sflag:s13] =	ssyncadd.s32 $0xFFFFE000  }
0xf4: {  	_ =	swait.ge [sflag:s12], $0x2000  }
0xf5: {  	[sflag:s12] =	ssyncset.done $0x0  }
0xf6: {  	s29 =	rddreg [dreg:$0x5];
	[sflag:s12] =	ssyncadd.s32 $0xFFFFE000  }
0xf7: {  	[hbm4b:s29+s2] =	stream.linear.scatter [tilespmem:s6], [sflag:$0x5], $0x2000, $0x38;
	[tilespmem:$0x8500] =	vst v63  }
0xf8: {  	s30 =	rddreg [dreg:$0x6]  }
0xf9: {  	[hbm4b:s30+s2] =	stream.linear.scatter [tilespmem:s7], [sflag:$0x6], $0x2000, $0x38;
	[tilespmem:$0x8500] =	vst v63  }
0xfa: {  	_ =	swait.ge [sflag:s9], $0x2000  }
0xfb: {  	[sflag:s9] =	ssyncset.done $0x0  }
0xfc: {  	[sflag:s9] =	ssyncadd.s32 $0xFFFFE000  }
0xfd: {  	_ =	swait.ge [sflag:s8], $0x2000  }
0xfe: {  	[sflag:s8] =	ssyncset.done $0x0  }
0xff: {  	[sflag:s8] =	ssyncadd.s32 $0xFFFFE000  }
0x100: {  	[tilespmem:s6], [sflag:$0x1] =	stream.indirect.gather [hbm4b:s3+s17], $0x40, s28, s17, $0xb8;
	[tilespmem:$0x8500] =	vst v63  }
0x101: {  	_ = 	snop  }
0x102: {  	[tilespmem:s7], [sflag:$0x2] =	stream.indirect.gather [hbm4b:s3+s17], $0x40, s31, s17, $0xb8;
	[tilespmem:$0x8500] =	vst v63  }
0x103: {  	_ =	swait.ge [sflag:s21], $0x2000  }
0x104: {  	[sflag:s21] =	ssyncset.done $0x0  }
0x105: {  	[sflag:s21] =	ssyncadd.s32 $0xFFFFE000  }
0x106: {  	_ =	swait.ge [sflag:s20], $0x2000  }
0x107: {  	[sflag:s20] =	ssyncset.done $0x0  }
0x108: {  	s29 =	rddreg [dreg:$0x7];
	[sflag:s20] =	ssyncadd.s32 $0xFFFFE000  }
0x109: {  	[hbm4b:s29+s2] =	stream.linear.scatter [tilespmem:s14], [sflag:$0x7], $0x2000, $0x38;
	[tilespmem:$0x8500] =	vst v63  }
0x10a: {  	s30 =	rddreg [dreg:$0x8]  }
0x10b: {  	[hbm4b:s30+s2] =	stream.linear.scatter [tilespmem:s15], [sflag:$0x8], $0x2000, $0x38;
	[tilespmem:$0x8500] =	vst v63  }
0x10c: {  	_ =	swait.ge [sflag:s19], $0x2000  }
0x10d: {  	[sflag:s19] =	ssyncset.done $0x0  }
0x10e: {  	[sflag:s19] =	ssyncadd.s32 $0xFFFFE000  }
0x10f: {  	_ =	swait.ge [sflag:s18], $0x2000  }
0x110: {  	[sflag:s18] =	ssyncset.done $0x0  }
0x111: {  	[sflag:s18] =	ssyncadd.s32 $0xFFFFE000  }
0x112: {  	[tilespmem:s14], [sflag:$0x3] =	stream.indirect.gather [hbm4b:s3+s17], $0x40, s25, s17, $0xb8;
	[tilespmem:$0x8500] =	vst v63  }
0x113: {  	_ = 	snop  }
0x114: {  	[tilespmem:s15], [sflag:$0x4] =	stream.indirect.gather [hbm4b:s3+s17], $0x40, s26, s17, $0xb8;
	[tilespmem:$0x8500] =	vst v63  }
0x115: {  	_ =	swait.ge [sflag:s13], $0x2000  }
0x116: {  	[sflag:s13] =	ssyncset.done $0x0  }
0x117: {  	[sflag:s13] =	ssyncadd.s32 $0xFFFFE000  }
0x118: {  	_ =	swait.ge [sflag:s12], $0x2000  }
0x119: {  	[sflag:s12] =	ssyncset.done $0x0  }
0x11a: {  	s31 =	rddreg [dreg:$0x9];
	[sflag:s12] =	ssyncadd.s32 $0xFFFFE000  }
0x11b: {  	[hbm4b:s31+s2] =	stream.linear.scatter [tilespmem:s6], [sflag:$0x5], $0x2000, $0x38;
	[tilespmem:$0x8500] =	vst v63  }
0x11c: {  	_ = 	snop  }
0x11d: {  	[hbm4b:s16+s2] =	stream.linear.scatter [tilespmem:s7], [sflag:$0x6], $0x2000, $0x38;
	[tilespmem:$0x8500] =	vst v63  }
0x11e: {  	_ =	swait.ge [sflag:s9], $0x2000  }
0x11f: {  	[sflag:s9] =	ssyncset.done $0x0  }
0x120: {  	[sflag:s9] =	ssyncadd.s32 $0xFFFFE000  }
0x121: {  	_ =	swait.ge [sflag:s8], $0x2000  }
0x122: {  	[sflag:s8] =	ssyncset.done $0x0  }
0x123: {  	[sflag:s8] =	ssyncadd.s32 $0xFFFFE000  }
0x124: {  	[tilespmem:s6], [sflag:$0x1] =	stream.indirect.gather [hbm4b:s3+s17], $0x40, s23, s17, $0xb8;
	[tilespmem:$0x8500] =	vst v63  }
0x125: {  	_ = 	snop  }
0x126: {  	[tilespmem:s7], [sflag:$0x2] =	stream.indirect.gather [hbm4b:s3+s17], $0x40, s24, s17, $0xb8;
	[tilespmem:$0x8500] =	vst v63  }
0x127: {  	_ =	swait.ge [sflag:s21], $0x2000  }
0x128: {  	[sflag:s21] =	ssyncset.done $0x0  }
0x129: {  	[sflag:s21] =	ssyncadd.s32 $0xFFFFE000  }
0x12a: {  	_ =	swait.ge [sflag:s20], $0x2000  }
0x12b: {  	[sflag:s20] =	ssyncset.done $0x0  }
0x12c: {  	[sflag:s20] =	ssyncadd.s32 $0xFFFFE000  }
0x12d: {  	[hbm4b:s10+s2] =	stream.linear.scatter [tilespmem:s14], [sflag:$0x7], $0x2000, $0x38;
	[tilespmem:$0x8500] =	vst v63  }
0x12e: {  	_ = 	snop  }
0x12f: {  	[hbm4b:s11+s2] =	stream.linear.scatter [tilespmem:s15], [sflag:$0x8], $0x2000, $0x38;
	[tilespmem:$0x8500] =	vst v63  }
0x130: {  	_ =	swait.ge [sflag:s19], $0x2000  }
0x131: {  	[sflag:s19] =	ssyncset.done $0x0  }
0x132: {  	[sflag:s19] =	ssyncadd.s32 $0xFFFFE000  }
0x133: {  	_ =	swait.ge [sflag:s18], $0x2000  }
0x134: {  	[sflag:s18] =	ssyncset.done $0x0  }
0x135: {  	[sflag:s18] =	ssyncadd.s32 $0xFFFFE000  }
0x136: {  	_ =	swait.ge [sflag:s13], $0x2000  }
0x137: {  	[sflag:s13] =	ssyncset.done $0x0  }
0x138: {  	[sflag:s13] =	ssyncadd.s32 $0xFFFFE000  }
0x139: {  	_ =	swait.ge [sflag:s12], $0x2000  }
0x13a: {  	[sflag:s12] =	ssyncset.done $0x0  }
0x13b: {  	[sflag:s12] =	ssyncadd.s32 $0xFFFFE000  }
0x13c: {  	[hbm4b:s4+s2] =	stream.linear.scatter [tilespmem:s6], [sflag:$0x5], $0x2000, $0x38;
	[tilespmem:$0x8500] =	vst v63  }
0x13d: {  	_ = 	snop  }
0x13e: {  	[hbm4b:s5+s2] =	stream.linear.scatter [tilespmem:s7], [sflag:$0x6], $0x2000, $0x38;
	[tilespmem:$0x8500] =	vst v63  }
0x13f: {  	_ =	swait.ge [sflag:s9], $0x2000  }
0x140: {  	[sflag:s9] =	ssyncset.done $0x0  }
0x141: {  	[sflag:s9] =	ssyncadd.s32 $0xFFFFE000  }
0x142: {  	_ =	swait.ge [sflag:s8], $0x2000  }
0x143: {  	[sflag:s8] =	ssyncset.done $0x0  }
0x144: {  	[sflag:s8] =	ssyncadd.s32 $0xFFFFE000  }
0x145: {  	_ =	sfence.sel $0x180000  }
0x146: {  	[bflag:$0x0] =	sbarrier.arrive $0xFFFF  }
0x147: {  	_ =	strace $0x90000050  }
0x148: {  	[bflag:$0x2] =	sbarrier.arrive $0xFFFF  }
0x149: {  	p0 =	sne.s32 s22, $0x0;
	s0 =	rddreg [dreg:$0x2]  }
0x14a: {  	s0 =	sadd.s32 @!p0 $0x100000, s0  }
0x14b: {  	[sflag:s0] =	ssyncadd.tile.s32 @!p0 $0x1;
	_ =	shalt  }
.LBB2_1:
.Ltmp3:
0x14c: {  	(pc) =	sbr.rel .LBB2_6-.Ltmp3, $3  }
0x14d: {  	_ =	sdelay $0x1  }
0x14e: {  	s31 =	simm.s32 $0x380;
	s28 =	simm.s32 $0x100;
	s26 =	simm.s32 $0x400  }
0x14f: {  	s25 =	simm.s32 $0x180;
	s24 =	simm.s32 $0x480;
	s23 =	simm.s32 $0x200  }
.LBB2_3:
.Ltmp4:
0x150: {  	(pc) =	sbr.rel .LBB2_6-.Ltmp4, $4  }
0x151: {  	_ = 	snop  }
0x152: {  	s31 =	simm.s32 $0x380;
	s28 =	simm.s32 $0x100  }
0x153: {  	s26 =	simm.s32 $0x400;
	s25 =	simm.s32 $0x180;
	s24 =	simm.s32 $0x480  }
0x154: {  	s23 =	simm.s32 $0x200;
	s22 =	stileid.u32;
	s1 =	simm.s32 $0x300  }
.Lfunc_end2:
_tile_overlayer_lowered:
.L_overlay_start_2:
0x155: {  	(tag) =	ssettag $0x2  }
0x156: {  	s0 =	rddreg [dreg:$0x0];
	s2 =	stileid.u32  }
0x157: {  	s1 =	rddreg [dreg:$0x1];
	p0 =	sne.s32 s2, $0x0  }
0x158: {  	s3 =	rddreg [dreg:$0x2];
	[bflag:$0x3] =	sbarrier.arrive $0xFFFF;
	s2 =	simm.s32 @!p0 $0x1C09  }
0x159: {  	[timem:s3], [sflag:s2] =	dma.local @!p0 [hbm:s0], s1  }
0x15a: {  	s0 =	simm.s32 @!p0 $0x9  }
0x15b: {  	_ =	swait.ge @!p0 [sflag:s0], s1  }
0x15c: {  	s1 =	ssub.s32 @!p0 $0x0, s1;
	[sflag:s0] =	ssyncset.done @!p0 $0x0  }
0x15d: {  	[sflag:s0] =	ssyncadd.s32 @!p0 s1  }
0x15e: {  	[bflag:$0x3] =	sbarrier.arrive $0xFFFF  }
0x15f: {  	_ =	shalt  }

</sc_bundles>
